<compile_context>
chip_gen: v7x
topology: tpu7x:2x2x1
jax: 0.10.2.dev20260603
libtpu: 0.0.44.dev20260713+nightly
codegen_flags: <defaults>
</compile_context>

<pallas_src>
import functools

import jax
import jax.numpy as jnp
from jax import lax
from jax.experimental import pallas as pl
from jax.experimental.pallas import tpu as pltpu
from jax.experimental.pallas import tpu_sc as plsc

B = 4096
SEQ = 50
D2 = 128
NPOS = 3
NNEG = 25
NCAND = NPOS + NNEG
NW = 32
ROWS_PER_W = B // NW
R = 8
NCHUNK = ROWS_PER_W // R
NPAIR = NCHUNK // 2
NA = 16
NB = 32


def _sc_body(inp_hbm, pos_hbm, neg_hbm,
             embw_hbm, embf_hbm, embr_hbm, out_hbm,
             inp_all, pos_all, neg_all, idxf_all, idxa_all, idxb_all,
             f0, a0, b0, erp0, ern0, pred0,
             f1, a1, b1, erp1, ern1, pred1,
             sem_a, sem_b, sem_p0, sem_p1):
    wid = lax.axis_index("s") * 2 + lax.axis_index("c")
    base = wid * ROWS_PER_W
    lane = lax.iota(jnp.int32, 16)
    last = lane == 15

    bufs0 = (f0, a0, b0, erp0, ern0, pred0)
    bufs1 = (f1, a1, b1, erp1, ern1, pred1)

    pltpu.sync_copy(inp_hbm.at[pl.ds(base * SEQ, ROWS_PER_W * SEQ)], inp_all)
    pltpu.sync_copy(pos_hbm.at[pl.ds(base * NPOS, ROWS_PER_W * NPOS)],
                    pos_all)
    pltpu.sync_copy(neg_hbm.at[pl.ds(base * NNEG, ROWS_PER_W * NNEG)],
                    neg_all)

    fpat = (lane & 7) * SEQ
    apat = 3 * lane + 1
    k = lane & 3
    bpat0 = 6 * (lane >> 2) + 2 + k + (k >> 1)
    j = lane + 16
    k = j & 3
    bpat1 = 6 * (j >> 2) + 2 + k + (k >> 1)
    def buildc(c, carry):
        idxf_all[pl.ds(c * 16, 16)] = plsc.load_gather(
            inp_all, [c * R * SEQ + fpat])
        for r in range(R):
            row = c * R + r
            idxa_all[pl.ds(row * NA, 16)] = plsc.load_gather(
                inp_all, [row * SEQ + apat])
            idxb_all[pl.ds(row * NB, 16)] = plsc.load_gather(
                inp_all, [row * SEQ + bpat0])
            idxb_all[pl.ds(row * NB + 16, 16)] = plsc.load_gather(
                inp_all, [row * SEQ + bpat1])
        return carry

    lax.fori_loop(0, NCHUNK, buildc, 0)

    def fire(c, bufs, sem):
        f_v, a_v, b_v, erp_v, ern_v, _ = bufs
        pltpu.async_copy(embf_hbm.at[idxf_all.at[pl.ds(c * 16, 8)]],
                         f_v, sem)
        pltpu.async_copy(embw_hbm.at[idxa_all.at[pl.ds(c * 128, 128)]],
                         a_v, sem)
        pltpu.async_copy(embw_hbm.at[idxb_all.at[pl.ds(c * 256, 128)]],
                         b_v.at[pl.ds(0, 128)], sem)
        pltpu.async_copy(embw_hbm.at[idxb_all.at[pl.ds(c * 256 + 128, 128)]],
                         b_v.at[pl.ds(128, 128)], sem)
        pltpu.async_copy(embr_hbm.at[pos_all.at[pl.ds(c * 24, 24)]],
                         erp_v, sem)
        pltpu.async_copy(embr_hbm.at[neg_all.at[pl.ds(c * 200, 104)]],
                         ern_v.at[pl.ds(0, 104)], sem)
        pltpu.async_copy(embr_hbm.at[neg_all.at[pl.ds(c * 200 + 104, 96)]],
                         ern_v.at[pl.ds(104, 96)], sem)

    def wait_g(c, bufs, sem):
        f_v, a_v, b_v, erp_v, ern_v, _ = bufs
        pltpu.make_async_copy(embf_hbm.at[idxf_all.at[pl.ds(c * 16, 8)]],
                              f_v, sem).wait()
        pltpu.make_async_copy(embw_hbm.at[idxa_all.at[pl.ds(c * 128, 128)]],
                              a_v, sem).wait()
        pltpu.make_async_copy(embw_hbm.at[idxb_all.at[pl.ds(c * 256, 128)]],
                              b_v.at[pl.ds(0, 128)], sem).wait()
        pltpu.make_async_copy(
            embw_hbm.at[idxb_all.at[pl.ds(c * 256 + 128, 128)]],
            b_v.at[pl.ds(128, 128)], sem).wait()
        pltpu.make_async_copy(embr_hbm.at[pos_all.at[pl.ds(c * 24, 24)]],
                              erp_v, sem).wait()
        pltpu.make_async_copy(embr_hbm.at[neg_all.at[pl.ds(c * 200, 104)]],
                              ern_v.at[pl.ds(0, 104)], sem).wait()
        pltpu.make_async_copy(
            embr_hbm.at[neg_all.at[pl.ds(c * 200 + 104, 96)]],
            ern_v.at[pl.ds(104, 96)], sem).wait()

    def wait_pred(bufs, sem):
        pltpu.make_async_copy(
            bufs[5], out_hbm.at[pl.ds(0, R * NCAND)], sem).wait()

    def compute(c, bufs, sem):
        f_v, a_v, b_v, erp_v, ern_v, pred_v = bufs
        row0 = base + c * R

        def pair_acc(ref, base, nrows):
            acc = None
            for jp in range(0, nrows, 2):
                pair = [ref[base + jp, pl.ds(q * 16, 16)]
                        + ref[base + jp + 1, pl.ds(q * 16, 16)]
                        for q in range(4)]
                acc = pair if acc is None else [acc[q] + pair[q]
                                                for q in range(4)]
            return acc

        def rowbody(r, carry):
            accA = pair_acc(a_v, r * NA, NA)
            accB = pair_acc(b_v, r * NB, NB)
            vv = []
            for q in range(4):
                vv.append((f_v[r, pl.ds(q * 16, 16)]
                           + accA[q] * 0.125) * (1.0 / 3.0))
            for q in range(4):
                vv.append((f_v[r, pl.ds(64 + q * 16, 16)]
                           + accB[q] * 0.0625) * (1.0 / 3.0))
            def dot4(pairs):
                accs = []
                for er, i in pairs:
                    t01 = (er[i, pl.ds(0, 16)] * vv[0]
                           + er[i, pl.ds(16, 16)] * vv[1])
                    t23 = (er[i, pl.ds(32, 16)] * vv[2]
                           + er[i, pl.ds(48, 16)] * vv[3])
                    t45 = (er[i, pl.ds(64, 16)] * vv[4]
                           + er[i, pl.ds(80, 16)] * vv[5])
                    t67 = (er[i, pl.ds(96, 16)] * vv[6]
                           + er[i, pl.ds(112, 16)] * vv[7])
                    accs.append((t01 + t23) + (t45 + t67))
                return [plsc.cumsum(a) for a in accs]

            tots = dot4([(erp_v, r * NPOS + n) for n in range(NPOS)]
                        + [(ern_v, r * NNEG)])
            for t, tot in enumerate(tots):
                plsc.store_scatter(
                    pred_v, [jnp.full((16,), r * NCAND + t, jnp.int32)],
                    tot, mask=last)

            def gbody(g, carry2):
                i0 = r * NNEG + 1 + g * 4
                tots = dot4([(ern_v, i0 + t) for t in range(4)])
                for t, tot in enumerate(tots):
                    plsc.store_scatter(
                        pred_v,
                        [jnp.full((16,), r * NCAND + 4 + g * 4 + t,
                                  jnp.int32)],
                        tot, mask=last)
                return carry2

            lax.fori_loop(0, (NNEG - 1) // 4, gbody, 0)
            return carry

        lax.fori_loop(0, R, rowbody, 0)
        pltpu.async_copy(pred_v,
                         out_hbm.at[pl.ds(row0 * NCAND, R * NCAND)], sem)

    fire(0, bufs0, sem_a)
    fire(1, bufs1, sem_b)

    def pairstep(p, carry):
        c0 = 2 * p
        wait_g(c0, bufs0, sem_a)

        @pl.when(p > 0)
        def _():
            wait_pred(bufs0, sem_p0)

        compute(c0, bufs0, sem_p0)

        @pl.when(p < NPAIR - 1)
        def _():
            fire(c0 + 2, bufs0, sem_a)

        wait_g(c0 + 1, bufs1, sem_b)

        @pl.when(p > 0)
        def _():
            wait_pred(bufs1, sem_p1)

        compute(c0 + 1, bufs1, sem_p1)

        @pl.when(p < NPAIR - 1)
        def _():
            fire(c0 + 3, bufs1, sem_b)

        return carry

    lax.fori_loop(0, NPAIR, pairstep, 0)
    wait_pred(bufs0, sem_p0)
    wait_pred(bufs1, sem_p1)


def _sc_pred(inp, pos, neg, emb_w, emb_f_w, emb_r_w):
    mesh = plsc.VectorSubcoreMesh(core_axis_name="c", subcore_axis_name="s")
    buf_set = [
        pltpu.VMEM((R, D2), jnp.float32),
        pltpu.VMEM((R * NA, 64), jnp.float32),
        pltpu.VMEM((R * NB, 64), jnp.float32),
        pltpu.VMEM((R * NPOS, D2), jnp.float32),
        pltpu.VMEM((R * NNEG, D2), jnp.float32),
        pltpu.VMEM((R * NCAND,), jnp.float32),
    ]
    fn = functools.partial(
        pl.kernel,
        out_type=jax.ShapeDtypeStruct((B * NCAND,), jnp.float32),
        scratch_types=[
            pltpu.VMEM((ROWS_PER_W * SEQ,), jnp.int32),
            pltpu.VMEM((ROWS_PER_W * NPOS,), jnp.int32),
            pltpu.VMEM((ROWS_PER_W * NNEG,), jnp.int32),
            pltpu.VMEM((NCHUNK * 16,), jnp.int32),
            pltpu.VMEM((ROWS_PER_W * NA,), jnp.int32),
            pltpu.VMEM((ROWS_PER_W * NB,), jnp.int32),
        ] + buf_set + buf_set + [
            pltpu.SemaphoreType.DMA,
            pltpu.SemaphoreType.DMA,
            pltpu.SemaphoreType.DMA,
            pltpu.SemaphoreType.DMA,
        ],
        mesh=mesh,
        compiler_params=pltpu.CompilerParams(needs_layout_passes=False,
                                             use_tc_tiling_on_sc=False),
    )(_sc_body)
    return fn(inp, pos, neg, emb_w, emb_f_w, emb_r_w)


def _loss_body(pred_ref, out_ref):
    x = pred_ref[...]
    i = lax.broadcasted_iota(jnp.int32, x.shape, 0)
    j = lax.broadcasted_iota(jnp.int32, x.shape, 1)
    col = (i * 128 + j) % NCAND
    label = (col < NPOS).astype(jnp.float32)
    p = jnp.clip(jax.nn.sigmoid(x), 1e-7, 1.0 - 1e-7)
    ll = label * jnp.log(p) + (1.0 - label) * jnp.log(1.0 - p)
    out_ref[0, 0] = -jnp.sum(ll) * (1.0 / (B * NCAND))


def _loss(pred_flat):
    out = pl.pallas_call(
        _loss_body,
        out_shape=jax.ShapeDtypeStruct((1, 1), jnp.float32),
        out_specs=pl.BlockSpec(memory_space=pltpu.SMEM),
    )(pred_flat.reshape(B * NCAND // 128, 128))
    return out[0, 0]


def kernel(inp, pos, neg, emb_w, emb_f_w, emb_r_w):
    inp = inp.astype(jnp.int32).reshape(-1)
    pos = pos.astype(jnp.int32).reshape(-1)
    neg = neg.astype(jnp.int32).reshape(-1)
    pred = _sc_pred(inp, pos, neg, emb_w, emb_f_w, emb_r_w)
    return _loss(pred)

# --- scband reference (transcript-rebuilt; emitter-appended) ---
"""Pipeline reference for scband-asm2-vec-2001454760543 (READ-ONLY COPY).

The authoritative reference and input builder live on the scoring server;
editing this copy changes nothing except your own understanding.
"""

import jax, jax.numpy as jnp
import numpy as np

VOCAB = 100000
FUNC = 100000
EMB = 64


def setup_inputs(seed: int = 0) -> dict:
    key = jax.random.key(seed)
    k1, k2, k3, k4, k5, k6 = jax.random.split(key, 6)
    inp = jax.random.randint(k1, (4096, 50), 0, min(VOCAB, FUNC), dtype=jnp.int64 if jax.config.jax_enable_x64 else jnp.int32)
    pos = jax.random.randint(k2, (4096, 3), 0, VOCAB, dtype=inp.dtype)
    neg = jax.random.randint(k3, (4096, 25), 0, VOCAB, dtype=inp.dtype)
    # Parameters, following the torch init scheme (embeddings init to small values
    # instead of exact zeros so the benchmark is non-degenerate).
    emb_w = (jax.random.uniform(k4, (VOCAB, EMB), dtype=jnp.float32) - 0.5) / EMB / 2
    emb_f_w = (jax.random.uniform(k5, (FUNC, 2 * EMB), dtype=jnp.float32) - 0.5) / EMB / 2
    emb_r_w = (jax.random.uniform(k6, (VOCAB, 2 * EMB), dtype=jnp.float32) - 0.5) / EMB / 2
    return {"inp": inp, "pos": pos, "neg": neg, "emb_w": emb_w, "emb_f_w": emb_f_w, "emb_r_w": emb_r_w}


def _v(inp, emb_w, emb_f_w):
    batch_size, seq_len = inp.shape
    window_size = 6
    embedding_dim = emb_w.shape[1]
    v_f = jnp.take(emb_f_w, inp[:, 0], axis=0)  # (B, 2*emb)
    window_embeddings = []
    for i in range(0, seq_len - 1, window_size):
        window = inp[:, i + 1:i + 1 + window_size]
        if window.shape[1] < 3:
            continue
        e = jnp.take(emb_w, window, axis=0)  # (B, w, emb)
        if e.shape[1] >= 6:
            v_prev = jnp.concatenate([e[:, 0], (e[:, 1] + e[:, 2]) / 2], axis=1)
            v_next = jnp.concatenate([e[:, 3], (e[:, 4] + e[:, 5]) / 2], axis=1)
        elif e.shape[1] >= 4:
            v_prev = jnp.concatenate([e[:, 0], (e[:, 1] + e[:, 2]) / 2], axis=1)
            v_next = jnp.zeros_like(v_prev)
        else:
            continue
        v_window = ((v_f + v_prev + v_next) / 3.0)[:, :, None]
        window_embeddings.append(v_window)
    if len(window_embeddings) == 0:
        return jnp.zeros((batch_size, 2 * embedding_dim, 1), dtype=jnp.float32)
    return jnp.mean(jnp.stack(window_embeddings, axis=0), axis=0)


def reference(inp, pos, neg, emb_w, emb_f_w, emb_r_w):
    batch_size = inp.shape[0]
    v = _v(inp, emb_w, emb_f_w)  # (B, 2*emb, 1)
    cat_idx = jnp.concatenate([pos, neg], axis=1)  # (B, 3+neg)
    er = jnp.take(emb_r_w, cat_idx, axis=0)  # (B, 3+neg, 2*emb)
    pred = jnp.squeeze(jnp.einsum('bnd,bdk->bnk', er, v))  # bmm -> (B, 3+neg)
    label = jnp.concatenate([jnp.ones((batch_size, 3), dtype=jnp.float32),
                             jnp.zeros((batch_size, neg.shape[1]), dtype=jnp.float32)], axis=1)
    p = jax.nn.sigmoid(pred)
    eps = 1e-7
    p = jnp.clip(p, eps, 1.0 - eps)
    loss = -jnp.mean(label * jnp.log(p) + (1.0 - label) * jnp.log(1.0 - p))
    return loss

if __name__ == "__main__":
    import jax
    _d = setup_inputs()
    print(jax.jit(kernel)(*tuple(_d.values())))

</pallas_src>

<mosaic_0001>
#map = affine_map<(d0, d1) -> (0)>
#map1 = affine_map<(d0, d1) -> (0, 0)>
module attributes {stable_mosaic.version = 14 : i64} {
  func.func @_sc_body(%arg0: i32, %arg1: i32, %arg2: memref<204800xi32, #tpu.memory_space<hbm>>, %arg3: memref<12288xi32, #tpu.memory_space<hbm>>, %arg4: memref<102400xi32, #tpu.memory_space<hbm>>, %arg5: memref<100000x64xf32, #tpu.memory_space<hbm>>, %arg6: memref<100000x128xf32, #tpu.memory_space<hbm>>, %arg7: memref<100000x128xf32, #tpu.memory_space<hbm>>, %arg8: memref<114688xf32, #tpu.memory_space<hbm>>, %arg9: memref<6400xi32, #tpu.memory_space<vmem>>, %arg10: memref<384xi32, #tpu.memory_space<vmem>>, %arg11: memref<3200xi32, #tpu.memory_space<vmem>>, %arg12: memref<256xi32, #tpu.memory_space<vmem>>, %arg13: memref<2048xi32, #tpu.memory_space<vmem>>, %arg14: memref<4096xi32, #tpu.memory_space<vmem>>, %arg15: memref<8x128xf32, #tpu.memory_space<vmem>>, %arg16: memref<128x64xf32, #tpu.memory_space<vmem>>, %arg17: memref<256x64xf32, #tpu.memory_space<vmem>>, %arg18: memref<24x128xf32, #tpu.memory_space<vmem>>, %arg19: memref<200x128xf32, #tpu.memory_space<vmem>>, %arg20: memref<224xf32, #tpu.memory_space<vmem>>, %arg21: memref<8x128xf32, #tpu.memory_space<vmem>>, %arg22: memref<128x64xf32, #tpu.memory_space<vmem>>, %arg23: memref<256x64xf32, #tpu.memory_space<vmem>>, %arg24: memref<24x128xf32, #tpu.memory_space<vmem>>, %arg25: memref<200x128xf32, #tpu.memory_space<vmem>>, %arg26: memref<224xf32, #tpu.memory_space<vmem>>, %arg27: memref<!tpu.dma_semaphore, #tpu.memory_space<semaphore_mem>>, %arg28: memref<!tpu.dma_semaphore, #tpu.memory_space<semaphore_mem>>, %arg29: memref<!tpu.dma_semaphore, #tpu.memory_space<semaphore_mem>>, %arg30: memref<!tpu.dma_semaphore, #tpu.memory_space<semaphore_mem>>) attributes {dimension_semantics = [#tpu.dimension_semantics<core_parallel>, #tpu.dimension_semantics<subcore_parallel>], iteration_bounds = array<i64: 2, 16>, scalar_prefetch = 0 : i64, scratch_operands = 22 : i64, tpu.core_type = #tpu.core_type<sc_vector_subcore>, window_params = [{transform_indices = #map}, {transform_indices = #map}, {transform_indices = #map}, {transform_indices = #map1}, {transform_indices = #map1}, {transform_indices = #map1}, {transform_indices = #map}]} {
    %mul3A = arith.constant 2 : i32
    %mul3A_0 = arith.muli %arg1, %mul3A : i32
    %add3A = arith.addi %mul3A_0, %arg0 : i32
    %mul3A_1 = arith.constant 128 : i32
    %mul3A_2 = arith.muli %add3A, %mul3A_1 : i32
    %iota3A = tpu.iota {dimensions = array<i32: 0>} : vector<16xi32>
    %eq3A = arith.constant 15 : i32
    %eq3A_3 = vector.broadcast %eq3A : i32 to vector<16xi32>
    %eq3A_4 = arith.cmpi eq, %iota3A, %eq3A_3 : vector<16xi32>
    %mul3A_5 = arith.constant 50 : i32
    %mul3A_6 = arith.muli %mul3A_2, %mul3A_5 : i32
    "tpu.region"() ({
      %run_scoped3A = tpu.sem_alloc : memref<!tpu.dma_semaphore, #tpu.memory_space<semaphore_mem>>
      %dma_start3A_169 = tpu.memref_slice %arg2[%mul3A_6] : memref<204800xi32, #tpu.memory_space<hbm>> -> memref<6400xi32, #tpu.memory_space<hbm>>
      %dma_start3A_170 = tpu.memref_slice %arg2[%mul3A_6] : memref<204800xi32, #tpu.memory_space<hbm>> -> memref<6400xi32, #tpu.memory_space<hbm>>
      tpu.enqueue_dma source(%dma_start3A_170 : memref<6400xi32, #tpu.memory_space<hbm>>) target(%arg9 : memref<6400xi32, #tpu.memory_space<vmem>>) target_semaphore(%run_scoped3A : memref<!tpu.dma_semaphore, #tpu.memory_space<semaphore_mem>>)
      %dma_wait3A_171 = tpu.memref_slice %arg2[%mul3A_6] : memref<204800xi32, #tpu.memory_space<hbm>> -> memref<6400xi32, #tpu.memory_space<hbm>>
      %dma_wait3A_172 = tpu.memref_slice %arg2[%mul3A_6] : memref<204800xi32, #tpu.memory_space<hbm>> -> memref<6400xi32, #tpu.memory_space<hbm>>
      tpu.wait_dma2 semaphore(%run_scoped3A : memref<!tpu.dma_semaphore, #tpu.memory_space<semaphore_mem>>) src(%dma_wait3A_172 : memref<6400xi32, #tpu.memory_space<hbm>>) dst(%arg9 : memref<6400xi32, #tpu.memory_space<vmem>>)
      tpu.yield
    }) : () -> ()
    %mul3A_7 = arith.constant 3 : i32
    %mul3A_8 = arith.muli %mul3A_2, %mul3A_7 : i32
    "tpu.region"() ({
      %run_scoped3A = tpu.sem_alloc : memref<!tpu.dma_semaphore, #tpu.memory_space<semaphore_mem>>
      %dma_start3A_169 = tpu.memref_slice %arg3[%mul3A_8] : memref<12288xi32, #tpu.memory_space<hbm>> -> memref<384xi32, #tpu.memory_space<hbm>>
      %dma_start3A_170 = tpu.memref_slice %arg3[%mul3A_8] : memref<12288xi32, #tpu.memory_space<hbm>> -> memref<384xi32, #tpu.memory_space<hbm>>
      tpu.enqueue_dma source(%dma_start3A_170 : memref<384xi32, #tpu.memory_space<hbm>>) target(%arg10 : memref<384xi32, #tpu.memory_space<vmem>>) target_semaphore(%run_scoped3A : memref<!tpu.dma_semaphore, #tpu.memory_space<semaphore_mem>>)
      %dma_wait3A_171 = tpu.memref_slice %arg3[%mul3A_8] : memref<12288xi32, #tpu.memory_space<hbm>> -> memref<384xi32, #tpu.memory_space<hbm>>
      %dma_wait3A_172 = tpu.memref_slice %arg3[%mul3A_8] : memref<12288xi32, #tpu.memory_space<hbm>> -> memref<384xi32, #tpu.memory_space<hbm>>
      tpu.wait_dma2 semaphore(%run_scoped3A : memref<!tpu.dma_semaphore, #tpu.memory_space<semaphore_mem>>) src(%dma_wait3A_172 : memref<384xi32, #tpu.memory_space<hbm>>) dst(%arg10 : memref<384xi32, #tpu.memory_space<vmem>>)
      tpu.yield
    }) : () -> ()
    %mul3A_9 = arith.constant 25 : i32
    %mul3A_10 = arith.muli %mul3A_2, %mul3A_9 : i32
    "tpu.region"() ({
      %run_scoped3A = tpu.sem_alloc : memref<!tpu.dma_semaphore, #tpu.memory_space<semaphore_mem>>
      %dma_start3A_169 = tpu.memref_slice %arg4[%mul3A_10] : memref<102400xi32, #tpu.memory_space<hbm>> -> memref<3200xi32, #tpu.memory_space<hbm>>
      %dma_start3A_170 = tpu.memref_slice %arg4[%mul3A_10] : memref<102400xi32, #tpu.memory_space<hbm>> -> memref<3200xi32, #tpu.memory_space<hbm>>
      tpu.enqueue_dma source(%dma_start3A_170 : memref<3200xi32, #tpu.memory_space<hbm>>) target(%arg11 : memref<3200xi32, #tpu.memory_space<vmem>>) target_semaphore(%run_scoped3A : memref<!tpu.dma_semaphore, #tpu.memory_space<semaphore_mem>>)
      %dma_wait3A_171 = tpu.memref_slice %arg4[%mul3A_10] : memref<102400xi32, #tpu.memory_space<hbm>> -> memref<3200xi32, #tpu.memory_space<hbm>>
      %dma_wait3A_172 = tpu.memref_slice %arg4[%mul3A_10] : memref<102400xi32, #tpu.memory_space<hbm>> -> memref<3200xi32, #tpu.memory_space<hbm>>
      tpu.wait_dma2 semaphore(%run_scoped3A : memref<!tpu.dma_semaphore, #tpu.memory_space<semaphore_mem>>) src(%dma_wait3A_172 : memref<3200xi32, #tpu.memory_space<hbm>>) dst(%arg11 : memref<3200xi32, #tpu.memory_space<vmem>>)
      tpu.yield
    }) : () -> ()
    %and3A = arith.constant 7 : i32
    %and3A_11 = vector.broadcast %and3A : i32 to vector<16xi32>
    %and3A_12 = arith.andi %iota3A, %and3A_11 : vector<16xi32>
    %mul3A_13 = arith.constant 50 : i32
    %mul3A_14 = vector.broadcast %mul3A_13 : i32 to vector<16xi32>
    %mul3A_15 = arith.muli %and3A_12, %mul3A_14 : vector<16xi32>
    %mul3A_16 = arith.constant 3 : i32
    %mul3A_17 = vector.broadcast %mul3A_16 : i32 to vector<16xi32>
    %mul3A_18 = arith.muli %mul3A_17, %iota3A : vector<16xi32>
    %add3A_19 = arith.constant 1 : i32
    %add3A_20 = vector.broadcast %add3A_19 : i32 to vector<16xi32>
    %add3A_21 = arith.addi %mul3A_18, %add3A_20 : vector<16xi32>
    %and3A_22 = arith.constant 3 : i32
    %and3A_23 = vector.broadcast %and3A_22 : i32 to vector<16xi32>
    %and3A_24 = arith.andi %iota3A, %and3A_23 : vector<16xi32>
    %shift_right_arithmetic3A = arith.constant 2 : i32
    %shift_right_arithmetic3A_25 = vector.broadcast %shift_right_arithmetic3A : i32 to vector<16xi32>
    %shift_right_arithmetic3A_26 = arith.shrsi %iota3A, %shift_right_arithmetic3A_25 : vector<16xi32>
    %mul3A_27 = arith.constant 6 : i32
    %mul3A_28 = vector.broadcast %mul3A_27 : i32 to vector<16xi32>
    %mul3A_29 = arith.muli %mul3A_28, %shift_right_arithmetic3A_26 : vector<16xi32>
    %add3A_30 = arith.constant 2 : i32
    %add3A_31 = vector.broadcast %add3A_30 : i32 to vector<16xi32>
    %add3A_32 = arith.addi %mul3A_29, %add3A_31 : vector<16xi32>
    %add3A_33 = arith.addi %add3A_32, %and3A_24 : vector<16xi32>
    %shift_right_arithmetic3A_34 = arith.constant 1 : i32
    %shift_right_arithmetic3A_35 = vector.broadcast %shift_right_arithmetic3A_34 : i32 to vector<16xi32>
    %shift_right_arithmetic3A_36 = arith.shrsi %and3A_24, %shift_right_arithmetic3A_35 : vector<16xi32>
    %add3A_37 = arith.addi %add3A_33, %shift_right_arithmetic3A_36 : vector<16xi32>
    %add3A_38 = arith.constant 16 : i32
    %add3A_39 = vector.broadcast %add3A_38 : i32 to vector<16xi32>
    %add3A_40 = arith.addi %iota3A, %add3A_39 : vector<16xi32>
    %and3A_41 = arith.constant 3 : i32
    %and3A_42 = vector.broadcast %and3A_41 : i32 to vector<16xi32>
    %and3A_43 = arith.andi %add3A_40, %and3A_42 : vector<16xi32>
    %shift_right_arithmetic3A_44 = arith.constant 2 : i32
    %shift_right_arithmetic3A_45 = vector.broadcast %shift_right_arithmetic3A_44 : i32 to vector<16xi32>
    %shift_right_arithmetic3A_46 = arith.shrsi %add3A_40, %shift_right_arithmetic3A_45 : vector<16xi32>
    %mul3A_47 = arith.constant 6 : i32
    %mul3A_48 = vector.broadcast %mul3A_47 : i32 to vector<16xi32>
    %mul3A_49 = arith.muli %mul3A_48, %shift_right_arithmetic3A_46 : vector<16xi32>
    %add3A_50 = arith.constant 2 : i32
    %add3A_51 = vector.broadcast %add3A_50 : i32 to vector<16xi32>
    %add3A_52 = arith.addi %mul3A_49, %add3A_51 : vector<16xi32>
    %add3A_53 = arith.addi %add3A_52, %and3A_43 : vector<16xi32>
    %shift_right_arithmetic3A_54 = arith.constant 1 : i32
    %shift_right_arithmetic3A_55 = vector.broadcast %shift_right_arithmetic3A_54 : i32 to vector<16xi32>
    %shift_right_arithmetic3A_56 = arith.shrsi %and3A_43, %shift_right_arithmetic3A_55 : vector<16xi32>
    %add3A_57 = arith.addi %add3A_53, %shift_right_arithmetic3A_56 : vector<16xi32>
    %scan3A = arith.constant 0 : i32
    %scan3A_58 = arith.constant 0 : i32
    %scan3A_59 = arith.constant 16 : i32
    %scan3A_60 = arith.addi %scan3A_58, %scan3A_59 : i32
    %scan3A_61 = arith.constant 1 : i32
    scf.for %scan3A_169 = %scan3A_58 to %scan3A_60 step %scan3A_61  : i32 {
      %mul3A_170 = arith.constant 8 : i32
      %mul3A_171 = arith.muli %scan3A_169, %mul3A_170 : i32
      %mul3A_172 = arith.constant 50 : i32
      %mul3A_173 = arith.muli %mul3A_171, %mul3A_172 : i32
      %add3A_174 = vector.broadcast %mul3A_173 : i32 to vector<16xi32>
      %add3A_175 = arith.addi %add3A_174, %mul3A_15 : vector<16xi32>
      %gather3A = tpu.vector_load_idx %arg9[%add3A_175] : memref<6400xi32, #tpu.memory_space<vmem>>[vector<16xi32>], vector<16xi32>,
      %mul3A_176 = arith.constant 16 : i32
      %mul3A_177 = arith.muli %scan3A_169, %mul3A_176 : i32
      %swap3A = arith.index_cast %mul3A_177 : i32 to index
      %swap3A_178 = tpu.vector_load %arg12[%swap3A] {strides = array<i32>} : memref<256xi32, #tpu.memory_space<vmem>>, vector<16xi32>,
      tpu.vector_store %arg12[%swap3A], %gather3A {strides = array<i32>} : memref<256xi32, #tpu.memory_space<vmem>>, vector<16xi32>,
      %mul3A_179 = arith.constant 8 : i32
      %mul3A_180 = arith.muli %scan3A_169, %mul3A_179 : i32
      %add3A_181 = arith.constant 0 : i32
      %add3A_182 = arith.addi %mul3A_180, %add3A_181 : i32
      %mul3A_183 = arith.constant 50 : i32
      %mul3A_184 = arith.muli %add3A_182, %mul3A_183 : i32
      %add3A_185 = vector.broadcast %mul3A_184 : i32 to vector<16xi32>
      %add3A_186 = arith.addi %add3A_185, %add3A_21 : vector<16xi32>
      %gather3A_187 = tpu.vector_load_idx %arg9[%add3A_186] : memref<6400xi32, #tpu.memory_space<vmem>>[vector<16xi32>], vector<16xi32>,
      %mul3A_188 = arith.constant 16 : i32
      %mul3A_189 = arith.muli %add3A_182, %mul3A_188 : i32
      %swap3A_190 = arith.index_cast %mul3A_189 : i32 to index
      %swap3A_191 = tpu.vector_load %arg13[%swap3A_190] {strides = array<i32>} : memref<2048xi32, #tpu.memory_space<vmem>>, vector<16xi32>,
      tpu.vector_store %arg13[%swap3A_190], %gather3A_187 {strides = array<i32>} : memref<2048xi32, #tpu.memory_space<vmem>>, vector<16xi32>,
      %mul3A_192 = arith.constant 50 : i32
      %mul3A_193 = arith.muli %add3A_182, %mul3A_192 : i32
      %add3A_194 = vector.broadcast %mul3A_193 : i32 to vector<16xi32>
      %add3A_195 = arith.addi %add3A_194, %add3A_37 : vector<16xi32>
      %gather3A_196 = tpu.vector_load_idx %arg9[%add3A_195] : memref<6400xi32, #tpu.memory_space<vmem>>[vector<16xi32>], vector<16xi32>,
      %mul3A_197 = arith.constant 32 : i32
      %mul3A_198 = arith.muli %add3A_182, %mul3A_197 : i32
      %swap3A_199 = arith.index_cast %mul3A_198 : i32 to index
      %swap3A_200 = tpu.vector_load %arg14[%swap3A_199] {strides = array<i32>} : memref<4096xi32, #tpu.memory_space<vmem>>, vector<16xi32>,
      tpu.vector_store %arg14[%swap3A_199], %gather3A_196 {strides = array<i32>} : memref<4096xi32, #tpu.memory_space<vmem>>, vector<16xi32>,
      %mul3A_201 = arith.constant 50 : i32
      %mul3A_202 = arith.muli %add3A_182, %mul3A_201 : i32
      %add3A_203 = vector.broadcast %mul3A_202 : i32 to vector<16xi32>
      %add3A_204 = arith.addi %add3A_203, %add3A_57 : vector<16xi32>
      %gather3A_205 = tpu.vector_load_idx %arg9[%add3A_204] : memref<6400xi32, #tpu.memory_space<vmem>>[vector<16xi32>], vector<16xi32>,
      %mul3A_206 = arith.constant 32 : i32
      %mul3A_207 = arith.muli %add3A_182, %mul3A_206 : i32
      %add3A_208 = arith.constant 16 : i32
      %add3A_209 = arith.addi %mul3A_207, %add3A_208 : i32
      %swap3A_210 = arith.index_cast %add3A_209 : i32 to index
      %swap3A_211 = tpu.vector_load %arg14[%swap3A_210] {strides = array<i32>} : memref<4096xi32, #tpu.memory_space<vmem>>, vector<16xi32>,
      tpu.vector_store %arg14[%swap3A_210], %gather3A_205 {strides = array<i32>} : memref<4096xi32, #tpu.memory_space<vmem>>, vector<16xi32>,
      %mul3A_212 = arith.constant 8 : i32
      %mul3A_213 = arith.muli %scan3A_169, %mul3A_212 : i32
      %add3A_214 = arith.constant 1 : i32
      %add3A_215 = arith.addi %mul3A_213, %add3A_214 : i32
      %mul3A_216 = arith.constant 50 : i32
      %mul3A_217 = arith.muli %add3A_215, %mul3A_216 : i32
      %add3A_218 = vector.broadcast %mul3A_217 : i32 to vector<16xi32>
      %add3A_219 = arith.addi %add3A_218, %add3A_21 : vector<16xi32>
      %gather3A_220 = tpu.vector_load_idx %arg9[%add3A_219] : memref<6400xi32, #tpu.memory_space<vmem>>[vector<16xi32>], vector<16xi32>,
      %mul3A_221 = arith.constant 16 : i32
      %mul3A_222 = arith.muli %add3A_215, %mul3A_221 : i32
      %swap3A_223 = arith.index_cast %mul3A_222 : i32 to index
      %swap3A_224 = tpu.vector_load %arg13[%swap3A_223] {strides = array<i32>} : memref<2048xi32, #tpu.memory_space<vmem>>, vector<16xi32>,
      tpu.vector_store %arg13[%swap3A_223], %gather3A_220 {strides = array<i32>} : memref<2048xi32, #tpu.memory_space<vmem>>, vector<16xi32>,
      %mul3A_225 = arith.constant 50 : i32
      %mul3A_226 = arith.muli %add3A_215, %mul3A_225 : i32
      %add3A_227 = vector.broadcast %mul3A_226 : i32 to vector<16xi32>
      %add3A_228 = arith.addi %add3A_227, %add3A_37 : vector<16xi32>
      %gather3A_229 = tpu.vector_load_idx %arg9[%add3A_228] : memref<6400xi32, #tpu.memory_space<vmem>>[vector<16xi32>], vector<16xi32>,
      %mul3A_230 = arith.constant 32 : i32
      %mul3A_231 = arith.muli %add3A_215, %mul3A_230 : i32
      %swap3A_232 = arith.index_cast %mul3A_231 : i32 to index
      %swap3A_233 = tpu.vector_load %arg14[%swap3A_232] {strides = array<i32>} : memref<4096xi32, #tpu.memory_space<vmem>>, vector<16xi32>,
      tpu.vector_store %arg14[%swap3A_232], %gather3A_229 {strides = array<i32>} : memref<4096xi32, #tpu.memory_space<vmem>>, vector<16xi32>,
      %mul3A_234 = arith.constant 50 : i32
      %mul3A_235 = arith.muli %add3A_215, %mul3A_234 : i32
      %add3A_236 = vector.broadcast %mul3A_235 : i32 to vector<16xi32>
      %add3A_237 = arith.addi %add3A_236, %add3A_57 : vector<16xi32>
      %gather3A_238 = tpu.vector_load_idx %arg9[%add3A_237] : memref<6400xi32, #tpu.memory_space<vmem>>[vector<16xi32>], vector<16xi32>,
      %mul3A_239 = arith.constant 32 : i32
      %mul3A_240 = arith.muli %add3A_215, %mul3A_239 : i32
      %add3A_241 = arith.constant 16 : i32
      %add3A_242 = arith.addi %mul3A_240, %add3A_241 : i32
      %swap3A_243 = arith.index_cast %add3A_242 : i32 to index
      %swap3A_244 = tpu.vector_load %arg14[%swap3A_243] {strides = array<i32>} : memref<4096xi32, #tpu.memory_space<vmem>>, vector<16xi32>,
      tpu.vector_store %arg14[%swap3A_243], %gather3A_238 {strides = array<i32>} : memref<4096xi32, #tpu.memory_space<vmem>>, vector<16xi32>,
      %mul3A_245 = arith.constant 8 : i32
      %mul3A_246 = arith.muli %scan3A_169, %mul3A_245 : i32
      %add3A_247 = arith.constant 2 : i32
      %add3A_248 = arith.addi %mul3A_246, %add3A_247 : i32
      %mul3A_249 = arith.constant 50 : i32
      %mul3A_250 = arith.muli %add3A_248, %mul3A_249 : i32
      %add3A_251 = vector.broadcast %mul3A_250 : i32 to vector<16xi32>
      %add3A_252 = arith.addi %add3A_251, %add3A_21 : vector<16xi32>
      %gather3A_253 = tpu.vector_load_idx %arg9[%add3A_252] : memref<6400xi32, #tpu.memory_space<vmem>>[vector<16xi32>], vector<16xi32>,
      %mul3A_254 = arith.constant 16 : i32
      %mul3A_255 = arith.muli %add3A_248, %mul3A_254 : i32
      %swap3A_256 = arith.index_cast %mul3A_255 : i32 to index
      %swap3A_257 = tpu.vector_load %arg13[%swap3A_256] {strides = array<i32>} : memref<2048xi32, #tpu.memory_space<vmem>>, vector<16xi32>,
      tpu.vector_store %arg13[%swap3A_256], %gather3A_253 {strides = array<i32>} : memref<2048xi32, #tpu.memory_space<vmem>>, vector<16xi32>,
      %mul3A_258 = arith.constant 50 : i32
      %mul3A_259 = arith.muli %add3A_248, %mul3A_258 : i32
      %add3A_260 = vector.broadcast %mul3A_259 : i32 to vector<16xi32>
      %add3A_261 = arith.addi %add3A_260, %add3A_37 : vector<16xi32>
      %gather3A_262 = tpu.vector_load_idx %arg9[%add3A_261] : memref<6400xi32, #tpu.memory_space<vmem>>[vector<16xi32>], vector<16xi32>,
      %mul3A_263 = arith.constant 32 : i32
      %mul3A_264 = arith.muli %add3A_248, %mul3A_263 : i32
      %swap3A_265 = arith.index_cast %mul3A_264 : i32 to index
      %swap3A_266 = tpu.vector_load %arg14[%swap3A_265] {strides = array<i32>} : memref<4096xi32, #tpu.memory_space<vmem>>, vector<16xi32>,
      tpu.vector_store %arg14[%swap3A_265], %gather3A_262 {strides = array<i32>} : memref<4096xi32, #tpu.memory_space<vmem>>, vector<16xi32>,
      %mul3A_267 = arith.constant 50 : i32
      %mul3A_268 = arith.muli %add3A_248, %mul3A_267 : i32
      %add3A_269 = vector.broadcast %mul3A_268 : i32 to vector<16xi32>
      %add3A_270 = arith.addi %add3A_269, %add3A_57 : vector<16xi32>
      %gather3A_271 = tpu.vector_load_idx %arg9[%add3A_270] : memref<6400xi32, #tpu.memory_space<vmem>>[vector<16xi32>], vector<16xi32>,
      %mul3A_272 = arith.constant 32 : i32
      %mul3A_273 = arith.muli %add3A_248, %mul3A_272 : i32
      %add3A_274 = arith.constant 16 : i32
      %add3A_275 = arith.addi %mul3A_273, %add3A_274 : i32
      %swap3A_276 = arith.index_cast %add3A_275 : i32 to index
      %swap3A_277 = tpu.vector_load %arg14[%swap3A_276] {strides = array<i32>} : memref<4096xi32, #tpu.memory_space<vmem>>, vector<16xi32>,
      tpu.vector_store %arg14[%swap3A_276], %gather3A_271 {strides = array<i32>} : memref<4096xi32, #tpu.memory_space<vmem>>, vector<16xi32>,
      %mul3A_278 = arith.constant 8 : i32
      %mul3A_279 = arith.muli %scan3A_169, %mul3A_278 : i32
      %add3A_280 = arith.constant 3 : i32
      %add3A_281 = arith.addi %mul3A_279, %add3A_280 : i32
      %mul3A_282 = arith.constant 50 : i32
      %mul3A_283 = arith.muli %add3A_281, %mul3A_282 : i32
      %add3A_284 = vector.broadcast %mul3A_283 : i32 to vector<16xi32>
      %add3A_285 = arith.addi %add3A_284, %add3A_21 : vector<16xi32>
      %gather3A_286 = tpu.vector_load_idx %arg9[%add3A_285] : memref<6400xi32, #tpu.memory_space<vmem>>[vector<16xi32>], vector<16xi32>,
      %mul3A_287 = arith.constant 16 : i32
      %mul3A_288 = arith.muli %add3A_281, %mul3A_287 : i32
      %swap3A_289 = arith.index_cast %mul3A_288 : i32 to index
      %swap3A_290 = tpu.vector_load %arg13[%swap3A_289] {strides = array<i32>} : memref<2048xi32, #tpu.memory_space<vmem>>, vector<16xi32>,
      tpu.vector_store %arg13[%swap3A_289], %gather3A_286 {strides = array<i32>} : memref<2048xi32, #tpu.memory_space<vmem>>, vector<16xi32>,
      %mul3A_291 = arith.constant 50 : i32
      %mul3A_292 = arith.muli %add3A_281, %mul3A_291 : i32
      %add3A_293 = vector.broadcast %mul3A_292 : i32 to vector<16xi32>
      %add3A_294 = arith.addi %add3A_293, %add3A_37 : vector<16xi32>
      %gather3A_295 = tpu.vector_load_idx %arg9[%add3A_294] : memref<6400xi32, #tpu.memory_space<vmem>>[vector<16xi32>], vector<16xi32>,
      %mul3A_296 = arith.constant 32 : i32
      %mul3A_297 = arith.muli %add3A_281, %mul3A_296 : i32
      %swap3A_298 = arith.index_cast %mul3A_297 : i32 to index
      %swap3A_299 = tpu.vector_load %arg14[%swap3A_298] {strides = array<i32>} : memref<4096xi32, #tpu.memory_space<vmem>>, vector<16xi32>,
      tpu.vector_store %arg14[%swap3A_298], %gather3A_295 {strides = array<i32>} : memref<4096xi32, #tpu.memory_space<vmem>>, vector<16xi32>,
      %mul3A_300 = arith.constant 50 : i32
      %mul3A_301 = arith.muli %add3A_281, %mul3A_300 : i32
      %add3A_302 = vector.broadcast %mul3A_301 : i32 to vector<16xi32>
      %add3A_303 = arith.addi %add3A_302, %add3A_57 : vector<16xi32>
      %gather3A_304 = tpu.vector_load_idx %arg9[%add3A_303] : memref<6400xi32, #tpu.memory_space<vmem>>[vector<16xi32>], vector<16xi32>,
      %mul3A_305 = arith.constant 32 : i32
      %mul3A_306 = arith.muli %add3A_281, %mul3A_305 : i32
      %add3A_307 = arith.constant 16 : i32
      %add3A_308 = arith.addi %mul3A_306, %add3A_307 : i32
      %swap3A_309 = arith.index_cast %add3A_308 : i32 to index
      %swap3A_310 = tpu.vector_load %arg14[%swap3A_309] {strides = array<i32>} : memref<4096xi32, #tpu.memory_space<vmem>>, vector<16xi32>,
      tpu.vector_store %arg14[%swap3A_309], %gather3A_304 {strides = array<i32>} : memref<4096xi32, #tpu.memory_space<vmem>>, vector<16xi32>,
      %mul3A_311 = arith.constant 8 : i32
      %mul3A_312 = arith.muli %scan3A_169, %mul3A_311 : i32
      %add3A_313 = arith.constant 4 : i32
      %add3A_314 = arith.addi %mul3A_312, %add3A_313 : i32
      %mul3A_315 = arith.constant 50 : i32
      %mul3A_316 = arith.muli %add3A_314, %mul3A_315 : i32
      %add3A_317 = vector.broadcast %mul3A_316 : i32 to vector<16xi32>
      %add3A_318 = arith.addi %add3A_317, %add3A_21 : vector<16xi32>
      %gather3A_319 = tpu.vector_load_idx %arg9[%add3A_318] : memref<6400xi32, #tpu.memory_space<vmem>>[vector<16xi32>], vector<16xi32>,
      %mul3A_320 = arith.constant 16 : i32
      %mul3A_321 = arith.muli %add3A_314, %mul3A_320 : i32
      %swap3A_322 = arith.index_cast %mul3A_321 : i32 to index
      %swap3A_323 = tpu.vector_load %arg13[%swap3A_322] {strides = array<i32>} : memref<2048xi32, #tpu.memory_space<vmem>>, vector<16xi32>,
      tpu.vector_store %arg13[%swap3A_322], %gather3A_319 {strides = array<i32>} : memref<2048xi32, #tpu.memory_space<vmem>>, vector<16xi32>,
      %mul3A_324 = arith.constant 50 : i32
      %mul3A_325 = arith.muli %add3A_314, %mul3A_324 : i32
      %add3A_326 = vector.broadcast %mul3A_325 : i32 to vector<16xi32>
      %add3A_327 = arith.addi %add3A_326, %add3A_37 : vector<16xi32>
      %gather3A_328 = tpu.vector_load_idx %arg9[%add3A_327] : memref<6400xi32, #tpu.memory_space<vmem>>[vector<16xi32>], vector<16xi32>,
      %mul3A_329 = arith.constant 32 : i32
      %mul3A_330 = arith.muli %add3A_314, %mul3A_329 : i32
      %swap3A_331 = arith.index_cast %mul3A_330 : i32 to index
      %swap3A_332 = tpu.vector_load %arg14[%swap3A_331] {strides = array<i32>} : memref<4096xi32, #tpu.memory_space<vmem>>, vector<16xi32>,
      tpu.vector_store %arg14[%swap3A_331], %gather3A_328 {strides = array<i32>} : memref<4096xi32, #tpu.memory_space<vmem>>, vector<16xi32>,
      %mul3A_333 = arith.constant 50 : i32
      %mul3A_334 = arith.muli %add3A_314, %mul3A_333 : i32
      %add3A_335 = vector.broadcast %mul3A_334 : i32 to vector<16xi32>
      %add3A_336 = arith.addi %add3A_335, %add3A_57 : vector<16xi32>
      %gather3A_337 = tpu.vector_load_idx %arg9[%add3A_336] : memref<6400xi32, #tpu.memory_space<vmem>>[vector<16xi32>], vector<16xi32>,
      %mul3A_338 = arith.constant 32 : i32
      %mul3A_339 = arith.muli %add3A_314, %mul3A_338 : i32
      %add3A_340 = arith.constant 16 : i32
      %add3A_341 = arith.addi %mul3A_339, %add3A_340 : i32
      %swap3A_342 = arith.index_cast %add3A_341 : i32 to index
      %swap3A_343 = tpu.vector_load %arg14[%swap3A_342] {strides = array<i32>} : memref<4096xi32, #tpu.memory_space<vmem>>, vector<16xi32>,
      tpu.vector_store %arg14[%swap3A_342], %gather3A_337 {strides = array<i32>} : memref<4096xi32, #tpu.memory_space<vmem>>, vector<16xi32>,
      %mul3A_344 = arith.constant 8 : i32
      %mul3A_345 = arith.muli %scan3A_169, %mul3A_344 : i32
      %add3A_346 = arith.constant 5 : i32
      %add3A_347 = arith.addi %mul3A_345, %add3A_346 : i32
      %mul3A_348 = arith.constant 50 : i32
      %mul3A_349 = arith.muli %add3A_347, %mul3A_348 : i32
      %add3A_350 = vector.broadcast %mul3A_349 : i32 to vector<16xi32>
      %add3A_351 = arith.addi %add3A_350, %add3A_21 : vector<16xi32>
      %gather3A_352 = tpu.vector_load_idx %arg9[%add3A_351] : memref<6400xi32, #tpu.memory_space<vmem>>[vector<16xi32>], vector<16xi32>,
      %mul3A_353 = arith.constant 16 : i32
      %mul3A_354 = arith.muli %add3A_347, %mul3A_353 : i32
      %swap3A_355 = arith.index_cast %mul3A_354 : i32 to index
      %swap3A_356 = tpu.vector_load %arg13[%swap3A_355] {strides = array<i32>} : memref<2048xi32, #tpu.memory_space<vmem>>, vector<16xi32>,
      tpu.vector_store %arg13[%swap3A_355], %gather3A_352 {strides = array<i32>} : memref<2048xi32, #tpu.memory_space<vmem>>, vector<16xi32>,
      %mul3A_357 = arith.constant 50 : i32
      %mul3A_358 = arith.muli %add3A_347, %mul3A_357 : i32
      %add3A_359 = vector.broadcast %mul3A_358 : i32 to vector<16xi32>
      %add3A_360 = arith.addi %add3A_359, %add3A_37 : vector<16xi32>
      %gather3A_361 = tpu.vector_load_idx %arg9[%add3A_360] : memref<6400xi32, #tpu.memory_space<vmem>>[vector<16xi32>], vector<16xi32>,
      %mul3A_362 = arith.constant 32 : i32
      %mul3A_363 = arith.muli %add3A_347, %mul3A_362 : i32
      %swap3A_364 = arith.index_cast %mul3A_363 : i32 to index
      %swap3A_365 = tpu.vector_load %arg14[%swap3A_364] {strides = array<i32>} : memref<4096xi32, #tpu.memory_space<vmem>>, vector<16xi32>,
      tpu.vector_store %arg14[%swap3A_364], %gather3A_361 {strides = array<i32>} : memref<4096xi32, #tpu.memory_space<vmem>>, vector<16xi32>,
      %mul3A_366 = arith.constant 50 : i32
      %mul3A_367 = arith.muli %add3A_347, %mul3A_366 : i32
      %add3A_368 = vector.broadcast %mul3A_367 : i32 to vector<16xi32>
      %add3A_369 = arith.addi %add3A_368, %add3A_57 : vector<16xi32>
      %gather3A_370 = tpu.vector_load_idx %arg9[%add3A_369] : memref<6400xi32, #tpu.memory_space<vmem>>[vector<16xi32>], vector<16xi32>,
      %mul3A_371 = arith.constant 32 : i32
      %mul3A_372 = arith.muli %add3A_347, %mul3A_371 : i32
      %add3A_373 = arith.constant 16 : i32
      %add3A_374 = arith.addi %mul3A_372, %add3A_373 : i32
      %swap3A_375 = arith.index_cast %add3A_374 : i32 to index
      %swap3A_376 = tpu.vector_load %arg14[%swap3A_375] {strides = array<i32>} : memref<4096xi32, #tpu.memory_space<vmem>>, vector<16xi32>,
      tpu.vector_store %arg14[%swap3A_375], %gather3A_370 {strides = array<i32>} : memref<4096xi32, #tpu.memory_space<vmem>>, vector<16xi32>,
      %mul3A_377 = arith.constant 8 : i32
      %mul3A_378 = arith.muli %scan3A_169, %mul3A_377 : i32
      %add3A_379 = arith.constant 6 : i32
      %add3A_380 = arith.addi %mul3A_378, %add3A_379 : i32
      %mul3A_381 = arith.constant 50 : i32
      %mul3A_382 = arith.muli %add3A_380, %mul3A_381 : i32
      %add3A_383 = vector.broadcast %mul3A_382 : i32 to vector<16xi32>
      %add3A_384 = arith.addi %add3A_383, %add3A_21 : vector<16xi32>
      %gather3A_385 = tpu.vector_load_idx %arg9[%add3A_384] : memref<6400xi32, #tpu.memory_space<vmem>>[vector<16xi32>], vector<16xi32>,
      %mul3A_386 = arith.constant 16 : i32
      %mul3A_387 = arith.muli %add3A_380, %mul3A_386 : i32
      %swap3A_388 = arith.index_cast %mul3A_387 : i32 to index
      %swap3A_389 = tpu.vector_load %arg13[%swap3A_388] {strides = array<i32>} : memref<2048xi32, #tpu.memory_space<vmem>>, vector<16xi32>,
      tpu.vector_store %arg13[%swap3A_388], %gather3A_385 {strides = array<i32>} : memref<2048xi32, #tpu.memory_space<vmem>>, vector<16xi32>,
      %mul3A_390 = arith.constant 50 : i32
      %mul3A_391 = arith.muli %add3A_380, %mul3A_390 : i32
      %add3A_392 = vector.broadcast %mul3A_391 : i32 to vector<16xi32>
      %add3A_393 = arith.addi %add3A_392, %add3A_37 : vector<16xi32>
      %gather3A_394 = tpu.vector_load_idx %arg9[%add3A_393] : memref<6400xi32, #tpu.memory_space<vmem>>[vector<16xi32>], vector<16xi32>,
      %mul3A_395 = arith.constant 32 : i32
      %mul3A_396 = arith.muli %add3A_380, %mul3A_395 : i32
      %swap3A_397 = arith.index_cast %mul3A_396 : i32 to index
      %swap3A_398 = tpu.vector_load %arg14[%swap3A_397] {strides = array<i32>} : memref<4096xi32, #tpu.memory_space<vmem>>, vector<16xi32>,
      tpu.vector_store %arg14[%swap3A_397], %gather3A_394 {strides = array<i32>} : memref<4096xi32, #tpu.memory_space<vmem>>, vector<16xi32>,
      %mul3A_399 = arith.constant 50 : i32
      %mul3A_400 = arith.muli %add3A_380, %mul3A_399 : i32
      %add3A_401 = vector.broadcast %mul3A_400 : i32 to vector<16xi32>
      %add3A_402 = arith.addi %add3A_401, %add3A_57 : vector<16xi32>
      %gather3A_403 = tpu.vector_load_idx %arg9[%add3A_402] : memref<6400xi32, #tpu.memory_space<vmem>>[vector<16xi32>], vector<16xi32>,
      %mul3A_404 = arith.constant 32 : i32
      %mul3A_405 = arith.muli %add3A_380, %mul3A_404 : i32
      %add3A_406 = arith.constant 16 : i32
      %add3A_407 = arith.addi %mul3A_405, %add3A_406 : i32
      %swap3A_408 = arith.index_cast %add3A_407 : i32 to index
      %swap3A_409 = tpu.vector_load %arg14[%swap3A_408] {strides = array<i32>} : memref<4096xi32, #tpu.memory_space<vmem>>, vector<16xi32>,
      tpu.vector_store %arg14[%swap3A_408], %gather3A_403 {strides = array<i32>} : memref<4096xi32, #tpu.memory_space<vmem>>, vector<16xi32>,
      %mul3A_410 = arith.constant 8 : i32
      %mul3A_411 = arith.muli %scan3A_169, %mul3A_410 : i32
      %add3A_412 = arith.constant 7 : i32
      %add3A_413 = arith.addi %mul3A_411, %add3A_412 : i32
      %mul3A_414 = arith.constant 50 : i32
      %mul3A_415 = arith.muli %add3A_413, %mul3A_414 : i32
      %add3A_416 = vector.broadcast %mul3A_415 : i32 to vector<16xi32>
      %add3A_417 = arith.addi %add3A_416, %add3A_21 : vector<16xi32>
      %gather3A_418 = tpu.vector_load_idx %arg9[%add3A_417] : memref<6400xi32, #tpu.memory_space<vmem>>[vector<16xi32>], vector<16xi32>,
      %mul3A_419 = arith.constant 16 : i32
      %mul3A_420 = arith.muli %add3A_413, %mul3A_419 : i32
      %swap3A_421 = arith.index_cast %mul3A_420 : i32 to index
      %swap3A_422 = tpu.vector_load %arg13[%swap3A_421] {strides = array<i32>} : memref<2048xi32, #tpu.memory_space<vmem>>, vector<16xi32>,
      tpu.vector_store %arg13[%swap3A_421], %gather3A_418 {strides = array<i32>} : memref<2048xi32, #tpu.memory_space<vmem>>, vector<16xi32>,
      %mul3A_423 = arith.constant 50 : i32
      %mul3A_424 = arith.muli %add3A_413, %mul3A_423 : i32
      %add3A_425 = vector.broadcast %mul3A_424 : i32 to vector<16xi32>
      %add3A_426 = arith.addi %add3A_425, %add3A_37 : vector<16xi32>
      %gather3A_427 = tpu.vector_load_idx %arg9[%add3A_426] : memref<6400xi32, #tpu.memory_space<vmem>>[vector<16xi32>], vector<16xi32>,
      %mul3A_428 = arith.constant 32 : i32
      %mul3A_429 = arith.muli %add3A_413, %mul3A_428 : i32
      %swap3A_430 = arith.index_cast %mul3A_429 : i32 to index
      %swap3A_431 = tpu.vector_load %arg14[%swap3A_430] {strides = array<i32>} : memref<4096xi32, #tpu.memory_space<vmem>>, vector<16xi32>,
      tpu.vector_store %arg14[%swap3A_430], %gather3A_427 {strides = array<i32>} : memref<4096xi32, #tpu.memory_space<vmem>>, vector<16xi32>,
      %mul3A_432 = arith.constant 50 : i32
      %mul3A_433 = arith.muli %add3A_413, %mul3A_432 : i32
      %add3A_434 = vector.broadcast %mul3A_433 : i32 to vector<16xi32>
      %add3A_435 = arith.addi %add3A_434, %add3A_57 : vector<16xi32>
      %gather3A_436 = tpu.vector_load_idx %arg9[%add3A_435] : memref<6400xi32, #tpu.memory_space<vmem>>[vector<16xi32>], vector<16xi32>,
      %mul3A_437 = arith.constant 32 : i32
      %mul3A_438 = arith.muli %add3A_413, %mul3A_437 : i32
      %add3A_439 = arith.constant 16 : i32
      %add3A_440 = arith.addi %mul3A_438, %add3A_439 : i32
      %swap3A_441 = arith.index_cast %add3A_440 : i32 to index
      %swap3A_442 = tpu.vector_load %arg14[%swap3A_441] {strides = array<i32>} : memref<4096xi32, #tpu.memory_space<vmem>>, vector<16xi32>,
      tpu.vector_store %arg14[%swap3A_441], %gather3A_436 {strides = array<i32>} : memref<4096xi32, #tpu.memory_space<vmem>>, vector<16xi32>,
    }
    %scan3A_62 = arith.constant 16 : i32
    %dma_start3A = arith.constant 0 : i32
    %dma_start3A_63 = tpu.memref_slice %arg12[%dma_start3A] : memref<256xi32, #tpu.memory_space<vmem>> -> memref<8xi32, #tpu.memory_space<vmem>>
    %dma_start3A_64 = arith.constant 0 : i32
    %dma_start3A_65 = arith.constant 0 : i32
    %dma_start3A_66 = tpu.memref_slice %arg6[%dma_start3A_64, %dma_start3A_65] : memref<100000x128xf32, #tpu.memory_space<hbm>> -> memref<100000x128xf32, #tpu.memory_space<hbm>>
    tpu.enqueue_indirect_dma source(%dma_start3A_66 : memref<100000x128xf32, #tpu.memory_space<hbm>>) target(%arg15 : memref<8x128xf32, #tpu.memory_space<vmem>>) offsets(%dma_start3A_63 : memref<8xi32, #tpu.memory_space<vmem>>) semaphore(%arg27 : memref<!tpu.dma_semaphore, #tpu.memory_space<semaphore_mem>>)
    %dma_start3A_67 = arith.constant 0 : i32
    %dma_start3A_68 = tpu.memref_slice %arg13[%dma_start3A_67] : memref<2048xi32, #tpu.memory_space<vmem>> -> memref<128xi32, #tpu.memory_space<vmem>>
    %dma_start3A_69 = arith.constant 0 : i32
    %dma_start3A_70 = arith.constant 0 : i32
    %dma_start3A_71 = tpu.memref_slice %arg5[%dma_start3A_69, %dma_start3A_70] : memref<100000x64xf32, #tpu.memory_space<hbm>> -> memref<100000x64xf32, #tpu.memory_space<hbm>>
    tpu.enqueue_indirect_dma source(%dma_start3A_71 : memref<100000x64xf32, #tpu.memory_space<hbm>>) target(%arg16 : memref<128x64xf32, #tpu.memory_space<vmem>>) offsets(%dma_start3A_68 : memref<128xi32, #tpu.memory_space<vmem>>) semaphore(%arg27 : memref<!tpu.dma_semaphore, #tpu.memory_space<semaphore_mem>>)
    %dma_start3A_72 = arith.constant 0 : i32
    %dma_start3A_73 = arith.constant 0 : i32
    %dma_start3A_74 = tpu.memref_slice %arg17[%dma_start3A_72, %dma_start3A_73] : memref<256x64xf32, #tpu.memory_space<vmem>> -> memref<128x64xf32, #tpu.memory_space<vmem>>
    %dma_start3A_75 = arith.constant 0 : i32
    %dma_start3A_76 = tpu.memref_slice %arg14[%dma_start3A_75] : memref<4096xi32, #tpu.memory_space<vmem>> -> memref<128xi32, #tpu.memory_space<vmem>>
    %dma_start3A_77 = arith.constant 0 : i32
    %dma_start3A_78 = arith.constant 0 : i32
    %dma_start3A_79 = tpu.memref_slice %arg5[%dma_start3A_77, %dma_start3A_78] : memref<100000x64xf32, #tpu.memory_space<hbm>> -> memref<100000x64xf32, #tpu.memory_space<hbm>>
    tpu.enqueue_indirect_dma source(%dma_start3A_79 : memref<100000x64xf32, #tpu.memory_space<hbm>>) target(%dma_start3A_74 : memref<128x64xf32, #tpu.memory_space<vmem>>) offsets(%dma_start3A_76 : memref<128xi32, #tpu.memory_space<vmem>>) semaphore(%arg27 : memref<!tpu.dma_semaphore, #tpu.memory_space<semaphore_mem>>)
    %dma_start3A_80 = arith.constant 128 : i32
    %dma_start3A_81 = arith.constant 0 : i32
    %dma_start3A_82 = tpu.memref_slice %arg17[%dma_start3A_80, %dma_start3A_81] : memref<256x64xf32, #tpu.memory_space<vmem>> -> memref<128x64xf32, #tpu.memory_space<vmem>>
    %dma_start3A_83 = arith.constant 128 : i32
    %dma_start3A_84 = tpu.memref_slice %arg14[%dma_start3A_83] : memref<4096xi32, #tpu.memory_space<vmem>> -> memref<128xi32, #tpu.memory_space<vmem>>
    %dma_start3A_85 = arith.constant 0 : i32
    %dma_start3A_86 = arith.constant 0 : i32
    %dma_start3A_87 = tpu.memref_slice %arg5[%dma_start3A_85, %dma_start3A_86] : memref<100000x64xf32, #tpu.memory_space<hbm>> -> memref<100000x64xf32, #tpu.memory_space<hbm>>
    tpu.enqueue_indirect_dma source(%dma_start3A_87 : memref<100000x64xf32, #tpu.memory_space<hbm>>) target(%dma_start3A_82 : memref<128x64xf32, #tpu.memory_space<vmem>>) offsets(%dma_start3A_84 : memref<128xi32, #tpu.memory_space<vmem>>) semaphore(%arg27 : memref<!tpu.dma_semaphore, #tpu.memory_space<semaphore_mem>>)
    %dma_start3A_88 = arith.constant 0 : i32
    %dma_start3A_89 = tpu.memref_slice %arg10[%dma_start3A_88] : memref<384xi32, #tpu.memory_space<vmem>> -> memref<24xi32, #tpu.memory_space<vmem>>
    %dma_start3A_90 = arith.constant 0 : i32
    %dma_start3A_91 = arith.constant 0 : i32
    %dma_start3A_92 = tpu.memref_slice %arg7[%dma_start3A_90, %dma_start3A_91] : memref<100000x128xf32, #tpu.memory_space<hbm>> -> memref<100000x128xf32, #tpu.memory_space<hbm>>
    tpu.enqueue_indirect_dma source(%dma_start3A_92 : memref<100000x128xf32, #tpu.memory_space<hbm>>) target(%arg18 : memref<24x128xf32, #tpu.memory_space<vmem>>) offsets(%dma_start3A_89 : memref<24xi32, #tpu.memory_space<vmem>>) semaphore(%arg27 : memref<!tpu.dma_semaphore, #tpu.memory_space<semaphore_mem>>)
    %dma_start3A_93 = arith.constant 0 : i32
    %dma_start3A_94 = arith.constant 0 : i32
    %dma_start3A_95 = tpu.memref_slice %arg19[%dma_start3A_93, %dma_start3A_94] : memref<200x128xf32, #tpu.memory_space<vmem>> -> memref<104x128xf32, #tpu.memory_space<vmem>>
    %dma_start3A_96 = arith.constant 0 : i32
    %dma_start3A_97 = tpu.memref_slice %arg11[%dma_start3A_96] : memref<3200xi32, #tpu.memory_space<vmem>> -> memref<104xi32, #tpu.memory_space<vmem>>
    %dma_start3A_98 = arith.constant 0 : i32
    %dma_start3A_99 = arith.constant 0 : i32
    %dma_start3A_100 = tpu.memref_slice %arg7[%dma_start3A_98, %dma_start3A_99] : memref<100000x128xf32, #tpu.memory_space<hbm>> -> memref<100000x128xf32, #tpu.memory_space<hbm>>
    tpu.enqueue_indirect_dma source(%dma_start3A_100 : memref<100000x128xf32, #tpu.memory_space<hbm>>) target(%dma_start3A_95 : memref<104x128xf32, #tpu.memory_space<vmem>>) offsets(%dma_start3A_97 : memref<104xi32, #tpu.memory_space<vmem>>) semaphore(%arg27 : memref<!tpu.dma_semaphore, #tpu.memory_space<semaphore_mem>>)
    %dma_start3A_101 = arith.constant 104 : i32
    %dma_start3A_102 = arith.constant 0 : i32
    %dma_start3A_103 = tpu.memref_slice %arg19[%dma_start3A_101, %dma_start3A_102] : memref<200x128xf32, #tpu.memory_space<vmem>> -> memref<96x128xf32, #tpu.memory_space<vmem>>
    %dma_start3A_104 = arith.constant 104 : i32
    %dma_start3A_105 = tpu.memref_slice %arg11[%dma_start3A_104] : memref<3200xi32, #tpu.memory_space<vmem>> -> memref<96xi32, #tpu.memory_space<vmem>>
    %dma_start3A_106 = arith.constant 0 : i32
    %dma_start3A_107 = arith.constant 0 : i32
    %dma_start3A_108 = tpu.memref_slice %arg7[%dma_start3A_106, %dma_start3A_107] : memref<100000x128xf32, #tpu.memory_space<hbm>> -> memref<100000x128xf32, #tpu.memory_space<hbm>>
    tpu.enqueue_indirect_dma source(%dma_start3A_108 : memref<100000x128xf32, #tpu.memory_space<hbm>>) target(%dma_start3A_103 : memref<96x128xf32, #tpu.memory_space<vmem>>) offsets(%dma_start3A_105 : memref<96xi32, #tpu.memory_space<vmem>>) semaphore(%arg27 : memref<!tpu.dma_semaphore, #tpu.memory_space<semaphore_mem>>)
    %dma_start3A_109 = arith.constant 16 : i32
    %dma_start3A_110 = tpu.memref_slice %arg12[%dma_start3A_109] : memref<256xi32, #tpu.memory_space<vmem>> -> memref<8xi32, #tpu.memory_space<vmem>>
    %dma_start3A_111 = arith.constant 0 : i32
    %dma_start3A_112 = arith.constant 0 : i32
    %dma_start3A_113 = tpu.memref_slice %arg6[%dma_start3A_111, %dma_start3A_112] : memref<100000x128xf32, #tpu.memory_space<hbm>> -> memref<100000x128xf32, #tpu.memory_space<hbm>>
    tpu.enqueue_indirect_dma source(%dma_start3A_113 : memref<100000x128xf32, #tpu.memory_space<hbm>>) target(%arg21 : memref<8x128xf32, #tpu.memory_space<vmem>>) offsets(%dma_start3A_110 : memref<8xi32, #tpu.memory_space<vmem>>) semaphore(%arg28 : memref<!tpu.dma_semaphore, #tpu.memory_space<semaphore_mem>>)
    %dma_start3A_114 = arith.constant 128 : i32
    %dma_start3A_115 = tpu.memref_slice %arg13[%dma_start3A_114] : memref<2048xi32, #tpu.memory_space<vmem>> -> memref<128xi32, #tpu.memory_space<vmem>>
    %dma_start3A_116 = arith.constant 0 : i32
    %dma_start3A_117 = arith.constant 0 : i32
    %dma_start3A_118 = tpu.memref_slice %arg5[%dma_start3A_116, %dma_start3A_117] : memref<100000x64xf32, #tpu.memory_space<hbm>> -> memref<100000x64xf32, #tpu.memory_space<hbm>>
    tpu.enqueue_indirect_dma source(%dma_start3A_118 : memref<100000x64xf32, #tpu.memory_space<hbm>>) target(%arg22 : memref<128x64xf32, #tpu.memory_space<vmem>>) offsets(%dma_start3A_115 : memref<128xi32, #tpu.memory_space<vmem>>) semaphore(%arg28 : memref<!tpu.dma_semaphore, #tpu.memory_space<semaphore_mem>>)
    %dma_start3A_119 = arith.constant 0 : i32
    %dma_start3A_120 = arith.constant 0 : i32
    %dma_start3A_121 = tpu.memref_slice %arg23[%dma_start3A_119, %dma_start3A_120] : memref<256x64xf32, #tpu.memory_space<vmem>> -> memref<128x64xf32, #tpu.memory_space<vmem>>
    %dma_start3A_122 = arith.constant 256 : i32
    %dma_start3A_123 = tpu.memref_slice %arg14[%dma_start3A_122] : memref<4096xi32, #tpu.memory_space<vmem>> -> memref<128xi32, #tpu.memory_space<vmem>>
    %dma_start3A_124 = arith.constant 0 : i32
    %dma_start3A_125 = arith.constant 0 : i32
    %dma_start3A_126 = tpu.memref_slice %arg5[%dma_start3A_124, %dma_start3A_125] : memref<100000x64xf32, #tpu.memory_space<hbm>> -> memref<100000x64xf32, #tpu.memory_space<hbm>>
    tpu.enqueue_indirect_dma source(%dma_start3A_126 : memref<100000x64xf32, #tpu.memory_space<hbm>>) target(%dma_start3A_121 : memref<128x64xf32, #tpu.memory_space<vmem>>) offsets(%dma_start3A_123 : memref<128xi32, #tpu.memory_space<vmem>>) semaphore(%arg28 : memref<!tpu.dma_semaphore, #tpu.memory_space<semaphore_mem>>)
    %dma_start3A_127 = arith.constant 128 : i32
    %dma_start3A_128 = arith.constant 0 : i32
    %dma_start3A_129 = tpu.memref_slice %arg23[%dma_start3A_127, %dma_start3A_128] : memref<256x64xf32, #tpu.memory_space<vmem>> -> memref<128x64xf32, #tpu.memory_space<vmem>>
    %dma_start3A_130 = arith.constant 384 : i32
    %dma_start3A_131 = tpu.memref_slice %arg14[%dma_start3A_130] : memref<4096xi32, #tpu.memory_space<vmem>> -> memref<128xi32, #tpu.memory_space<vmem>>
    %dma_start3A_132 = arith.constant 0 : i32
    %dma_start3A_133 = arith.constant 0 : i32
    %dma_start3A_134 = tpu.memref_slice %arg5[%dma_start3A_132, %dma_start3A_133] : memref<100000x64xf32, #tpu.memory_space<hbm>> -> memref<100000x64xf32, #tpu.memory_space<hbm>>
    tpu.enqueue_indirect_dma source(%dma_start3A_134 : memref<100000x64xf32, #tpu.memory_space<hbm>>) target(%dma_start3A_129 : memref<128x64xf32, #tpu.memory_space<vmem>>) offsets(%dma_start3A_131 : memref<128xi32, #tpu.memory_space<vmem>>) semaphore(%arg28 : memref<!tpu.dma_semaphore, #tpu.memory_space<semaphore_mem>>)
    %dma_start3A_135 = arith.constant 24 : i32
    %dma_start3A_136 = tpu.memref_slice %arg10[%dma_start3A_135] : memref<384xi32, #tpu.memory_space<vmem>> -> memref<24xi32, #tpu.memory_space<vmem>>
    %dma_start3A_137 = arith.constant 0 : i32
    %dma_start3A_138 = arith.constant 0 : i32
    %dma_start3A_139 = tpu.memref_slice %arg7[%dma_start3A_137, %dma_start3A_138] : memref<100000x128xf32, #tpu.memory_space<hbm>> -> memref<100000x128xf32, #tpu.memory_space<hbm>>
    tpu.enqueue_indirect_dma source(%dma_start3A_139 : memref<100000x128xf32, #tpu.memory_space<hbm>>) target(%arg24 : memref<24x128xf32, #tpu.memory_space<vmem>>) offsets(%dma_start3A_136 : memref<24xi32, #tpu.memory_space<vmem>>) semaphore(%arg28 : memref<!tpu.dma_semaphore, #tpu.memory_space<semaphore_mem>>)
    %dma_start3A_140 = arith.constant 0 : i32
    %dma_start3A_141 = arith.constant 0 : i32
    %dma_start3A_142 = tpu.memref_slice %arg25[%dma_start3A_140, %dma_start3A_141] : memref<200x128xf32, #tpu.memory_space<vmem>> -> memref<104x128xf32, #tpu.memory_space<vmem>>
    %dma_start3A_143 = arith.constant 200 : i32
    %dma_start3A_144 = tpu.memref_slice %arg11[%dma_start3A_143] : memref<3200xi32, #tpu.memory_space<vmem>> -> memref<104xi32, #tpu.memory_space<vmem>>
    %dma_start3A_145 = arith.constant 0 : i32
    %dma_start3A_146 = arith.constant 0 : i32
    %dma_start3A_147 = tpu.memref_slice %arg7[%dma_start3A_145, %dma_start3A_146] : memref<100000x128xf32, #tpu.memory_space<hbm>> -> memref<100000x128xf32, #tpu.memory_space<hbm>>
    tpu.enqueue_indirect_dma source(%dma_start3A_147 : memref<100000x128xf32, #tpu.memory_space<hbm>>) target(%dma_start3A_142 : memref<104x128xf32, #tpu.memory_space<vmem>>) offsets(%dma_start3A_144 : memref<104xi32, #tpu.memory_space<vmem>>) semaphore(%arg28 : memref<!tpu.dma_semaphore, #tpu.memory_space<semaphore_mem>>)
    %dma_start3A_148 = arith.constant 104 : i32
    %dma_start3A_149 = arith.constant 0 : i32
    %dma_start3A_150 = tpu.memref_slice %arg25[%dma_start3A_148, %dma_start3A_149] : memref<200x128xf32, #tpu.memory_space<vmem>> -> memref<96x128xf32, #tpu.memory_space<vmem>>
    %dma_start3A_151 = arith.constant 304 : i32
    %dma_start3A_152 = tpu.memref_slice %arg11[%dma_start3A_151] : memref<3200xi32, #tpu.memory_space<vmem>> -> memref<96xi32, #tpu.memory_space<vmem>>
    %dma_start3A_153 = arith.constant 0 : i32
    %dma_start3A_154 = arith.constant 0 : i32
    %dma_start3A_155 = tpu.memref_slice %arg7[%dma_start3A_153, %dma_start3A_154] : memref<100000x128xf32, #tpu.memory_space<hbm>> -> memref<100000x128xf32, #tpu.memory_space<hbm>>
    tpu.enqueue_indirect_dma source(%dma_start3A_155 : memref<100000x128xf32, #tpu.memory_space<hbm>>) target(%dma_start3A_150 : memref<96x128xf32, #tpu.memory_space<vmem>>) offsets(%dma_start3A_152 : memref<96xi32, #tpu.memory_space<vmem>>) semaphore(%arg28 : memref<!tpu.dma_semaphore, #tpu.memory_space<semaphore_mem>>)
    %scan3A_156 = arith.constant 0 : i32
    %scan3A_157 = arith.constant 0 : i32
    %scan3A_158 = arith.constant 8 : i32
    %scan3A_159 = arith.addi %scan3A_157, %scan3A_158 : i32
    %scan3A_160 = arith.constant 1 : i32
    scf.for %scan3A_169 = %scan3A_157 to %scan3A_159 step %scan3A_160  : i32 {
      %mul3A_170 = arith.constant 2 : i32
      %mul3A_171 = arith.muli %mul3A_170, %scan3A_169 : i32
      %mul3A_172 = arith.constant 16 : i32
      %mul3A_173 = arith.muli %mul3A_171, %mul3A_172 : i32
      %dma_wait3A_174 = tpu.memref_slice %arg12[%mul3A_173] : memref<256xi32, #tpu.memory_space<vmem>> -> memref<8xi32, #tpu.memory_space<vmem>>
      %dma_wait3A_175 = arith.constant 0 : i32
      %dma_wait3A_176 = arith.constant 0 : i32
      %dma_wait3A_177 = tpu.memref_slice %arg6[%dma_wait3A_175, %dma_wait3A_176] : memref<100000x128xf32, #tpu.memory_space<hbm>> -> memref<100000x128xf32, #tpu.memory_space<hbm>>
      tpu.wait_indirect_dma semaphore(%arg27 : memref<!tpu.dma_semaphore, #tpu.memory_space<semaphore_mem>>) src(%dma_wait3A_177 : memref<100000x128xf32, #tpu.memory_space<hbm>>) dst(%arg15 : memref<8x128xf32, #tpu.memory_space<vmem>>)
      %mul3A_178 = arith.constant 128 : i32
      %mul3A_179 = arith.muli %mul3A_171, %mul3A_178 : i32
      %dma_wait3A_180 = tpu.memref_slice %arg13[%mul3A_179] : memref<2048xi32, #tpu.memory_space<vmem>> -> memref<128xi32, #tpu.memory_space<vmem>>
      %dma_wait3A_181 = arith.constant 0 : i32
      %dma_wait3A_182 = arith.constant 0 : i32
      %dma_wait3A_183 = tpu.memref_slice %arg5[%dma_wait3A_181, %dma_wait3A_182] : memref<100000x64xf32, #tpu.memory_space<hbm>> -> memref<100000x64xf32, #tpu.memory_space<hbm>>
      tpu.wait_indirect_dma semaphore(%arg27 : memref<!tpu.dma_semaphore, #tpu.memory_space<semaphore_mem>>) src(%dma_wait3A_183 : memref<100000x64xf32, #tpu.memory_space<hbm>>) dst(%arg16 : memref<128x64xf32, #tpu.memory_space<vmem>>)
      %mul3A_184 = arith.constant 256 : i32
      %mul3A_185 = arith.muli %mul3A_171, %mul3A_184 : i32
      %dma_wait3A_186 = arith.constant 0 : i32
      %dma_wait3A_187 = arith.constant 0 : i32
      %dma_wait3A_188 = tpu.memref_slice %arg17[%dma_wait3A_186, %dma_wait3A_187] : memref<256x64xf32, #tpu.memory_space<vmem>> -> memref<128x64xf32, #tpu.memory_space<vmem>>
      %dma_wait3A_189 = tpu.memref_slice %arg14[%mul3A_185] : memref<4096xi32, #tpu.memory_space<vmem>> -> memref<128xi32, #tpu.memory_space<vmem>>
      %dma_wait3A_190 = arith.constant 0 : i32
      %dma_wait3A_191 = arith.constant 0 : i32
      %dma_wait3A_192 = tpu.memref_slice %arg5[%dma_wait3A_190, %dma_wait3A_191] : memref<100000x64xf32, #tpu.memory_space<hbm>> -> memref<100000x64xf32, #tpu.memory_space<hbm>>
      tpu.wait_indirect_dma semaphore(%arg27 : memref<!tpu.dma_semaphore, #tpu.memory_space<semaphore_mem>>) src(%dma_wait3A_192 : memref<100000x64xf32, #tpu.memory_space<hbm>>) dst(%dma_wait3A_188 : memref<128x64xf32, #tpu.memory_space<vmem>>)
      %mul3A_193 = arith.constant 256 : i32
      %mul3A_194 = arith.muli %mul3A_171, %mul3A_193 : i32
      %add3A_195 = arith.constant 128 : i32
      %add3A_196 = arith.addi %mul3A_194, %add3A_195 : i32
      %dma_wait3A_197 = arith.constant 128 : i32
      %dma_wait3A_198 = arith.constant 0 : i32
      %dma_wait3A_199 = tpu.memref_slice %arg17[%dma_wait3A_197, %dma_wait3A_198] : memref<256x64xf32, #tpu.memory_space<vmem>> -> memref<128x64xf32, #tpu.memory_space<vmem>>
      %dma_wait3A_200 = tpu.memref_slice %arg14[%add3A_196] : memref<4096xi32, #tpu.memory_space<vmem>> -> memref<128xi32, #tpu.memory_space<vmem>>
      %dma_wait3A_201 = arith.constant 0 : i32
      %dma_wait3A_202 = arith.constant 0 : i32
      %dma_wait3A_203 = tpu.memref_slice %arg5[%dma_wait3A_201, %dma_wait3A_202] : memref<100000x64xf32, #tpu.memory_space<hbm>> -> memref<100000x64xf32, #tpu.memory_space<hbm>>
      tpu.wait_indirect_dma semaphore(%arg27 : memref<!tpu.dma_semaphore, #tpu.memory_space<semaphore_mem>>) src(%dma_wait3A_203 : memref<100000x64xf32, #tpu.memory_space<hbm>>) dst(%dma_wait3A_199 : memref<128x64xf32, #tpu.memory_space<vmem>>)
      %mul3A_204 = arith.constant 24 : i32
      %mul3A_205 = arith.muli %mul3A_171, %mul3A_204 : i32
      %dma_wait3A_206 = tpu.memref_slice %arg10[%mul3A_205] : memref<384xi32, #tpu.memory_space<vmem>> -> memref<24xi32, #tpu.memory_space<vmem>>
      %dma_wait3A_207 = arith.constant 0 : i32
      %dma_wait3A_208 = arith.constant 0 : i32
      %dma_wait3A_209 = tpu.memref_slice %arg7[%dma_wait3A_207, %dma_wait3A_208] : memref<100000x128xf32, #tpu.memory_space<hbm>> -> memref<100000x128xf32, #tpu.memory_space<hbm>>
      tpu.wait_indirect_dma semaphore(%arg27 : memref<!tpu.dma_semaphore, #tpu.memory_space<semaphore_mem>>) src(%dma_wait3A_209 : memref<100000x128xf32, #tpu.memory_space<hbm>>) dst(%arg18 : memref<24x128xf32, #tpu.memory_space<vmem>>)
      %mul3A_210 = arith.constant 200 : i32
      %mul3A_211 = arith.muli %mul3A_171, %mul3A_210 : i32
      %dma_wait3A_212 = arith.constant 0 : i32
      %dma_wait3A_213 = arith.constant 0 : i32
      %dma_wait3A_214 = tpu.memref_slice %arg19[%dma_wait3A_212, %dma_wait3A_213] : memref<200x128xf32, #tpu.memory_space<vmem>> -> memref<104x128xf32, #tpu.memory_space<vmem>>
      %dma_wait3A_215 = tpu.memref_slice %arg11[%mul3A_211] : memref<3200xi32, #tpu.memory_space<vmem>> -> memref<104xi32, #tpu.memory_space<vmem>>
      %dma_wait3A_216 = arith.constant 0 : i32
      %dma_wait3A_217 = arith.constant 0 : i32
      %dma_wait3A_218 = tpu.memref_slice %arg7[%dma_wait3A_216, %dma_wait3A_217] : memref<100000x128xf32, #tpu.memory_space<hbm>> -> memref<100000x128xf32, #tpu.memory_space<hbm>>
      tpu.wait_indirect_dma semaphore(%arg27 : memref<!tpu.dma_semaphore, #tpu.memory_space<semaphore_mem>>) src(%dma_wait3A_218 : memref<100000x128xf32, #tpu.memory_space<hbm>>) dst(%dma_wait3A_214 : memref<104x128xf32, #tpu.memory_space<vmem>>)
      %mul3A_219 = arith.constant 200 : i32
      %mul3A_220 = arith.muli %mul3A_171, %mul3A_219 : i32
      %add3A_221 = arith.constant 104 : i32
      %add3A_222 = arith.addi %mul3A_220, %add3A_221 : i32
      %dma_wait3A_223 = arith.constant 104 : i32
      %dma_wait3A_224 = arith.constant 0 : i32
      %dma_wait3A_225 = tpu.memref_slice %arg19[%dma_wait3A_223, %dma_wait3A_224] : memref<200x128xf32, #tpu.memory_space<vmem>> -> memref<96x128xf32, #tpu.memory_space<vmem>>
      %dma_wait3A_226 = tpu.memref_slice %arg11[%add3A_222] : memref<3200xi32, #tpu.memory_space<vmem>> -> memref<96xi32, #tpu.memory_space<vmem>>
      %dma_wait3A_227 = arith.constant 0 : i32
      %dma_wait3A_228 = arith.constant 0 : i32
      %dma_wait3A_229 = tpu.memref_slice %arg7[%dma_wait3A_227, %dma_wait3A_228] : memref<100000x128xf32, #tpu.memory_space<hbm>> -> memref<100000x128xf32, #tpu.memory_space<hbm>>
      tpu.wait_indirect_dma semaphore(%arg27 : memref<!tpu.dma_semaphore, #tpu.memory_space<semaphore_mem>>) src(%dma_wait3A_229 : memref<100000x128xf32, #tpu.memory_space<hbm>>) dst(%dma_wait3A_225 : memref<96x128xf32, #tpu.memory_space<vmem>>)
      %gt3A = arith.constant 0 : i32
      %gt3A_230 = arith.cmpi sgt, %scan3A_169, %gt3A : i32
      %convert_element_type3A = arith.extui %gt3A_230 : i1 to i32
      %cond3A = arith.constant 0 : i32
      %cond3A_231 = arith.cmpi ne, %convert_element_type3A, %cond3A : i32
      scf.if %cond3A_231 {
        %dma_wait3A_334 = arith.constant 0 : i32
        %dma_wait3A_335 = tpu.memref_slice %arg8[%dma_wait3A_334] : memref<114688xf32, #tpu.memory_space<hbm>> -> memref<224xf32, #tpu.memory_space<hbm>>
        %dma_wait3A_336 = arith.constant 0 : i32
        %dma_wait3A_337 = tpu.memref_slice %arg8[%dma_wait3A_336] : memref<114688xf32, #tpu.memory_space<hbm>> -> memref<224xf32, #tpu.memory_space<hbm>>
        tpu.wait_dma2 semaphore(%arg29 : memref<!tpu.dma_semaphore, #tpu.memory_space<semaphore_mem>>) src(%arg20 : memref<224xf32, #tpu.memory_space<vmem>>) dst(%dma_wait3A_337 : memref<224xf32, #tpu.memory_space<hbm>>)
      } else {
      }
      %mul3A_232 = arith.constant 8 : i32
      %mul3A_233 = arith.muli %mul3A_171, %mul3A_232 : i32
      %add3A_234 = arith.addi %mul3A_2, %mul3A_233 : i32
      %scan3A_235 = arith.constant 0 : i32
      %scan3A_236 = arith.constant 0 : i32
      %scan3A_237 = arith.constant 8 : i32
      %scan3A_238 = arith.addi %scan3A_236, %scan3A_237 : i32
      %scan3A_239 = arith.constant 1 : i32
      scf.for %scan3A_334 = %scan3A_236 to %scan3A_238 step %scan3A_239  : i32 {
        %mul3A_335 = arith.constant 16 : i32
        %mul3A_336 = arith.muli %scan3A_334, %mul3A_335 : i32
        %add3A_337 = arith.constant 0 : i32
        %add3A_338 = arith.addi %mul3A_336, %add3A_337 : i32
        %get3A = arith.index_cast %add3A_338 : i32 to index
        %get3A_339 = arith.constant 0 : index
        %get3A_340 = tpu.vector_load %arg16[%get3A, %get3A_339] {strides = array<i32>} : memref<128x64xf32, #tpu.memory_space<vmem>>, vector<16xf32>,
        %add3A_341 = arith.constant 0 : i32
        %add3A_342 = arith.addi %mul3A_336, %add3A_341 : i32
        %add3A_343 = arith.constant 1 : i32
        %add3A_344 = arith.addi %add3A_342, %add3A_343 : i32
        %get3A_345 = arith.index_cast %add3A_344 : i32 to index
        %get3A_346 = arith.constant 0 : index
        %get3A_347 = tpu.vector_load %arg16[%get3A_345, %get3A_346] {strides = array<i32>} : memref<128x64xf32, #tpu.memory_space<vmem>>, vector<16xf32>,
        %add3A_348 = arith.addf %get3A_340, %get3A_347 : vector<16xf32>
        %add3A_349 = arith.constant 0 : i32
        %add3A_350 = arith.addi %mul3A_336, %add3A_349 : i32
        %get3A_351 = arith.index_cast %add3A_350 : i32 to index
        %get3A_352 = arith.constant 16 : index
        %get3A_353 = tpu.vector_load %arg16[%get3A_351, %get3A_352] {strides = array<i32>} : memref<128x64xf32, #tpu.memory_space<vmem>>, vector<16xf32>,
        %add3A_354 = arith.constant 0 : i32
        %add3A_355 = arith.addi %mul3A_336, %add3A_354 : i32
        %add3A_356 = arith.constant 1 : i32
        %add3A_357 = arith.addi %add3A_355, %add3A_356 : i32
        %get3A_358 = arith.index_cast %add3A_357 : i32 to index
        %get3A_359 = arith.constant 16 : index
        %get3A_360 = tpu.vector_load %arg16[%get3A_358, %get3A_359] {strides = array<i32>} : memref<128x64xf32, #tpu.memory_space<vmem>>, vector<16xf32>,
        %add3A_361 = arith.addf %get3A_353, %get3A_360 : vector<16xf32>
        %add3A_362 = arith.constant 0 : i32
        %add3A_363 = arith.addi %mul3A_336, %add3A_362 : i32
        %get3A_364 = arith.index_cast %add3A_363 : i32 to index
        %get3A_365 = arith.constant 32 : index
        %get3A_366 = tpu.vector_load %arg16[%get3A_364, %get3A_365] {strides = array<i32>} : memref<128x64xf32, #tpu.memory_space<vmem>>, vector<16xf32>,
        %add3A_367 = arith.constant 0 : i32
        %add3A_368 = arith.addi %mul3A_336, %add3A_367 : i32
        %add3A_369 = arith.constant 1 : i32
        %add3A_370 = arith.addi %add3A_368, %add3A_369 : i32
        %get3A_371 = arith.index_cast %add3A_370 : i32 to index
        %get3A_372 = arith.constant 32 : index
        %get3A_373 = tpu.vector_load %arg16[%get3A_371, %get3A_372] {strides = array<i32>} : memref<128x64xf32, #tpu.memory_space<vmem>>, vector<16xf32>,
        %add3A_374 = arith.addf %get3A_366, %get3A_373 : vector<16xf32>
        %add3A_375 = arith.constant 0 : i32
        %add3A_376 = arith.addi %mul3A_336, %add3A_375 : i32
        %get3A_377 = arith.index_cast %add3A_376 : i32 to index
        %get3A_378 = arith.constant 48 : index
        %get3A_379 = tpu.vector_load %arg16[%get3A_377, %get3A_378] {strides = array<i32>} : memref<128x64xf32, #tpu.memory_space<vmem>>, vector<16xf32>,
        %add3A_380 = arith.constant 0 : i32
        %add3A_381 = arith.addi %mul3A_336, %add3A_380 : i32
        %add3A_382 = arith.constant 1 : i32
        %add3A_383 = arith.addi %add3A_381, %add3A_382 : i32
        %get3A_384 = arith.index_cast %add3A_383 : i32 to index
        %get3A_385 = arith.constant 48 : index
        %get3A_386 = tpu.vector_load %arg16[%get3A_384, %get3A_385] {strides = array<i32>} : memref<128x64xf32, #tpu.memory_space<vmem>>, vector<16xf32>,
        %add3A_387 = arith.addf %get3A_379, %get3A_386 : vector<16xf32>
        %add3A_388 = arith.constant 2 : i32
        %add3A_389 = arith.addi %mul3A_336, %add3A_388 : i32
        %get3A_390 = arith.index_cast %add3A_389 : i32 to index
        %get3A_391 = arith.constant 0 : index
        %get3A_392 = tpu.vector_load %arg16[%get3A_390, %get3A_391] {strides = array<i32>} : memref<128x64xf32, #tpu.memory_space<vmem>>, vector<16xf32>,
        %add3A_393 = arith.constant 2 : i32
        %add3A_394 = arith.addi %mul3A_336, %add3A_393 : i32
        %add3A_395 = arith.constant 1 : i32
        %add3A_396 = arith.addi %add3A_394, %add3A_395 : i32
        %get3A_397 = arith.index_cast %add3A_396 : i32 to index
        %get3A_398 = arith.constant 0 : index
        %get3A_399 = tpu.vector_load %arg16[%get3A_397, %get3A_398] {strides = array<i32>} : memref<128x64xf32, #tpu.memory_space<vmem>>, vector<16xf32>,
        %add3A_400 = arith.addf %get3A_392, %get3A_399 : vector<16xf32>
        %add3A_401 = arith.constant 2 : i32
        %add3A_402 = arith.addi %mul3A_336, %add3A_401 : i32
        %get3A_403 = arith.index_cast %add3A_402 : i32 to index
        %get3A_404 = arith.constant 16 : index
        %get3A_405 = tpu.vector_load %arg16[%get3A_403, %get3A_404] {strides = array<i32>} : memref<128x64xf32, #tpu.memory_space<vmem>>, vector<16xf32>,
        %add3A_406 = arith.constant 2 : i32
        %add3A_407 = arith.addi %mul3A_336, %add3A_406 : i32
        %add3A_408 = arith.constant 1 : i32
        %add3A_409 = arith.addi %add3A_407, %add3A_408 : i32
        %get3A_410 = arith.index_cast %add3A_409 : i32 to index
        %get3A_411 = arith.constant 16 : index
        %get3A_412 = tpu.vector_load %arg16[%get3A_410, %get3A_411] {strides = array<i32>} : memref<128x64xf32, #tpu.memory_space<vmem>>, vector<16xf32>,
        %add3A_413 = arith.addf %get3A_405, %get3A_412 : vector<16xf32>
        %add3A_414 = arith.constant 2 : i32
        %add3A_415 = arith.addi %mul3A_336, %add3A_414 : i32
        %get3A_416 = arith.index_cast %add3A_415 : i32 to index
        %get3A_417 = arith.constant 32 : index
        %get3A_418 = tpu.vector_load %arg16[%get3A_416, %get3A_417] {strides = array<i32>} : memref<128x64xf32, #tpu.memory_space<vmem>>, vector<16xf32>,
        %add3A_419 = arith.constant 2 : i32
        %add3A_420 = arith.addi %mul3A_336, %add3A_419 : i32
        %add3A_421 = arith.constant 1 : i32
        %add3A_422 = arith.addi %add3A_420, %add3A_421 : i32
        %get3A_423 = arith.index_cast %add3A_422 : i32 to index
        %get3A_424 = arith.constant 32 : index
        %get3A_425 = tpu.vector_load %arg16[%get3A_423, %get3A_424] {strides = array<i32>} : memref<128x64xf32, #tpu.memory_space<vmem>>, vector<16xf32>,
        %add3A_426 = arith.addf %get3A_418, %get3A_425 : vector<16xf32>
        %add3A_427 = arith.constant 2 : i32
        %add3A_428 = arith.addi %mul3A_336, %add3A_427 : i32
        %get3A_429 = arith.index_cast %add3A_428 : i32 to index
        %get3A_430 = arith.constant 48 : index
        %get3A_431 = tpu.vector_load %arg16[%get3A_429, %get3A_430] {strides = array<i32>} : memref<128x64xf32, #tpu.memory_space<vmem>>, vector<16xf32>,
        %add3A_432 = arith.constant 2 : i32
        %add3A_433 = arith.addi %mul3A_336, %add3A_432 : i32
        %add3A_434 = arith.constant 1 : i32
        %add3A_435 = arith.addi %add3A_433, %add3A_434 : i32
        %get3A_436 = arith.index_cast %add3A_435 : i32 to index
        %get3A_437 = arith.constant 48 : index
        %get3A_438 = tpu.vector_load %arg16[%get3A_436, %get3A_437] {strides = array<i32>} : memref<128x64xf32, #tpu.memory_space<vmem>>, vector<16xf32>,
        %add3A_439 = arith.addf %get3A_431, %get3A_438 : vector<16xf32>
        %add3A_440 = arith.addf %add3A_348, %add3A_400 : vector<16xf32>
        %add3A_441 = arith.addf %add3A_361, %add3A_413 : vector<16xf32>
        %add3A_442 = arith.addf %add3A_374, %add3A_426 : vector<16xf32>
        %add3A_443 = arith.addf %add3A_387, %add3A_439 : vector<16xf32>
        %add3A_444 = arith.constant 4 : i32
        %add3A_445 = arith.addi %mul3A_336, %add3A_444 : i32
        %get3A_446 = arith.index_cast %add3A_445 : i32 to index
        %get3A_447 = arith.constant 0 : index
        %get3A_448 = tpu.vector_load %arg16[%get3A_446, %get3A_447] {strides = array<i32>} : memref<128x64xf32, #tpu.memory_space<vmem>>, vector<16xf32>,
        %add3A_449 = arith.constant 4 : i32
        %add3A_450 = arith.addi %mul3A_336, %add3A_449 : i32
        %add3A_451 = arith.constant 1 : i32
        %add3A_452 = arith.addi %add3A_450, %add3A_451 : i32
        %get3A_453 = arith.index_cast %add3A_452 : i32 to index
        %get3A_454 = arith.constant 0 : index
        %get3A_455 = tpu.vector_load %arg16[%get3A_453, %get3A_454] {strides = array<i32>} : memref<128x64xf32, #tpu.memory_space<vmem>>, vector<16xf32>,
        %add3A_456 = arith.addf %get3A_448, %get3A_455 : vector<16xf32>
        %add3A_457 = arith.constant 4 : i32
        %add3A_458 = arith.addi %mul3A_336, %add3A_457 : i32
        %get3A_459 = arith.index_cast %add3A_458 : i32 to index
        %get3A_460 = arith.constant 16 : index
        %get3A_461 = tpu.vector_load %arg16[%get3A_459, %get3A_460] {strides = array<i32>} : memref<128x64xf32, #tpu.memory_space<vmem>>, vector<16xf32>,
        %add3A_462 = arith.constant 4 : i32
        %add3A_463 = arith.addi %mul3A_336, %add3A_462 : i32
        %add3A_464 = arith.constant 1 : i32
        %add3A_465 = arith.addi %add3A_463, %add3A_464 : i32
        %get3A_466 = arith.index_cast %add3A_465 : i32 to index
        %get3A_467 = arith.constant 16 : index
        %get3A_468 = tpu.vector_load %arg16[%get3A_466, %get3A_467] {strides = array<i32>} : memref<128x64xf32, #tpu.memory_space<vmem>>, vector<16xf32>,
        %add3A_469 = arith.addf %get3A_461, %get3A_468 : vector<16xf32>
        %add3A_470 = arith.constant 4 : i32
        %add3A_471 = arith.addi %mul3A_336, %add3A_470 : i32
        %get3A_472 = arith.index_cast %add3A_471 : i32 to index
        %get3A_473 = arith.constant 32 : index
        %get3A_474 = tpu.vector_load %arg16[%get3A_472, %get3A_473] {strides = array<i32>} : memref<128x64xf32, #tpu.memory_space<vmem>>, vector<16xf32>,
        %add3A_475 = arith.constant 4 : i32
        %add3A_476 = arith.addi %mul3A_336, %add3A_475 : i32
        %add3A_477 = arith.constant 1 : i32
        %add3A_478 = arith.addi %add3A_476, %add3A_477 : i32
        %get3A_479 = arith.index_cast %add3A_478 : i32 to index
        %get3A_480 = arith.constant 32 : index
        %get3A_481 = tpu.vector_load %arg16[%get3A_479, %get3A_480] {strides = array<i32>} : memref<128x64xf32, #tpu.memory_space<vmem>>, vector<16xf32>,
        %add3A_482 = arith.addf %get3A_474, %get3A_481 : vector<16xf32>
        %add3A_483 = arith.constant 4 : i32
        %add3A_484 = arith.addi %mul3A_336, %add3A_483 : i32
        %get3A_485 = arith.index_cast %add3A_484 : i32 to index
        %get3A_486 = arith.constant 48 : index
        %get3A_487 = tpu.vector_load %arg16[%get3A_485, %get3A_486] {strides = array<i32>} : memref<128x64xf32, #tpu.memory_space<vmem>>, vector<16xf32>,
        %add3A_488 = arith.constant 4 : i32
        %add3A_489 = arith.addi %mul3A_336, %add3A_488 : i32
        %add3A_490 = arith.constant 1 : i32
        %add3A_491 = arith.addi %add3A_489, %add3A_490 : i32
        %get3A_492 = arith.index_cast %add3A_491 : i32 to index
        %get3A_493 = arith.constant 48 : index
        %get3A_494 = tpu.vector_load %arg16[%get3A_492, %get3A_493] {strides = array<i32>} : memref<128x64xf32, #tpu.memory_space<vmem>>, vector<16xf32>,
        %add3A_495 = arith.addf %get3A_487, %get3A_494 : vector<16xf32>
        %add3A_496 = arith.addf %add3A_440, %add3A_456 : vector<16xf32>
        %add3A_497 = arith.addf %add3A_441, %add3A_469 : vector<16xf32>
        %add3A_498 = arith.addf %add3A_442, %add3A_482 : vector<16xf32>
        %add3A_499 = arith.addf %add3A_443, %add3A_495 : vector<16xf32>
        %add3A_500 = arith.constant 6 : i32
        %add3A_501 = arith.addi %mul3A_336, %add3A_500 : i32
        %get3A_502 = arith.index_cast %add3A_501 : i32 to index
        %get3A_503 = arith.constant 0 : index
        %get3A_504 = tpu.vector_load %arg16[%get3A_502, %get3A_503] {strides = array<i32>} : memref<128x64xf32, #tpu.memory_space<vmem>>, vector<16xf32>,
        %add3A_505 = arith.constant 6 : i32
        %add3A_506 = arith.addi %mul3A_336, %add3A_505 : i32
        %add3A_507 = arith.constant 1 : i32
        %add3A_508 = arith.addi %add3A_506, %add3A_507 : i32
        %get3A_509 = arith.index_cast %add3A_508 : i32 to index
        %get3A_510 = arith.constant 0 : index
        %get3A_511 = tpu.vector_load %arg16[%get3A_509, %get3A_510] {strides = array<i32>} : memref<128x64xf32, #tpu.memory_space<vmem>>, vector<16xf32>,
        %add3A_512 = arith.addf %get3A_504, %get3A_511 : vector<16xf32>
        %add3A_513 = arith.constant 6 : i32
        %add3A_514 = arith.addi %mul3A_336, %add3A_513 : i32
        %get3A_515 = arith.index_cast %add3A_514 : i32 to index
        %get3A_516 = arith.constant 16 : index
        %get3A_517 = tpu.vector_load %arg16[%get3A_515, %get3A_516] {strides = array<i32>} : memref<128x64xf32, #tpu.memory_space<vmem>>, vector<16xf32>,
        %add3A_518 = arith.constant 6 : i32
        %add3A_519 = arith.addi %mul3A_336, %add3A_518 : i32
        %add3A_520 = arith.constant 1 : i32
        %add3A_521 = arith.addi %add3A_519, %add3A_520 : i32
        %get3A_522 = arith.index_cast %add3A_521 : i32 to index
        %get3A_523 = arith.constant 16 : index
        %get3A_524 = tpu.vector_load %arg16[%get3A_522, %get3A_523] {strides = array<i32>} : memref<128x64xf32, #tpu.memory_space<vmem>>, vector<16xf32>,
        %add3A_525 = arith.addf %get3A_517, %get3A_524 : vector<16xf32>
        %add3A_526 = arith.constant 6 : i32
        %add3A_527 = arith.addi %mul3A_336, %add3A_526 : i32
        %get3A_528 = arith.index_cast %add3A_527 : i32 to index
        %get3A_529 = arith.constant 32 : index
        %get3A_530 = tpu.vector_load %arg16[%get3A_528, %get3A_529] {strides = array<i32>} : memref<128x64xf32, #tpu.memory_space<vmem>>, vector<16xf32>,
        %add3A_531 = arith.constant 6 : i32
        %add3A_532 = arith.addi %mul3A_336, %add3A_531 : i32
        %add3A_533 = arith.constant 1 : i32
        %add3A_534 = arith.addi %add3A_532, %add3A_533 : i32
        %get3A_535 = arith.index_cast %add3A_534 : i32 to index
        %get3A_536 = arith.constant 32 : index
        %get3A_537 = tpu.vector_load %arg16[%get3A_535, %get3A_536] {strides = array<i32>} : memref<128x64xf32, #tpu.memory_space<vmem>>, vector<16xf32>,
        %add3A_538 = arith.addf %get3A_530, %get3A_537 : vector<16xf32>
        %add3A_539 = arith.constant 6 : i32
        %add3A_540 = arith.addi %mul3A_336, %add3A_539 : i32
        %get3A_541 = arith.index_cast %add3A_540 : i32 to index
        %get3A_542 = arith.constant 48 : index
        %get3A_543 = tpu.vector_load %arg16[%get3A_541, %get3A_542] {strides = array<i32>} : memref<128x64xf32, #tpu.memory_space<vmem>>, vector<16xf32>,
        %add3A_544 = arith.constant 6 : i32
        %add3A_545 = arith.addi %mul3A_336, %add3A_544 : i32
        %add3A_546 = arith.constant 1 : i32
        %add3A_547 = arith.addi %add3A_545, %add3A_546 : i32
        %get3A_548 = arith.index_cast %add3A_547 : i32 to index
        %get3A_549 = arith.constant 48 : index
        %get3A_550 = tpu.vector_load %arg16[%get3A_548, %get3A_549] {strides = array<i32>} : memref<128x64xf32, #tpu.memory_space<vmem>>, vector<16xf32>,
        %add3A_551 = arith.addf %get3A_543, %get3A_550 : vector<16xf32>
        %add3A_552 = arith.addf %add3A_496, %add3A_512 : vector<16xf32>
        %add3A_553 = arith.addf %add3A_497, %add3A_525 : vector<16xf32>
        %add3A_554 = arith.addf %add3A_498, %add3A_538 : vector<16xf32>
        %add3A_555 = arith.addf %add3A_499, %add3A_551 : vector<16xf32>
        %add3A_556 = arith.constant 8 : i32
        %add3A_557 = arith.addi %mul3A_336, %add3A_556 : i32
        %get3A_558 = arith.index_cast %add3A_557 : i32 to index
        %get3A_559 = arith.constant 0 : index
        %get3A_560 = tpu.vector_load %arg16[%get3A_558, %get3A_559] {strides = array<i32>} : memref<128x64xf32, #tpu.memory_space<vmem>>, vector<16xf32>,
        %add3A_561 = arith.constant 8 : i32
        %add3A_562 = arith.addi %mul3A_336, %add3A_561 : i32
        %add3A_563 = arith.constant 1 : i32
        %add3A_564 = arith.addi %add3A_562, %add3A_563 : i32
        %get3A_565 = arith.index_cast %add3A_564 : i32 to index
        %get3A_566 = arith.constant 0 : index
        %get3A_567 = tpu.vector_load %arg16[%get3A_565, %get3A_566] {strides = array<i32>} : memref<128x64xf32, #tpu.memory_space<vmem>>, vector<16xf32>,
        %add3A_568 = arith.addf %get3A_560, %get3A_567 : vector<16xf32>
        %add3A_569 = arith.constant 8 : i32
        %add3A_570 = arith.addi %mul3A_336, %add3A_569 : i32
        %get3A_571 = arith.index_cast %add3A_570 : i32 to index
        %get3A_572 = arith.constant 16 : index
        %get3A_573 = tpu.vector_load %arg16[%get3A_571, %get3A_572] {strides = array<i32>} : memref<128x64xf32, #tpu.memory_space<vmem>>, vector<16xf32>,
        %add3A_574 = arith.constant 8 : i32
        %add3A_575 = arith.addi %mul3A_336, %add3A_574 : i32
        %add3A_576 = arith.constant 1 : i32
        %add3A_577 = arith.addi %add3A_575, %add3A_576 : i32
        %get3A_578 = arith.index_cast %add3A_577 : i32 to index
        %get3A_579 = arith.constant 16 : index
        %get3A_580 = tpu.vector_load %arg16[%get3A_578, %get3A_579] {strides = array<i32>} : memref<128x64xf32, #tpu.memory_space<vmem>>, vector<16xf32>,
        %add3A_581 = arith.addf %get3A_573, %get3A_580 : vector<16xf32>
        %add3A_582 = arith.constant 8 : i32
        %add3A_583 = arith.addi %mul3A_336, %add3A_582 : i32
        %get3A_584 = arith.index_cast %add3A_583 : i32 to index
        %get3A_585 = arith.constant 32 : index
        %get3A_586 = tpu.vector_load %arg16[%get3A_584, %get3A_585] {strides = array<i32>} : memref<128x64xf32, #tpu.memory_space<vmem>>, vector<16xf32>,
        %add3A_587 = arith.constant 8 : i32
        %add3A_588 = arith.addi %mul3A_336, %add3A_587 : i32
        %add3A_589 = arith.constant 1 : i32
        %add3A_590 = arith.addi %add3A_588, %add3A_589 : i32
        %get3A_591 = arith.index_cast %add3A_590 : i32 to index
        %get3A_592 = arith.constant 32 : index
        %get3A_593 = tpu.vector_load %arg16[%get3A_591, %get3A_592] {strides = array<i32>} : memref<128x64xf32, #tpu.memory_space<vmem>>, vector<16xf32>,
        %add3A_594 = arith.addf %get3A_586, %get3A_593 : vector<16xf32>
        %add3A_595 = arith.constant 8 : i32
        %add3A_596 = arith.addi %mul3A_336, %add3A_595 : i32
        %get3A_597 = arith.index_cast %add3A_596 : i32 to index
        %get3A_598 = arith.constant 48 : index
        %get3A_599 = tpu.vector_load %arg16[%get3A_597, %get3A_598] {strides = array<i32>} : memref<128x64xf32, #tpu.memory_space<vmem>>, vector<16xf32>,
        %add3A_600 = arith.constant 8 : i32
        %add3A_601 = arith.addi %mul3A_336, %add3A_600 : i32
        %add3A_602 = arith.constant 1 : i32
        %add3A_603 = arith.addi %add3A_601, %add3A_602 : i32
        %get3A_604 = arith.index_cast %add3A_603 : i32 to index
        %get3A_605 = arith.constant 48 : index
        %get3A_606 = tpu.vector_load %arg16[%get3A_604, %get3A_605] {strides = array<i32>} : memref<128x64xf32, #tpu.memory_space<vmem>>, vector<16xf32>,
        %add3A_607 = arith.addf %get3A_599, %get3A_606 : vector<16xf32>
        %add3A_608 = arith.addf %add3A_552, %add3A_568 : vector<16xf32>
        %add3A_609 = arith.addf %add3A_553, %add3A_581 : vector<16xf32>
        %add3A_610 = arith.addf %add3A_554, %add3A_594 : vector<16xf32>
        %add3A_611 = arith.addf %add3A_555, %add3A_607 : vector<16xf32>
        %add3A_612 = arith.constant 10 : i32
        %add3A_613 = arith.addi %mul3A_336, %add3A_612 : i32
        %get3A_614 = arith.index_cast %add3A_613 : i32 to index
        %get3A_615 = arith.constant 0 : index
        %get3A_616 = tpu.vector_load %arg16[%get3A_614, %get3A_615] {strides = array<i32>} : memref<128x64xf32, #tpu.memory_space<vmem>>, vector<16xf32>,
        %add3A_617 = arith.constant 10 : i32
        %add3A_618 = arith.addi %mul3A_336, %add3A_617 : i32
        %add3A_619 = arith.constant 1 : i32
        %add3A_620 = arith.addi %add3A_618, %add3A_619 : i32
        %get3A_621 = arith.index_cast %add3A_620 : i32 to index
        %get3A_622 = arith.constant 0 : index
        %get3A_623 = tpu.vector_load %arg16[%get3A_621, %get3A_622] {strides = array<i32>} : memref<128x64xf32, #tpu.memory_space<vmem>>, vector<16xf32>,
        %add3A_624 = arith.addf %get3A_616, %get3A_623 : vector<16xf32>
        %add3A_625 = arith.constant 10 : i32
        %add3A_626 = arith.addi %mul3A_336, %add3A_625 : i32
        %get3A_627 = arith.index_cast %add3A_626 : i32 to index
        %get3A_628 = arith.constant 16 : index
        %get3A_629 = tpu.vector_load %arg16[%get3A_627, %get3A_628] {strides = array<i32>} : memref<128x64xf32, #tpu.memory_space<vmem>>, vector<16xf32>,
        %add3A_630 = arith.constant 10 : i32
        %add3A_631 = arith.addi %mul3A_336, %add3A_630 : i32
        %add3A_632 = arith.constant 1 : i32
        %add3A_633 = arith.addi %add3A_631, %add3A_632 : i32
        %get3A_634 = arith.index_cast %add3A_633 : i32 to index
        %get3A_635 = arith.constant 16 : index
        %get3A_636 = tpu.vector_load %arg16[%get3A_634, %get3A_635] {strides = array<i32>} : memref<128x64xf32, #tpu.memory_space<vmem>>, vector<16xf32>,
        %add3A_637 = arith.addf %get3A_629, %get3A_636 : vector<16xf32>
        %add3A_638 = arith.constant 10 : i32
        %add3A_639 = arith.addi %mul3A_336, %add3A_638 : i32
        %get3A_640 = arith.index_cast %add3A_639 : i32 to index
        %get3A_641 = arith.constant 32 : index
        %get3A_642 = tpu.vector_load %arg16[%get3A_640, %get3A_641] {strides = array<i32>} : memref<128x64xf32, #tpu.memory_space<vmem>>, vector<16xf32>,
        %add3A_643 = arith.constant 10 : i32
        %add3A_644 = arith.addi %mul3A_336, %add3A_643 : i32
        %add3A_645 = arith.constant 1 : i32
        %add3A_646 = arith.addi %add3A_644, %add3A_645 : i32
        %get3A_647 = arith.index_cast %add3A_646 : i32 to index
        %get3A_648 = arith.constant 32 : index
        %get3A_649 = tpu.vector_load %arg16[%get3A_647, %get3A_648] {strides = array<i32>} : memref<128x64xf32, #tpu.memory_space<vmem>>, vector<16xf32>,
        %add3A_650 = arith.addf %get3A_642, %get3A_649 : vector<16xf32>
        %add3A_651 = arith.constant 10 : i32
        %add3A_652 = arith.addi %mul3A_336, %add3A_651 : i32
        %get3A_653 = arith.index_cast %add3A_652 : i32 to index
        %get3A_654 = arith.constant 48 : index
        %get3A_655 = tpu.vector_load %arg16[%get3A_653, %get3A_654] {strides = array<i32>} : memref<128x64xf32, #tpu.memory_space<vmem>>, vector<16xf32>,
        %add3A_656 = arith.constant 10 : i32
        %add3A_657 = arith.addi %mul3A_336, %add3A_656 : i32
        %add3A_658 = arith.constant 1 : i32
        %add3A_659 = arith.addi %add3A_657, %add3A_658 : i32
        %get3A_660 = arith.index_cast %add3A_659 : i32 to index
        %get3A_661 = arith.constant 48 : index
        %get3A_662 = tpu.vector_load %arg16[%get3A_660, %get3A_661] {strides = array<i32>} : memref<128x64xf32, #tpu.memory_space<vmem>>, vector<16xf32>,
        %add3A_663 = arith.addf %get3A_655, %get3A_662 : vector<16xf32>
        %add3A_664 = arith.addf %add3A_608, %add3A_624 : vector<16xf32>
        %add3A_665 = arith.addf %add3A_609, %add3A_637 : vector<16xf32>
        %add3A_666 = arith.addf %add3A_610, %add3A_650 : vector<16xf32>
        %add3A_667 = arith.addf %add3A_611, %add3A_663 : vector<16xf32>
        %add3A_668 = arith.constant 12 : i32
        %add3A_669 = arith.addi %mul3A_336, %add3A_668 : i32
        %get3A_670 = arith.index_cast %add3A_669 : i32 to index
        %get3A_671 = arith.constant 0 : index
        %get3A_672 = tpu.vector_load %arg16[%get3A_670, %get3A_671] {strides = array<i32>} : memref<128x64xf32, #tpu.memory_space<vmem>>, vector<16xf32>,
        %add3A_673 = arith.constant 12 : i32
        %add3A_674 = arith.addi %mul3A_336, %add3A_673 : i32
        %add3A_675 = arith.constant 1 : i32
        %add3A_676 = arith.addi %add3A_674, %add3A_675 : i32
        %get3A_677 = arith.index_cast %add3A_676 : i32 to index
        %get3A_678 = arith.constant 0 : index
        %get3A_679 = tpu.vector_load %arg16[%get3A_677, %get3A_678] {strides = array<i32>} : memref<128x64xf32, #tpu.memory_space<vmem>>, vector<16xf32>,
        %add3A_680 = arith.addf %get3A_672, %get3A_679 : vector<16xf32>
        %add3A_681 = arith.constant 12 : i32
        %add3A_682 = arith.addi %mul3A_336, %add3A_681 : i32
        %get3A_683 = arith.index_cast %add3A_682 : i32 to index
        %get3A_684 = arith.constant 16 : index
        %get3A_685 = tpu.vector_load %arg16[%get3A_683, %get3A_684] {strides = array<i32>} : memref<128x64xf32, #tpu.memory_space<vmem>>, vector<16xf32>,
        %add3A_686 = arith.constant 12 : i32
        %add3A_687 = arith.addi %mul3A_336, %add3A_686 : i32
        %add3A_688 = arith.constant 1 : i32
        %add3A_689 = arith.addi %add3A_687, %add3A_688 : i32
        %get3A_690 = arith.index_cast %add3A_689 : i32 to index
        %get3A_691 = arith.constant 16 : index
        %get3A_692 = tpu.vector_load %arg16[%get3A_690, %get3A_691] {strides = array<i32>} : memref<128x64xf32, #tpu.memory_space<vmem>>, vector<16xf32>,
        %add3A_693 = arith.addf %get3A_685, %get3A_692 : vector<16xf32>
        %add3A_694 = arith.constant 12 : i32
        %add3A_695 = arith.addi %mul3A_336, %add3A_694 : i32
        %get3A_696 = arith.index_cast %add3A_695 : i32 to index
        %get3A_697 = arith.constant 32 : index
        %get3A_698 = tpu.vector_load %arg16[%get3A_696, %get3A_697] {strides = array<i32>} : memref<128x64xf32, #tpu.memory_space<vmem>>, vector<16xf32>,
        %add3A_699 = arith.constant 12 : i32
        %add3A_700 = arith.addi %mul3A_336, %add3A_699 : i32
        %add3A_701 = arith.constant 1 : i32
        %add3A_702 = arith.addi %add3A_700, %add3A_701 : i32
        %get3A_703 = arith.index_cast %add3A_702 : i32 to index
        %get3A_704 = arith.constant 32 : index
        %get3A_705 = tpu.vector_load %arg16[%get3A_703, %get3A_704] {strides = array<i32>} : memref<128x64xf32, #tpu.memory_space<vmem>>, vector<16xf32>,
        %add3A_706 = arith.addf %get3A_698, %get3A_705 : vector<16xf32>
        %add3A_707 = arith.constant 12 : i32
        %add3A_708 = arith.addi %mul3A_336, %add3A_707 : i32
        %get3A_709 = arith.index_cast %add3A_708 : i32 to index
        %get3A_710 = arith.constant 48 : index
        %get3A_711 = tpu.vector_load %arg16[%get3A_709, %get3A_710] {strides = array<i32>} : memref<128x64xf32, #tpu.memory_space<vmem>>, vector<16xf32>,
        %add3A_712 = arith.constant 12 : i32
        %add3A_713 = arith.addi %mul3A_336, %add3A_712 : i32
        %add3A_714 = arith.constant 1 : i32
        %add3A_715 = arith.addi %add3A_713, %add3A_714 : i32
        %get3A_716 = arith.index_cast %add3A_715 : i32 to index
        %get3A_717 = arith.constant 48 : index
        %get3A_718 = tpu.vector_load %arg16[%get3A_716, %get3A_717] {strides = array<i32>} : memref<128x64xf32, #tpu.memory_space<vmem>>, vector<16xf32>,
        %add3A_719 = arith.addf %get3A_711, %get3A_718 : vector<16xf32>
        %add3A_720 = arith.addf %add3A_664, %add3A_680 : vector<16xf32>
        %add3A_721 = arith.addf %add3A_665, %add3A_693 : vector<16xf32>
        %add3A_722 = arith.addf %add3A_666, %add3A_706 : vector<16xf32>
        %add3A_723 = arith.addf %add3A_667, %add3A_719 : vector<16xf32>
        %add3A_724 = arith.constant 14 : i32
        %add3A_725 = arith.addi %mul3A_336, %add3A_724 : i32
        %get3A_726 = arith.index_cast %add3A_725 : i32 to index
        %get3A_727 = arith.constant 0 : index
        %get3A_728 = tpu.vector_load %arg16[%get3A_726, %get3A_727] {strides = array<i32>} : memref<128x64xf32, #tpu.memory_space<vmem>>, vector<16xf32>,
        %add3A_729 = arith.constant 14 : i32
        %add3A_730 = arith.addi %mul3A_336, %add3A_729 : i32
        %add3A_731 = arith.constant 1 : i32
        %add3A_732 = arith.addi %add3A_730, %add3A_731 : i32
        %get3A_733 = arith.index_cast %add3A_732 : i32 to index
        %get3A_734 = arith.constant 0 : index
        %get3A_735 = tpu.vector_load %arg16[%get3A_733, %get3A_734] {strides = array<i32>} : memref<128x64xf32, #tpu.memory_space<vmem>>, vector<16xf32>,
        %add3A_736 = arith.addf %get3A_728, %get3A_735 : vector<16xf32>
        %add3A_737 = arith.constant 14 : i32
        %add3A_738 = arith.addi %mul3A_336, %add3A_737 : i32
        %get3A_739 = arith.index_cast %add3A_738 : i32 to index
        %get3A_740 = arith.constant 16 : index
        %get3A_741 = tpu.vector_load %arg16[%get3A_739, %get3A_740] {strides = array<i32>} : memref<128x64xf32, #tpu.memory_space<vmem>>, vector<16xf32>,
        %add3A_742 = arith.constant 14 : i32
        %add3A_743 = arith.addi %mul3A_336, %add3A_742 : i32
        %add3A_744 = arith.constant 1 : i32
        %add3A_745 = arith.addi %add3A_743, %add3A_744 : i32
        %get3A_746 = arith.index_cast %add3A_745 : i32 to index
        %get3A_747 = arith.constant 16 : index
        %get3A_748 = tpu.vector_load %arg16[%get3A_746, %get3A_747] {strides = array<i32>} : memref<128x64xf32, #tpu.memory_space<vmem>>, vector<16xf32>,
        %add3A_749 = arith.addf %get3A_741, %get3A_748 : vector<16xf32>
        %add3A_750 = arith.constant 14 : i32
        %add3A_751 = arith.addi %mul3A_336, %add3A_750 : i32
        %get3A_752 = arith.index_cast %add3A_751 : i32 to index
        %get3A_753 = arith.constant 32 : index
        %get3A_754 = tpu.vector_load %arg16[%get3A_752, %get3A_753] {strides = array<i32>} : memref<128x64xf32, #tpu.memory_space<vmem>>, vector<16xf32>,
        %add3A_755 = arith.constant 14 : i32
        %add3A_756 = arith.addi %mul3A_336, %add3A_755 : i32
        %add3A_757 = arith.constant 1 : i32
        %add3A_758 = arith.addi %add3A_756, %add3A_757 : i32
        %get3A_759 = arith.index_cast %add3A_758 : i32 to index
        %get3A_760 = arith.constant 32 : index
        %get3A_761 = tpu.vector_load %arg16[%get3A_759, %get3A_760] {strides = array<i32>} : memref<128x64xf32, #tpu.memory_space<vmem>>, vector<16xf32>,
        %add3A_762 = arith.addf %get3A_754, %get3A_761 : vector<16xf32>
        %add3A_763 = arith.constant 14 : i32
        %add3A_764 = arith.addi %mul3A_336, %add3A_763 : i32
        %get3A_765 = arith.index_cast %add3A_764 : i32 to index
        %get3A_766 = arith.constant 48 : index
        %get3A_767 = tpu.vector_load %arg16[%get3A_765, %get3A_766] {strides = array<i32>} : memref<128x64xf32, #tpu.memory_space<vmem>>, vector<16xf32>,
        %add3A_768 = arith.constant 14 : i32
        %add3A_769 = arith.addi %mul3A_336, %add3A_768 : i32
        %add3A_770 = arith.constant 1 : i32
        %add3A_771 = arith.addi %add3A_769, %add3A_770 : i32
        %get3A_772 = arith.index_cast %add3A_771 : i32 to index
        %get3A_773 = arith.constant 48 : index
        %get3A_774 = tpu.vector_load %arg16[%get3A_772, %get3A_773] {strides = array<i32>} : memref<128x64xf32, #tpu.memory_space<vmem>>, vector<16xf32>,
        %add3A_775 = arith.addf %get3A_767, %get3A_774 : vector<16xf32>
        %add3A_776 = arith.addf %add3A_720, %add3A_736 : vector<16xf32>
        %add3A_777 = arith.addf %add3A_721, %add3A_749 : vector<16xf32>
        %add3A_778 = arith.addf %add3A_722, %add3A_762 : vector<16xf32>
        %add3A_779 = arith.addf %add3A_723, %add3A_775 : vector<16xf32>
        %mul3A_780 = arith.constant 32 : i32
        %mul3A_781 = arith.muli %scan3A_334, %mul3A_780 : i32
        %add3A_782 = arith.constant 0 : i32
        %add3A_783 = arith.addi %mul3A_781, %add3A_782 : i32
        %get3A_784 = arith.index_cast %add3A_783 : i32 to index
        %get3A_785 = arith.constant 0 : index
        %get3A_786 = tpu.vector_load %arg17[%get3A_784, %get3A_785] {strides = array<i32>} : memref<256x64xf32, #tpu.memory_space<vmem>>, vector<16xf32>,
        %add3A_787 = arith.constant 0 : i32
        %add3A_788 = arith.addi %mul3A_781, %add3A_787 : i32
        %add3A_789 = arith.constant 1 : i32
        %add3A_790 = arith.addi %add3A_788, %add3A_789 : i32
        %get3A_791 = arith.index_cast %add3A_790 : i32 to index
        %get3A_792 = arith.constant 0 : index
        %get3A_793 = tpu.vector_load %arg17[%get3A_791, %get3A_792] {strides = array<i32>} : memref<256x64xf32, #tpu.memory_space<vmem>>, vector<16xf32>,
        %add3A_794 = arith.addf %get3A_786, %get3A_793 : vector<16xf32>
        %add3A_795 = arith.constant 0 : i32
        %add3A_796 = arith.addi %mul3A_781, %add3A_795 : i32
        %get3A_797 = arith.index_cast %add3A_796 : i32 to index
        %get3A_798 = arith.constant 16 : index
        %get3A_799 = tpu.vector_load %arg17[%get3A_797, %get3A_798] {strides = array<i32>} : memref<256x64xf32, #tpu.memory_space<vmem>>, vector<16xf32>,
        %add3A_800 = arith.constant 0 : i32
        %add3A_801 = arith.addi %mul3A_781, %add3A_800 : i32
        %add3A_802 = arith.constant 1 : i32
        %add3A_803 = arith.addi %add3A_801, %add3A_802 : i32
        %get3A_804 = arith.index_cast %add3A_803 : i32 to index
        %get3A_805 = arith.constant 16 : index
        %get3A_806 = tpu.vector_load %arg17[%get3A_804, %get3A_805] {strides = array<i32>} : memref<256x64xf32, #tpu.memory_space<vmem>>, vector<16xf32>,
        %add3A_807 = arith.addf %get3A_799, %get3A_806 : vector<16xf32>
        %add3A_808 = arith.constant 0 : i32
        %add3A_809 = arith.addi %mul3A_781, %add3A_808 : i32
        %get3A_810 = arith.index_cast %add3A_809 : i32 to index
        %get3A_811 = arith.constant 32 : index
        %get3A_812 = tpu.vector_load %arg17[%get3A_810, %get3A_811] {strides = array<i32>} : memref<256x64xf32, #tpu.memory_space<vmem>>, vector<16xf32>,
        %add3A_813 = arith.constant 0 : i32
        %add3A_814 = arith.addi %mul3A_781, %add3A_813 : i32
        %add3A_815 = arith.constant 1 : i32
        %add3A_816 = arith.addi %add3A_814, %add3A_815 : i32
        %get3A_817 = arith.index_cast %add3A_816 : i32 to index
        %get3A_818 = arith.constant 32 : index
        %get3A_819 = tpu.vector_load %arg17[%get3A_817, %get3A_818] {strides = array<i32>} : memref<256x64xf32, #tpu.memory_space<vmem>>, vector<16xf32>,
        %add3A_820 = arith.addf %get3A_812, %get3A_819 : vector<16xf32>
        %add3A_821 = arith.constant 0 : i32
        %add3A_822 = arith.addi %mul3A_781, %add3A_821 : i32
        %get3A_823 = arith.index_cast %add3A_822 : i32 to index
        %get3A_824 = arith.constant 48 : index
        %get3A_825 = tpu.vector_load %arg17[%get3A_823, %get3A_824] {strides = array<i32>} : memref<256x64xf32, #tpu.memory_space<vmem>>, vector<16xf32>,
        %add3A_826 = arith.constant 0 : i32
        %add3A_827 = arith.addi %mul3A_781, %add3A_826 : i32
        %add3A_828 = arith.constant 1 : i32
        %add3A_829 = arith.addi %add3A_827, %add3A_828 : i32
        %get3A_830 = arith.index_cast %add3A_829 : i32 to index
        %get3A_831 = arith.constant 48 : index
        %get3A_832 = tpu.vector_load %arg17[%get3A_830, %get3A_831] {strides = array<i32>} : memref<256x64xf32, #tpu.memory_space<vmem>>, vector<16xf32>,
        %add3A_833 = arith.addf %get3A_825, %get3A_832 : vector<16xf32>
        %add3A_834 = arith.constant 2 : i32
        %add3A_835 = arith.addi %mul3A_781, %add3A_834 : i32
        %get3A_836 = arith.index_cast %add3A_835 : i32 to index
        %get3A_837 = arith.constant 0 : index
        %get3A_838 = tpu.vector_load %arg17[%get3A_836, %get3A_837] {strides = array<i32>} : memref<256x64xf32, #tpu.memory_space<vmem>>, vector<16xf32>,
        %add3A_839 = arith.constant 2 : i32
        %add3A_840 = arith.addi %mul3A_781, %add3A_839 : i32
        %add3A_841 = arith.constant 1 : i32
        %add3A_842 = arith.addi %add3A_840, %add3A_841 : i32
        %get3A_843 = arith.index_cast %add3A_842 : i32 to index
        %get3A_844 = arith.constant 0 : index
        %get3A_845 = tpu.vector_load %arg17[%get3A_843, %get3A_844] {strides = array<i32>} : memref<256x64xf32, #tpu.memory_space<vmem>>, vector<16xf32>,
        %add3A_846 = arith.addf %get3A_838, %get3A_845 : vector<16xf32>
        %add3A_847 = arith.constant 2 : i32
        %add3A_848 = arith.addi %mul3A_781, %add3A_847 : i32
        %get3A_849 = arith.index_cast %add3A_848 : i32 to index
        %get3A_850 = arith.constant 16 : index
        %get3A_851 = tpu.vector_load %arg17[%get3A_849, %get3A_850] {strides = array<i32>} : memref<256x64xf32, #tpu.memory_space<vmem>>, vector<16xf32>,
        %add3A_852 = arith.constant 2 : i32
        %add3A_853 = arith.addi %mul3A_781, %add3A_852 : i32
        %add3A_854 = arith.constant 1 : i32
        %add3A_855 = arith.addi %add3A_853, %add3A_854 : i32
        %get3A_856 = arith.index_cast %add3A_855 : i32 to index
        %get3A_857 = arith.constant 16 : index
        %get3A_858 = tpu.vector_load %arg17[%get3A_856, %get3A_857] {strides = array<i32>} : memref<256x64xf32, #tpu.memory_space<vmem>>, vector<16xf32>,
        %add3A_859 = arith.addf %get3A_851, %get3A_858 : vector<16xf32>
        %add3A_860 = arith.constant 2 : i32
        %add3A_861 = arith.addi %mul3A_781, %add3A_860 : i32
        %get3A_862 = arith.index_cast %add3A_861 : i32 to index
        %get3A_863 = arith.constant 32 : index
        %get3A_864 = tpu.vector_load %arg17[%get3A_862, %get3A_863] {strides = array<i32>} : memref<256x64xf32, #tpu.memory_space<vmem>>, vector<16xf32>,
        %add3A_865 = arith.constant 2 : i32
        %add3A_866 = arith.addi %mul3A_781, %add3A_865 : i32
        %add3A_867 = arith.constant 1 : i32
        %add3A_868 = arith.addi %add3A_866, %add3A_867 : i32
        %get3A_869 = arith.index_cast %add3A_868 : i32 to index
        %get3A_870 = arith.constant 32 : index
        %get3A_871 = tpu.vector_load %arg17[%get3A_869, %get3A_870] {strides = array<i32>} : memref<256x64xf32, #tpu.memory_space<vmem>>, vector<16xf32>,
        %add3A_872 = arith.addf %get3A_864, %get3A_871 : vector<16xf32>
        %add3A_873 = arith.constant 2 : i32
        %add3A_874 = arith.addi %mul3A_781, %add3A_873 : i32
        %get3A_875 = arith.index_cast %add3A_874 : i32 to index
        %get3A_876 = arith.constant 48 : index
        %get3A_877 = tpu.vector_load %arg17[%get3A_875, %get3A_876] {strides = array<i32>} : memref<256x64xf32, #tpu.memory_space<vmem>>, vector<16xf32>,
        %add3A_878 = arith.constant 2 : i32
        %add3A_879 = arith.addi %mul3A_781, %add3A_878 : i32
        %add3A_880 = arith.constant 1 : i32
        %add3A_881 = arith.addi %add3A_879, %add3A_880 : i32
        %get3A_882 = arith.index_cast %add3A_881 : i32 to index
        %get3A_883 = arith.constant 48 : index
        %get3A_884 = tpu.vector_load %arg17[%get3A_882, %get3A_883] {strides = array<i32>} : memref<256x64xf32, #tpu.memory_space<vmem>>, vector<16xf32>,
        %add3A_885 = arith.addf %get3A_877, %get3A_884 : vector<16xf32>
        %add3A_886 = arith.addf %add3A_794, %add3A_846 : vector<16xf32>
        %add3A_887 = arith.addf %add3A_807, %add3A_859 : vector<16xf32>
        %add3A_888 = arith.addf %add3A_820, %add3A_872 : vector<16xf32>
        %add3A_889 = arith.addf %add3A_833, %add3A_885 : vector<16xf32>
        %add3A_890 = arith.constant 4 : i32
        %add3A_891 = arith.addi %mul3A_781, %add3A_890 : i32
        %get3A_892 = arith.index_cast %add3A_891 : i32 to index
        %get3A_893 = arith.constant 0 : index
        %get3A_894 = tpu.vector_load %arg17[%get3A_892, %get3A_893] {strides = array<i32>} : memref<256x64xf32, #tpu.memory_space<vmem>>, vector<16xf32>,
        %add3A_895 = arith.constant 4 : i32
        %add3A_896 = arith.addi %mul3A_781, %add3A_895 : i32
        %add3A_897 = arith.constant 1 : i32
        %add3A_898 = arith.addi %add3A_896, %add3A_897 : i32
        %get3A_899 = arith.index_cast %add3A_898 : i32 to index
        %get3A_900 = arith.constant 0 : index
        %get3A_901 = tpu.vector_load %arg17[%get3A_899, %get3A_900] {strides = array<i32>} : memref<256x64xf32, #tpu.memory_space<vmem>>, vector<16xf32>,
        %add3A_902 = arith.addf %get3A_894, %get3A_901 : vector<16xf32>
        %add3A_903 = arith.constant 4 : i32
        %add3A_904 = arith.addi %mul3A_781, %add3A_903 : i32
        %get3A_905 = arith.index_cast %add3A_904 : i32 to index
        %get3A_906 = arith.constant 16 : index
        %get3A_907 = tpu.vector_load %arg17[%get3A_905, %get3A_906] {strides = array<i32>} : memref<256x64xf32, #tpu.memory_space<vmem>>, vector<16xf32>,
        %add3A_908 = arith.constant 4 : i32
        %add3A_909 = arith.addi %mul3A_781, %add3A_908 : i32
        %add3A_910 = arith.constant 1 : i32
        %add3A_911 = arith.addi %add3A_909, %add3A_910 : i32
        %get3A_912 = arith.index_cast %add3A_911 : i32 to index
        %get3A_913 = arith.constant 16 : index
        %get3A_914 = tpu.vector_load %arg17[%get3A_912, %get3A_913] {strides = array<i32>} : memref<256x64xf32, #tpu.memory_space<vmem>>, vector<16xf32>,
        %add3A_915 = arith.addf %get3A_907, %get3A_914 : vector<16xf32>
        %add3A_916 = arith.constant 4 : i32
        %add3A_917 = arith.addi %mul3A_781, %add3A_916 : i32
        %get3A_918 = arith.index_cast %add3A_917 : i32 to index
        %get3A_919 = arith.constant 32 : index
        %get3A_920 = tpu.vector_load %arg17[%get3A_918, %get3A_919] {strides = array<i32>} : memref<256x64xf32, #tpu.memory_space<vmem>>, vector<16xf32>,
        %add3A_921 = arith.constant 4 : i32
        %add3A_922 = arith.addi %mul3A_781, %add3A_921 : i32
        %add3A_923 = arith.constant 1 : i32
        %add3A_924 = arith.addi %add3A_922, %add3A_923 : i32
        %get3A_925 = arith.index_cast %add3A_924 : i32 to index
        %get3A_926 = arith.constant 32 : index
        %get3A_927 = tpu.vector_load %arg17[%get3A_925, %get3A_926] {strides = array<i32>} : memref<256x64xf32, #tpu.memory_space<vmem>>, vector<16xf32>,
        %add3A_928 = arith.addf %get3A_920, %get3A_927 : vector<16xf32>
        %add3A_929 = arith.constant 4 : i32
        %add3A_930 = arith.addi %mul3A_781, %add3A_929 : i32
        %get3A_931 = arith.index_cast %add3A_930 : i32 to index
        %get3A_932 = arith.constant 48 : index
        %get3A_933 = tpu.vector_load %arg17[%get3A_931, %get3A_932] {strides = array<i32>} : memref<256x64xf32, #tpu.memory_space<vmem>>, vector<16xf32>,
        %add3A_934 = arith.constant 4 : i32
        %add3A_935 = arith.addi %mul3A_781, %add3A_934 : i32
        %add3A_936 = arith.constant 1 : i32
        %add3A_937 = arith.addi %add3A_935, %add3A_936 : i32
        %get3A_938 = arith.index_cast %add3A_937 : i32 to index
        %get3A_939 = arith.constant 48 : index
        %get3A_940 = tpu.vector_load %arg17[%get3A_938, %get3A_939] {strides = array<i32>} : memref<256x64xf32, #tpu.memory_space<vmem>>, vector<16xf32>,
        %add3A_941 = arith.addf %get3A_933, %get3A_940 : vector<16xf32>
        %add3A_942 = arith.addf %add3A_886, %add3A_902 : vector<16xf32>
        %add3A_943 = arith.addf %add3A_887, %add3A_915 : vector<16xf32>
        %add3A_944 = arith.addf %add3A_888, %add3A_928 : vector<16xf32>
        %add3A_945 = arith.addf %add3A_889, %add3A_941 : vector<16xf32>
        %add3A_946 = arith.constant 6 : i32
        %add3A_947 = arith.addi %mul3A_781, %add3A_946 : i32
        %get3A_948 = arith.index_cast %add3A_947 : i32 to index
        %get3A_949 = arith.constant 0 : index
        %get3A_950 = tpu.vector_load %arg17[%get3A_948, %get3A_949] {strides = array<i32>} : memref<256x64xf32, #tpu.memory_space<vmem>>, vector<16xf32>,
        %add3A_951 = arith.constant 6 : i32
        %add3A_952 = arith.addi %mul3A_781, %add3A_951 : i32
        %add3A_953 = arith.constant 1 : i32
        %add3A_954 = arith.addi %add3A_952, %add3A_953 : i32
        %get3A_955 = arith.index_cast %add3A_954 : i32 to index
        %get3A_956 = arith.constant 0 : index
        %get3A_957 = tpu.vector_load %arg17[%get3A_955, %get3A_956] {strides = array<i32>} : memref<256x64xf32, #tpu.memory_space<vmem>>, vector<16xf32>,
        %add3A_958 = arith.addf %get3A_950, %get3A_957 : vector<16xf32>
        %add3A_959 = arith.constant 6 : i32
        %add3A_960 = arith.addi %mul3A_781, %add3A_959 : i32
        %get3A_961 = arith.index_cast %add3A_960 : i32 to index
        %get3A_962 = arith.constant 16 : index
        %get3A_963 = tpu.vector_load %arg17[%get3A_961, %get3A_962] {strides = array<i32>} : memref<256x64xf32, #tpu.memory_space<vmem>>, vector<16xf32>,
        %add3A_964 = arith.constant 6 : i32
        %add3A_965 = arith.addi %mul3A_781, %add3A_964 : i32
        %add3A_966 = arith.constant 1 : i32
        %add3A_967 = arith.addi %add3A_965, %add3A_966 : i32
        %get3A_968 = arith.index_cast %add3A_967 : i32 to index
        %get3A_969 = arith.constant 16 : index
        %get3A_970 = tpu.vector_load %arg17[%get3A_968, %get3A_969] {strides = array<i32>} : memref<256x64xf32, #tpu.memory_space<vmem>>, vector<16xf32>,
        %add3A_971 = arith.addf %get3A_963, %get3A_970 : vector<16xf32>
        %add3A_972 = arith.constant 6 : i32
        %add3A_973 = arith.addi %mul3A_781, %add3A_972 : i32
        %get3A_974 = arith.index_cast %add3A_973 : i32 to index
        %get3A_975 = arith.constant 32 : index
        %get3A_976 = tpu.vector_load %arg17[%get3A_974, %get3A_975] {strides = array<i32>} : memref<256x64xf32, #tpu.memory_space<vmem>>, vector<16xf32>,
        %add3A_977 = arith.constant 6 : i32
        %add3A_978 = arith.addi %mul3A_781, %add3A_977 : i32
        %add3A_979 = arith.constant 1 : i32
        %add3A_980 = arith.addi %add3A_978, %add3A_979 : i32
        %get3A_981 = arith.index_cast %add3A_980 : i32 to index
        %get3A_982 = arith.constant 32 : index
        %get3A_983 = tpu.vector_load %arg17[%get3A_981, %get3A_982] {strides = array<i32>} : memref<256x64xf32, #tpu.memory_space<vmem>>, vector<16xf32>,
        %add3A_984 = arith.addf %get3A_976, %get3A_983 : vector<16xf32>
        %add3A_985 = arith.constant 6 : i32
        %add3A_986 = arith.addi %mul3A_781, %add3A_985 : i32
        %get3A_987 = arith.index_cast %add3A_986 : i32 to index
        %get3A_988 = arith.constant 48 : index
        %get3A_989 = tpu.vector_load %arg17[%get3A_987, %get3A_988] {strides = array<i32>} : memref<256x64xf32, #tpu.memory_space<vmem>>, vector<16xf32>,
        %add3A_990 = arith.constant 6 : i32
        %add3A_991 = arith.addi %mul3A_781, %add3A_990 : i32
        %add3A_992 = arith.constant 1 : i32
        %add3A_993 = arith.addi %add3A_991, %add3A_992 : i32
        %get3A_994 = arith.index_cast %add3A_993 : i32 to index
        %get3A_995 = arith.constant 48 : index
        %get3A_996 = tpu.vector_load %arg17[%get3A_994, %get3A_995] {strides = array<i32>} : memref<256x64xf32, #tpu.memory_space<vmem>>, vector<16xf32>,
        %add3A_997 = arith.addf %get3A_989, %get3A_996 : vector<16xf32>
        %add3A_998 = arith.addf %add3A_942, %add3A_958 : vector<16xf32>
        %add3A_999 = arith.addf %add3A_943, %add3A_971 : vector<16xf32>
        %add3A_1000 = arith.addf %add3A_944, %add3A_984 : vector<16xf32>
        %add3A_1001 = arith.addf %add3A_945, %add3A_997 : vector<16xf32>
        %add3A_1002 = arith.constant 8 : i32
        %add3A_1003 = arith.addi %mul3A_781, %add3A_1002 : i32
        %get3A_1004 = arith.index_cast %add3A_1003 : i32 to index
        %get3A_1005 = arith.constant 0 : index
        %get3A_1006 = tpu.vector_load %arg17[%get3A_1004, %get3A_1005] {strides = array<i32>} : memref<256x64xf32, #tpu.memory_space<vmem>>, vector<16xf32>,
        %add3A_1007 = arith.constant 8 : i32
        %add3A_1008 = arith.addi %mul3A_781, %add3A_1007 : i32
        %add3A_1009 = arith.constant 1 : i32
        %add3A_1010 = arith.addi %add3A_1008, %add3A_1009 : i32
        %get3A_1011 = arith.index_cast %add3A_1010 : i32 to index
        %get3A_1012 = arith.constant 0 : index
        %get3A_1013 = tpu.vector_load %arg17[%get3A_1011, %get3A_1012] {strides = array<i32>} : memref<256x64xf32, #tpu.memory_space<vmem>>, vector<16xf32>,
        %add3A_1014 = arith.addf %get3A_1006, %get3A_1013 : vector<16xf32>
        %add3A_1015 = arith.constant 8 : i32
        %add3A_1016 = arith.addi %mul3A_781, %add3A_1015 : i32
        %get3A_1017 = arith.index_cast %add3A_1016 : i32 to index
        %get3A_1018 = arith.constant 16 : index
        %get3A_1019 = tpu.vector_load %arg17[%get3A_1017, %get3A_1018] {strides = array<i32>} : memref<256x64xf32, #tpu.memory_space<vmem>>, vector<16xf32>,
        %add3A_1020 = arith.constant 8 : i32
        %add3A_1021 = arith.addi %mul3A_781, %add3A_1020 : i32
        %add3A_1022 = arith.constant 1 : i32
        %add3A_1023 = arith.addi %add3A_1021, %add3A_1022 : i32
        %get3A_1024 = arith.index_cast %add3A_1023 : i32 to index
        %get3A_1025 = arith.constant 16 : index
        %get3A_1026 = tpu.vector_load %arg17[%get3A_1024, %get3A_1025] {strides = array<i32>} : memref<256x64xf32, #tpu.memory_space<vmem>>, vector<16xf32>,
        %add3A_1027 = arith.addf %get3A_1019, %get3A_1026 : vector<16xf32>
        %add3A_1028 = arith.constant 8 : i32
        %add3A_1029 = arith.addi %mul3A_781, %add3A_1028 : i32
        %get3A_1030 = arith.index_cast %add3A_1029 : i32 to index
        %get3A_1031 = arith.constant 32 : index
        %get3A_1032 = tpu.vector_load %arg17[%get3A_1030, %get3A_1031] {strides = array<i32>} : memref<256x64xf32, #tpu.memory_space<vmem>>, vector<16xf32>,
        %add3A_1033 = arith.constant 8 : i32
        %add3A_1034 = arith.addi %mul3A_781, %add3A_1033 : i32
        %add3A_1035 = arith.constant 1 : i32
        %add3A_1036 = arith.addi %add3A_1034, %add3A_1035 : i32
        %get3A_1037 = arith.index_cast %add3A_1036 : i32 to index
        %get3A_1038 = arith.constant 32 : index
        %get3A_1039 = tpu.vector_load %arg17[%get3A_1037, %get3A_1038] {strides = array<i32>} : memref<256x64xf32, #tpu.memory_space<vmem>>, vector<16xf32>,
        %add3A_1040 = arith.addf %get3A_1032, %get3A_1039 : vector<16xf32>
        %add3A_1041 = arith.constant 8 : i32
        %add3A_1042 = arith.addi %mul3A_781, %add3A_1041 : i32
        %get3A_1043 = arith.index_cast %add3A_1042 : i32 to index
        %get3A_1044 = arith.constant 48 : index
        %get3A_1045 = tpu.vector_load %arg17[%get3A_1043, %get3A_1044] {strides = array<i32>} : memref<256x64xf32, #tpu.memory_space<vmem>>, vector<16xf32>,
        %add3A_1046 = arith.constant 8 : i32
        %add3A_1047 = arith.addi %mul3A_781, %add3A_1046 : i32
        %add3A_1048 = arith.constant 1 : i32
        %add3A_1049 = arith.addi %add3A_1047, %add3A_1048 : i32
        %get3A_1050 = arith.index_cast %add3A_1049 : i32 to index
        %get3A_1051 = arith.constant 48 : index
        %get3A_1052 = tpu.vector_load %arg17[%get3A_1050, %get3A_1051] {strides = array<i32>} : memref<256x64xf32, #tpu.memory_space<vmem>>, vector<16xf32>,
        %add3A_1053 = arith.addf %get3A_1045, %get3A_1052 : vector<16xf32>
        %add3A_1054 = arith.addf %add3A_998, %add3A_1014 : vector<16xf32>
        %add3A_1055 = arith.addf %add3A_999, %add3A_1027 : vector<16xf32>
        %add3A_1056 = arith.addf %add3A_1000, %add3A_1040 : vector<16xf32>
        %add3A_1057 = arith.addf %add3A_1001, %add3A_1053 : vector<16xf32>
        %add3A_1058 = arith.constant 10 : i32
        %add3A_1059 = arith.addi %mul3A_781, %add3A_1058 : i32
        %get3A_1060 = arith.index_cast %add3A_1059 : i32 to index
        %get3A_1061 = arith.constant 0 : index
        %get3A_1062 = tpu.vector_load %arg17[%get3A_1060, %get3A_1061] {strides = array<i32>} : memref<256x64xf32, #tpu.memory_space<vmem>>, vector<16xf32>,
        %add3A_1063 = arith.constant 10 : i32
        %add3A_1064 = arith.addi %mul3A_781, %add3A_1063 : i32
        %add3A_1065 = arith.constant 1 : i32
        %add3A_1066 = arith.addi %add3A_1064, %add3A_1065 : i32
        %get3A_1067 = arith.index_cast %add3A_1066 : i32 to index
        %get3A_1068 = arith.constant 0 : index
        %get3A_1069 = tpu.vector_load %arg17[%get3A_1067, %get3A_1068] {strides = array<i32>} : memref<256x64xf32, #tpu.memory_space<vmem>>, vector<16xf32>,
        %add3A_1070 = arith.addf %get3A_1062, %get3A_1069 : vector<16xf32>
        %add3A_1071 = arith.constant 10 : i32
        %add3A_1072 = arith.addi %mul3A_781, %add3A_1071 : i32
        %get3A_1073 = arith.index_cast %add3A_1072 : i32 to index
        %get3A_1074 = arith.constant 16 : index
        %get3A_1075 = tpu.vector_load %arg17[%get3A_1073, %get3A_1074] {strides = array<i32>} : memref<256x64xf32, #tpu.memory_space<vmem>>, vector<16xf32>,
        %add3A_1076 = arith.constant 10 : i32
        %add3A_1077 = arith.addi %mul3A_781, %add3A_1076 : i32
        %add3A_1078 = arith.constant 1 : i32
        %add3A_1079 = arith.addi %add3A_1077, %add3A_1078 : i32
        %get3A_1080 = arith.index_cast %add3A_1079 : i32 to index
        %get3A_1081 = arith.constant 16 : index
        %get3A_1082 = tpu.vector_load %arg17[%get3A_1080, %get3A_1081] {strides = array<i32>} : memref<256x64xf32, #tpu.memory_space<vmem>>, vector<16xf32>,
        %add3A_1083 = arith.addf %get3A_1075, %get3A_1082 : vector<16xf32>
        %add3A_1084 = arith.constant 10 : i32
        %add3A_1085 = arith.addi %mul3A_781, %add3A_1084 : i32
        %get3A_1086 = arith.index_cast %add3A_1085 : i32 to index
        %get3A_1087 = arith.constant 32 : index
        %get3A_1088 = tpu.vector_load %arg17[%get3A_1086, %get3A_1087] {strides = array<i32>} : memref<256x64xf32, #tpu.memory_space<vmem>>, vector<16xf32>,
        %add3A_1089 = arith.constant 10 : i32
        %add3A_1090 = arith.addi %mul3A_781, %add3A_1089 : i32
        %add3A_1091 = arith.constant 1 : i32
        %add3A_1092 = arith.addi %add3A_1090, %add3A_1091 : i32
        %get3A_1093 = arith.index_cast %add3A_1092 : i32 to index
        %get3A_1094 = arith.constant 32 : index
        %get3A_1095 = tpu.vector_load %arg17[%get3A_1093, %get3A_1094] {strides = array<i32>} : memref<256x64xf32, #tpu.memory_space<vmem>>, vector<16xf32>,
        %add3A_1096 = arith.addf %get3A_1088, %get3A_1095 : vector<16xf32>
        %add3A_1097 = arith.constant 10 : i32
        %add3A_1098 = arith.addi %mul3A_781, %add3A_1097 : i32
        %get3A_1099 = arith.index_cast %add3A_1098 : i32 to index
        %get3A_1100 = arith.constant 48 : index
        %get3A_1101 = tpu.vector_load %arg17[%get3A_1099, %get3A_1100] {strides = array<i32>} : memref<256x64xf32, #tpu.memory_space<vmem>>, vector<16xf32>,
        %add3A_1102 = arith.constant 10 : i32
        %add3A_1103 = arith.addi %mul3A_781, %add3A_1102 : i32
        %add3A_1104 = arith.constant 1 : i32
        %add3A_1105 = arith.addi %add3A_1103, %add3A_1104 : i32
        %get3A_1106 = arith.index_cast %add3A_1105 : i32 to index
        %get3A_1107 = arith.constant 48 : index
        %get3A_1108 = tpu.vector_load %arg17[%get3A_1106, %get3A_1107] {strides = array<i32>} : memref<256x64xf32, #tpu.memory_space<vmem>>, vector<16xf32>,
        %add3A_1109 = arith.addf %get3A_1101, %get3A_1108 : vector<16xf32>
        %add3A_1110 = arith.addf %add3A_1054, %add3A_1070 : vector<16xf32>
        %add3A_1111 = arith.addf %add3A_1055, %add3A_1083 : vector<16xf32>
        %add3A_1112 = arith.addf %add3A_1056, %add3A_1096 : vector<16xf32>
        %add3A_1113 = arith.addf %add3A_1057, %add3A_1109 : vector<16xf32>
        %add3A_1114 = arith.constant 12 : i32
        %add3A_1115 = arith.addi %mul3A_781, %add3A_1114 : i32
        %get3A_1116 = arith.index_cast %add3A_1115 : i32 to index
        %get3A_1117 = arith.constant 0 : index
        %get3A_1118 = tpu.vector_load %arg17[%get3A_1116, %get3A_1117] {strides = array<i32>} : memref<256x64xf32, #tpu.memory_space<vmem>>, vector<16xf32>,
        %add3A_1119 = arith.constant 12 : i32
        %add3A_1120 = arith.addi %mul3A_781, %add3A_1119 : i32
        %add3A_1121 = arith.constant 1 : i32
        %add3A_1122 = arith.addi %add3A_1120, %add3A_1121 : i32
        %get3A_1123 = arith.index_cast %add3A_1122 : i32 to index
        %get3A_1124 = arith.constant 0 : index
        %get3A_1125 = tpu.vector_load %arg17[%get3A_1123, %get3A_1124] {strides = array<i32>} : memref<256x64xf32, #tpu.memory_space<vmem>>, vector<16xf32>,
        %add3A_1126 = arith.addf %get3A_1118, %get3A_1125 : vector<16xf32>
        %add3A_1127 = arith.constant 12 : i32
        %add3A_1128 = arith.addi %mul3A_781, %add3A_1127 : i32
        %get3A_1129 = arith.index_cast %add3A_1128 : i32 to index
        %get3A_1130 = arith.constant 16 : index
        %get3A_1131 = tpu.vector_load %arg17[%get3A_1129, %get3A_1130] {strides = array<i32>} : memref<256x64xf32, #tpu.memory_space<vmem>>, vector<16xf32>,
        %add3A_1132 = arith.constant 12 : i32
        %add3A_1133 = arith.addi %mul3A_781, %add3A_1132 : i32
        %add3A_1134 = arith.constant 1 : i32
        %add3A_1135 = arith.addi %add3A_1133, %add3A_1134 : i32
        %get3A_1136 = arith.index_cast %add3A_1135 : i32 to index
        %get3A_1137 = arith.constant 16 : index
        %get3A_1138 = tpu.vector_load %arg17[%get3A_1136, %get3A_1137] {strides = array<i32>} : memref<256x64xf32, #tpu.memory_space<vmem>>, vector<16xf32>,
        %add3A_1139 = arith.addf %get3A_1131, %get3A_1138 : vector<16xf32>
        %add3A_1140 = arith.constant 12 : i32
        %add3A_1141 = arith.addi %mul3A_781, %add3A_1140 : i32
        %get3A_1142 = arith.index_cast %add3A_1141 : i32 to index
        %get3A_1143 = arith.constant 32 : index
        %get3A_1144 = tpu.vector_load %arg17[%get3A_1142, %get3A_1143] {strides = array<i32>} : memref<256x64xf32, #tpu.memory_space<vmem>>, vector<16xf32>,
        %add3A_1145 = arith.constant 12 : i32
        %add3A_1146 = arith.addi %mul3A_781, %add3A_1145 : i32
        %add3A_1147 = arith.constant 1 : i32
        %add3A_1148 = arith.addi %add3A_1146, %add3A_1147 : i32
        %get3A_1149 = arith.index_cast %add3A_1148 : i32 to index
        %get3A_1150 = arith.constant 32 : index
        %get3A_1151 = tpu.vector_load %arg17[%get3A_1149, %get3A_1150] {strides = array<i32>} : memref<256x64xf32, #tpu.memory_space<vmem>>, vector<16xf32>,
        %add3A_1152 = arith.addf %get3A_1144, %get3A_1151 : vector<16xf32>
        %add3A_1153 = arith.constant 12 : i32
        %add3A_1154 = arith.addi %mul3A_781, %add3A_1153 : i32
        %get3A_1155 = arith.index_cast %add3A_1154 : i32 to index
        %get3A_1156 = arith.constant 48 : index
        %get3A_1157 = tpu.vector_load %arg17[%get3A_1155, %get3A_1156] {strides = array<i32>} : memref<256x64xf32, #tpu.memory_space<vmem>>, vector<16xf32>,
        %add3A_1158 = arith.constant 12 : i32
        %add3A_1159 = arith.addi %mul3A_781, %add3A_1158 : i32
        %add3A_1160 = arith.constant 1 : i32
        %add3A_1161 = arith.addi %add3A_1159, %add3A_1160 : i32
        %get3A_1162 = arith.index_cast %add3A_1161 : i32 to index
        %get3A_1163 = arith.constant 48 : index
        %get3A_1164 = tpu.vector_load %arg17[%get3A_1162, %get3A_1163] {strides = array<i32>} : memref<256x64xf32, #tpu.memory_space<vmem>>, vector<16xf32>,
        %add3A_1165 = arith.addf %get3A_1157, %get3A_1164 : vector<16xf32>
        %add3A_1166 = arith.addf %add3A_1110, %add3A_1126 : vector<16xf32>
        %add3A_1167 = arith.addf %add3A_1111, %add3A_1139 : vector<16xf32>
        %add3A_1168 = arith.addf %add3A_1112, %add3A_1152 : vector<16xf32>
        %add3A_1169 = arith.addf %add3A_1113, %add3A_1165 : vector<16xf32>
        %add3A_1170 = arith.constant 14 : i32
        %add3A_1171 = arith.addi %mul3A_781, %add3A_1170 : i32
        %get3A_1172 = arith.index_cast %add3A_1171 : i32 to index
        %get3A_1173 = arith.constant 0 : index
        %get3A_1174 = tpu.vector_load %arg17[%get3A_1172, %get3A_1173] {strides = array<i32>} : memref<256x64xf32, #tpu.memory_space<vmem>>, vector<16xf32>,
        %add3A_1175 = arith.constant 14 : i32
        %add3A_1176 = arith.addi %mul3A_781, %add3A_1175 : i32
        %add3A_1177 = arith.constant 1 : i32
        %add3A_1178 = arith.addi %add3A_1176, %add3A_1177 : i32
        %get3A_1179 = arith.index_cast %add3A_1178 : i32 to index
        %get3A_1180 = arith.constant 0 : index
        %get3A_1181 = tpu.vector_load %arg17[%get3A_1179, %get3A_1180] {strides = array<i32>} : memref<256x64xf32, #tpu.memory_space<vmem>>, vector<16xf32>,
        %add3A_1182 = arith.addf %get3A_1174, %get3A_1181 : vector<16xf32>
        %add3A_1183 = arith.constant 14 : i32
        %add3A_1184 = arith.addi %mul3A_781, %add3A_1183 : i32
        %get3A_1185 = arith.index_cast %add3A_1184 : i32 to index
        %get3A_1186 = arith.constant 16 : index
        %get3A_1187 = tpu.vector_load %arg17[%get3A_1185, %get3A_1186] {strides = array<i32>} : memref<256x64xf32, #tpu.memory_space<vmem>>, vector<16xf32>,
        %add3A_1188 = arith.constant 14 : i32
        %add3A_1189 = arith.addi %mul3A_781, %add3A_1188 : i32
        %add3A_1190 = arith.constant 1 : i32
        %add3A_1191 = arith.addi %add3A_1189, %add3A_1190 : i32
        %get3A_1192 = arith.index_cast %add3A_1191 : i32 to index
        %get3A_1193 = arith.constant 16 : index
        %get3A_1194 = tpu.vector_load %arg17[%get3A_1192, %get3A_1193] {strides = array<i32>} : memref<256x64xf32, #tpu.memory_space<vmem>>, vector<16xf32>,
        %add3A_1195 = arith.addf %get3A_1187, %get3A_1194 : vector<16xf32>
        %add3A_1196 = arith.constant 14 : i32
        %add3A_1197 = arith.addi %mul3A_781, %add3A_1196 : i32
        %get3A_1198 = arith.index_cast %add3A_1197 : i32 to index
        %get3A_1199 = arith.constant 32 : index
        %get3A_1200 = tpu.vector_load %arg17[%get3A_1198, %get3A_1199] {strides = array<i32>} : memref<256x64xf32, #tpu.memory_space<vmem>>, vector<16xf32>,
        %add3A_1201 = arith.constant 14 : i32
        %add3A_1202 = arith.addi %mul3A_781, %add3A_1201 : i32
        %add3A_1203 = arith.constant 1 : i32
        %add3A_1204 = arith.addi %add3A_1202, %add3A_1203 : i32
        %get3A_1205 = arith.index_cast %add3A_1204 : i32 to index
        %get3A_1206 = arith.constant 32 : index
        %get3A_1207 = tpu.vector_load %arg17[%get3A_1205, %get3A_1206] {strides = array<i32>} : memref<256x64xf32, #tpu.memory_space<vmem>>, vector<16xf32>,
        %add3A_1208 = arith.addf %get3A_1200, %get3A_1207 : vector<16xf32>
        %add3A_1209 = arith.constant 14 : i32
        %add3A_1210 = arith.addi %mul3A_781, %add3A_1209 : i32
        %get3A_1211 = arith.index_cast %add3A_1210 : i32 to index
        %get3A_1212 = arith.constant 48 : index
        %get3A_1213 = tpu.vector_load %arg17[%get3A_1211, %get3A_1212] {strides = array<i32>} : memref<256x64xf32, #tpu.memory_space<vmem>>, vector<16xf32>,
        %add3A_1214 = arith.constant 14 : i32
        %add3A_1215 = arith.addi %mul3A_781, %add3A_1214 : i32
        %add3A_1216 = arith.constant 1 : i32
        %add3A_1217 = arith.addi %add3A_1215, %add3A_1216 : i32
        %get3A_1218 = arith.index_cast %add3A_1217 : i32 to index
        %get3A_1219 = arith.constant 48 : index
        %get3A_1220 = tpu.vector_load %arg17[%get3A_1218, %get3A_1219] {strides = array<i32>} : memref<256x64xf32, #tpu.memory_space<vmem>>, vector<16xf32>,
        %add3A_1221 = arith.addf %get3A_1213, %get3A_1220 : vector<16xf32>
        %add3A_1222 = arith.addf %add3A_1166, %add3A_1182 : vector<16xf32>
        %add3A_1223 = arith.addf %add3A_1167, %add3A_1195 : vector<16xf32>
        %add3A_1224 = arith.addf %add3A_1168, %add3A_1208 : vector<16xf32>
        %add3A_1225 = arith.addf %add3A_1169, %add3A_1221 : vector<16xf32>
        %add3A_1226 = arith.constant 16 : i32
        %add3A_1227 = arith.addi %mul3A_781, %add3A_1226 : i32
        %get3A_1228 = arith.index_cast %add3A_1227 : i32 to index
        %get3A_1229 = arith.constant 0 : index
        %get3A_1230 = tpu.vector_load %arg17[%get3A_1228, %get3A_1229] {strides = array<i32>} : memref<256x64xf32, #tpu.memory_space<vmem>>, vector<16xf32>,
        %add3A_1231 = arith.constant 16 : i32
        %add3A_1232 = arith.addi %mul3A_781, %add3A_1231 : i32
        %add3A_1233 = arith.constant 1 : i32
        %add3A_1234 = arith.addi %add3A_1232, %add3A_1233 : i32
        %get3A_1235 = arith.index_cast %add3A_1234 : i32 to index
        %get3A_1236 = arith.constant 0 : index
        %get3A_1237 = tpu.vector_load %arg17[%get3A_1235, %get3A_1236] {strides = array<i32>} : memref<256x64xf32, #tpu.memory_space<vmem>>, vector<16xf32>,
        %add3A_1238 = arith.addf %get3A_1230, %get3A_1237 : vector<16xf32>
        %add3A_1239 = arith.constant 16 : i32
        %add3A_1240 = arith.addi %mul3A_781, %add3A_1239 : i32
        %get3A_1241 = arith.index_cast %add3A_1240 : i32 to index
        %get3A_1242 = arith.constant 16 : index
        %get3A_1243 = tpu.vector_load %arg17[%get3A_1241, %get3A_1242] {strides = array<i32>} : memref<256x64xf32, #tpu.memory_space<vmem>>, vector<16xf32>,
        %add3A_1244 = arith.constant 16 : i32
        %add3A_1245 = arith.addi %mul3A_781, %add3A_1244 : i32
        %add3A_1246 = arith.constant 1 : i32
        %add3A_1247 = arith.addi %add3A_1245, %add3A_1246 : i32
        %get3A_1248 = arith.index_cast %add3A_1247 : i32 to index
        %get3A_1249 = arith.constant 16 : index
        %get3A_1250 = tpu.vector_load %arg17[%get3A_1248, %get3A_1249] {strides = array<i32>} : memref<256x64xf32, #tpu.memory_space<vmem>>, vector<16xf32>,
        %add3A_1251 = arith.addf %get3A_1243, %get3A_1250 : vector<16xf32>
        %add3A_1252 = arith.constant 16 : i32
        %add3A_1253 = arith.addi %mul3A_781, %add3A_1252 : i32
        %get3A_1254 = arith.index_cast %add3A_1253 : i32 to index
        %get3A_1255 = arith.constant 32 : index
        %get3A_1256 = tpu.vector_load %arg17[%get3A_1254, %get3A_1255] {strides = array<i32>} : memref<256x64xf32, #tpu.memory_space<vmem>>, vector<16xf32>,
        %add3A_1257 = arith.constant 16 : i32
        %add3A_1258 = arith.addi %mul3A_781, %add3A_1257 : i32
        %add3A_1259 = arith.constant 1 : i32
        %add3A_1260 = arith.addi %add3A_1258, %add3A_1259 : i32
        %get3A_1261 = arith.index_cast %add3A_1260 : i32 to index
        %get3A_1262 = arith.constant 32 : index
        %get3A_1263 = tpu.vector_load %arg17[%get3A_1261, %get3A_1262] {strides = array<i32>} : memref<256x64xf32, #tpu.memory_space<vmem>>, vector<16xf32>,
        %add3A_1264 = arith.addf %get3A_1256, %get3A_1263 : vector<16xf32>
        %add3A_1265 = arith.constant 16 : i32
        %add3A_1266 = arith.addi %mul3A_781, %add3A_1265 : i32
        %get3A_1267 = arith.index_cast %add3A_1266 : i32 to index
        %get3A_1268 = arith.constant 48 : index
        %get3A_1269 = tpu.vector_load %arg17[%get3A_1267, %get3A_1268] {strides = array<i32>} : memref<256x64xf32, #tpu.memory_space<vmem>>, vector<16xf32>,
        %add3A_1270 = arith.constant 16 : i32
        %add3A_1271 = arith.addi %mul3A_781, %add3A_1270 : i32
        %add3A_1272 = arith.constant 1 : i32
        %add3A_1273 = arith.addi %add3A_1271, %add3A_1272 : i32
        %get3A_1274 = arith.index_cast %add3A_1273 : i32 to index
        %get3A_1275 = arith.constant 48 : index
        %get3A_1276 = tpu.vector_load %arg17[%get3A_1274, %get3A_1275] {strides = array<i32>} : memref<256x64xf32, #tpu.memory_space<vmem>>, vector<16xf32>,
        %add3A_1277 = arith.addf %get3A_1269, %get3A_1276 : vector<16xf32>
        %add3A_1278 = arith.addf %add3A_1222, %add3A_1238 : vector<16xf32>
        %add3A_1279 = arith.addf %add3A_1223, %add3A_1251 : vector<16xf32>
        %add3A_1280 = arith.addf %add3A_1224, %add3A_1264 : vector<16xf32>
        %add3A_1281 = arith.addf %add3A_1225, %add3A_1277 : vector<16xf32>
        %add3A_1282 = arith.constant 18 : i32
        %add3A_1283 = arith.addi %mul3A_781, %add3A_1282 : i32
        %get3A_1284 = arith.index_cast %add3A_1283 : i32 to index
        %get3A_1285 = arith.constant 0 : index
        %get3A_1286 = tpu.vector_load %arg17[%get3A_1284, %get3A_1285] {strides = array<i32>} : memref<256x64xf32, #tpu.memory_space<vmem>>, vector<16xf32>,
        %add3A_1287 = arith.constant 18 : i32
        %add3A_1288 = arith.addi %mul3A_781, %add3A_1287 : i32
        %add3A_1289 = arith.constant 1 : i32
        %add3A_1290 = arith.addi %add3A_1288, %add3A_1289 : i32
        %get3A_1291 = arith.index_cast %add3A_1290 : i32 to index
        %get3A_1292 = arith.constant 0 : index
        %get3A_1293 = tpu.vector_load %arg17[%get3A_1291, %get3A_1292] {strides = array<i32>} : memref<256x64xf32, #tpu.memory_space<vmem>>, vector<16xf32>,
        %add3A_1294 = arith.addf %get3A_1286, %get3A_1293 : vector<16xf32>
        %add3A_1295 = arith.constant 18 : i32
        %add3A_1296 = arith.addi %mul3A_781, %add3A_1295 : i32
        %get3A_1297 = arith.index_cast %add3A_1296 : i32 to index
        %get3A_1298 = arith.constant 16 : index
        %get3A_1299 = tpu.vector_load %arg17[%get3A_1297, %get3A_1298] {strides = array<i32>} : memref<256x64xf32, #tpu.memory_space<vmem>>, vector<16xf32>,
        %add3A_1300 = arith.constant 18 : i32
        %add3A_1301 = arith.addi %mul3A_781, %add3A_1300 : i32
        %add3A_1302 = arith.constant 1 : i32
        %add3A_1303 = arith.addi %add3A_1301, %add3A_1302 : i32
        %get3A_1304 = arith.index_cast %add3A_1303 : i32 to index
        %get3A_1305 = arith.constant 16 : index
        %get3A_1306 = tpu.vector_load %arg17[%get3A_1304, %get3A_1305] {strides = array<i32>} : memref<256x64xf32, #tpu.memory_space<vmem>>, vector<16xf32>,
        %add3A_1307 = arith.addf %get3A_1299, %get3A_1306 : vector<16xf32>
        %add3A_1308 = arith.constant 18 : i32
        %add3A_1309 = arith.addi %mul3A_781, %add3A_1308 : i32
        %get3A_1310 = arith.index_cast %add3A_1309 : i32 to index
        %get3A_1311 = arith.constant 32 : index
        %get3A_1312 = tpu.vector_load %arg17[%get3A_1310, %get3A_1311] {strides = array<i32>} : memref<256x64xf32, #tpu.memory_space<vmem>>, vector<16xf32>,
        %add3A_1313 = arith.constant 18 : i32
        %add3A_1314 = arith.addi %mul3A_781, %add3A_1313 : i32
        %add3A_1315 = arith.constant 1 : i32
        %add3A_1316 = arith.addi %add3A_1314, %add3A_1315 : i32
        %get3A_1317 = arith.index_cast %add3A_1316 : i32 to index
        %get3A_1318 = arith.constant 32 : index
        %get3A_1319 = tpu.vector_load %arg17[%get3A_1317, %get3A_1318] {strides = array<i32>} : memref<256x64xf32, #tpu.memory_space<vmem>>, vector<16xf32>,
        %add3A_1320 = arith.addf %get3A_1312, %get3A_1319 : vector<16xf32>
        %add3A_1321 = arith.constant 18 : i32
        %add3A_1322 = arith.addi %mul3A_781, %add3A_1321 : i32
        %get3A_1323 = arith.index_cast %add3A_1322 : i32 to index
        %get3A_1324 = arith.constant 48 : index
        %get3A_1325 = tpu.vector_load %arg17[%get3A_1323, %get3A_1324] {strides = array<i32>} : memref<256x64xf32, #tpu.memory_space<vmem>>, vector<16xf32>,
        %add3A_1326 = arith.constant 18 : i32
        %add3A_1327 = arith.addi %mul3A_781, %add3A_1326 : i32
        %add3A_1328 = arith.constant 1 : i32
        %add3A_1329 = arith.addi %add3A_1327, %add3A_1328 : i32
        %get3A_1330 = arith.index_cast %add3A_1329 : i32 to index
        %get3A_1331 = arith.constant 48 : index
        %get3A_1332 = tpu.vector_load %arg17[%get3A_1330, %get3A_1331] {strides = array<i32>} : memref<256x64xf32, #tpu.memory_space<vmem>>, vector<16xf32>,
        %add3A_1333 = arith.addf %get3A_1325, %get3A_1332 : vector<16xf32>
        %add3A_1334 = arith.addf %add3A_1278, %add3A_1294 : vector<16xf32>
        %add3A_1335 = arith.addf %add3A_1279, %add3A_1307 : vector<16xf32>
        %add3A_1336 = arith.addf %add3A_1280, %add3A_1320 : vector<16xf32>
        %add3A_1337 = arith.addf %add3A_1281, %add3A_1333 : vector<16xf32>
        %add3A_1338 = arith.constant 20 : i32
        %add3A_1339 = arith.addi %mul3A_781, %add3A_1338 : i32
        %get3A_1340 = arith.index_cast %add3A_1339 : i32 to index
        %get3A_1341 = arith.constant 0 : index
        %get3A_1342 = tpu.vector_load %arg17[%get3A_1340, %get3A_1341] {strides = array<i32>} : memref<256x64xf32, #tpu.memory_space<vmem>>, vector<16xf32>,
        %add3A_1343 = arith.constant 20 : i32
        %add3A_1344 = arith.addi %mul3A_781, %add3A_1343 : i32
        %add3A_1345 = arith.constant 1 : i32
        %add3A_1346 = arith.addi %add3A_1344, %add3A_1345 : i32
        %get3A_1347 = arith.index_cast %add3A_1346 : i32 to index
        %get3A_1348 = arith.constant 0 : index
        %get3A_1349 = tpu.vector_load %arg17[%get3A_1347, %get3A_1348] {strides = array<i32>} : memref<256x64xf32, #tpu.memory_space<vmem>>, vector<16xf32>,
        %add3A_1350 = arith.addf %get3A_1342, %get3A_1349 : vector<16xf32>
        %add3A_1351 = arith.constant 20 : i32
        %add3A_1352 = arith.addi %mul3A_781, %add3A_1351 : i32
        %get3A_1353 = arith.index_cast %add3A_1352 : i32 to index
        %get3A_1354 = arith.constant 16 : index
        %get3A_1355 = tpu.vector_load %arg17[%get3A_1353, %get3A_1354] {strides = array<i32>} : memref<256x64xf32, #tpu.memory_space<vmem>>, vector<16xf32>,
        %add3A_1356 = arith.constant 20 : i32
        %add3A_1357 = arith.addi %mul3A_781, %add3A_1356 : i32
        %add3A_1358 = arith.constant 1 : i32
        %add3A_1359 = arith.addi %add3A_1357, %add3A_1358 : i32
        %get3A_1360 = arith.index_cast %add3A_1359 : i32 to index
        %get3A_1361 = arith.constant 16 : index
        %get3A_1362 = tpu.vector_load %arg17[%get3A_1360, %get3A_1361] {strides = array<i32>} : memref<256x64xf32, #tpu.memory_space<vmem>>, vector<16xf32>,
        %add3A_1363 = arith.addf %get3A_1355, %get3A_1362 : vector<16xf32>
        %add3A_1364 = arith.constant 20 : i32
        %add3A_1365 = arith.addi %mul3A_781, %add3A_1364 : i32
        %get3A_1366 = arith.index_cast %add3A_1365 : i32 to index
        %get3A_1367 = arith.constant 32 : index
        %get3A_1368 = tpu.vector_load %arg17[%get3A_1366, %get3A_1367] {strides = array<i32>} : memref<256x64xf32, #tpu.memory_space<vmem>>, vector<16xf32>,
        %add3A_1369 = arith.constant 20 : i32
        %add3A_1370 = arith.addi %mul3A_781, %add3A_1369 : i32
        %add3A_1371 = arith.constant 1 : i32
        %add3A_1372 = arith.addi %add3A_1370, %add3A_1371 : i32
        %get3A_1373 = arith.index_cast %add3A_1372 : i32 to index
        %get3A_1374 = arith.constant 32 : index
        %get3A_1375 = tpu.vector_load %arg17[%get3A_1373, %get3A_1374] {strides = array<i32>} : memref<256x64xf32, #tpu.memory_space<vmem>>, vector<16xf32>,
        %add3A_1376 = arith.addf %get3A_1368, %get3A_1375 : vector<16xf32>
        %add3A_1377 = arith.constant 20 : i32
        %add3A_1378 = arith.addi %mul3A_781, %add3A_1377 : i32
        %get3A_1379 = arith.index_cast %add3A_1378 : i32 to index
        %get3A_1380 = arith.constant 48 : index
        %get3A_1381 = tpu.vector_load %arg17[%get3A_1379, %get3A_1380] {strides = array<i32>} : memref<256x64xf32, #tpu.memory_space<vmem>>, vector<16xf32>,
        %add3A_1382 = arith.constant 20 : i32
        %add3A_1383 = arith.addi %mul3A_781, %add3A_1382 : i32
        %add3A_1384 = arith.constant 1 : i32
        %add3A_1385 = arith.addi %add3A_1383, %add3A_1384 : i32
        %get3A_1386 = arith.index_cast %add3A_1385 : i32 to index
        %get3A_1387 = arith.constant 48 : index
        %get3A_1388 = tpu.vector_load %arg17[%get3A_1386, %get3A_1387] {strides = array<i32>} : memref<256x64xf32, #tpu.memory_space<vmem>>, vector<16xf32>,
        %add3A_1389 = arith.addf %get3A_1381, %get3A_1388 : vector<16xf32>
        %add3A_1390 = arith.addf %add3A_1334, %add3A_1350 : vector<16xf32>
        %add3A_1391 = arith.addf %add3A_1335, %add3A_1363 : vector<16xf32>
        %add3A_1392 = arith.addf %add3A_1336, %add3A_1376 : vector<16xf32>
        %add3A_1393 = arith.addf %add3A_1337, %add3A_1389 : vector<16xf32>
        %add3A_1394 = arith.constant 22 : i32
        %add3A_1395 = arith.addi %mul3A_781, %add3A_1394 : i32
        %get3A_1396 = arith.index_cast %add3A_1395 : i32 to index
        %get3A_1397 = arith.constant 0 : index
        %get3A_1398 = tpu.vector_load %arg17[%get3A_1396, %get3A_1397] {strides = array<i32>} : memref<256x64xf32, #tpu.memory_space<vmem>>, vector<16xf32>,
        %add3A_1399 = arith.constant 22 : i32
        %add3A_1400 = arith.addi %mul3A_781, %add3A_1399 : i32
        %add3A_1401 = arith.constant 1 : i32
        %add3A_1402 = arith.addi %add3A_1400, %add3A_1401 : i32
        %get3A_1403 = arith.index_cast %add3A_1402 : i32 to index
        %get3A_1404 = arith.constant 0 : index
        %get3A_1405 = tpu.vector_load %arg17[%get3A_1403, %get3A_1404] {strides = array<i32>} : memref<256x64xf32, #tpu.memory_space<vmem>>, vector<16xf32>,
        %add3A_1406 = arith.addf %get3A_1398, %get3A_1405 : vector<16xf32>
        %add3A_1407 = arith.constant 22 : i32
        %add3A_1408 = arith.addi %mul3A_781, %add3A_1407 : i32
        %get3A_1409 = arith.index_cast %add3A_1408 : i32 to index
        %get3A_1410 = arith.constant 16 : index
        %get3A_1411 = tpu.vector_load %arg17[%get3A_1409, %get3A_1410] {strides = array<i32>} : memref<256x64xf32, #tpu.memory_space<vmem>>, vector<16xf32>,
        %add3A_1412 = arith.constant 22 : i32
        %add3A_1413 = arith.addi %mul3A_781, %add3A_1412 : i32
        %add3A_1414 = arith.constant 1 : i32
        %add3A_1415 = arith.addi %add3A_1413, %add3A_1414 : i32
        %get3A_1416 = arith.index_cast %add3A_1415 : i32 to index
        %get3A_1417 = arith.constant 16 : index
        %get3A_1418 = tpu.vector_load %arg17[%get3A_1416, %get3A_1417] {strides = array<i32>} : memref<256x64xf32, #tpu.memory_space<vmem>>, vector<16xf32>,
        %add3A_1419 = arith.addf %get3A_1411, %get3A_1418 : vector<16xf32>
        %add3A_1420 = arith.constant 22 : i32
        %add3A_1421 = arith.addi %mul3A_781, %add3A_1420 : i32
        %get3A_1422 = arith.index_cast %add3A_1421 : i32 to index
        %get3A_1423 = arith.constant 32 : index
        %get3A_1424 = tpu.vector_load %arg17[%get3A_1422, %get3A_1423] {strides = array<i32>} : memref<256x64xf32, #tpu.memory_space<vmem>>, vector<16xf32>,
        %add3A_1425 = arith.constant 22 : i32
        %add3A_1426 = arith.addi %mul3A_781, %add3A_1425 : i32
        %add3A_1427 = arith.constant 1 : i32
        %add3A_1428 = arith.addi %add3A_1426, %add3A_1427 : i32
        %get3A_1429 = arith.index_cast %add3A_1428 : i32 to index
        %get3A_1430 = arith.constant 32 : index
        %get3A_1431 = tpu.vector_load %arg17[%get3A_1429, %get3A_1430] {strides = array<i32>} : memref<256x64xf32, #tpu.memory_space<vmem>>, vector<16xf32>,
        %add3A_1432 = arith.addf %get3A_1424, %get3A_1431 : vector<16xf32>
        %add3A_1433 = arith.constant 22 : i32
        %add3A_1434 = arith.addi %mul3A_781, %add3A_1433 : i32
        %get3A_1435 = arith.index_cast %add3A_1434 : i32 to index
        %get3A_1436 = arith.constant 48 : index
        %get3A_1437 = tpu.vector_load %arg17[%get3A_1435, %get3A_1436] {strides = array<i32>} : memref<256x64xf32, #tpu.memory_space<vmem>>, vector<16xf32>,
        %add3A_1438 = arith.constant 22 : i32
        %add3A_1439 = arith.addi %mul3A_781, %add3A_1438 : i32
        %add3A_1440 = arith.constant 1 : i32
        %add3A_1441 = arith.addi %add3A_1439, %add3A_1440 : i32
        %get3A_1442 = arith.index_cast %add3A_1441 : i32 to index
        %get3A_1443 = arith.constant 48 : index
        %get3A_1444 = tpu.vector_load %arg17[%get3A_1442, %get3A_1443] {strides = array<i32>} : memref<256x64xf32, #tpu.memory_space<vmem>>, vector<16xf32>,
        %add3A_1445 = arith.addf %get3A_1437, %get3A_1444 : vector<16xf32>
        %add3A_1446 = arith.addf %add3A_1390, %add3A_1406 : vector<16xf32>
        %add3A_1447 = arith.addf %add3A_1391, %add3A_1419 : vector<16xf32>
        %add3A_1448 = arith.addf %add3A_1392, %add3A_1432 : vector<16xf32>
        %add3A_1449 = arith.addf %add3A_1393, %add3A_1445 : vector<16xf32>
        %add3A_1450 = arith.constant 24 : i32
        %add3A_1451 = arith.addi %mul3A_781, %add3A_1450 : i32
        %get3A_1452 = arith.index_cast %add3A_1451 : i32 to index
        %get3A_1453 = arith.constant 0 : index
        %get3A_1454 = tpu.vector_load %arg17[%get3A_1452, %get3A_1453] {strides = array<i32>} : memref<256x64xf32, #tpu.memory_space<vmem>>, vector<16xf32>,
        %add3A_1455 = arith.constant 24 : i32
        %add3A_1456 = arith.addi %mul3A_781, %add3A_1455 : i32
        %add3A_1457 = arith.constant 1 : i32
        %add3A_1458 = arith.addi %add3A_1456, %add3A_1457 : i32
        %get3A_1459 = arith.index_cast %add3A_1458 : i32 to index
        %get3A_1460 = arith.constant 0 : index
        %get3A_1461 = tpu.vector_load %arg17[%get3A_1459, %get3A_1460] {strides = array<i32>} : memref<256x64xf32, #tpu.memory_space<vmem>>, vector<16xf32>,
        %add3A_1462 = arith.addf %get3A_1454, %get3A_1461 : vector<16xf32>
        %add3A_1463 = arith.constant 24 : i32
        %add3A_1464 = arith.addi %mul3A_781, %add3A_1463 : i32
        %get3A_1465 = arith.index_cast %add3A_1464 : i32 to index
        %get3A_1466 = arith.constant 16 : index
        %get3A_1467 = tpu.vector_load %arg17[%get3A_1465, %get3A_1466] {strides = array<i32>} : memref<256x64xf32, #tpu.memory_space<vmem>>, vector<16xf32>,
        %add3A_1468 = arith.constant 24 : i32
        %add3A_1469 = arith.addi %mul3A_781, %add3A_1468 : i32
        %add3A_1470 = arith.constant 1 : i32
        %add3A_1471 = arith.addi %add3A_1469, %add3A_1470 : i32
        %get3A_1472 = arith.index_cast %add3A_1471 : i32 to index
        %get3A_1473 = arith.constant 16 : index
        %get3A_1474 = tpu.vector_load %arg17[%get3A_1472, %get3A_1473] {strides = array<i32>} : memref<256x64xf32, #tpu.memory_space<vmem>>, vector<16xf32>,
        %add3A_1475 = arith.addf %get3A_1467, %get3A_1474 : vector<16xf32>
        %add3A_1476 = arith.constant 24 : i32
        %add3A_1477 = arith.addi %mul3A_781, %add3A_1476 : i32
        %get3A_1478 = arith.index_cast %add3A_1477 : i32 to index
        %get3A_1479 = arith.constant 32 : index
        %get3A_1480 = tpu.vector_load %arg17[%get3A_1478, %get3A_1479] {strides = array<i32>} : memref<256x64xf32, #tpu.memory_space<vmem>>, vector<16xf32>,
        %add3A_1481 = arith.constant 24 : i32
        %add3A_1482 = arith.addi %mul3A_781, %add3A_1481 : i32
        %add3A_1483 = arith.constant 1 : i32
        %add3A_1484 = arith.addi %add3A_1482, %add3A_1483 : i32
        %get3A_1485 = arith.index_cast %add3A_1484 : i32 to index
        %get3A_1486 = arith.constant 32 : index
        %get3A_1487 = tpu.vector_load %arg17[%get3A_1485, %get3A_1486] {strides = array<i32>} : memref<256x64xf32, #tpu.memory_space<vmem>>, vector<16xf32>,
        %add3A_1488 = arith.addf %get3A_1480, %get3A_1487 : vector<16xf32>
        %add3A_1489 = arith.constant 24 : i32
        %add3A_1490 = arith.addi %mul3A_781, %add3A_1489 : i32
        %get3A_1491 = arith.index_cast %add3A_1490 : i32 to index
        %get3A_1492 = arith.constant 48 : index
        %get3A_1493 = tpu.vector_load %arg17[%get3A_1491, %get3A_1492] {strides = array<i32>} : memref<256x64xf32, #tpu.memory_space<vmem>>, vector<16xf32>,
        %add3A_1494 = arith.constant 24 : i32
        %add3A_1495 = arith.addi %mul3A_781, %add3A_1494 : i32
        %add3A_1496 = arith.constant 1 : i32
        %add3A_1497 = arith.addi %add3A_1495, %add3A_1496 : i32
        %get3A_1498 = arith.index_cast %add3A_1497 : i32 to index
        %get3A_1499 = arith.constant 48 : index
        %get3A_1500 = tpu.vector_load %arg17[%get3A_1498, %get3A_1499] {strides = array<i32>} : memref<256x64xf32, #tpu.memory_space<vmem>>, vector<16xf32>,
        %add3A_1501 = arith.addf %get3A_1493, %get3A_1500 : vector<16xf32>
        %add3A_1502 = arith.addf %add3A_1446, %add3A_1462 : vector<16xf32>
        %add3A_1503 = arith.addf %add3A_1447, %add3A_1475 : vector<16xf32>
        %add3A_1504 = arith.addf %add3A_1448, %add3A_1488 : vector<16xf32>
        %add3A_1505 = arith.addf %add3A_1449, %add3A_1501 : vector<16xf32>
        %add3A_1506 = arith.constant 26 : i32
        %add3A_1507 = arith.addi %mul3A_781, %add3A_1506 : i32
        %get3A_1508 = arith.index_cast %add3A_1507 : i32 to index
        %get3A_1509 = arith.constant 0 : index
        %get3A_1510 = tpu.vector_load %arg17[%get3A_1508, %get3A_1509] {strides = array<i32>} : memref<256x64xf32, #tpu.memory_space<vmem>>, vector<16xf32>,
        %add3A_1511 = arith.constant 26 : i32
        %add3A_1512 = arith.addi %mul3A_781, %add3A_1511 : i32
        %add3A_1513 = arith.constant 1 : i32
        %add3A_1514 = arith.addi %add3A_1512, %add3A_1513 : i32
        %get3A_1515 = arith.index_cast %add3A_1514 : i32 to index
        %get3A_1516 = arith.constant 0 : index
        %get3A_1517 = tpu.vector_load %arg17[%get3A_1515, %get3A_1516] {strides = array<i32>} : memref<256x64xf32, #tpu.memory_space<vmem>>, vector<16xf32>,
        %add3A_1518 = arith.addf %get3A_1510, %get3A_1517 : vector<16xf32>
        %add3A_1519 = arith.constant 26 : i32
        %add3A_1520 = arith.addi %mul3A_781, %add3A_1519 : i32
        %get3A_1521 = arith.index_cast %add3A_1520 : i32 to index
        %get3A_1522 = arith.constant 16 : index
        %get3A_1523 = tpu.vector_load %arg17[%get3A_1521, %get3A_1522] {strides = array<i32>} : memref<256x64xf32, #tpu.memory_space<vmem>>, vector<16xf32>,
        %add3A_1524 = arith.constant 26 : i32
        %add3A_1525 = arith.addi %mul3A_781, %add3A_1524 : i32
        %add3A_1526 = arith.constant 1 : i32
        %add3A_1527 = arith.addi %add3A_1525, %add3A_1526 : i32
        %get3A_1528 = arith.index_cast %add3A_1527 : i32 to index
        %get3A_1529 = arith.constant 16 : index
        %get3A_1530 = tpu.vector_load %arg17[%get3A_1528, %get3A_1529] {strides = array<i32>} : memref<256x64xf32, #tpu.memory_space<vmem>>, vector<16xf32>,
        %add3A_1531 = arith.addf %get3A_1523, %get3A_1530 : vector<16xf32>
        %add3A_1532 = arith.constant 26 : i32
        %add3A_1533 = arith.addi %mul3A_781, %add3A_1532 : i32
        %get3A_1534 = arith.index_cast %add3A_1533 : i32 to index
        %get3A_1535 = arith.constant 32 : index
        %get3A_1536 = tpu.vector_load %arg17[%get3A_1534, %get3A_1535] {strides = array<i32>} : memref<256x64xf32, #tpu.memory_space<vmem>>, vector<16xf32>,
        %add3A_1537 = arith.constant 26 : i32
        %add3A_1538 = arith.addi %mul3A_781, %add3A_1537 : i32
        %add3A_1539 = arith.constant 1 : i32
        %add3A_1540 = arith.addi %add3A_1538, %add3A_1539 : i32
        %get3A_1541 = arith.index_cast %add3A_1540 : i32 to index
        %get3A_1542 = arith.constant 32 : index
        %get3A_1543 = tpu.vector_load %arg17[%get3A_1541, %get3A_1542] {strides = array<i32>} : memref<256x64xf32, #tpu.memory_space<vmem>>, vector<16xf32>,
        %add3A_1544 = arith.addf %get3A_1536, %get3A_1543 : vector<16xf32>
        %add3A_1545 = arith.constant 26 : i32
        %add3A_1546 = arith.addi %mul3A_781, %add3A_1545 : i32
        %get3A_1547 = arith.index_cast %add3A_1546 : i32 to index
        %get3A_1548 = arith.constant 48 : index
        %get3A_1549 = tpu.vector_load %arg17[%get3A_1547, %get3A_1548] {strides = array<i32>} : memref<256x64xf32, #tpu.memory_space<vmem>>, vector<16xf32>,
        %add3A_1550 = arith.constant 26 : i32
        %add3A_1551 = arith.addi %mul3A_781, %add3A_1550 : i32
        %add3A_1552 = arith.constant 1 : i32
        %add3A_1553 = arith.addi %add3A_1551, %add3A_1552 : i32
        %get3A_1554 = arith.index_cast %add3A_1553 : i32 to index
        %get3A_1555 = arith.constant 48 : index
        %get3A_1556 = tpu.vector_load %arg17[%get3A_1554, %get3A_1555] {strides = array<i32>} : memref<256x64xf32, #tpu.memory_space<vmem>>, vector<16xf32>,
        %add3A_1557 = arith.addf %get3A_1549, %get3A_1556 : vector<16xf32>
        %add3A_1558 = arith.addf %add3A_1502, %add3A_1518 : vector<16xf32>
        %add3A_1559 = arith.addf %add3A_1503, %add3A_1531 : vector<16xf32>
        %add3A_1560 = arith.addf %add3A_1504, %add3A_1544 : vector<16xf32>
        %add3A_1561 = arith.addf %add3A_1505, %add3A_1557 : vector<16xf32>
        %add3A_1562 = arith.constant 28 : i32
        %add3A_1563 = arith.addi %mul3A_781, %add3A_1562 : i32
        %get3A_1564 = arith.index_cast %add3A_1563 : i32 to index
        %get3A_1565 = arith.constant 0 : index
        %get3A_1566 = tpu.vector_load %arg17[%get3A_1564, %get3A_1565] {strides = array<i32>} : memref<256x64xf32, #tpu.memory_space<vmem>>, vector<16xf32>,
        %add3A_1567 = arith.constant 28 : i32
        %add3A_1568 = arith.addi %mul3A_781, %add3A_1567 : i32
        %add3A_1569 = arith.constant 1 : i32
        %add3A_1570 = arith.addi %add3A_1568, %add3A_1569 : i32
        %get3A_1571 = arith.index_cast %add3A_1570 : i32 to index
        %get3A_1572 = arith.constant 0 : index
        %get3A_1573 = tpu.vector_load %arg17[%get3A_1571, %get3A_1572] {strides = array<i32>} : memref<256x64xf32, #tpu.memory_space<vmem>>, vector<16xf32>,
        %add3A_1574 = arith.addf %get3A_1566, %get3A_1573 : vector<16xf32>
        %add3A_1575 = arith.constant 28 : i32
        %add3A_1576 = arith.addi %mul3A_781, %add3A_1575 : i32
        %get3A_1577 = arith.index_cast %add3A_1576 : i32 to index
        %get3A_1578 = arith.constant 16 : index
        %get3A_1579 = tpu.vector_load %arg17[%get3A_1577, %get3A_1578] {strides = array<i32>} : memref<256x64xf32, #tpu.memory_space<vmem>>, vector<16xf32>,
        %add3A_1580 = arith.constant 28 : i32
        %add3A_1581 = arith.addi %mul3A_781, %add3A_1580 : i32
        %add3A_1582 = arith.constant 1 : i32
        %add3A_1583 = arith.addi %add3A_1581, %add3A_1582 : i32
        %get3A_1584 = arith.index_cast %add3A_1583 : i32 to index
        %get3A_1585 = arith.constant 16 : index
        %get3A_1586 = tpu.vector_load %arg17[%get3A_1584, %get3A_1585] {strides = array<i32>} : memref<256x64xf32, #tpu.memory_space<vmem>>, vector<16xf32>,
        %add3A_1587 = arith.addf %get3A_1579, %get3A_1586 : vector<16xf32>
        %add3A_1588 = arith.constant 28 : i32
        %add3A_1589 = arith.addi %mul3A_781, %add3A_1588 : i32
        %get3A_1590 = arith.index_cast %add3A_1589 : i32 to index
        %get3A_1591 = arith.constant 32 : index
        %get3A_1592 = tpu.vector_load %arg17[%get3A_1590, %get3A_1591] {strides = array<i32>} : memref<256x64xf32, #tpu.memory_space<vmem>>, vector<16xf32>,
        %add3A_1593 = arith.constant 28 : i32
        %add3A_1594 = arith.addi %mul3A_781, %add3A_1593 : i32
        %add3A_1595 = arith.constant 1 : i32
        %add3A_1596 = arith.addi %add3A_1594, %add3A_1595 : i32
        %get3A_1597 = arith.index_cast %add3A_1596 : i32 to index
        %get3A_1598 = arith.constant 32 : index
        %get3A_1599 = tpu.vector_load %arg17[%get3A_1597, %get3A_1598] {strides = array<i32>} : memref<256x64xf32, #tpu.memory_space<vmem>>, vector<16xf32>,
        %add3A_1600 = arith.addf %get3A_1592, %get3A_1599 : vector<16xf32>
        %add3A_1601 = arith.constant 28 : i32
        %add3A_1602 = arith.addi %mul3A_781, %add3A_1601 : i32
        %get3A_1603 = arith.index_cast %add3A_1602 : i32 to index
        %get3A_1604 = arith.constant 48 : index
        %get3A_1605 = tpu.vector_load %arg17[%get3A_1603, %get3A_1604] {strides = array<i32>} : memref<256x64xf32, #tpu.memory_space<vmem>>, vector<16xf32>,
        %add3A_1606 = arith.constant 28 : i32
        %add3A_1607 = arith.addi %mul3A_781, %add3A_1606 : i32
        %add3A_1608 = arith.constant 1 : i32
        %add3A_1609 = arith.addi %add3A_1607, %add3A_1608 : i32
        %get3A_1610 = arith.index_cast %add3A_1609 : i32 to index
        %get3A_1611 = arith.constant 48 : index
        %get3A_1612 = tpu.vector_load %arg17[%get3A_1610, %get3A_1611] {strides = array<i32>} : memref<256x64xf32, #tpu.memory_space<vmem>>, vector<16xf32>,
        %add3A_1613 = arith.addf %get3A_1605, %get3A_1612 : vector<16xf32>
        %add3A_1614 = arith.addf %add3A_1558, %add3A_1574 : vector<16xf32>
        %add3A_1615 = arith.addf %add3A_1559, %add3A_1587 : vector<16xf32>
        %add3A_1616 = arith.addf %add3A_1560, %add3A_1600 : vector<16xf32>
        %add3A_1617 = arith.addf %add3A_1561, %add3A_1613 : vector<16xf32>
        %add3A_1618 = arith.constant 30 : i32
        %add3A_1619 = arith.addi %mul3A_781, %add3A_1618 : i32
        %get3A_1620 = arith.index_cast %add3A_1619 : i32 to index
        %get3A_1621 = arith.constant 0 : index
        %get3A_1622 = tpu.vector_load %arg17[%get3A_1620, %get3A_1621] {strides = array<i32>} : memref<256x64xf32, #tpu.memory_space<vmem>>, vector<16xf32>,
        %add3A_1623 = arith.constant 30 : i32
        %add3A_1624 = arith.addi %mul3A_781, %add3A_1623 : i32
        %add3A_1625 = arith.constant 1 : i32
        %add3A_1626 = arith.addi %add3A_1624, %add3A_1625 : i32
        %get3A_1627 = arith.index_cast %add3A_1626 : i32 to index
        %get3A_1628 = arith.constant 0 : index
        %get3A_1629 = tpu.vector_load %arg17[%get3A_1627, %get3A_1628] {strides = array<i32>} : memref<256x64xf32, #tpu.memory_space<vmem>>, vector<16xf32>,
        %add3A_1630 = arith.addf %get3A_1622, %get3A_1629 : vector<16xf32>
        %add3A_1631 = arith.constant 30 : i32
        %add3A_1632 = arith.addi %mul3A_781, %add3A_1631 : i32
        %get3A_1633 = arith.index_cast %add3A_1632 : i32 to index
        %get3A_1634 = arith.constant 16 : index
        %get3A_1635 = tpu.vector_load %arg17[%get3A_1633, %get3A_1634] {strides = array<i32>} : memref<256x64xf32, #tpu.memory_space<vmem>>, vector<16xf32>,
        %add3A_1636 = arith.constant 30 : i32
        %add3A_1637 = arith.addi %mul3A_781, %add3A_1636 : i32
        %add3A_1638 = arith.constant 1 : i32
        %add3A_1639 = arith.addi %add3A_1637, %add3A_1638 : i32
        %get3A_1640 = arith.index_cast %add3A_1639 : i32 to index
        %get3A_1641 = arith.constant 16 : index
        %get3A_1642 = tpu.vector_load %arg17[%get3A_1640, %get3A_1641] {strides = array<i32>} : memref<256x64xf32, #tpu.memory_space<vmem>>, vector<16xf32>,
        %add3A_1643 = arith.addf %get3A_1635, %get3A_1642 : vector<16xf32>
        %add3A_1644 = arith.constant 30 : i32
        %add3A_1645 = arith.addi %mul3A_781, %add3A_1644 : i32
        %get3A_1646 = arith.index_cast %add3A_1645 : i32 to index
        %get3A_1647 = arith.constant 32 : index
        %get3A_1648 = tpu.vector_load %arg17[%get3A_1646, %get3A_1647] {strides = array<i32>} : memref<256x64xf32, #tpu.memory_space<vmem>>, vector<16xf32>,
        %add3A_1649 = arith.constant 30 : i32
        %add3A_1650 = arith.addi %mul3A_781, %add3A_1649 : i32
        %add3A_1651 = arith.constant 1 : i32
        %add3A_1652 = arith.addi %add3A_1650, %add3A_1651 : i32
        %get3A_1653 = arith.index_cast %add3A_1652 : i32 to index
        %get3A_1654 = arith.constant 32 : index
        %get3A_1655 = tpu.vector_load %arg17[%get3A_1653, %get3A_1654] {strides = array<i32>} : memref<256x64xf32, #tpu.memory_space<vmem>>, vector<16xf32>,
        %add3A_1656 = arith.addf %get3A_1648, %get3A_1655 : vector<16xf32>
        %add3A_1657 = arith.constant 30 : i32
        %add3A_1658 = arith.addi %mul3A_781, %add3A_1657 : i32
        %get3A_1659 = arith.index_cast %add3A_1658 : i32 to index
        %get3A_1660 = arith.constant 48 : index
        %get3A_1661 = tpu.vector_load %arg17[%get3A_1659, %get3A_1660] {strides = array<i32>} : memref<256x64xf32, #tpu.memory_space<vmem>>, vector<16xf32>,
        %add3A_1662 = arith.constant 30 : i32
        %add3A_1663 = arith.addi %mul3A_781, %add3A_1662 : i32
        %add3A_1664 = arith.constant 1 : i32
        %add3A_1665 = arith.addi %add3A_1663, %add3A_1664 : i32
        %get3A_1666 = arith.index_cast %add3A_1665 : i32 to index
        %get3A_1667 = arith.constant 48 : index
        %get3A_1668 = tpu.vector_load %arg17[%get3A_1666, %get3A_1667] {strides = array<i32>} : memref<256x64xf32, #tpu.memory_space<vmem>>, vector<16xf32>,
        %add3A_1669 = arith.addf %get3A_1661, %get3A_1668 : vector<16xf32>
        %add3A_1670 = arith.addf %add3A_1614, %add3A_1630 : vector<16xf32>
        %add3A_1671 = arith.addf %add3A_1615, %add3A_1643 : vector<16xf32>
        %add3A_1672 = arith.addf %add3A_1616, %add3A_1656 : vector<16xf32>
        %add3A_1673 = arith.addf %add3A_1617, %add3A_1669 : vector<16xf32>
        %get3A_1674 = arith.index_cast %scan3A_334 : i32 to index
        %get3A_1675 = arith.constant 0 : index
        %get3A_1676 = tpu.vector_load %arg15[%get3A_1674, %get3A_1675] {strides = array<i32>} : memref<8x128xf32, #tpu.memory_space<vmem>>, vector<16xf32>,
        %mul3A_1677 = arith.constant 1.250000e-01 : f32
        %mul3A_1678 = vector.broadcast %mul3A_1677 : f32 to vector<16xf32>
        %mul3A_1679 = arith.mulf %add3A_776, %mul3A_1678 : vector<16xf32>
        %add3A_1680 = arith.addf %get3A_1676, %mul3A_1679 : vector<16xf32>
        %mul3A_1681 = arith.constant 0.333333343 : f32
        %mul3A_1682 = vector.broadcast %mul3A_1681 : f32 to vector<16xf32>
        %mul3A_1683 = arith.mulf %add3A_1680, %mul3A_1682 : vector<16xf32>
        %get3A_1684 = arith.index_cast %scan3A_334 : i32 to index
        %get3A_1685 = arith.constant 16 : index
        %get3A_1686 = tpu.vector_load %arg15[%get3A_1684, %get3A_1685] {strides = array<i32>} : memref<8x128xf32, #tpu.memory_space<vmem>>, vector<16xf32>,
        %mul3A_1687 = arith.constant 1.250000e-01 : f32
        %mul3A_1688 = vector.broadcast %mul3A_1687 : f32 to vector<16xf32>
        %mul3A_1689 = arith.mulf %add3A_777, %mul3A_1688 : vector<16xf32>
        %add3A_1690 = arith.addf %get3A_1686, %mul3A_1689 : vector<16xf32>
        %mul3A_1691 = arith.constant 0.333333343 : f32
        %mul3A_1692 = vector.broadcast %mul3A_1691 : f32 to vector<16xf32>
        %mul3A_1693 = arith.mulf %add3A_1690, %mul3A_1692 : vector<16xf32>
        %get3A_1694 = arith.index_cast %scan3A_334 : i32 to index
        %get3A_1695 = arith.constant 32 : index
        %get3A_1696 = tpu.vector_load %arg15[%get3A_1694, %get3A_1695] {strides = array<i32>} : memref<8x128xf32, #tpu.memory_space<vmem>>, vector<16xf32>,
        %mul3A_1697 = arith.constant 1.250000e-01 : f32
        %mul3A_1698 = vector.broadcast %mul3A_1697 : f32 to vector<16xf32>
        %mul3A_1699 = arith.mulf %add3A_778, %mul3A_1698 : vector<16xf32>
        %add3A_1700 = arith.addf %get3A_1696, %mul3A_1699 : vector<16xf32>
        %mul3A_1701 = arith.constant 0.333333343 : f32
        %mul3A_1702 = vector.broadcast %mul3A_1701 : f32 to vector<16xf32>
        %mul3A_1703 = arith.mulf %add3A_1700, %mul3A_1702 : vector<16xf32>
        %get3A_1704 = arith.index_cast %scan3A_334 : i32 to index
        %get3A_1705 = arith.constant 48 : index
        %get3A_1706 = tpu.vector_load %arg15[%get3A_1704, %get3A_1705] {strides = array<i32>} : memref<8x128xf32, #tpu.memory_space<vmem>>, vector<16xf32>,
        %mul3A_1707 = arith.constant 1.250000e-01 : f32
        %mul3A_1708 = vector.broadcast %mul3A_1707 : f32 to vector<16xf32>
        %mul3A_1709 = arith.mulf %add3A_779, %mul3A_1708 : vector<16xf32>
        %add3A_1710 = arith.addf %get3A_1706, %mul3A_1709 : vector<16xf32>
        %mul3A_1711 = arith.constant 0.333333343 : f32
        %mul3A_1712 = vector.broadcast %mul3A_1711 : f32 to vector<16xf32>
        %mul3A_1713 = arith.mulf %add3A_1710, %mul3A_1712 : vector<16xf32>
        %get3A_1714 = arith.index_cast %scan3A_334 : i32 to index
        %get3A_1715 = arith.constant 64 : index
        %get3A_1716 = tpu.vector_load %arg15[%get3A_1714, %get3A_1715] {strides = array<i32>} : memref<8x128xf32, #tpu.memory_space<vmem>>, vector<16xf32>,
        %mul3A_1717 = arith.constant 6.250000e-02 : f32
        %mul3A_1718 = vector.broadcast %mul3A_1717 : f32 to vector<16xf32>
        %mul3A_1719 = arith.mulf %add3A_1670, %mul3A_1718 : vector<16xf32>
        %add3A_1720 = arith.addf %get3A_1716, %mul3A_1719 : vector<16xf32>
        %mul3A_1721 = arith.constant 0.333333343 : f32
        %mul3A_1722 = vector.broadcast %mul3A_1721 : f32 to vector<16xf32>
        %mul3A_1723 = arith.mulf %add3A_1720, %mul3A_1722 : vector<16xf32>
        %get3A_1724 = arith.index_cast %scan3A_334 : i32 to index
        %get3A_1725 = arith.constant 80 : index
        %get3A_1726 = tpu.vector_load %arg15[%get3A_1724, %get3A_1725] {strides = array<i32>} : memref<8x128xf32, #tpu.memory_space<vmem>>, vector<16xf32>,
        %mul3A_1727 = arith.constant 6.250000e-02 : f32
        %mul3A_1728 = vector.broadcast %mul3A_1727 : f32 to vector<16xf32>
        %mul3A_1729 = arith.mulf %add3A_1671, %mul3A_1728 : vector<16xf32>
        %add3A_1730 = arith.addf %get3A_1726, %mul3A_1729 : vector<16xf32>
        %mul3A_1731 = arith.constant 0.333333343 : f32
        %mul3A_1732 = vector.broadcast %mul3A_1731 : f32 to vector<16xf32>
        %mul3A_1733 = arith.mulf %add3A_1730, %mul3A_1732 : vector<16xf32>
        %get3A_1734 = arith.index_cast %scan3A_334 : i32 to index
        %get3A_1735 = arith.constant 96 : index
        %get3A_1736 = tpu.vector_load %arg15[%get3A_1734, %get3A_1735] {strides = array<i32>} : memref<8x128xf32, #tpu.memory_space<vmem>>, vector<16xf32>,
        %mul3A_1737 = arith.constant 6.250000e-02 : f32
        %mul3A_1738 = vector.broadcast %mul3A_1737 : f32 to vector<16xf32>
        %mul3A_1739 = arith.mulf %add3A_1672, %mul3A_1738 : vector<16xf32>
        %add3A_1740 = arith.addf %get3A_1736, %mul3A_1739 : vector<16xf32>
        %mul3A_1741 = arith.constant 0.333333343 : f32
        %mul3A_1742 = vector.broadcast %mul3A_1741 : f32 to vector<16xf32>
        %mul3A_1743 = arith.mulf %add3A_1740, %mul3A_1742 : vector<16xf32>
        %get3A_1744 = arith.index_cast %scan3A_334 : i32 to index
        %get3A_1745 = arith.constant 112 : index
        %get3A_1746 = tpu.vector_load %arg15[%get3A_1744, %get3A_1745] {strides = array<i32>} : memref<8x128xf32, #tpu.memory_space<vmem>>, vector<16xf32>,
        %mul3A_1747 = arith.constant 6.250000e-02 : f32
        %mul3A_1748 = vector.broadcast %mul3A_1747 : f32 to vector<16xf32>
        %mul3A_1749 = arith.mulf %add3A_1673, %mul3A_1748 : vector<16xf32>
        %add3A_1750 = arith.addf %get3A_1746, %mul3A_1749 : vector<16xf32>
        %mul3A_1751 = arith.constant 0.333333343 : f32
        %mul3A_1752 = vector.broadcast %mul3A_1751 : f32 to vector<16xf32>
        %mul3A_1753 = arith.mulf %add3A_1750, %mul3A_1752 : vector<16xf32>
        %mul3A_1754 = arith.constant 3 : i32
        %mul3A_1755 = arith.muli %scan3A_334, %mul3A_1754 : i32
        %add3A_1756 = arith.constant 0 : i32
        %add3A_1757 = arith.addi %mul3A_1755, %add3A_1756 : i32
        %mul3A_1758 = arith.constant 3 : i32
        %mul3A_1759 = arith.muli %scan3A_334, %mul3A_1758 : i32
        %add3A_1760 = arith.constant 1 : i32
        %add3A_1761 = arith.addi %mul3A_1759, %add3A_1760 : i32
        %mul3A_1762 = arith.constant 3 : i32
        %mul3A_1763 = arith.muli %scan3A_334, %mul3A_1762 : i32
        %add3A_1764 = arith.constant 2 : i32
        %add3A_1765 = arith.addi %mul3A_1763, %add3A_1764 : i32
        %mul3A_1766 = arith.constant 25 : i32
        %mul3A_1767 = arith.muli %scan3A_334, %mul3A_1766 : i32
        %get3A_1768 = arith.index_cast %add3A_1757 : i32 to index
        %get3A_1769 = arith.constant 0 : index
        %get3A_1770 = tpu.vector_load %arg18[%get3A_1768, %get3A_1769] {strides = array<i32>} : memref<24x128xf32, #tpu.memory_space<vmem>>, vector<16xf32>,
        %mul3A_1771 = arith.mulf %get3A_1770, %mul3A_1683 : vector<16xf32>
        %get3A_1772 = arith.index_cast %add3A_1757 : i32 to index
        %get3A_1773 = arith.constant 16 : index
        %get3A_1774 = tpu.vector_load %arg18[%get3A_1772, %get3A_1773] {strides = array<i32>} : memref<24x128xf32, #tpu.memory_space<vmem>>, vector<16xf32>,
        %mul3A_1775 = arith.mulf %get3A_1774, %mul3A_1693 : vector<16xf32>
        %add3A_1776 = arith.addf %mul3A_1771, %mul3A_1775 : vector<16xf32>
        %get3A_1777 = arith.index_cast %add3A_1757 : i32 to index
        %get3A_1778 = arith.constant 32 : index
        %get3A_1779 = tpu.vector_load %arg18[%get3A_1777, %get3A_1778] {strides = array<i32>} : memref<24x128xf32, #tpu.memory_space<vmem>>, vector<16xf32>,
        %mul3A_1780 = arith.mulf %get3A_1779, %mul3A_1703 : vector<16xf32>
        %get3A_1781 = arith.index_cast %add3A_1757 : i32 to index
        %get3A_1782 = arith.constant 48 : index
        %get3A_1783 = tpu.vector_load %arg18[%get3A_1781, %get3A_1782] {strides = array<i32>} : memref<24x128xf32, #tpu.memory_space<vmem>>, vector<16xf32>,
        %mul3A_1784 = arith.mulf %get3A_1783, %mul3A_1713 : vector<16xf32>
        %add3A_1785 = arith.addf %mul3A_1780, %mul3A_1784 : vector<16xf32>
        %get3A_1786 = arith.index_cast %add3A_1757 : i32 to index
        %get3A_1787 = arith.constant 64 : index
        %get3A_1788 = tpu.vector_load %arg18[%get3A_1786, %get3A_1787] {strides = array<i32>} : memref<24x128xf32, #tpu.memory_space<vmem>>, vector<16xf32>,
        %mul3A_1789 = arith.mulf %get3A_1788, %mul3A_1723 : vector<16xf32>
        %get3A_1790 = arith.index_cast %add3A_1757 : i32 to index
        %get3A_1791 = arith.constant 80 : index
        %get3A_1792 = tpu.vector_load %arg18[%get3A_1790, %get3A_1791] {strides = array<i32>} : memref<24x128xf32, #tpu.memory_space<vmem>>, vector<16xf32>,
        %mul3A_1793 = arith.mulf %get3A_1792, %mul3A_1733 : vector<16xf32>
        %add3A_1794 = arith.addf %mul3A_1789, %mul3A_1793 : vector<16xf32>
        %get3A_1795 = arith.index_cast %add3A_1757 : i32 to index
        %get3A_1796 = arith.constant 96 : index
        %get3A_1797 = tpu.vector_load %arg18[%get3A_1795, %get3A_1796] {strides = array<i32>} : memref<24x128xf32, #tpu.memory_space<vmem>>, vector<16xf32>,
        %mul3A_1798 = arith.mulf %get3A_1797, %mul3A_1743 : vector<16xf32>
        %get3A_1799 = arith.index_cast %add3A_1757 : i32 to index
        %get3A_1800 = arith.constant 112 : index
        %get3A_1801 = tpu.vector_load %arg18[%get3A_1799, %get3A_1800] {strides = array<i32>} : memref<24x128xf32, #tpu.memory_space<vmem>>, vector<16xf32>,
        %mul3A_1802 = arith.mulf %get3A_1801, %mul3A_1753 : vector<16xf32>
        %add3A_1803 = arith.addf %mul3A_1798, %mul3A_1802 : vector<16xf32>
        %add3A_1804 = arith.addf %add3A_1776, %add3A_1785 : vector<16xf32>
        %add3A_1805 = arith.addf %add3A_1794, %add3A_1803 : vector<16xf32>
        %add3A_1806 = arith.addf %add3A_1804, %add3A_1805 : vector<16xf32>
        %get3A_1807 = arith.index_cast %add3A_1761 : i32 to index
        %get3A_1808 = arith.constant 0 : index
        %get3A_1809 = tpu.vector_load %arg18[%get3A_1807, %get3A_1808] {strides = array<i32>} : memref<24x128xf32, #tpu.memory_space<vmem>>, vector<16xf32>,
        %mul3A_1810 = arith.mulf %get3A_1809, %mul3A_1683 : vector<16xf32>
        %get3A_1811 = arith.index_cast %add3A_1761 : i32 to index
        %get3A_1812 = arith.constant 16 : index
        %get3A_1813 = tpu.vector_load %arg18[%get3A_1811, %get3A_1812] {strides = array<i32>} : memref<24x128xf32, #tpu.memory_space<vmem>>, vector<16xf32>,
        %mul3A_1814 = arith.mulf %get3A_1813, %mul3A_1693 : vector<16xf32>
        %add3A_1815 = arith.addf %mul3A_1810, %mul3A_1814 : vector<16xf32>
        %get3A_1816 = arith.index_cast %add3A_1761 : i32 to index
        %get3A_1817 = arith.constant 32 : index
        %get3A_1818 = tpu.vector_load %arg18[%get3A_1816, %get3A_1817] {strides = array<i32>} : memref<24x128xf32, #tpu.memory_space<vmem>>, vector<16xf32>,
        %mul3A_1819 = arith.mulf %get3A_1818, %mul3A_1703 : vector<16xf32>
        %get3A_1820 = arith.index_cast %add3A_1761 : i32 to index
        %get3A_1821 = arith.constant 48 : index
        %get3A_1822 = tpu.vector_load %arg18[%get3A_1820, %get3A_1821] {strides = array<i32>} : memref<24x128xf32, #tpu.memory_space<vmem>>, vector<16xf32>,
        %mul3A_1823 = arith.mulf %get3A_1822, %mul3A_1713 : vector<16xf32>
        %add3A_1824 = arith.addf %mul3A_1819, %mul3A_1823 : vector<16xf32>
        %get3A_1825 = arith.index_cast %add3A_1761 : i32 to index
        %get3A_1826 = arith.constant 64 : index
        %get3A_1827 = tpu.vector_load %arg18[%get3A_1825, %get3A_1826] {strides = array<i32>} : memref<24x128xf32, #tpu.memory_space<vmem>>, vector<16xf32>,
        %mul3A_1828 = arith.mulf %get3A_1827, %mul3A_1723 : vector<16xf32>
        %get3A_1829 = arith.index_cast %add3A_1761 : i32 to index
        %get3A_1830 = arith.constant 80 : index
        %get3A_1831 = tpu.vector_load %arg18[%get3A_1829, %get3A_1830] {strides = array<i32>} : memref<24x128xf32, #tpu.memory_space<vmem>>, vector<16xf32>,
        %mul3A_1832 = arith.mulf %get3A_1831, %mul3A_1733 : vector<16xf32>
        %add3A_1833 = arith.addf %mul3A_1828, %mul3A_1832 : vector<16xf32>
        %get3A_1834 = arith.index_cast %add3A_1761 : i32 to index
        %get3A_1835 = arith.constant 96 : index
        %get3A_1836 = tpu.vector_load %arg18[%get3A_1834, %get3A_1835] {strides = array<i32>} : memref<24x128xf32, #tpu.memory_space<vmem>>, vector<16xf32>,
        %mul3A_1837 = arith.mulf %get3A_1836, %mul3A_1743 : vector<16xf32>
        %get3A_1838 = arith.index_cast %add3A_1761 : i32 to index
        %get3A_1839 = arith.constant 112 : index
        %get3A_1840 = tpu.vector_load %arg18[%get3A_1838, %get3A_1839] {strides = array<i32>} : memref<24x128xf32, #tpu.memory_space<vmem>>, vector<16xf32>,
        %mul3A_1841 = arith.mulf %get3A_1840, %mul3A_1753 : vector<16xf32>
        %add3A_1842 = arith.addf %mul3A_1837, %mul3A_1841 : vector<16xf32>
        %add3A_1843 = arith.addf %add3A_1815, %add3A_1824 : vector<16xf32>
        %add3A_1844 = arith.addf %add3A_1833, %add3A_1842 : vector<16xf32>
        %add3A_1845 = arith.addf %add3A_1843, %add3A_1844 : vector<16xf32>
        %get3A_1846 = arith.index_cast %add3A_1765 : i32 to index
        %get3A_1847 = arith.constant 0 : index
        %get3A_1848 = tpu.vector_load %arg18[%get3A_1846, %get3A_1847] {strides = array<i32>} : memref<24x128xf32, #tpu.memory_space<vmem>>, vector<16xf32>,
        %mul3A_1849 = arith.mulf %get3A_1848, %mul3A_1683 : vector<16xf32>
        %get3A_1850 = arith.index_cast %add3A_1765 : i32 to index
        %get3A_1851 = arith.constant 16 : index
        %get3A_1852 = tpu.vector_load %arg18[%get3A_1850, %get3A_1851] {strides = array<i32>} : memref<24x128xf32, #tpu.memory_space<vmem>>, vector<16xf32>,
        %mul3A_1853 = arith.mulf %get3A_1852, %mul3A_1693 : vector<16xf32>
        %add3A_1854 = arith.addf %mul3A_1849, %mul3A_1853 : vector<16xf32>
        %get3A_1855 = arith.index_cast %add3A_1765 : i32 to index
        %get3A_1856 = arith.constant 32 : index
        %get3A_1857 = tpu.vector_load %arg18[%get3A_1855, %get3A_1856] {strides = array<i32>} : memref<24x128xf32, #tpu.memory_space<vmem>>, vector<16xf32>,
        %mul3A_1858 = arith.mulf %get3A_1857, %mul3A_1703 : vector<16xf32>
        %get3A_1859 = arith.index_cast %add3A_1765 : i32 to index
        %get3A_1860 = arith.constant 48 : index
        %get3A_1861 = tpu.vector_load %arg18[%get3A_1859, %get3A_1860] {strides = array<i32>} : memref<24x128xf32, #tpu.memory_space<vmem>>, vector<16xf32>,
        %mul3A_1862 = arith.mulf %get3A_1861, %mul3A_1713 : vector<16xf32>
        %add3A_1863 = arith.addf %mul3A_1858, %mul3A_1862 : vector<16xf32>
        %get3A_1864 = arith.index_cast %add3A_1765 : i32 to index
        %get3A_1865 = arith.constant 64 : index
        %get3A_1866 = tpu.vector_load %arg18[%get3A_1864, %get3A_1865] {strides = array<i32>} : memref<24x128xf32, #tpu.memory_space<vmem>>, vector<16xf32>,
        %mul3A_1867 = arith.mulf %get3A_1866, %mul3A_1723 : vector<16xf32>
        %get3A_1868 = arith.index_cast %add3A_1765 : i32 to index
        %get3A_1869 = arith.constant 80 : index
        %get3A_1870 = tpu.vector_load %arg18[%get3A_1868, %get3A_1869] {strides = array<i32>} : memref<24x128xf32, #tpu.memory_space<vmem>>, vector<16xf32>,
        %mul3A_1871 = arith.mulf %get3A_1870, %mul3A_1733 : vector<16xf32>
        %add3A_1872 = arith.addf %mul3A_1867, %mul3A_1871 : vector<16xf32>
        %get3A_1873 = arith.index_cast %add3A_1765 : i32 to index
        %get3A_1874 = arith.constant 96 : index
        %get3A_1875 = tpu.vector_load %arg18[%get3A_1873, %get3A_1874] {strides = array<i32>} : memref<24x128xf32, #tpu.memory_space<vmem>>, vector<16xf32>,
        %mul3A_1876 = arith.mulf %get3A_1875, %mul3A_1743 : vector<16xf32>
        %get3A_1877 = arith.index_cast %add3A_1765 : i32 to index
        %get3A_1878 = arith.constant 112 : index
        %get3A_1879 = tpu.vector_load %arg18[%get3A_1877, %get3A_1878] {strides = array<i32>} : memref<24x128xf32, #tpu.memory_space<vmem>>, vector<16xf32>,
        %mul3A_1880 = arith.mulf %get3A_1879, %mul3A_1753 : vector<16xf32>
        %add3A_1881 = arith.addf %mul3A_1876, %mul3A_1880 : vector<16xf32>
        %add3A_1882 = arith.addf %add3A_1854, %add3A_1863 : vector<16xf32>
        %add3A_1883 = arith.addf %add3A_1872, %add3A_1881 : vector<16xf32>
        %add3A_1884 = arith.addf %add3A_1882, %add3A_1883 : vector<16xf32>
        %get3A_1885 = arith.index_cast %mul3A_1767 : i32 to index
        %get3A_1886 = arith.constant 0 : index
        %get3A_1887 = tpu.vector_load %arg19[%get3A_1885, %get3A_1886] {strides = array<i32>} : memref<200x128xf32, #tpu.memory_space<vmem>>, vector<16xf32>,
        %mul3A_1888 = arith.mulf %get3A_1887, %mul3A_1683 : vector<16xf32>
        %get3A_1889 = arith.index_cast %mul3A_1767 : i32 to index
        %get3A_1890 = arith.constant 16 : index
        %get3A_1891 = tpu.vector_load %arg19[%get3A_1889, %get3A_1890] {strides = array<i32>} : memref<200x128xf32, #tpu.memory_space<vmem>>, vector<16xf32>,
        %mul3A_1892 = arith.mulf %get3A_1891, %mul3A_1693 : vector<16xf32>
        %add3A_1893 = arith.addf %mul3A_1888, %mul3A_1892 : vector<16xf32>
        %get3A_1894 = arith.index_cast %mul3A_1767 : i32 to index
        %get3A_1895 = arith.constant 32 : index
        %get3A_1896 = tpu.vector_load %arg19[%get3A_1894, %get3A_1895] {strides = array<i32>} : memref<200x128xf32, #tpu.memory_space<vmem>>, vector<16xf32>,
        %mul3A_1897 = arith.mulf %get3A_1896, %mul3A_1703 : vector<16xf32>
        %get3A_1898 = arith.index_cast %mul3A_1767 : i32 to index
        %get3A_1899 = arith.constant 48 : index
        %get3A_1900 = tpu.vector_load %arg19[%get3A_1898, %get3A_1899] {strides = array<i32>} : memref<200x128xf32, #tpu.memory_space<vmem>>, vector<16xf32>,
        %mul3A_1901 = arith.mulf %get3A_1900, %mul3A_1713 : vector<16xf32>
        %add3A_1902 = arith.addf %mul3A_1897, %mul3A_1901 : vector<16xf32>
        %get3A_1903 = arith.index_cast %mul3A_1767 : i32 to index
        %get3A_1904 = arith.constant 64 : index
        %get3A_1905 = tpu.vector_load %arg19[%get3A_1903, %get3A_1904] {strides = array<i32>} : memref<200x128xf32, #tpu.memory_space<vmem>>, vector<16xf32>,
        %mul3A_1906 = arith.mulf %get3A_1905, %mul3A_1723 : vector<16xf32>
        %get3A_1907 = arith.index_cast %mul3A_1767 : i32 to index
        %get3A_1908 = arith.constant 80 : index
        %get3A_1909 = tpu.vector_load %arg19[%get3A_1907, %get3A_1908] {strides = array<i32>} : memref<200x128xf32, #tpu.memory_space<vmem>>, vector<16xf32>,
        %mul3A_1910 = arith.mulf %get3A_1909, %mul3A_1733 : vector<16xf32>
        %add3A_1911 = arith.addf %mul3A_1906, %mul3A_1910 : vector<16xf32>
        %get3A_1912 = arith.index_cast %mul3A_1767 : i32 to index
        %get3A_1913 = arith.constant 96 : index
        %get3A_1914 = tpu.vector_load %arg19[%get3A_1912, %get3A_1913] {strides = array<i32>} : memref<200x128xf32, #tpu.memory_space<vmem>>, vector<16xf32>,
        %mul3A_1915 = arith.mulf %get3A_1914, %mul3A_1743 : vector<16xf32>
        %get3A_1916 = arith.index_cast %mul3A_1767 : i32 to index
        %get3A_1917 = arith.constant 112 : index
        %get3A_1918 = tpu.vector_load %arg19[%get3A_1916, %get3A_1917] {strides = array<i32>} : memref<200x128xf32, #tpu.memory_space<vmem>>, vector<16xf32>,
        %mul3A_1919 = arith.mulf %get3A_1918, %mul3A_1753 : vector<16xf32>
        %add3A_1920 = arith.addf %mul3A_1915, %mul3A_1919 : vector<16xf32>
        %add3A_1921 = arith.addf %add3A_1893, %add3A_1902 : vector<16xf32>
        %add3A_1922 = arith.addf %add3A_1911, %add3A_1920 : vector<16xf32>
        %add3A_1923 = arith.addf %add3A_1921, %add3A_1922 : vector<16xf32>
        %broadcast_in_dim3A = arith.constant true
        %broadcast_in_dim3A_1924 = vector.broadcast %broadcast_in_dim3A : i1 to vector<16xi1>
        %masked_cumsum3A = tpu.scan <sum>, %add3A_1806 masked %broadcast_in_dim3A_1924 : vector<16xf32>, vector<16xi1> -> vector<16xf32>
        %broadcast_in_dim3A_1925 = arith.constant true
        %broadcast_in_dim3A_1926 = vector.broadcast %broadcast_in_dim3A_1925 : i1 to vector<16xi1>
        %masked_cumsum3A_1927 = tpu.scan <sum>, %add3A_1845 masked %broadcast_in_dim3A_1926 : vector<16xf32>, vector<16xi1> -> vector<16xf32>
        %broadcast_in_dim3A_1928 = arith.constant true
        %broadcast_in_dim3A_1929 = vector.broadcast %broadcast_in_dim3A_1928 : i1 to vector<16xi1>
        %masked_cumsum3A_1930 = tpu.scan <sum>, %add3A_1884 masked %broadcast_in_dim3A_1929 : vector<16xf32>, vector<16xi1> -> vector<16xf32>
        %broadcast_in_dim3A_1931 = arith.constant true
        %broadcast_in_dim3A_1932 = vector.broadcast %broadcast_in_dim3A_1931 : i1 to vector<16xi1>
        %masked_cumsum3A_1933 = tpu.scan <sum>, %add3A_1923 masked %broadcast_in_dim3A_1932 : vector<16xf32>, vector<16xi1> -> vector<16xf32>
        %mul3A_1934 = arith.constant 28 : i32
        %mul3A_1935 = arith.muli %scan3A_334, %mul3A_1934 : i32
        %add3A_1936 = arith.constant 0 : i32
        %add3A_1937 = arith.addi %mul3A_1935, %add3A_1936 : i32
        %broadcast_in_dim3A_1938 = vector.broadcast %add3A_1937 : i32 to vector<16xi32>
        tpu.vector_store_idx %arg20[%broadcast_in_dim3A_1938], %masked_cumsum3A masked %eq3A_4 : memref<224xf32, #tpu.memory_space<vmem>>[vector<16xi32>], vector<16xf32>, vector<16xi1>
        %mul3A_1939 = arith.constant 28 : i32
        %mul3A_1940 = arith.muli %scan3A_334, %mul3A_1939 : i32
        %add3A_1941 = arith.constant 1 : i32
        %add3A_1942 = arith.addi %mul3A_1940, %add3A_1941 : i32
        %broadcast_in_dim3A_1943 = vector.broadcast %add3A_1942 : i32 to vector<16xi32>
        tpu.vector_store_idx %arg20[%broadcast_in_dim3A_1943], %masked_cumsum3A_1927 masked %eq3A_4 : memref<224xf32, #tpu.memory_space<vmem>>[vector<16xi32>], vector<16xf32>, vector<16xi1>
        %mul3A_1944 = arith.constant 28 : i32
        %mul3A_1945 = arith.muli %scan3A_334, %mul3A_1944 : i32
        %add3A_1946 = arith.constant 2 : i32
        %add3A_1947 = arith.addi %mul3A_1945, %add3A_1946 : i32
        %broadcast_in_dim3A_1948 = vector.broadcast %add3A_1947 : i32 to vector<16xi32>
        tpu.vector_store_idx %arg20[%broadcast_in_dim3A_1948], %masked_cumsum3A_1930 masked %eq3A_4 : memref<224xf32, #tpu.memory_space<vmem>>[vector<16xi32>], vector<16xf32>, vector<16xi1>
        %mul3A_1949 = arith.constant 28 : i32
        %mul3A_1950 = arith.muli %scan3A_334, %mul3A_1949 : i32
        %add3A_1951 = arith.constant 3 : i32
        %add3A_1952 = arith.addi %mul3A_1950, %add3A_1951 : i32
        %broadcast_in_dim3A_1953 = vector.broadcast %add3A_1952 : i32 to vector<16xi32>
        tpu.vector_store_idx %arg20[%broadcast_in_dim3A_1953], %masked_cumsum3A_1933 masked %eq3A_4 : memref<224xf32, #tpu.memory_space<vmem>>[vector<16xi32>], vector<16xf32>, vector<16xi1>
        %scan3A_1954 = arith.constant 0 : i32
        %scan3A_1955 = arith.constant 0 : i32
        %scan3A_1956 = arith.constant 6 : i32
        %scan3A_1957 = arith.addi %scan3A_1955, %scan3A_1956 : i32
        %scan3A_1958 = arith.constant 1 : i32
        scf.for %scan3A_1960 = %scan3A_1955 to %scan3A_1957 step %scan3A_1958  : i32 {
          %mul3A_1961 = arith.constant 25 : i32
          %mul3A_1962 = arith.muli %scan3A_334, %mul3A_1961 : i32
          %add3A_1963 = arith.constant 1 : i32
          %add3A_1964 = arith.addi %mul3A_1962, %add3A_1963 : i32
          %mul3A_1965 = arith.constant 4 : i32
          %mul3A_1966 = arith.muli %scan3A_1960, %mul3A_1965 : i32
          %add3A_1967 = arith.addi %add3A_1964, %mul3A_1966 : i32
          %add3A_1968 = arith.constant 0 : i32
          %add3A_1969 = arith.addi %add3A_1967, %add3A_1968 : i32
          %add3A_1970 = arith.constant 1 : i32
          %add3A_1971 = arith.addi %add3A_1967, %add3A_1970 : i32
          %add3A_1972 = arith.constant 2 : i32
          %add3A_1973 = arith.addi %add3A_1967, %add3A_1972 : i32
          %add3A_1974 = arith.constant 3 : i32
          %add3A_1975 = arith.addi %add3A_1967, %add3A_1974 : i32
          %get3A_1976 = arith.index_cast %add3A_1969 : i32 to index
          %get3A_1977 = arith.constant 0 : index
          %get3A_1978 = tpu.vector_load %arg19[%get3A_1976, %get3A_1977] {strides = array<i32>} : memref<200x128xf32, #tpu.memory_space<vmem>>, vector<16xf32>,
          %mul3A_1979 = arith.mulf %get3A_1978, %mul3A_1683 : vector<16xf32>
          %get3A_1980 = arith.index_cast %add3A_1969 : i32 to index
          %get3A_1981 = arith.constant 16 : index
          %get3A_1982 = tpu.vector_load %arg19[%get3A_1980, %get3A_1981] {strides = array<i32>} : memref<200x128xf32, #tpu.memory_space<vmem>>, vector<16xf32>,
          %mul3A_1983 = arith.mulf %get3A_1982, %mul3A_1693 : vector<16xf32>
          %add3A_1984 = arith.addf %mul3A_1979, %mul3A_1983 : vector<16xf32>
          %get3A_1985 = arith.index_cast %add3A_1969 : i32 to index
          %get3A_1986 = arith.constant 32 : index
          %get3A_1987 = tpu.vector_load %arg19[%get3A_1985, %get3A_1986] {strides = array<i32>} : memref<200x128xf32, #tpu.memory_space<vmem>>, vector<16xf32>,
          %mul3A_1988 = arith.mulf %get3A_1987, %mul3A_1703 : vector<16xf32>
          %get3A_1989 = arith.index_cast %add3A_1969 : i32 to index
          %get3A_1990 = arith.constant 48 : index
          %get3A_1991 = tpu.vector_load %arg19[%get3A_1989, %get3A_1990] {strides = array<i32>} : memref<200x128xf32, #tpu.memory_space<vmem>>, vector<16xf32>,
          %mul3A_1992 = arith.mulf %get3A_1991, %mul3A_1713 : vector<16xf32>
          %add3A_1993 = arith.addf %mul3A_1988, %mul3A_1992 : vector<16xf32>
          %get3A_1994 = arith.index_cast %add3A_1969 : i32 to index
          %get3A_1995 = arith.constant 64 : index
          %get3A_1996 = tpu.vector_load %arg19[%get3A_1994, %get3A_1995] {strides = array<i32>} : memref<200x128xf32, #tpu.memory_space<vmem>>, vector<16xf32>,
          %mul3A_1997 = arith.mulf %get3A_1996, %mul3A_1723 : vector<16xf32>
          %get3A_1998 = arith.index_cast %add3A_1969 : i32 to index
          %get3A_1999 = arith.constant 80 : index
          %get3A_2000 = tpu.vector_load %arg19[%get3A_1998, %get3A_1999] {strides = array<i32>} : memref<200x128xf32, #tpu.memory_space<vmem>>, vector<16xf32>,
          %mul3A_2001 = arith.mulf %get3A_2000, %mul3A_1733 : vector<16xf32>
          %add3A_2002 = arith.addf %mul3A_1997, %mul3A_2001 : vector<16xf32>
          %get3A_2003 = arith.index_cast %add3A_1969 : i32 to index
          %get3A_2004 = arith.constant 96 : index
          %get3A_2005 = tpu.vector_load %arg19[%get3A_2003, %get3A_2004] {strides = array<i32>} : memref<200x128xf32, #tpu.memory_space<vmem>>, vector<16xf32>,
          %mul3A_2006 = arith.mulf %get3A_2005, %mul3A_1743 : vector<16xf32>
          %get3A_2007 = arith.index_cast %add3A_1969 : i32 to index
          %get3A_2008 = arith.constant 112 : index
          %get3A_2009 = tpu.vector_load %arg19[%get3A_2007, %get3A_2008] {strides = array<i32>} : memref<200x128xf32, #tpu.memory_space<vmem>>, vector<16xf32>,
          %mul3A_2010 = arith.mulf %get3A_2009, %mul3A_1753 : vector<16xf32>
          %add3A_2011 = arith.addf %mul3A_2006, %mul3A_2010 : vector<16xf32>
          %add3A_2012 = arith.addf %add3A_1984, %add3A_1993 : vector<16xf32>
          %add3A_2013 = arith.addf %add3A_2002, %add3A_2011 : vector<16xf32>
          %add3A_2014 = arith.addf %add3A_2012, %add3A_2013 : vector<16xf32>
          %get3A_2015 = arith.index_cast %add3A_1971 : i32 to index
          %get3A_2016 = arith.constant 0 : index
          %get3A_2017 = tpu.vector_load %arg19[%get3A_2015, %get3A_2016] {strides = array<i32>} : memref<200x128xf32, #tpu.memory_space<vmem>>, vector<16xf32>,
          %mul3A_2018 = arith.mulf %get3A_2017, %mul3A_1683 : vector<16xf32>
          %get3A_2019 = arith.index_cast %add3A_1971 : i32 to index
          %get3A_2020 = arith.constant 16 : index
          %get3A_2021 = tpu.vector_load %arg19[%get3A_2019, %get3A_2020] {strides = array<i32>} : memref<200x128xf32, #tpu.memory_space<vmem>>, vector<16xf32>,
          %mul3A_2022 = arith.mulf %get3A_2021, %mul3A_1693 : vector<16xf32>
          %add3A_2023 = arith.addf %mul3A_2018, %mul3A_2022 : vector<16xf32>
          %get3A_2024 = arith.index_cast %add3A_1971 : i32 to index
          %get3A_2025 = arith.constant 32 : index
          %get3A_2026 = tpu.vector_load %arg19[%get3A_2024, %get3A_2025] {strides = array<i32>} : memref<200x128xf32, #tpu.memory_space<vmem>>, vector<16xf32>,
          %mul3A_2027 = arith.mulf %get3A_2026, %mul3A_1703 : vector<16xf32>
          %get3A_2028 = arith.index_cast %add3A_1971 : i32 to index
          %get3A_2029 = arith.constant 48 : index
          %get3A_2030 = tpu.vector_load %arg19[%get3A_2028, %get3A_2029] {strides = array<i32>} : memref<200x128xf32, #tpu.memory_space<vmem>>, vector<16xf32>,
          %mul3A_2031 = arith.mulf %get3A_2030, %mul3A_1713 : vector<16xf32>
          %add3A_2032 = arith.addf %mul3A_2027, %mul3A_2031 : vector<16xf32>
          %get3A_2033 = arith.index_cast %add3A_1971 : i32 to index
          %get3A_2034 = arith.constant 64 : index
          %get3A_2035 = tpu.vector_load %arg19[%get3A_2033, %get3A_2034] {strides = array<i32>} : memref<200x128xf32, #tpu.memory_space<vmem>>, vector<16xf32>,
          %mul3A_2036 = arith.mulf %get3A_2035, %mul3A_1723 : vector<16xf32>
          %get3A_2037 = arith.index_cast %add3A_1971 : i32 to index
          %get3A_2038 = arith.constant 80 : index
          %get3A_2039 = tpu.vector_load %arg19[%get3A_2037, %get3A_2038] {strides = array<i32>} : memref<200x128xf32, #tpu.memory_space<vmem>>, vector<16xf32>,
          %mul3A_2040 = arith.mulf %get3A_2039, %mul3A_1733 : vector<16xf32>
          %add3A_2041 = arith.addf %mul3A_2036, %mul3A_2040 : vector<16xf32>
          %get3A_2042 = arith.index_cast %add3A_1971 : i32 to index
          %get3A_2043 = arith.constant 96 : index
          %get3A_2044 = tpu.vector_load %arg19[%get3A_2042, %get3A_2043] {strides = array<i32>} : memref<200x128xf32, #tpu.memory_space<vmem>>, vector<16xf32>,
          %mul3A_2045 = arith.mulf %get3A_2044, %mul3A_1743 : vector<16xf32>
          %get3A_2046 = arith.index_cast %add3A_1971 : i32 to index
          %get3A_2047 = arith.constant 112 : index
          %get3A_2048 = tpu.vector_load %arg19[%get3A_2046, %get3A_2047] {strides = array<i32>} : memref<200x128xf32, #tpu.memory_space<vmem>>, vector<16xf32>,
          %mul3A_2049 = arith.mulf %get3A_2048, %mul3A_1753 : vector<16xf32>
          %add3A_2050 = arith.addf %mul3A_2045, %mul3A_2049 : vector<16xf32>
          %add3A_2051 = arith.addf %add3A_2023, %add3A_2032 : vector<16xf32>
          %add3A_2052 = arith.addf %add3A_2041, %add3A_2050 : vector<16xf32>
          %add3A_2053 = arith.addf %add3A_2051, %add3A_2052 : vector<16xf32>
          %get3A_2054 = arith.index_cast %add3A_1973 : i32 to index
          %get3A_2055 = arith.constant 0 : index
          %get3A_2056 = tpu.vector_load %arg19[%get3A_2054, %get3A_2055] {strides = array<i32>} : memref<200x128xf32, #tpu.memory_space<vmem>>, vector<16xf32>,
          %mul3A_2057 = arith.mulf %get3A_2056, %mul3A_1683 : vector<16xf32>
          %get3A_2058 = arith.index_cast %add3A_1973 : i32 to index
          %get3A_2059 = arith.constant 16 : index
          %get3A_2060 = tpu.vector_load %arg19[%get3A_2058, %get3A_2059] {strides = array<i32>} : memref<200x128xf32, #tpu.memory_space<vmem>>, vector<16xf32>,
          %mul3A_2061 = arith.mulf %get3A_2060, %mul3A_1693 : vector<16xf32>
          %add3A_2062 = arith.addf %mul3A_2057, %mul3A_2061 : vector<16xf32>
          %get3A_2063 = arith.index_cast %add3A_1973 : i32 to index
          %get3A_2064 = arith.constant 32 : index
          %get3A_2065 = tpu.vector_load %arg19[%get3A_2063, %get3A_2064] {strides = array<i32>} : memref<200x128xf32, #tpu.memory_space<vmem>>, vector<16xf32>,
          %mul3A_2066 = arith.mulf %get3A_2065, %mul3A_1703 : vector<16xf32>
          %get3A_2067 = arith.index_cast %add3A_1973 : i32 to index
          %get3A_2068 = arith.constant 48 : index
          %get3A_2069 = tpu.vector_load %arg19[%get3A_2067, %get3A_2068] {strides = array<i32>} : memref<200x128xf32, #tpu.memory_space<vmem>>, vector<16xf32>,
          %mul3A_2070 = arith.mulf %get3A_2069, %mul3A_1713 : vector<16xf32>
          %add3A_2071 = arith.addf %mul3A_2066, %mul3A_2070 : vector<16xf32>
          %get3A_2072 = arith.index_cast %add3A_1973 : i32 to index
          %get3A_2073 = arith.constant 64 : index
          %get3A_2074 = tpu.vector_load %arg19[%get3A_2072, %get3A_2073] {strides = array<i32>} : memref<200x128xf32, #tpu.memory_space<vmem>>, vector<16xf32>,
          %mul3A_2075 = arith.mulf %get3A_2074, %mul3A_1723 : vector<16xf32>
          %get3A_2076 = arith.index_cast %add3A_1973 : i32 to index
          %get3A_2077 = arith.constant 80 : index
          %get3A_2078 = tpu.vector_load %arg19[%get3A_2076, %get3A_2077] {strides = array<i32>} : memref<200x128xf32, #tpu.memory_space<vmem>>, vector<16xf32>,
          %mul3A_2079 = arith.mulf %get3A_2078, %mul3A_1733 : vector<16xf32>
          %add3A_2080 = arith.addf %mul3A_2075, %mul3A_2079 : vector<16xf32>
          %get3A_2081 = arith.index_cast %add3A_1973 : i32 to index
          %get3A_2082 = arith.constant 96 : index
          %get3A_2083 = tpu.vector_load %arg19[%get3A_2081, %get3A_2082] {strides = array<i32>} : memref<200x128xf32, #tpu.memory_space<vmem>>, vector<16xf32>,
          %mul3A_2084 = arith.mulf %get3A_2083, %mul3A_1743 : vector<16xf32>
          %get3A_2085 = arith.index_cast %add3A_1973 : i32 to index
          %get3A_2086 = arith.constant 112 : index
          %get3A_2087 = tpu.vector_load %arg19[%get3A_2085, %get3A_2086] {strides = array<i32>} : memref<200x128xf32, #tpu.memory_space<vmem>>, vector<16xf32>,
          %mul3A_2088 = arith.mulf %get3A_2087, %mul3A_1753 : vector<16xf32>
          %add3A_2089 = arith.addf %mul3A_2084, %mul3A_2088 : vector<16xf32>
          %add3A_2090 = arith.addf %add3A_2062, %add3A_2071 : vector<16xf32>
          %add3A_2091 = arith.addf %add3A_2080, %add3A_2089 : vector<16xf32>
          %add3A_2092 = arith.addf %add3A_2090, %add3A_2091 : vector<16xf32>
          %get3A_2093 = arith.index_cast %add3A_1975 : i32 to index
          %get3A_2094 = arith.constant 0 : index
          %get3A_2095 = tpu.vector_load %arg19[%get3A_2093, %get3A_2094] {strides = array<i32>} : memref<200x128xf32, #tpu.memory_space<vmem>>, vector<16xf32>,
          %mul3A_2096 = arith.mulf %get3A_2095, %mul3A_1683 : vector<16xf32>
          %get3A_2097 = arith.index_cast %add3A_1975 : i32 to index
          %get3A_2098 = arith.constant 16 : index
          %get3A_2099 = tpu.vector_load %arg19[%get3A_2097, %get3A_2098] {strides = array<i32>} : memref<200x128xf32, #tpu.memory_space<vmem>>, vector<16xf32>,
          %mul3A_2100 = arith.mulf %get3A_2099, %mul3A_1693 : vector<16xf32>
          %add3A_2101 = arith.addf %mul3A_2096, %mul3A_2100 : vector<16xf32>
          %get3A_2102 = arith.index_cast %add3A_1975 : i32 to index
          %get3A_2103 = arith.constant 32 : index
          %get3A_2104 = tpu.vector_load %arg19[%get3A_2102, %get3A_2103] {strides = array<i32>} : memref<200x128xf32, #tpu.memory_space<vmem>>, vector<16xf32>,
          %mul3A_2105 = arith.mulf %get3A_2104, %mul3A_1703 : vector<16xf32>
          %get3A_2106 = arith.index_cast %add3A_1975 : i32 to index
          %get3A_2107 = arith.constant 48 : index
          %get3A_2108 = tpu.vector_load %arg19[%get3A_2106, %get3A_2107] {strides = array<i32>} : memref<200x128xf32, #tpu.memory_space<vmem>>, vector<16xf32>,
          %mul3A_2109 = arith.mulf %get3A_2108, %mul3A_1713 : vector<16xf32>
          %add3A_2110 = arith.addf %mul3A_2105, %mul3A_2109 : vector<16xf32>
          %get3A_2111 = arith.index_cast %add3A_1975 : i32 to index
          %get3A_2112 = arith.constant 64 : index
          %get3A_2113 = tpu.vector_load %arg19[%get3A_2111, %get3A_2112] {strides = array<i32>} : memref<200x128xf32, #tpu.memory_space<vmem>>, vector<16xf32>,
          %mul3A_2114 = arith.mulf %get3A_2113, %mul3A_1723 : vector<16xf32>
          %get3A_2115 = arith.index_cast %add3A_1975 : i32 to index
          %get3A_2116 = arith.constant 80 : index
          %get3A_2117 = tpu.vector_load %arg19[%get3A_2115, %get3A_2116] {strides = array<i32>} : memref<200x128xf32, #tpu.memory_space<vmem>>, vector<16xf32>,
          %mul3A_2118 = arith.mulf %get3A_2117, %mul3A_1733 : vector<16xf32>
          %add3A_2119 = arith.addf %mul3A_2114, %mul3A_2118 : vector<16xf32>
          %get3A_2120 = arith.index_cast %add3A_1975 : i32 to index
          %get3A_2121 = arith.constant 96 : index
          %get3A_2122 = tpu.vector_load %arg19[%get3A_2120, %get3A_2121] {strides = array<i32>} : memref<200x128xf32, #tpu.memory_space<vmem>>, vector<16xf32>,
          %mul3A_2123 = arith.mulf %get3A_2122, %mul3A_1743 : vector<16xf32>
          %get3A_2124 = arith.index_cast %add3A_1975 : i32 to index
          %get3A_2125 = arith.constant 112 : index
          %get3A_2126 = tpu.vector_load %arg19[%get3A_2124, %get3A_2125] {strides = array<i32>} : memref<200x128xf32, #tpu.memory_space<vmem>>, vector<16xf32>,
          %mul3A_2127 = arith.mulf %get3A_2126, %mul3A_1753 : vector<16xf32>
          %add3A_2128 = arith.addf %mul3A_2123, %mul3A_2127 : vector<16xf32>
          %add3A_2129 = arith.addf %add3A_2101, %add3A_2110 : vector<16xf32>
          %add3A_2130 = arith.addf %add3A_2119, %add3A_2128 : vector<16xf32>
          %add3A_2131 = arith.addf %add3A_2129, %add3A_2130 : vector<16xf32>
          %broadcast_in_dim3A_2132 = arith.constant true
          %broadcast_in_dim3A_2133 = vector.broadcast %broadcast_in_dim3A_2132 : i1 to vector<16xi1>
          %masked_cumsum3A_2134 = tpu.scan <sum>, %add3A_2014 masked %broadcast_in_dim3A_2133 : vector<16xf32>, vector<16xi1> -> vector<16xf32>
          %broadcast_in_dim3A_2135 = arith.constant true
          %broadcast_in_dim3A_2136 = vector.broadcast %broadcast_in_dim3A_2135 : i1 to vector<16xi1>
          %masked_cumsum3A_2137 = tpu.scan <sum>, %add3A_2053 masked %broadcast_in_dim3A_2136 : vector<16xf32>, vector<16xi1> -> vector<16xf32>
          %broadcast_in_dim3A_2138 = arith.constant true
          %broadcast_in_dim3A_2139 = vector.broadcast %broadcast_in_dim3A_2138 : i1 to vector<16xi1>
          %masked_cumsum3A_2140 = tpu.scan <sum>, %add3A_2092 masked %broadcast_in_dim3A_2139 : vector<16xf32>, vector<16xi1> -> vector<16xf32>
          %broadcast_in_dim3A_2141 = arith.constant true
          %broadcast_in_dim3A_2142 = vector.broadcast %broadcast_in_dim3A_2141 : i1 to vector<16xi1>
          %masked_cumsum3A_2143 = tpu.scan <sum>, %add3A_2131 masked %broadcast_in_dim3A_2142 : vector<16xf32>, vector<16xi1> -> vector<16xf32>
          %mul3A_2144 = arith.constant 28 : i32
          %mul3A_2145 = arith.muli %scan3A_334, %mul3A_2144 : i32
          %add3A_2146 = arith.constant 4 : i32
          %add3A_2147 = arith.addi %mul3A_2145, %add3A_2146 : i32
          %mul3A_2148 = arith.constant 4 : i32
          %mul3A_2149 = arith.muli %scan3A_1960, %mul3A_2148 : i32
          %add3A_2150 = arith.addi %add3A_2147, %mul3A_2149 : i32
          %add3A_2151 = arith.constant 0 : i32
          %add3A_2152 = arith.addi %add3A_2150, %add3A_2151 : i32
          %broadcast_in_dim3A_2153 = vector.broadcast %add3A_2152 : i32 to vector<16xi32>
          tpu.vector_store_idx %arg20[%broadcast_in_dim3A_2153], %masked_cumsum3A_2134 masked %eq3A_4 : memref<224xf32, #tpu.memory_space<vmem>>[vector<16xi32>], vector<16xf32>, vector<16xi1>
          %mul3A_2154 = arith.constant 28 : i32
          %mul3A_2155 = arith.muli %scan3A_334, %mul3A_2154 : i32
          %add3A_2156 = arith.constant 4 : i32
          %add3A_2157 = arith.addi %mul3A_2155, %add3A_2156 : i32
          %mul3A_2158 = arith.constant 4 : i32
          %mul3A_2159 = arith.muli %scan3A_1960, %mul3A_2158 : i32
          %add3A_2160 = arith.addi %add3A_2157, %mul3A_2159 : i32
          %add3A_2161 = arith.constant 1 : i32
          %add3A_2162 = arith.addi %add3A_2160, %add3A_2161 : i32
          %broadcast_in_dim3A_2163 = vector.broadcast %add3A_2162 : i32 to vector<16xi32>
          tpu.vector_store_idx %arg20[%broadcast_in_dim3A_2163], %masked_cumsum3A_2137 masked %eq3A_4 : memref<224xf32, #tpu.memory_space<vmem>>[vector<16xi32>], vector<16xf32>, vector<16xi1>
          %mul3A_2164 = arith.constant 28 : i32
          %mul3A_2165 = arith.muli %scan3A_334, %mul3A_2164 : i32
          %add3A_2166 = arith.constant 4 : i32
          %add3A_2167 = arith.addi %mul3A_2165, %add3A_2166 : i32
          %mul3A_2168 = arith.constant 4 : i32
          %mul3A_2169 = arith.muli %scan3A_1960, %mul3A_2168 : i32
          %add3A_2170 = arith.addi %add3A_2167, %mul3A_2169 : i32
          %add3A_2171 = arith.constant 2 : i32
          %add3A_2172 = arith.addi %add3A_2170, %add3A_2171 : i32
          %broadcast_in_dim3A_2173 = vector.broadcast %add3A_2172 : i32 to vector<16xi32>
          tpu.vector_store_idx %arg20[%broadcast_in_dim3A_2173], %masked_cumsum3A_2140 masked %eq3A_4 : memref<224xf32, #tpu.memory_space<vmem>>[vector<16xi32>], vector<16xf32>, vector<16xi1>
          %mul3A_2174 = arith.constant 28 : i32
          %mul3A_2175 = arith.muli %scan3A_334, %mul3A_2174 : i32
          %add3A_2176 = arith.constant 4 : i32
          %add3A_2177 = arith.addi %mul3A_2175, %add3A_2176 : i32
          %mul3A_2178 = arith.constant 4 : i32
          %mul3A_2179 = arith.muli %scan3A_1960, %mul3A_2178 : i32
          %add3A_2180 = arith.addi %add3A_2177, %mul3A_2179 : i32
          %add3A_2181 = arith.constant 3 : i32
          %add3A_2182 = arith.addi %add3A_2180, %add3A_2181 : i32
          %broadcast_in_dim3A_2183 = vector.broadcast %add3A_2182 : i32 to vector<16xi32>
          tpu.vector_store_idx %arg20[%broadcast_in_dim3A_2183], %masked_cumsum3A_2143 masked %eq3A_4 : memref<224xf32, #tpu.memory_space<vmem>>[vector<16xi32>], vector<16xf32>, vector<16xi1>
        }
        %scan3A_1959 = arith.constant 6 : i32
      }
      %scan3A_240 = arith.constant 8 : i32
      %mul3A_241 = arith.constant 28 : i32
      %mul3A_242 = arith.muli %add3A_234, %mul3A_241 : i32
      %dma_start3A_243 = tpu.memref_slice %arg8[%mul3A_242] : memref<114688xf32, #tpu.memory_space<hbm>> -> memref<224xf32, #tpu.memory_space<hbm>>
      %dma_start3A_244 = tpu.memref_slice %arg8[%mul3A_242] : memref<114688xf32, #tpu.memory_space<hbm>> -> memref<224xf32, #tpu.memory_space<hbm>>
      tpu.enqueue_dma source(%arg20 : memref<224xf32, #tpu.memory_space<vmem>>) target(%dma_start3A_244 : memref<224xf32, #tpu.memory_space<hbm>>) target_semaphore(%arg29 : memref<!tpu.dma_semaphore, #tpu.memory_space<semaphore_mem>>)
      %lt3A = arith.constant 7 : i32
      %lt3A_245 = arith.cmpi slt, %scan3A_169, %lt3A : i32
      %convert_element_type3A_246 = arith.extui %lt3A_245 : i1 to i32
      %cond3A_247 = arith.constant 0 : i32
      %cond3A_248 = arith.cmpi ne, %convert_element_type3A_246, %cond3A_247 : i32
      scf.if %cond3A_248 {
        %add3A_334 = arith.constant 2 : i32
        %add3A_335 = arith.addi %mul3A_171, %add3A_334 : i32
        %mul3A_336 = arith.constant 16 : i32
        %mul3A_337 = arith.muli %add3A_335, %mul3A_336 : i32
        %dma_start3A_338 = tpu.memref_slice %arg12[%mul3A_337] : memref<256xi32, #tpu.memory_space<vmem>> -> memref<8xi32, #tpu.memory_space<vmem>>
        %dma_start3A_339 = arith.constant 0 : i32
        %dma_start3A_340 = arith.constant 0 : i32
        %dma_start3A_341 = tpu.memref_slice %arg6[%dma_start3A_339, %dma_start3A_340] : memref<100000x128xf32, #tpu.memory_space<hbm>> -> memref<100000x128xf32, #tpu.memory_space<hbm>>
        tpu.enqueue_indirect_dma source(%dma_start3A_341 : memref<100000x128xf32, #tpu.memory_space<hbm>>) target(%arg15 : memref<8x128xf32, #tpu.memory_space<vmem>>) offsets(%dma_start3A_338 : memref<8xi32, #tpu.memory_space<vmem>>) semaphore(%arg27 : memref<!tpu.dma_semaphore, #tpu.memory_space<semaphore_mem>>)
        %mul3A_342 = arith.constant 128 : i32
        %mul3A_343 = arith.muli %add3A_335, %mul3A_342 : i32
        %dma_start3A_344 = tpu.memref_slice %arg13[%mul3A_343] : memref<2048xi32, #tpu.memory_space<vmem>> -> memref<128xi32, #tpu.memory_space<vmem>>
        %dma_start3A_345 = arith.constant 0 : i32
        %dma_start3A_346 = arith.constant 0 : i32
        %dma_start3A_347 = tpu.memref_slice %arg5[%dma_start3A_345, %dma_start3A_346] : memref<100000x64xf32, #tpu.memory_space<hbm>> -> memref<100000x64xf32, #tpu.memory_space<hbm>>
        tpu.enqueue_indirect_dma source(%dma_start3A_347 : memref<100000x64xf32, #tpu.memory_space<hbm>>) target(%arg16 : memref<128x64xf32, #tpu.memory_space<vmem>>) offsets(%dma_start3A_344 : memref<128xi32, #tpu.memory_space<vmem>>) semaphore(%arg27 : memref<!tpu.dma_semaphore, #tpu.memory_space<semaphore_mem>>)
        %mul3A_348 = arith.constant 256 : i32
        %mul3A_349 = arith.muli %add3A_335, %mul3A_348 : i32
        %dma_start3A_350 = arith.constant 0 : i32
        %dma_start3A_351 = arith.constant 0 : i32
        %dma_start3A_352 = tpu.memref_slice %arg17[%dma_start3A_350, %dma_start3A_351] : memref<256x64xf32, #tpu.memory_space<vmem>> -> memref<128x64xf32, #tpu.memory_space<vmem>>
        %dma_start3A_353 = tpu.memref_slice %arg14[%mul3A_349] : memref<4096xi32, #tpu.memory_space<vmem>> -> memref<128xi32, #tpu.memory_space<vmem>>
        %dma_start3A_354 = arith.constant 0 : i32
        %dma_start3A_355 = arith.constant 0 : i32
        %dma_start3A_356 = tpu.memref_slice %arg5[%dma_start3A_354, %dma_start3A_355] : memref<100000x64xf32, #tpu.memory_space<hbm>> -> memref<100000x64xf32, #tpu.memory_space<hbm>>
        tpu.enqueue_indirect_dma source(%dma_start3A_356 : memref<100000x64xf32, #tpu.memory_space<hbm>>) target(%dma_start3A_352 : memref<128x64xf32, #tpu.memory_space<vmem>>) offsets(%dma_start3A_353 : memref<128xi32, #tpu.memory_space<vmem>>) semaphore(%arg27 : memref<!tpu.dma_semaphore, #tpu.memory_space<semaphore_mem>>)
        %mul3A_357 = arith.constant 256 : i32
        %mul3A_358 = arith.muli %add3A_335, %mul3A_357 : i32
        %add3A_359 = arith.constant 128 : i32
        %add3A_360 = arith.addi %mul3A_358, %add3A_359 : i32
        %dma_start3A_361 = arith.constant 128 : i32
        %dma_start3A_362 = arith.constant 0 : i32
        %dma_start3A_363 = tpu.memref_slice %arg17[%dma_start3A_361, %dma_start3A_362] : memref<256x64xf32, #tpu.memory_space<vmem>> -> memref<128x64xf32, #tpu.memory_space<vmem>>
        %dma_start3A_364 = tpu.memref_slice %arg14[%add3A_360] : memref<4096xi32, #tpu.memory_space<vmem>> -> memref<128xi32, #tpu.memory_space<vmem>>
        %dma_start3A_365 = arith.constant 0 : i32
        %dma_start3A_366 = arith.constant 0 : i32
        %dma_start3A_367 = tpu.memref_slice %arg5[%dma_start3A_365, %dma_start3A_366] : memref<100000x64xf32, #tpu.memory_space<hbm>> -> memref<100000x64xf32, #tpu.memory_space<hbm>>
        tpu.enqueue_indirect_dma source(%dma_start3A_367 : memref<100000x64xf32, #tpu.memory_space<hbm>>) target(%dma_start3A_363 : memref<128x64xf32, #tpu.memory_space<vmem>>) offsets(%dma_start3A_364 : memref<128xi32, #tpu.memory_space<vmem>>) semaphore(%arg27 : memref<!tpu.dma_semaphore, #tpu.memory_space<semaphore_mem>>)
        %mul3A_368 = arith.constant 24 : i32
        %mul3A_369 = arith.muli %add3A_335, %mul3A_368 : i32
        %dma_start3A_370 = tpu.memref_slice %arg10[%mul3A_369] : memref<384xi32, #tpu.memory_space<vmem>> -> memref<24xi32, #tpu.memory_space<vmem>>
        %dma_start3A_371 = arith.constant 0 : i32
        %dma_start3A_372 = arith.constant 0 : i32
        %dma_start3A_373 = tpu.memref_slice %arg7[%dma_start3A_371, %dma_start3A_372] : memref<100000x128xf32, #tpu.memory_space<hbm>> -> memref<100000x128xf32, #tpu.memory_space<hbm>>
        tpu.enqueue_indirect_dma source(%dma_start3A_373 : memref<100000x128xf32, #tpu.memory_space<hbm>>) target(%arg18 : memref<24x128xf32, #tpu.memory_space<vmem>>) offsets(%dma_start3A_370 : memref<24xi32, #tpu.memory_space<vmem>>) semaphore(%arg27 : memref<!tpu.dma_semaphore, #tpu.memory_space<semaphore_mem>>)
        %mul3A_374 = arith.constant 200 : i32
        %mul3A_375 = arith.muli %add3A_335, %mul3A_374 : i32
        %dma_start3A_376 = arith.constant 0 : i32
        %dma_start3A_377 = arith.constant 0 : i32
        %dma_start3A_378 = tpu.memref_slice %arg19[%dma_start3A_376, %dma_start3A_377] : memref<200x128xf32, #tpu.memory_space<vmem>> -> memref<104x128xf32, #tpu.memory_space<vmem>>
        %dma_start3A_379 = tpu.memref_slice %arg11[%mul3A_375] : memref<3200xi32, #tpu.memory_space<vmem>> -> memref<104xi32, #tpu.memory_space<vmem>>
        %dma_start3A_380 = arith.constant 0 : i32
        %dma_start3A_381 = arith.constant 0 : i32
        %dma_start3A_382 = tpu.memref_slice %arg7[%dma_start3A_380, %dma_start3A_381] : memref<100000x128xf32, #tpu.memory_space<hbm>> -> memref<100000x128xf32, #tpu.memory_space<hbm>>
        tpu.enqueue_indirect_dma source(%dma_start3A_382 : memref<100000x128xf32, #tpu.memory_space<hbm>>) target(%dma_start3A_378 : memref<104x128xf32, #tpu.memory_space<vmem>>) offsets(%dma_start3A_379 : memref<104xi32, #tpu.memory_space<vmem>>) semaphore(%arg27 : memref<!tpu.dma_semaphore, #tpu.memory_space<semaphore_mem>>)
        %mul3A_383 = arith.constant 200 : i32
        %mul3A_384 = arith.muli %add3A_335, %mul3A_383 : i32
        %add3A_385 = arith.constant 104 : i32
        %add3A_386 = arith.addi %mul3A_384, %add3A_385 : i32
        %dma_start3A_387 = arith.constant 104 : i32
        %dma_start3A_388 = arith.constant 0 : i32
        %dma_start3A_389 = tpu.memref_slice %arg19[%dma_start3A_387, %dma_start3A_388] : memref<200x128xf32, #tpu.memory_space<vmem>> -> memref<96x128xf32, #tpu.memory_space<vmem>>
        %dma_start3A_390 = tpu.memref_slice %arg11[%add3A_386] : memref<3200xi32, #tpu.memory_space<vmem>> -> memref<96xi32, #tpu.memory_space<vmem>>
        %dma_start3A_391 = arith.constant 0 : i32
        %dma_start3A_392 = arith.constant 0 : i32
        %dma_start3A_393 = tpu.memref_slice %arg7[%dma_start3A_391, %dma_start3A_392] : memref<100000x128xf32, #tpu.memory_space<hbm>> -> memref<100000x128xf32, #tpu.memory_space<hbm>>
        tpu.enqueue_indirect_dma source(%dma_start3A_393 : memref<100000x128xf32, #tpu.memory_space<hbm>>) target(%dma_start3A_389 : memref<96x128xf32, #tpu.memory_space<vmem>>) offsets(%dma_start3A_390 : memref<96xi32, #tpu.memory_space<vmem>>) semaphore(%arg27 : memref<!tpu.dma_semaphore, #tpu.memory_space<semaphore_mem>>)
      } else {
      }
      %add3A_249 = arith.constant 1 : i32
      %add3A_250 = arith.addi %mul3A_171, %add3A_249 : i32
      %mul3A_251 = arith.constant 16 : i32
      %mul3A_252 = arith.muli %add3A_250, %mul3A_251 : i32
      %dma_wait3A_253 = tpu.memref_slice %arg12[%mul3A_252] : memref<256xi32, #tpu.memory_space<vmem>> -> memref<8xi32, #tpu.memory_space<vmem>>
      %dma_wait3A_254 = arith.constant 0 : i32
      %dma_wait3A_255 = arith.constant 0 : i32
      %dma_wait3A_256 = tpu.memref_slice %arg6[%dma_wait3A_254, %dma_wait3A_255] : memref<100000x128xf32, #tpu.memory_space<hbm>> -> memref<100000x128xf32, #tpu.memory_space<hbm>>
      tpu.wait_indirect_dma semaphore(%arg28 : memref<!tpu.dma_semaphore, #tpu.memory_space<semaphore_mem>>) src(%dma_wait3A_256 : memref<100000x128xf32, #tpu.memory_space<hbm>>) dst(%arg21 : memref<8x128xf32, #tpu.memory_space<vmem>>)
      %mul3A_257 = arith.constant 128 : i32
      %mul3A_258 = arith.muli %add3A_250, %mul3A_257 : i32
      %dma_wait3A_259 = tpu.memref_slice %arg13[%mul3A_258] : memref<2048xi32, #tpu.memory_space<vmem>> -> memref<128xi32, #tpu.memory_space<vmem>>
      %dma_wait3A_260 = arith.constant 0 : i32
      %dma_wait3A_261 = arith.constant 0 : i32
      %dma_wait3A_262 = tpu.memref_slice %arg5[%dma_wait3A_260, %dma_wait3A_261] : memref<100000x64xf32, #tpu.memory_space<hbm>> -> memref<100000x64xf32, #tpu.memory_space<hbm>>
      tpu.wait_indirect_dma semaphore(%arg28 : memref<!tpu.dma_semaphore, #tpu.memory_space<semaphore_mem>>) src(%dma_wait3A_262 : memref<100000x64xf32, #tpu.memory_space<hbm>>) dst(%arg22 : memref<128x64xf32, #tpu.memory_space<vmem>>)
      %mul3A_263 = arith.constant 256 : i32
      %mul3A_264 = arith.muli %add3A_250, %mul3A_263 : i32
      %dma_wait3A_265 = arith.constant 0 : i32
      %dma_wait3A_266 = arith.constant 0 : i32
      %dma_wait3A_267 = tpu.memref_slice %arg23[%dma_wait3A_265, %dma_wait3A_266] : memref<256x64xf32, #tpu.memory_space<vmem>> -> memref<128x64xf32, #tpu.memory_space<vmem>>
      %dma_wait3A_268 = tpu.memref_slice %arg14[%mul3A_264] : memref<4096xi32, #tpu.memory_space<vmem>> -> memref<128xi32, #tpu.memory_space<vmem>>
      %dma_wait3A_269 = arith.constant 0 : i32
      %dma_wait3A_270 = arith.constant 0 : i32
      %dma_wait3A_271 = tpu.memref_slice %arg5[%dma_wait3A_269, %dma_wait3A_270] : memref<100000x64xf32, #tpu.memory_space<hbm>> -> memref<100000x64xf32, #tpu.memory_space<hbm>>
      tpu.wait_indirect_dma semaphore(%arg28 : memref<!tpu.dma_semaphore, #tpu.memory_space<semaphore_mem>>) src(%dma_wait3A_271 : memref<100000x64xf32, #tpu.memory_space<hbm>>) dst(%dma_wait3A_267 : memref<128x64xf32, #tpu.memory_space<vmem>>)
      %mul3A_272 = arith.constant 256 : i32
      %mul3A_273 = arith.muli %add3A_250, %mul3A_272 : i32
      %add3A_274 = arith.constant 128 : i32
      %add3A_275 = arith.addi %mul3A_273, %add3A_274 : i32
      %dma_wait3A_276 = arith.constant 128 : i32
      %dma_wait3A_277 = arith.constant 0 : i32
      %dma_wait3A_278 = tpu.memref_slice %arg23[%dma_wait3A_276, %dma_wait3A_277] : memref<256x64xf32, #tpu.memory_space<vmem>> -> memref<128x64xf32, #tpu.memory_space<vmem>>
      %dma_wait3A_279 = tpu.memref_slice %arg14[%add3A_275] : memref<4096xi32, #tpu.memory_space<vmem>> -> memref<128xi32, #tpu.memory_space<vmem>>
      %dma_wait3A_280 = arith.constant 0 : i32
      %dma_wait3A_281 = arith.constant 0 : i32
      %dma_wait3A_282 = tpu.memref_slice %arg5[%dma_wait3A_280, %dma_wait3A_281] : memref<100000x64xf32, #tpu.memory_space<hbm>> -> memref<100000x64xf32, #tpu.memory_space<hbm>>
      tpu.wait_indirect_dma semaphore(%arg28 : memref<!tpu.dma_semaphore, #tpu.memory_space<semaphore_mem>>) src(%dma_wait3A_282 : memref<100000x64xf32, #tpu.memory_space<hbm>>) dst(%dma_wait3A_278 : memref<128x64xf32, #tpu.memory_space<vmem>>)
      %mul3A_283 = arith.constant 24 : i32
      %mul3A_284 = arith.muli %add3A_250, %mul3A_283 : i32
      %dma_wait3A_285 = tpu.memref_slice %arg10[%mul3A_284] : memref<384xi32, #tpu.memory_space<vmem>> -> memref<24xi32, #tpu.memory_space<vmem>>
      %dma_wait3A_286 = arith.constant 0 : i32
      %dma_wait3A_287 = arith.constant 0 : i32
      %dma_wait3A_288 = tpu.memref_slice %arg7[%dma_wait3A_286, %dma_wait3A_287] : memref<100000x128xf32, #tpu.memory_space<hbm>> -> memref<100000x128xf32, #tpu.memory_space<hbm>>
      tpu.wait_indirect_dma semaphore(%arg28 : memref<!tpu.dma_semaphore, #tpu.memory_space<semaphore_mem>>) src(%dma_wait3A_288 : memref<100000x128xf32, #tpu.memory_space<hbm>>) dst(%arg24 : memref<24x128xf32, #tpu.memory_space<vmem>>)
      %mul3A_289 = arith.constant 200 : i32
      %mul3A_290 = arith.muli %add3A_250, %mul3A_289 : i32
      %dma_wait3A_291 = arith.constant 0 : i32
      %dma_wait3A_292 = arith.constant 0 : i32
      %dma_wait3A_293 = tpu.memref_slice %arg25[%dma_wait3A_291, %dma_wait3A_292] : memref<200x128xf32, #tpu.memory_space<vmem>> -> memref<104x128xf32, #tpu.memory_space<vmem>>
      %dma_wait3A_294 = tpu.memref_slice %arg11[%mul3A_290] : memref<3200xi32, #tpu.memory_space<vmem>> -> memref<104xi32, #tpu.memory_space<vmem>>
      %dma_wait3A_295 = arith.constant 0 : i32
      %dma_wait3A_296 = arith.constant 0 : i32
      %dma_wait3A_297 = tpu.memref_slice %arg7[%dma_wait3A_295, %dma_wait3A_296] : memref<100000x128xf32, #tpu.memory_space<hbm>> -> memref<100000x128xf32, #tpu.memory_space<hbm>>
      tpu.wait_indirect_dma semaphore(%arg28 : memref<!tpu.dma_semaphore, #tpu.memory_space<semaphore_mem>>) src(%dma_wait3A_297 : memref<100000x128xf32, #tpu.memory_space<hbm>>) dst(%dma_wait3A_293 : memref<104x128xf32, #tpu.memory_space<vmem>>)
      %mul3A_298 = arith.constant 200 : i32
      %mul3A_299 = arith.muli %add3A_250, %mul3A_298 : i32
      %add3A_300 = arith.constant 104 : i32
      %add3A_301 = arith.addi %mul3A_299, %add3A_300 : i32
      %dma_wait3A_302 = arith.constant 104 : i32
      %dma_wait3A_303 = arith.constant 0 : i32
      %dma_wait3A_304 = tpu.memref_slice %arg25[%dma_wait3A_302, %dma_wait3A_303] : memref<200x128xf32, #tpu.memory_space<vmem>> -> memref<96x128xf32, #tpu.memory_space<vmem>>
      %dma_wait3A_305 = tpu.memref_slice %arg11[%add3A_301] : memref<3200xi32, #tpu.memory_space<vmem>> -> memref<96xi32, #tpu.memory_space<vmem>>
      %dma_wait3A_306 = arith.constant 0 : i32
      %dma_wait3A_307 = arith.constant 0 : i32
      %dma_wait3A_308 = tpu.memref_slice %arg7[%dma_wait3A_306, %dma_wait3A_307] : memref<100000x128xf32, #tpu.memory_space<hbm>> -> memref<100000x128xf32, #tpu.memory_space<hbm>>
      tpu.wait_indirect_dma semaphore(%arg28 : memref<!tpu.dma_semaphore, #tpu.memory_space<semaphore_mem>>) src(%dma_wait3A_308 : memref<100000x128xf32, #tpu.memory_space<hbm>>) dst(%dma_wait3A_304 : memref<96x128xf32, #tpu.memory_space<vmem>>)
      %gt3A_309 = arith.constant 0 : i32
      %gt3A_310 = arith.cmpi sgt, %scan3A_169, %gt3A_309 : i32
      %convert_element_type3A_311 = arith.extui %gt3A_310 : i1 to i32
      %cond3A_312 = arith.constant 0 : i32
      %cond3A_313 = arith.cmpi ne, %convert_element_type3A_311, %cond3A_312 : i32
      scf.if %cond3A_313 {
        %dma_wait3A_334 = arith.constant 0 : i32
        %dma_wait3A_335 = tpu.memref_slice %arg8[%dma_wait3A_334] : memref<114688xf32, #tpu.memory_space<hbm>> -> memref<224xf32, #tpu.memory_space<hbm>>
        %dma_wait3A_336 = arith.constant 0 : i32
        %dma_wait3A_337 = tpu.memref_slice %arg8[%dma_wait3A_336] : memref<114688xf32, #tpu.memory_space<hbm>> -> memref<224xf32, #tpu.memory_space<hbm>>
        tpu.wait_dma2 semaphore(%arg30 : memref<!tpu.dma_semaphore, #tpu.memory_space<semaphore_mem>>) src(%arg26 : memref<224xf32, #tpu.memory_space<vmem>>) dst(%dma_wait3A_337 : memref<224xf32, #tpu.memory_space<hbm>>)
      } else {
      }
      %add3A_314 = arith.constant 1 : i32
      %add3A_315 = arith.addi %mul3A_171, %add3A_314 : i32
      %mul3A_316 = arith.constant 8 : i32
      %mul3A_317 = arith.muli %add3A_315, %mul3A_316 : i32
      %add3A_318 = arith.addi %mul3A_2, %mul3A_317 : i32
      %scan3A_319 = arith.constant 0 : i32
      %scan3A_320 = arith.constant 0 : i32
      %scan3A_321 = arith.constant 8 : i32
      %scan3A_322 = arith.addi %scan3A_320, %scan3A_321 : i32
      %scan3A_323 = arith.constant 1 : i32
      scf.for %scan3A_334 = %scan3A_320 to %scan3A_322 step %scan3A_323  : i32 {
        %mul3A_335 = arith.constant 16 : i32
        %mul3A_336 = arith.muli %scan3A_334, %mul3A_335 : i32
        %add3A_337 = arith.constant 0 : i32
        %add3A_338 = arith.addi %mul3A_336, %add3A_337 : i32
        %get3A = arith.index_cast %add3A_338 : i32 to index
        %get3A_339 = arith.constant 0 : index
        %get3A_340 = tpu.vector_load %arg22[%get3A, %get3A_339] {strides = array<i32>} : memref<128x64xf32, #tpu.memory_space<vmem>>, vector<16xf32>,
        %add3A_341 = arith.constant 0 : i32
        %add3A_342 = arith.addi %mul3A_336, %add3A_341 : i32
        %add3A_343 = arith.constant 1 : i32
        %add3A_344 = arith.addi %add3A_342, %add3A_343 : i32
        %get3A_345 = arith.index_cast %add3A_344 : i32 to index
        %get3A_346 = arith.constant 0 : index
        %get3A_347 = tpu.vector_load %arg22[%get3A_345, %get3A_346] {strides = array<i32>} : memref<128x64xf32, #tpu.memory_space<vmem>>, vector<16xf32>,
        %add3A_348 = arith.addf %get3A_340, %get3A_347 : vector<16xf32>
        %add3A_349 = arith.constant 0 : i32
        %add3A_350 = arith.addi %mul3A_336, %add3A_349 : i32
        %get3A_351 = arith.index_cast %add3A_350 : i32 to index
        %get3A_352 = arith.constant 16 : index
        %get3A_353 = tpu.vector_load %arg22[%get3A_351, %get3A_352] {strides = array<i32>} : memref<128x64xf32, #tpu.memory_space<vmem>>, vector<16xf32>,
        %add3A_354 = arith.constant 0 : i32
        %add3A_355 = arith.addi %mul3A_336, %add3A_354 : i32
        %add3A_356 = arith.constant 1 : i32
        %add3A_357 = arith.addi %add3A_355, %add3A_356 : i32
        %get3A_358 = arith.index_cast %add3A_357 : i32 to index
        %get3A_359 = arith.constant 16 : index
        %get3A_360 = tpu.vector_load %arg22[%get3A_358, %get3A_359] {strides = array<i32>} : memref<128x64xf32, #tpu.memory_space<vmem>>, vector<16xf32>,
        %add3A_361 = arith.addf %get3A_353, %get3A_360 : vector<16xf32>
        %add3A_362 = arith.constant 0 : i32
        %add3A_363 = arith.addi %mul3A_336, %add3A_362 : i32
        %get3A_364 = arith.index_cast %add3A_363 : i32 to index
        %get3A_365 = arith.constant 32 : index
        %get3A_366 = tpu.vector_load %arg22[%get3A_364, %get3A_365] {strides = array<i32>} : memref<128x64xf32, #tpu.memory_space<vmem>>, vector<16xf32>,
        %add3A_367 = arith.constant 0 : i32
        %add3A_368 = arith.addi %mul3A_336, %add3A_367 : i32
        %add3A_369 = arith.constant 1 : i32
        %add3A_370 = arith.addi %add3A_368, %add3A_369 : i32
        %get3A_371 = arith.index_cast %add3A_370 : i32 to index
        %get3A_372 = arith.constant 32 : index
        %get3A_373 = tpu.vector_load %arg22[%get3A_371, %get3A_372] {strides = array<i32>} : memref<128x64xf32, #tpu.memory_space<vmem>>, vector<16xf32>,
        %add3A_374 = arith.addf %get3A_366, %get3A_373 : vector<16xf32>
        %add3A_375 = arith.constant 0 : i32
        %add3A_376 = arith.addi %mul3A_336, %add3A_375 : i32
        %get3A_377 = arith.index_cast %add3A_376 : i32 to index
        %get3A_378 = arith.constant 48 : index
        %get3A_379 = tpu.vector_load %arg22[%get3A_377, %get3A_378] {strides = array<i32>} : memref<128x64xf32, #tpu.memory_space<vmem>>, vector<16xf32>,
        %add3A_380 = arith.constant 0 : i32
        %add3A_381 = arith.addi %mul3A_336, %add3A_380 : i32
        %add3A_382 = arith.constant 1 : i32
        %add3A_383 = arith.addi %add3A_381, %add3A_382 : i32
        %get3A_384 = arith.index_cast %add3A_383 : i32 to index
        %get3A_385 = arith.constant 48 : index
        %get3A_386 = tpu.vector_load %arg22[%get3A_384, %get3A_385] {strides = array<i32>} : memref<128x64xf32, #tpu.memory_space<vmem>>, vector<16xf32>,
        %add3A_387 = arith.addf %get3A_379, %get3A_386 : vector<16xf32>
        %add3A_388 = arith.constant 2 : i32
        %add3A_389 = arith.addi %mul3A_336, %add3A_388 : i32
        %get3A_390 = arith.index_cast %add3A_389 : i32 to index
        %get3A_391 = arith.constant 0 : index
        %get3A_392 = tpu.vector_load %arg22[%get3A_390, %get3A_391] {strides = array<i32>} : memref<128x64xf32, #tpu.memory_space<vmem>>, vector<16xf32>,
        %add3A_393 = arith.constant 2 : i32
        %add3A_394 = arith.addi %mul3A_336, %add3A_393 : i32
        %add3A_395 = arith.constant 1 : i32
        %add3A_396 = arith.addi %add3A_394, %add3A_395 : i32
        %get3A_397 = arith.index_cast %add3A_396 : i32 to index
        %get3A_398 = arith.constant 0 : index
        %get3A_399 = tpu.vector_load %arg22[%get3A_397, %get3A_398] {strides = array<i32>} : memref<128x64xf32, #tpu.memory_space<vmem>>, vector<16xf32>,
        %add3A_400 = arith.addf %get3A_392, %get3A_399 : vector<16xf32>
        %add3A_401 = arith.constant 2 : i32
        %add3A_402 = arith.addi %mul3A_336, %add3A_401 : i32
        %get3A_403 = arith.index_cast %add3A_402 : i32 to index
        %get3A_404 = arith.constant 16 : index
        %get3A_405 = tpu.vector_load %arg22[%get3A_403, %get3A_404] {strides = array<i32>} : memref<128x64xf32, #tpu.memory_space<vmem>>, vector<16xf32>,
        %add3A_406 = arith.constant 2 : i32
        %add3A_407 = arith.addi %mul3A_336, %add3A_406 : i32
        %add3A_408 = arith.constant 1 : i32
        %add3A_409 = arith.addi %add3A_407, %add3A_408 : i32
        %get3A_410 = arith.index_cast %add3A_409 : i32 to index
        %get3A_411 = arith.constant 16 : index
        %get3A_412 = tpu.vector_load %arg22[%get3A_410, %get3A_411] {strides = array<i32>} : memref<128x64xf32, #tpu.memory_space<vmem>>, vector<16xf32>,
        %add3A_413 = arith.addf %get3A_405, %get3A_412 : vector<16xf32>
        %add3A_414 = arith.constant 2 : i32
        %add3A_415 = arith.addi %mul3A_336, %add3A_414 : i32
        %get3A_416 = arith.index_cast %add3A_415 : i32 to index
        %get3A_417 = arith.constant 32 : index
        %get3A_418 = tpu.vector_load %arg22[%get3A_416, %get3A_417] {strides = array<i32>} : memref<128x64xf32, #tpu.memory_space<vmem>>, vector<16xf32>,
        %add3A_419 = arith.constant 2 : i32
        %add3A_420 = arith.addi %mul3A_336, %add3A_419 : i32
        %add3A_421 = arith.constant 1 : i32
        %add3A_422 = arith.addi %add3A_420, %add3A_421 : i32
        %get3A_423 = arith.index_cast %add3A_422 : i32 to index
        %get3A_424 = arith.constant 32 : index
        %get3A_425 = tpu.vector_load %arg22[%get3A_423, %get3A_424] {strides = array<i32>} : memref<128x64xf32, #tpu.memory_space<vmem>>, vector<16xf32>,
        %add3A_426 = arith.addf %get3A_418, %get3A_425 : vector<16xf32>
        %add3A_427 = arith.constant 2 : i32
        %add3A_428 = arith.addi %mul3A_336, %add3A_427 : i32
        %get3A_429 = arith.index_cast %add3A_428 : i32 to index
        %get3A_430 = arith.constant 48 : index
        %get3A_431 = tpu.vector_load %arg22[%get3A_429, %get3A_430] {strides = array<i32>} : memref<128x64xf32, #tpu.memory_space<vmem>>, vector<16xf32>,
        %add3A_432 = arith.constant 2 : i32
        %add3A_433 = arith.addi %mul3A_336, %add3A_432 : i32
        %add3A_434 = arith.constant 1 : i32
        %add3A_435 = arith.addi %add3A_433, %add3A_434 : i32
        %get3A_436 = arith.index_cast %add3A_435 : i32 to index
        %get3A_437 = arith.constant 48 : index
        %get3A_438 = tpu.vector_load %arg22[%get3A_436, %get3A_437] {strides = array<i32>} : memref<128x64xf32, #tpu.memory_space<vmem>>, vector<16xf32>,
        %add3A_439 = arith.addf %get3A_431, %get3A_438 : vector<16xf32>
        %add3A_440 = arith.addf %add3A_348, %add3A_400 : vector<16xf32>
        %add3A_441 = arith.addf %add3A_361, %add3A_413 : vector<16xf32>
        %add3A_442 = arith.addf %add3A_374, %add3A_426 : vector<16xf32>
        %add3A_443 = arith.addf %add3A_387, %add3A_439 : vector<16xf32>
        %add3A_444 = arith.constant 4 : i32
        %add3A_445 = arith.addi %mul3A_336, %add3A_444 : i32
        %get3A_446 = arith.index_cast %add3A_445 : i32 to index
        %get3A_447 = arith.constant 0 : index
        %get3A_448 = tpu.vector_load %arg22[%get3A_446, %get3A_447] {strides = array<i32>} : memref<128x64xf32, #tpu.memory_space<vmem>>, vector<16xf32>,
        %add3A_449 = arith.constant 4 : i32
        %add3A_450 = arith.addi %mul3A_336, %add3A_449 : i32
        %add3A_451 = arith.constant 1 : i32
        %add3A_452 = arith.addi %add3A_450, %add3A_451 : i32
        %get3A_453 = arith.index_cast %add3A_452 : i32 to index
        %get3A_454 = arith.constant 0 : index
        %get3A_455 = tpu.vector_load %arg22[%get3A_453, %get3A_454] {strides = array<i32>} : memref<128x64xf32, #tpu.memory_space<vmem>>, vector<16xf32>,
        %add3A_456 = arith.addf %get3A_448, %get3A_455 : vector<16xf32>
        %add3A_457 = arith.constant 4 : i32
        %add3A_458 = arith.addi %mul3A_336, %add3A_457 : i32
        %get3A_459 = arith.index_cast %add3A_458 : i32 to index
        %get3A_460 = arith.constant 16 : index
        %get3A_461 = tpu.vector_load %arg22[%get3A_459, %get3A_460] {strides = array<i32>} : memref<128x64xf32, #tpu.memory_space<vmem>>, vector<16xf32>,
        %add3A_462 = arith.constant 4 : i32
        %add3A_463 = arith.addi %mul3A_336, %add3A_462 : i32
        %add3A_464 = arith.constant 1 : i32
        %add3A_465 = arith.addi %add3A_463, %add3A_464 : i32
        %get3A_466 = arith.index_cast %add3A_465 : i32 to index
        %get3A_467 = arith.constant 16 : index
        %get3A_468 = tpu.vector_load %arg22[%get3A_466, %get3A_467] {strides = array<i32>} : memref<128x64xf32, #tpu.memory_space<vmem>>, vector<16xf32>,
        %add3A_469 = arith.addf %get3A_461, %get3A_468 : vector<16xf32>
        %add3A_470 = arith.constant 4 : i32
        %add3A_471 = arith.addi %mul3A_336, %add3A_470 : i32
        %get3A_472 = arith.index_cast %add3A_471 : i32 to index
        %get3A_473 = arith.constant 32 : index
        %get3A_474 = tpu.vector_load %arg22[%get3A_472, %get3A_473] {strides = array<i32>} : memref<128x64xf32, #tpu.memory_space<vmem>>, vector<16xf32>,
        %add3A_475 = arith.constant 4 : i32
        %add3A_476 = arith.addi %mul3A_336, %add3A_475 : i32
        %add3A_477 = arith.constant 1 : i32
        %add3A_478 = arith.addi %add3A_476, %add3A_477 : i32
        %get3A_479 = arith.index_cast %add3A_478 : i32 to index
        %get3A_480 = arith.constant 32 : index
        %get3A_481 = tpu.vector_load %arg22[%get3A_479, %get3A_480] {strides = array<i32>} : memref<128x64xf32, #tpu.memory_space<vmem>>, vector<16xf32>,
        %add3A_482 = arith.addf %get3A_474, %get3A_481 : vector<16xf32>
        %add3A_483 = arith.constant 4 : i32
        %add3A_484 = arith.addi %mul3A_336, %add3A_483 : i32
        %get3A_485 = arith.index_cast %add3A_484 : i32 to index
        %get3A_486 = arith.constant 48 : index
        %get3A_487 = tpu.vector_load %arg22[%get3A_485, %get3A_486] {strides = array<i32>} : memref<128x64xf32, #tpu.memory_space<vmem>>, vector<16xf32>,
        %add3A_488 = arith.constant 4 : i32
        %add3A_489 = arith.addi %mul3A_336, %add3A_488 : i32
        %add3A_490 = arith.constant 1 : i32
        %add3A_491 = arith.addi %add3A_489, %add3A_490 : i32
        %get3A_492 = arith.index_cast %add3A_491 : i32 to index
        %get3A_493 = arith.constant 48 : index
        %get3A_494 = tpu.vector_load %arg22[%get3A_492, %get3A_493] {strides = array<i32>} : memref<128x64xf32, #tpu.memory_space<vmem>>, vector<16xf32>,
        %add3A_495 = arith.addf %get3A_487, %get3A_494 : vector<16xf32>
        %add3A_496 = arith.addf %add3A_440, %add3A_456 : vector<16xf32>
        %add3A_497 = arith.addf %add3A_441, %add3A_469 : vector<16xf32>
        %add3A_498 = arith.addf %add3A_442, %add3A_482 : vector<16xf32>
        %add3A_499 = arith.addf %add3A_443, %add3A_495 : vector<16xf32>
        %add3A_500 = arith.constant 6 : i32
        %add3A_501 = arith.addi %mul3A_336, %add3A_500 : i32
        %get3A_502 = arith.index_cast %add3A_501 : i32 to index
        %get3A_503 = arith.constant 0 : index
        %get3A_504 = tpu.vector_load %arg22[%get3A_502, %get3A_503] {strides = array<i32>} : memref<128x64xf32, #tpu.memory_space<vmem>>, vector<16xf32>,
        %add3A_505 = arith.constant 6 : i32
        %add3A_506 = arith.addi %mul3A_336, %add3A_505 : i32
        %add3A_507 = arith.constant 1 : i32
        %add3A_508 = arith.addi %add3A_506, %add3A_507 : i32
        %get3A_509 = arith.index_cast %add3A_508 : i32 to index
        %get3A_510 = arith.constant 0 : index
        %get3A_511 = tpu.vector_load %arg22[%get3A_509, %get3A_510] {strides = array<i32>} : memref<128x64xf32, #tpu.memory_space<vmem>>, vector<16xf32>,
        %add3A_512 = arith.addf %get3A_504, %get3A_511 : vector<16xf32>
        %add3A_513 = arith.constant 6 : i32
        %add3A_514 = arith.addi %mul3A_336, %add3A_513 : i32
        %get3A_515 = arith.index_cast %add3A_514 : i32 to index
        %get3A_516 = arith.constant 16 : index
        %get3A_517 = tpu.vector_load %arg22[%get3A_515, %get3A_516] {strides = array<i32>} : memref<128x64xf32, #tpu.memory_space<vmem>>, vector<16xf32>,
        %add3A_518 = arith.constant 6 : i32
        %add3A_519 = arith.addi %mul3A_336, %add3A_518 : i32
        %add3A_520 = arith.constant 1 : i32
        %add3A_521 = arith.addi %add3A_519, %add3A_520 : i32
        %get3A_522 = arith.index_cast %add3A_521 : i32 to index
        %get3A_523 = arith.constant 16 : index
        %get3A_524 = tpu.vector_load %arg22[%get3A_522, %get3A_523] {strides = array<i32>} : memref<128x64xf32, #tpu.memory_space<vmem>>, vector<16xf32>,
        %add3A_525 = arith.addf %get3A_517, %get3A_524 : vector<16xf32>
        %add3A_526 = arith.constant 6 : i32
        %add3A_527 = arith.addi %mul3A_336, %add3A_526 : i32
        %get3A_528 = arith.index_cast %add3A_527 : i32 to index
        %get3A_529 = arith.constant 32 : index
        %get3A_530 = tpu.vector_load %arg22[%get3A_528, %get3A_529] {strides = array<i32>} : memref<128x64xf32, #tpu.memory_space<vmem>>, vector<16xf32>,
        %add3A_531 = arith.constant 6 : i32
        %add3A_532 = arith.addi %mul3A_336, %add3A_531 : i32
        %add3A_533 = arith.constant 1 : i32
        %add3A_534 = arith.addi %add3A_532, %add3A_533 : i32
        %get3A_535 = arith.index_cast %add3A_534 : i32 to index
        %get3A_536 = arith.constant 32 : index
        %get3A_537 = tpu.vector_load %arg22[%get3A_535, %get3A_536] {strides = array<i32>} : memref<128x64xf32, #tpu.memory_space<vmem>>, vector<16xf32>,
        %add3A_538 = arith.addf %get3A_530, %get3A_537 : vector<16xf32>
        %add3A_539 = arith.constant 6 : i32
        %add3A_540 = arith.addi %mul3A_336, %add3A_539 : i32
        %get3A_541 = arith.index_cast %add3A_540 : i32 to index
        %get3A_542 = arith.constant 48 : index
        %get3A_543 = tpu.vector_load %arg22[%get3A_541, %get3A_542] {strides = array<i32>} : memref<128x64xf32, #tpu.memory_space<vmem>>, vector<16xf32>,
        %add3A_544 = arith.constant 6 : i32
        %add3A_545 = arith.addi %mul3A_336, %add3A_544 : i32
        %add3A_546 = arith.constant 1 : i32
        %add3A_547 = arith.addi %add3A_545, %add3A_546 : i32
        %get3A_548 = arith.index_cast %add3A_547 : i32 to index
        %get3A_549 = arith.constant 48 : index
        %get3A_550 = tpu.vector_load %arg22[%get3A_548, %get3A_549] {strides = array<i32>} : memref<128x64xf32, #tpu.memory_space<vmem>>, vector<16xf32>,
        %add3A_551 = arith.addf %get3A_543, %get3A_550 : vector<16xf32>
        %add3A_552 = arith.addf %add3A_496, %add3A_512 : vector<16xf32>
        %add3A_553 = arith.addf %add3A_497, %add3A_525 : vector<16xf32>
        %add3A_554 = arith.addf %add3A_498, %add3A_538 : vector<16xf32>
        %add3A_555 = arith.addf %add3A_499, %add3A_551 : vector<16xf32>
        %add3A_556 = arith.constant 8 : i32
        %add3A_557 = arith.addi %mul3A_336, %add3A_556 : i32
        %get3A_558 = arith.index_cast %add3A_557 : i32 to index
        %get3A_559 = arith.constant 0 : index
        %get3A_560 = tpu.vector_load %arg22[%get3A_558, %get3A_559] {strides = array<i32>} : memref<128x64xf32, #tpu.memory_space<vmem>>, vector<16xf32>,
        %add3A_561 = arith.constant 8 : i32
        %add3A_562 = arith.addi %mul3A_336, %add3A_561 : i32
        %add3A_563 = arith.constant 1 : i32
        %add3A_564 = arith.addi %add3A_562, %add3A_563 : i32
        %get3A_565 = arith.index_cast %add3A_564 : i32 to index
        %get3A_566 = arith.constant 0 : index
        %get3A_567 = tpu.vector_load %arg22[%get3A_565, %get3A_566] {strides = array<i32>} : memref<128x64xf32, #tpu.memory_space<vmem>>, vector<16xf32>,
        %add3A_568 = arith.addf %get3A_560, %get3A_567 : vector<16xf32>
        %add3A_569 = arith.constant 8 : i32
        %add3A_570 = arith.addi %mul3A_336, %add3A_569 : i32
        %get3A_571 = arith.index_cast %add3A_570 : i32 to index
        %get3A_572 = arith.constant 16 : index
        %get3A_573 = tpu.vector_load %arg22[%get3A_571, %get3A_572] {strides = array<i32>} : memref<128x64xf32, #tpu.memory_space<vmem>>, vector<16xf32>,
        %add3A_574 = arith.constant 8 : i32
        %add3A_575 = arith.addi %mul3A_336, %add3A_574 : i32
        %add3A_576 = arith.constant 1 : i32
        %add3A_577 = arith.addi %add3A_575, %add3A_576 : i32
        %get3A_578 = arith.index_cast %add3A_577 : i32 to index
        %get3A_579 = arith.constant 16 : index
        %get3A_580 = tpu.vector_load %arg22[%get3A_578, %get3A_579] {strides = array<i32>} : memref<128x64xf32, #tpu.memory_space<vmem>>, vector<16xf32>,
        %add3A_581 = arith.addf %get3A_573, %get3A_580 : vector<16xf32>
        %add3A_582 = arith.constant 8 : i32
        %add3A_583 = arith.addi %mul3A_336, %add3A_582 : i32
        %get3A_584 = arith.index_cast %add3A_583 : i32 to index
        %get3A_585 = arith.constant 32 : index
        %get3A_586 = tpu.vector_load %arg22[%get3A_584, %get3A_585] {strides = array<i32>} : memref<128x64xf32, #tpu.memory_space<vmem>>, vector<16xf32>,
        %add3A_587 = arith.constant 8 : i32
        %add3A_588 = arith.addi %mul3A_336, %add3A_587 : i32
        %add3A_589 = arith.constant 1 : i32
        %add3A_590 = arith.addi %add3A_588, %add3A_589 : i32
        %get3A_591 = arith.index_cast %add3A_590 : i32 to index
        %get3A_592 = arith.constant 32 : index
        %get3A_593 = tpu.vector_load %arg22[%get3A_591, %get3A_592] {strides = array<i32>} : memref<128x64xf32, #tpu.memory_space<vmem>>, vector<16xf32>,
        %add3A_594 = arith.addf %get3A_586, %get3A_593 : vector<16xf32>
        %add3A_595 = arith.constant 8 : i32
        %add3A_596 = arith.addi %mul3A_336, %add3A_595 : i32
        %get3A_597 = arith.index_cast %add3A_596 : i32 to index
        %get3A_598 = arith.constant 48 : index
        %get3A_599 = tpu.vector_load %arg22[%get3A_597, %get3A_598] {strides = array<i32>} : memref<128x64xf32, #tpu.memory_space<vmem>>, vector<16xf32>,
        %add3A_600 = arith.constant 8 : i32
        %add3A_601 = arith.addi %mul3A_336, %add3A_600 : i32
        %add3A_602 = arith.constant 1 : i32
        %add3A_603 = arith.addi %add3A_601, %add3A_602 : i32
        %get3A_604 = arith.index_cast %add3A_603 : i32 to index
        %get3A_605 = arith.constant 48 : index
        %get3A_606 = tpu.vector_load %arg22[%get3A_604, %get3A_605] {strides = array<i32>} : memref<128x64xf32, #tpu.memory_space<vmem>>, vector<16xf32>,
        %add3A_607 = arith.addf %get3A_599, %get3A_606 : vector<16xf32>
        %add3A_608 = arith.addf %add3A_552, %add3A_568 : vector<16xf32>
        %add3A_609 = arith.addf %add3A_553, %add3A_581 : vector<16xf32>
        %add3A_610 = arith.addf %add3A_554, %add3A_594 : vector<16xf32>
        %add3A_611 = arith.addf %add3A_555, %add3A_607 : vector<16xf32>
        %add3A_612 = arith.constant 10 : i32
        %add3A_613 = arith.addi %mul3A_336, %add3A_612 : i32
        %get3A_614 = arith.index_cast %add3A_613 : i32 to index
        %get3A_615 = arith.constant 0 : index
        %get3A_616 = tpu.vector_load %arg22[%get3A_614, %get3A_615] {strides = array<i32>} : memref<128x64xf32, #tpu.memory_space<vmem>>, vector<16xf32>,
        %add3A_617 = arith.constant 10 : i32
        %add3A_618 = arith.addi %mul3A_336, %add3A_617 : i32
        %add3A_619 = arith.constant 1 : i32
        %add3A_620 = arith.addi %add3A_618, %add3A_619 : i32
        %get3A_621 = arith.index_cast %add3A_620 : i32 to index
        %get3A_622 = arith.constant 0 : index
        %get3A_623 = tpu.vector_load %arg22[%get3A_621, %get3A_622] {strides = array<i32>} : memref<128x64xf32, #tpu.memory_space<vmem>>, vector<16xf32>,
        %add3A_624 = arith.addf %get3A_616, %get3A_623 : vector<16xf32>
        %add3A_625 = arith.constant 10 : i32
        %add3A_626 = arith.addi %mul3A_336, %add3A_625 : i32
        %get3A_627 = arith.index_cast %add3A_626 : i32 to index
        %get3A_628 = arith.constant 16 : index
        %get3A_629 = tpu.vector_load %arg22[%get3A_627, %get3A_628] {strides = array<i32>} : memref<128x64xf32, #tpu.memory_space<vmem>>, vector<16xf32>,
        %add3A_630 = arith.constant 10 : i32
        %add3A_631 = arith.addi %mul3A_336, %add3A_630 : i32
        %add3A_632 = arith.constant 1 : i32
        %add3A_633 = arith.addi %add3A_631, %add3A_632 : i32
        %get3A_634 = arith.index_cast %add3A_633 : i32 to index
        %get3A_635 = arith.constant 16 : index
        %get3A_636 = tpu.vector_load %arg22[%get3A_634, %get3A_635] {strides = array<i32>} : memref<128x64xf32, #tpu.memory_space<vmem>>, vector<16xf32>,
        %add3A_637 = arith.addf %get3A_629, %get3A_636 : vector<16xf32>
        %add3A_638 = arith.constant 10 : i32
        %add3A_639 = arith.addi %mul3A_336, %add3A_638 : i32
        %get3A_640 = arith.index_cast %add3A_639 : i32 to index
        %get3A_641 = arith.constant 32 : index
        %get3A_642 = tpu.vector_load %arg22[%get3A_640, %get3A_641] {strides = array<i32>} : memref<128x64xf32, #tpu.memory_space<vmem>>, vector<16xf32>,
        %add3A_643 = arith.constant 10 : i32
        %add3A_644 = arith.addi %mul3A_336, %add3A_643 : i32
        %add3A_645 = arith.constant 1 : i32
        %add3A_646 = arith.addi %add3A_644, %add3A_645 : i32
        %get3A_647 = arith.index_cast %add3A_646 : i32 to index
        %get3A_648 = arith.constant 32 : index
        %get3A_649 = tpu.vector_load %arg22[%get3A_647, %get3A_648] {strides = array<i32>} : memref<128x64xf32, #tpu.memory_space<vmem>>, vector<16xf32>,
        %add3A_650 = arith.addf %get3A_642, %get3A_649 : vector<16xf32>
        %add3A_651 = arith.constant 10 : i32
        %add3A_652 = arith.addi %mul3A_336, %add3A_651 : i32
        %get3A_653 = arith.index_cast %add3A_652 : i32 to index
        %get3A_654 = arith.constant 48 : index
        %get3A_655 = tpu.vector_load %arg22[%get3A_653, %get3A_654] {strides = array<i32>} : memref<128x64xf32, #tpu.memory_space<vmem>>, vector<16xf32>,
        %add3A_656 = arith.constant 10 : i32
        %add3A_657 = arith.addi %mul3A_336, %add3A_656 : i32
        %add3A_658 = arith.constant 1 : i32
        %add3A_659 = arith.addi %add3A_657, %add3A_658 : i32
        %get3A_660 = arith.index_cast %add3A_659 : i32 to index
        %get3A_661 = arith.constant 48 : index
        %get3A_662 = tpu.vector_load %arg22[%get3A_660, %get3A_661] {strides = array<i32>} : memref<128x64xf32, #tpu.memory_space<vmem>>, vector<16xf32>,
        %add3A_663 = arith.addf %get3A_655, %get3A_662 : vector<16xf32>
        %add3A_664 = arith.addf %add3A_608, %add3A_624 : vector<16xf32>
        %add3A_665 = arith.addf %add3A_609, %add3A_637 : vector<16xf32>
        %add3A_666 = arith.addf %add3A_610, %add3A_650 : vector<16xf32>
        %add3A_667 = arith.addf %add3A_611, %add3A_663 : vector<16xf32>
        %add3A_668 = arith.constant 12 : i32
        %add3A_669 = arith.addi %mul3A_336, %add3A_668 : i32
        %get3A_670 = arith.index_cast %add3A_669 : i32 to index
        %get3A_671 = arith.constant 0 : index
        %get3A_672 = tpu.vector_load %arg22[%get3A_670, %get3A_671] {strides = array<i32>} : memref<128x64xf32, #tpu.memory_space<vmem>>, vector<16xf32>,
        %add3A_673 = arith.constant 12 : i32
        %add3A_674 = arith.addi %mul3A_336, %add3A_673 : i32
        %add3A_675 = arith.constant 1 : i32
        %add3A_676 = arith.addi %add3A_674, %add3A_675 : i32
        %get3A_677 = arith.index_cast %add3A_676 : i32 to index
        %get3A_678 = arith.constant 0 : index
        %get3A_679 = tpu.vector_load %arg22[%get3A_677, %get3A_678] {strides = array<i32>} : memref<128x64xf32, #tpu.memory_space<vmem>>, vector<16xf32>,
        %add3A_680 = arith.addf %get3A_672, %get3A_679 : vector<16xf32>
        %add3A_681 = arith.constant 12 : i32
        %add3A_682 = arith.addi %mul3A_336, %add3A_681 : i32
        %get3A_683 = arith.index_cast %add3A_682 : i32 to index
        %get3A_684 = arith.constant 16 : index
        %get3A_685 = tpu.vector_load %arg22[%get3A_683, %get3A_684] {strides = array<i32>} : memref<128x64xf32, #tpu.memory_space<vmem>>, vector<16xf32>,
        %add3A_686 = arith.constant 12 : i32
        %add3A_687 = arith.addi %mul3A_336, %add3A_686 : i32
        %add3A_688 = arith.constant 1 : i32
        %add3A_689 = arith.addi %add3A_687, %add3A_688 : i32
        %get3A_690 = arith.index_cast %add3A_689 : i32 to index
        %get3A_691 = arith.constant 16 : index
        %get3A_692 = tpu.vector_load %arg22[%get3A_690, %get3A_691] {strides = array<i32>} : memref<128x64xf32, #tpu.memory_space<vmem>>, vector<16xf32>,
        %add3A_693 = arith.addf %get3A_685, %get3A_692 : vector<16xf32>
        %add3A_694 = arith.constant 12 : i32
        %add3A_695 = arith.addi %mul3A_336, %add3A_694 : i32
        %get3A_696 = arith.index_cast %add3A_695 : i32 to index
        %get3A_697 = arith.constant 32 : index
        %get3A_698 = tpu.vector_load %arg22[%get3A_696, %get3A_697] {strides = array<i32>} : memref<128x64xf32, #tpu.memory_space<vmem>>, vector<16xf32>,
        %add3A_699 = arith.constant 12 : i32
        %add3A_700 = arith.addi %mul3A_336, %add3A_699 : i32
        %add3A_701 = arith.constant 1 : i32
        %add3A_702 = arith.addi %add3A_700, %add3A_701 : i32
        %get3A_703 = arith.index_cast %add3A_702 : i32 to index
        %get3A_704 = arith.constant 32 : index
        %get3A_705 = tpu.vector_load %arg22[%get3A_703, %get3A_704] {strides = array<i32>} : memref<128x64xf32, #tpu.memory_space<vmem>>, vector<16xf32>,
        %add3A_706 = arith.addf %get3A_698, %get3A_705 : vector<16xf32>
        %add3A_707 = arith.constant 12 : i32
        %add3A_708 = arith.addi %mul3A_336, %add3A_707 : i32
        %get3A_709 = arith.index_cast %add3A_708 : i32 to index
        %get3A_710 = arith.constant 48 : index
        %get3A_711 = tpu.vector_load %arg22[%get3A_709, %get3A_710] {strides = array<i32>} : memref<128x64xf32, #tpu.memory_space<vmem>>, vector<16xf32>,
        %add3A_712 = arith.constant 12 : i32
        %add3A_713 = arith.addi %mul3A_336, %add3A_712 : i32
        %add3A_714 = arith.constant 1 : i32
        %add3A_715 = arith.addi %add3A_713, %add3A_714 : i32
        %get3A_716 = arith.index_cast %add3A_715 : i32 to index
        %get3A_717 = arith.constant 48 : index
        %get3A_718 = tpu.vector_load %arg22[%get3A_716, %get3A_717] {strides = array<i32>} : memref<128x64xf32, #tpu.memory_space<vmem>>, vector<16xf32>,
        %add3A_719 = arith.addf %get3A_711, %get3A_718 : vector<16xf32>
        %add3A_720 = arith.addf %add3A_664, %add3A_680 : vector<16xf32>
        %add3A_721 = arith.addf %add3A_665, %add3A_693 : vector<16xf32>
        %add3A_722 = arith.addf %add3A_666, %add3A_706 : vector<16xf32>
        %add3A_723 = arith.addf %add3A_667, %add3A_719 : vector<16xf32>
        %add3A_724 = arith.constant 14 : i32
        %add3A_725 = arith.addi %mul3A_336, %add3A_724 : i32
        %get3A_726 = arith.index_cast %add3A_725 : i32 to index
        %get3A_727 = arith.constant 0 : index
        %get3A_728 = tpu.vector_load %arg22[%get3A_726, %get3A_727] {strides = array<i32>} : memref<128x64xf32, #tpu.memory_space<vmem>>, vector<16xf32>,
        %add3A_729 = arith.constant 14 : i32
        %add3A_730 = arith.addi %mul3A_336, %add3A_729 : i32
        %add3A_731 = arith.constant 1 : i32
        %add3A_732 = arith.addi %add3A_730, %add3A_731 : i32
        %get3A_733 = arith.index_cast %add3A_732 : i32 to index
        %get3A_734 = arith.constant 0 : index
        %get3A_735 = tpu.vector_load %arg22[%get3A_733, %get3A_734] {strides = array<i32>} : memref<128x64xf32, #tpu.memory_space<vmem>>, vector<16xf32>,
        %add3A_736 = arith.addf %get3A_728, %get3A_735 : vector<16xf32>
        %add3A_737 = arith.constant 14 : i32
        %add3A_738 = arith.addi %mul3A_336, %add3A_737 : i32
        %get3A_739 = arith.index_cast %add3A_738 : i32 to index
        %get3A_740 = arith.constant 16 : index
        %get3A_741 = tpu.vector_load %arg22[%get3A_739, %get3A_740] {strides = array<i32>} : memref<128x64xf32, #tpu.memory_space<vmem>>, vector<16xf32>,
        %add3A_742 = arith.constant 14 : i32
        %add3A_743 = arith.addi %mul3A_336, %add3A_742 : i32
        %add3A_744 = arith.constant 1 : i32
        %add3A_745 = arith.addi %add3A_743, %add3A_744 : i32
        %get3A_746 = arith.index_cast %add3A_745 : i32 to index
        %get3A_747 = arith.constant 16 : index
        %get3A_748 = tpu.vector_load %arg22[%get3A_746, %get3A_747] {strides = array<i32>} : memref<128x64xf32, #tpu.memory_space<vmem>>, vector<16xf32>,
        %add3A_749 = arith.addf %get3A_741, %get3A_748 : vector<16xf32>
        %add3A_750 = arith.constant 14 : i32
        %add3A_751 = arith.addi %mul3A_336, %add3A_750 : i32
        %get3A_752 = arith.index_cast %add3A_751 : i32 to index
        %get3A_753 = arith.constant 32 : index
        %get3A_754 = tpu.vector_load %arg22[%get3A_752, %get3A_753] {strides = array<i32>} : memref<128x64xf32, #tpu.memory_space<vmem>>, vector<16xf32>,
        %add3A_755 = arith.constant 14 : i32
        %add3A_756 = arith.addi %mul3A_336, %add3A_755 : i32
        %add3A_757 = arith.constant 1 : i32
        %add3A_758 = arith.addi %add3A_756, %add3A_757 : i32
        %get3A_759 = arith.index_cast %add3A_758 : i32 to index
        %get3A_760 = arith.constant 32 : index
        %get3A_761 = tpu.vector_load %arg22[%get3A_759, %get3A_760] {strides = array<i32>} : memref<128x64xf32, #tpu.memory_space<vmem>>, vector<16xf32>,
        %add3A_762 = arith.addf %get3A_754, %get3A_761 : vector<16xf32>
        %add3A_763 = arith.constant 14 : i32
        %add3A_764 = arith.addi %mul3A_336, %add3A_763 : i32
        %get3A_765 = arith.index_cast %add3A_764 : i32 to index
        %get3A_766 = arith.constant 48 : index
        %get3A_767 = tpu.vector_load %arg22[%get3A_765, %get3A_766] {strides = array<i32>} : memref<128x64xf32, #tpu.memory_space<vmem>>, vector<16xf32>,
        %add3A_768 = arith.constant 14 : i32
        %add3A_769 = arith.addi %mul3A_336, %add3A_768 : i32
        %add3A_770 = arith.constant 1 : i32
        %add3A_771 = arith.addi %add3A_769, %add3A_770 : i32
        %get3A_772 = arith.index_cast %add3A_771 : i32 to index
        %get3A_773 = arith.constant 48 : index
        %get3A_774 = tpu.vector_load %arg22[%get3A_772, %get3A_773] {strides = array<i32>} : memref<128x64xf32, #tpu.memory_space<vmem>>, vector<16xf32>,
        %add3A_775 = arith.addf %get3A_767, %get3A_774 : vector<16xf32>
        %add3A_776 = arith.addf %add3A_720, %add3A_736 : vector<16xf32>
        %add3A_777 = arith.addf %add3A_721, %add3A_749 : vector<16xf32>
        %add3A_778 = arith.addf %add3A_722, %add3A_762 : vector<16xf32>
        %add3A_779 = arith.addf %add3A_723, %add3A_775 : vector<16xf32>
        %mul3A_780 = arith.constant 32 : i32
        %mul3A_781 = arith.muli %scan3A_334, %mul3A_780 : i32
        %add3A_782 = arith.constant 0 : i32
        %add3A_783 = arith.addi %mul3A_781, %add3A_782 : i32
        %get3A_784 = arith.index_cast %add3A_783 : i32 to index
        %get3A_785 = arith.constant 0 : index
        %get3A_786 = tpu.vector_load %arg23[%get3A_784, %get3A_785] {strides = array<i32>} : memref<256x64xf32, #tpu.memory_space<vmem>>, vector<16xf32>,
        %add3A_787 = arith.constant 0 : i32
        %add3A_788 = arith.addi %mul3A_781, %add3A_787 : i32
        %add3A_789 = arith.constant 1 : i32
        %add3A_790 = arith.addi %add3A_788, %add3A_789 : i32
        %get3A_791 = arith.index_cast %add3A_790 : i32 to index
        %get3A_792 = arith.constant 0 : index
        %get3A_793 = tpu.vector_load %arg23[%get3A_791, %get3A_792] {strides = array<i32>} : memref<256x64xf32, #tpu.memory_space<vmem>>, vector<16xf32>,
        %add3A_794 = arith.addf %get3A_786, %get3A_793 : vector<16xf32>
        %add3A_795 = arith.constant 0 : i32
        %add3A_796 = arith.addi %mul3A_781, %add3A_795 : i32
        %get3A_797 = arith.index_cast %add3A_796 : i32 to index
        %get3A_798 = arith.constant 16 : index
        %get3A_799 = tpu.vector_load %arg23[%get3A_797, %get3A_798] {strides = array<i32>} : memref<256x64xf32, #tpu.memory_space<vmem>>, vector<16xf32>,
        %add3A_800 = arith.constant 0 : i32
        %add3A_801 = arith.addi %mul3A_781, %add3A_800 : i32
        %add3A_802 = arith.constant 1 : i32
        %add3A_803 = arith.addi %add3A_801, %add3A_802 : i32
        %get3A_804 = arith.index_cast %add3A_803 : i32 to index
        %get3A_805 = arith.constant 16 : index
        %get3A_806 = tpu.vector_load %arg23[%get3A_804, %get3A_805] {strides = array<i32>} : memref<256x64xf32, #tpu.memory_space<vmem>>, vector<16xf32>,
        %add3A_807 = arith.addf %get3A_799, %get3A_806 : vector<16xf32>
        %add3A_808 = arith.constant 0 : i32
        %add3A_809 = arith.addi %mul3A_781, %add3A_808 : i32
        %get3A_810 = arith.index_cast %add3A_809 : i32 to index
        %get3A_811 = arith.constant 32 : index
        %get3A_812 = tpu.vector_load %arg23[%get3A_810, %get3A_811] {strides = array<i32>} : memref<256x64xf32, #tpu.memory_space<vmem>>, vector<16xf32>,
        %add3A_813 = arith.constant 0 : i32
        %add3A_814 = arith.addi %mul3A_781, %add3A_813 : i32
        %add3A_815 = arith.constant 1 : i32
        %add3A_816 = arith.addi %add3A_814, %add3A_815 : i32
        %get3A_817 = arith.index_cast %add3A_816 : i32 to index
        %get3A_818 = arith.constant 32 : index
        %get3A_819 = tpu.vector_load %arg23[%get3A_817, %get3A_818] {strides = array<i32>} : memref<256x64xf32, #tpu.memory_space<vmem>>, vector<16xf32>,
        %add3A_820 = arith.addf %get3A_812, %get3A_819 : vector<16xf32>
        %add3A_821 = arith.constant 0 : i32
        %add3A_822 = arith.addi %mul3A_781, %add3A_821 : i32
        %get3A_823 = arith.index_cast %add3A_822 : i32 to index
        %get3A_824 = arith.constant 48 : index
        %get3A_825 = tpu.vector_load %arg23[%get3A_823, %get3A_824] {strides = array<i32>} : memref<256x64xf32, #tpu.memory_space<vmem>>, vector<16xf32>,
        %add3A_826 = arith.constant 0 : i32
        %add3A_827 = arith.addi %mul3A_781, %add3A_826 : i32
        %add3A_828 = arith.constant 1 : i32
        %add3A_829 = arith.addi %add3A_827, %add3A_828 : i32
        %get3A_830 = arith.index_cast %add3A_829 : i32 to index
        %get3A_831 = arith.constant 48 : index
        %get3A_832 = tpu.vector_load %arg23[%get3A_830, %get3A_831] {strides = array<i32>} : memref<256x64xf32, #tpu.memory_space<vmem>>, vector<16xf32>,
        %add3A_833 = arith.addf %get3A_825, %get3A_832 : vector<16xf32>
        %add3A_834 = arith.constant 2 : i32
        %add3A_835 = arith.addi %mul3A_781, %add3A_834 : i32
        %get3A_836 = arith.index_cast %add3A_835 : i32 to index
        %get3A_837 = arith.constant 0 : index
        %get3A_838 = tpu.vector_load %arg23[%get3A_836, %get3A_837] {strides = array<i32>} : memref<256x64xf32, #tpu.memory_space<vmem>>, vector<16xf32>,
        %add3A_839 = arith.constant 2 : i32
        %add3A_840 = arith.addi %mul3A_781, %add3A_839 : i32
        %add3A_841 = arith.constant 1 : i32
        %add3A_842 = arith.addi %add3A_840, %add3A_841 : i32
        %get3A_843 = arith.index_cast %add3A_842 : i32 to index
        %get3A_844 = arith.constant 0 : index
        %get3A_845 = tpu.vector_load %arg23[%get3A_843, %get3A_844] {strides = array<i32>} : memref<256x64xf32, #tpu.memory_space<vmem>>, vector<16xf32>,
        %add3A_846 = arith.addf %get3A_838, %get3A_845 : vector<16xf32>
        %add3A_847 = arith.constant 2 : i32
        %add3A_848 = arith.addi %mul3A_781, %add3A_847 : i32
        %get3A_849 = arith.index_cast %add3A_848 : i32 to index
        %get3A_850 = arith.constant 16 : index
        %get3A_851 = tpu.vector_load %arg23[%get3A_849, %get3A_850] {strides = array<i32>} : memref<256x64xf32, #tpu.memory_space<vmem>>, vector<16xf32>,
        %add3A_852 = arith.constant 2 : i32
        %add3A_853 = arith.addi %mul3A_781, %add3A_852 : i32
        %add3A_854 = arith.constant 1 : i32
        %add3A_855 = arith.addi %add3A_853, %add3A_854 : i32
        %get3A_856 = arith.index_cast %add3A_855 : i32 to index
        %get3A_857 = arith.constant 16 : index
        %get3A_858 = tpu.vector_load %arg23[%get3A_856, %get3A_857] {strides = array<i32>} : memref<256x64xf32, #tpu.memory_space<vmem>>, vector<16xf32>,
        %add3A_859 = arith.addf %get3A_851, %get3A_858 : vector<16xf32>
        %add3A_860 = arith.constant 2 : i32
        %add3A_861 = arith.addi %mul3A_781, %add3A_860 : i32
        %get3A_862 = arith.index_cast %add3A_861 : i32 to index
        %get3A_863 = arith.constant 32 : index
        %get3A_864 = tpu.vector_load %arg23[%get3A_862, %get3A_863] {strides = array<i32>} : memref<256x64xf32, #tpu.memory_space<vmem>>, vector<16xf32>,
        %add3A_865 = arith.constant 2 : i32
        %add3A_866 = arith.addi %mul3A_781, %add3A_865 : i32
        %add3A_867 = arith.constant 1 : i32
        %add3A_868 = arith.addi %add3A_866, %add3A_867 : i32
        %get3A_869 = arith.index_cast %add3A_868 : i32 to index
        %get3A_870 = arith.constant 32 : index
        %get3A_871 = tpu.vector_load %arg23[%get3A_869, %get3A_870] {strides = array<i32>} : memref<256x64xf32, #tpu.memory_space<vmem>>, vector<16xf32>,
        %add3A_872 = arith.addf %get3A_864, %get3A_871 : vector<16xf32>
        %add3A_873 = arith.constant 2 : i32
        %add3A_874 = arith.addi %mul3A_781, %add3A_873 : i32
        %get3A_875 = arith.index_cast %add3A_874 : i32 to index
        %get3A_876 = arith.constant 48 : index
        %get3A_877 = tpu.vector_load %arg23[%get3A_875, %get3A_876] {strides = array<i32>} : memref<256x64xf32, #tpu.memory_space<vmem>>, vector<16xf32>,
        %add3A_878 = arith.constant 2 : i32
        %add3A_879 = arith.addi %mul3A_781, %add3A_878 : i32
        %add3A_880 = arith.constant 1 : i32
        %add3A_881 = arith.addi %add3A_879, %add3A_880 : i32
        %get3A_882 = arith.index_cast %add3A_881 : i32 to index
        %get3A_883 = arith.constant 48 : index
        %get3A_884 = tpu.vector_load %arg23[%get3A_882, %get3A_883] {strides = array<i32>} : memref<256x64xf32, #tpu.memory_space<vmem>>, vector<16xf32>,
        %add3A_885 = arith.addf %get3A_877, %get3A_884 : vector<16xf32>
        %add3A_886 = arith.addf %add3A_794, %add3A_846 : vector<16xf32>
        %add3A_887 = arith.addf %add3A_807, %add3A_859 : vector<16xf32>
        %add3A_888 = arith.addf %add3A_820, %add3A_872 : vector<16xf32>
        %add3A_889 = arith.addf %add3A_833, %add3A_885 : vector<16xf32>
        %add3A_890 = arith.constant 4 : i32
        %add3A_891 = arith.addi %mul3A_781, %add3A_890 : i32
        %get3A_892 = arith.index_cast %add3A_891 : i32 to index
        %get3A_893 = arith.constant 0 : index
        %get3A_894 = tpu.vector_load %arg23[%get3A_892, %get3A_893] {strides = array<i32>} : memref<256x64xf32, #tpu.memory_space<vmem>>, vector<16xf32>,
        %add3A_895 = arith.constant 4 : i32
        %add3A_896 = arith.addi %mul3A_781, %add3A_895 : i32
        %add3A_897 = arith.constant 1 : i32
        %add3A_898 = arith.addi %add3A_896, %add3A_897 : i32
        %get3A_899 = arith.index_cast %add3A_898 : i32 to index
        %get3A_900 = arith.constant 0 : index
        %get3A_901 = tpu.vector_load %arg23[%get3A_899, %get3A_900] {strides = array<i32>} : memref<256x64xf32, #tpu.memory_space<vmem>>, vector<16xf32>,
        %add3A_902 = arith.addf %get3A_894, %get3A_901 : vector<16xf32>
        %add3A_903 = arith.constant 4 : i32
        %add3A_904 = arith.addi %mul3A_781, %add3A_903 : i32
        %get3A_905 = arith.index_cast %add3A_904 : i32 to index
        %get3A_906 = arith.constant 16 : index
        %get3A_907 = tpu.vector_load %arg23[%get3A_905, %get3A_906] {strides = array<i32>} : memref<256x64xf32, #tpu.memory_space<vmem>>, vector<16xf32>,
        %add3A_908 = arith.constant 4 : i32
        %add3A_909 = arith.addi %mul3A_781, %add3A_908 : i32
        %add3A_910 = arith.constant 1 : i32
        %add3A_911 = arith.addi %add3A_909, %add3A_910 : i32
        %get3A_912 = arith.index_cast %add3A_911 : i32 to index
        %get3A_913 = arith.constant 16 : index
        %get3A_914 = tpu.vector_load %arg23[%get3A_912, %get3A_913] {strides = array<i32>} : memref<256x64xf32, #tpu.memory_space<vmem>>, vector<16xf32>,
        %add3A_915 = arith.addf %get3A_907, %get3A_914 : vector<16xf32>
        %add3A_916 = arith.constant 4 : i32
        %add3A_917 = arith.addi %mul3A_781, %add3A_916 : i32
        %get3A_918 = arith.index_cast %add3A_917 : i32 to index
        %get3A_919 = arith.constant 32 : index
        %get3A_920 = tpu.vector_load %arg23[%get3A_918, %get3A_919] {strides = array<i32>} : memref<256x64xf32, #tpu.memory_space<vmem>>, vector<16xf32>,
        %add3A_921 = arith.constant 4 : i32
        %add3A_922 = arith.addi %mul3A_781, %add3A_921 : i32
        %add3A_923 = arith.constant 1 : i32
        %add3A_924 = arith.addi %add3A_922, %add3A_923 : i32
        %get3A_925 = arith.index_cast %add3A_924 : i32 to index
        %get3A_926 = arith.constant 32 : index
        %get3A_927 = tpu.vector_load %arg23[%get3A_925, %get3A_926] {strides = array<i32>} : memref<256x64xf32, #tpu.memory_space<vmem>>, vector<16xf32>,
        %add3A_928 = arith.addf %get3A_920, %get3A_927 : vector<16xf32>
        %add3A_929 = arith.constant 4 : i32
        %add3A_930 = arith.addi %mul3A_781, %add3A_929 : i32
        %get3A_931 = arith.index_cast %add3A_930 : i32 to index
        %get3A_932 = arith.constant 48 : index
        %get3A_933 = tpu.vector_load %arg23[%get3A_931, %get3A_932] {strides = array<i32>} : memref<256x64xf32, #tpu.memory_space<vmem>>, vector<16xf32>,
        %add3A_934 = arith.constant 4 : i32
        %add3A_935 = arith.addi %mul3A_781, %add3A_934 : i32
        %add3A_936 = arith.constant 1 : i32
        %add3A_937 = arith.addi %add3A_935, %add3A_936 : i32
        %get3A_938 = arith.index_cast %add3A_937 : i32 to index
        %get3A_939 = arith.constant 48 : index
        %get3A_940 = tpu.vector_load %arg23[%get3A_938, %get3A_939] {strides = array<i32>} : memref<256x64xf32, #tpu.memory_space<vmem>>, vector<16xf32>,
        %add3A_941 = arith.addf %get3A_933, %get3A_940 : vector<16xf32>
        %add3A_942 = arith.addf %add3A_886, %add3A_902 : vector<16xf32>
        %add3A_943 = arith.addf %add3A_887, %add3A_915 : vector<16xf32>
        %add3A_944 = arith.addf %add3A_888, %add3A_928 : vector<16xf32>
        %add3A_945 = arith.addf %add3A_889, %add3A_941 : vector<16xf32>
        %add3A_946 = arith.constant 6 : i32
        %add3A_947 = arith.addi %mul3A_781, %add3A_946 : i32
        %get3A_948 = arith.index_cast %add3A_947 : i32 to index
        %get3A_949 = arith.constant 0 : index
        %get3A_950 = tpu.vector_load %arg23[%get3A_948, %get3A_949] {strides = array<i32>} : memref<256x64xf32, #tpu.memory_space<vmem>>, vector<16xf32>,
        %add3A_951 = arith.constant 6 : i32
        %add3A_952 = arith.addi %mul3A_781, %add3A_951 : i32
        %add3A_953 = arith.constant 1 : i32
        %add3A_954 = arith.addi %add3A_952, %add3A_953 : i32
        %get3A_955 = arith.index_cast %add3A_954 : i32 to index
        %get3A_956 = arith.constant 0 : index
        %get3A_957 = tpu.vector_load %arg23[%get3A_955, %get3A_956] {strides = array<i32>} : memref<256x64xf32, #tpu.memory_space<vmem>>, vector<16xf32>,
        %add3A_958 = arith.addf %get3A_950, %get3A_957 : vector<16xf32>
        %add3A_959 = arith.constant 6 : i32
        %add3A_960 = arith.addi %mul3A_781, %add3A_959 : i32
        %get3A_961 = arith.index_cast %add3A_960 : i32 to index
        %get3A_962 = arith.constant 16 : index
        %get3A_963 = tpu.vector_load %arg23[%get3A_961, %get3A_962] {strides = array<i32>} : memref<256x64xf32, #tpu.memory_space<vmem>>, vector<16xf32>,
        %add3A_964 = arith.constant 6 : i32
        %add3A_965 = arith.addi %mul3A_781, %add3A_964 : i32
        %add3A_966 = arith.constant 1 : i32
        %add3A_967 = arith.addi %add3A_965, %add3A_966 : i32
        %get3A_968 = arith.index_cast %add3A_967 : i32 to index
        %get3A_969 = arith.constant 16 : index
        %get3A_970 = tpu.vector_load %arg23[%get3A_968, %get3A_969] {strides = array<i32>} : memref<256x64xf32, #tpu.memory_space<vmem>>, vector<16xf32>,
        %add3A_971 = arith.addf %get3A_963, %get3A_970 : vector<16xf32>
        %add3A_972 = arith.constant 6 : i32
        %add3A_973 = arith.addi %mul3A_781, %add3A_972 : i32
        %get3A_974 = arith.index_cast %add3A_973 : i32 to index
        %get3A_975 = arith.constant 32 : index
        %get3A_976 = tpu.vector_load %arg23[%get3A_974, %get3A_975] {strides = array<i32>} : memref<256x64xf32, #tpu.memory_space<vmem>>, vector<16xf32>,
        %add3A_977 = arith.constant 6 : i32
        %add3A_978 = arith.addi %mul3A_781, %add3A_977 : i32
        %add3A_979 = arith.constant 1 : i32
        %add3A_980 = arith.addi %add3A_978, %add3A_979 : i32
        %get3A_981 = arith.index_cast %add3A_980 : i32 to index
        %get3A_982 = arith.constant 32 : index
        %get3A_983 = tpu.vector_load %arg23[%get3A_981, %get3A_982] {strides = array<i32>} : memref<256x64xf32, #tpu.memory_space<vmem>>, vector<16xf32>,
        %add3A_984 = arith.addf %get3A_976, %get3A_983 : vector<16xf32>
        %add3A_985 = arith.constant 6 : i32
        %add3A_986 = arith.addi %mul3A_781, %add3A_985 : i32
        %get3A_987 = arith.index_cast %add3A_986 : i32 to index
        %get3A_988 = arith.constant 48 : index
        %get3A_989 = tpu.vector_load %arg23[%get3A_987, %get3A_988] {strides = array<i32>} : memref<256x64xf32, #tpu.memory_space<vmem>>, vector<16xf32>,
        %add3A_990 = arith.constant 6 : i32
        %add3A_991 = arith.addi %mul3A_781, %add3A_990 : i32
        %add3A_992 = arith.constant 1 : i32
        %add3A_993 = arith.addi %add3A_991, %add3A_992 : i32
        %get3A_994 = arith.index_cast %add3A_993 : i32 to index
        %get3A_995 = arith.constant 48 : index
        %get3A_996 = tpu.vector_load %arg23[%get3A_994, %get3A_995] {strides = array<i32>} : memref<256x64xf32, #tpu.memory_space<vmem>>, vector<16xf32>,
        %add3A_997 = arith.addf %get3A_989, %get3A_996 : vector<16xf32>
        %add3A_998 = arith.addf %add3A_942, %add3A_958 : vector<16xf32>
        %add3A_999 = arith.addf %add3A_943, %add3A_971 : vector<16xf32>
        %add3A_1000 = arith.addf %add3A_944, %add3A_984 : vector<16xf32>
        %add3A_1001 = arith.addf %add3A_945, %add3A_997 : vector<16xf32>
        %add3A_1002 = arith.constant 8 : i32
        %add3A_1003 = arith.addi %mul3A_781, %add3A_1002 : i32
        %get3A_1004 = arith.index_cast %add3A_1003 : i32 to index
        %get3A_1005 = arith.constant 0 : index
        %get3A_1006 = tpu.vector_load %arg23[%get3A_1004, %get3A_1005] {strides = array<i32>} : memref<256x64xf32, #tpu.memory_space<vmem>>, vector<16xf32>,
        %add3A_1007 = arith.constant 8 : i32
        %add3A_1008 = arith.addi %mul3A_781, %add3A_1007 : i32
        %add3A_1009 = arith.constant 1 : i32
        %add3A_1010 = arith.addi %add3A_1008, %add3A_1009 : i32
        %get3A_1011 = arith.index_cast %add3A_1010 : i32 to index
        %get3A_1012 = arith.constant 0 : index
        %get3A_1013 = tpu.vector_load %arg23[%get3A_1011, %get3A_1012] {strides = array<i32>} : memref<256x64xf32, #tpu.memory_space<vmem>>, vector<16xf32>,
        %add3A_1014 = arith.addf %get3A_1006, %get3A_1013 : vector<16xf32>
        %add3A_1015 = arith.constant 8 : i32
        %add3A_1016 = arith.addi %mul3A_781, %add3A_1015 : i32
        %get3A_1017 = arith.index_cast %add3A_1016 : i32 to index
        %get3A_1018 = arith.constant 16 : index
        %get3A_1019 = tpu.vector_load %arg23[%get3A_1017, %get3A_1018] {strides = array<i32>} : memref<256x64xf32, #tpu.memory_space<vmem>>, vector<16xf32>,
        %add3A_1020 = arith.constant 8 : i32
        %add3A_1021 = arith.addi %mul3A_781, %add3A_1020 : i32
        %add3A_1022 = arith.constant 1 : i32
        %add3A_1023 = arith.addi %add3A_1021, %add3A_1022 : i32
        %get3A_1024 = arith.index_cast %add3A_1023 : i32 to index
        %get3A_1025 = arith.constant 16 : index
        %get3A_1026 = tpu.vector_load %arg23[%get3A_1024, %get3A_1025] {strides = array<i32>} : memref<256x64xf32, #tpu.memory_space<vmem>>, vector<16xf32>,
        %add3A_1027 = arith.addf %get3A_1019, %get3A_1026 : vector<16xf32>
        %add3A_1028 = arith.constant 8 : i32
        %add3A_1029 = arith.addi %mul3A_781, %add3A_1028 : i32
        %get3A_1030 = arith.index_cast %add3A_1029 : i32 to index
        %get3A_1031 = arith.constant 32 : index
        %get3A_1032 = tpu.vector_load %arg23[%get3A_1030, %get3A_1031] {strides = array<i32>} : memref<256x64xf32, #tpu.memory_space<vmem>>, vector<16xf32>,
        %add3A_1033 = arith.constant 8 : i32
        %add3A_1034 = arith.addi %mul3A_781, %add3A_1033 : i32
        %add3A_1035 = arith.constant 1 : i32
        %add3A_1036 = arith.addi %add3A_1034, %add3A_1035 : i32
        %get3A_1037 = arith.index_cast %add3A_1036 : i32 to index
        %get3A_1038 = arith.constant 32 : index
        %get3A_1039 = tpu.vector_load %arg23[%get3A_1037, %get3A_1038] {strides = array<i32>} : memref<256x64xf32, #tpu.memory_space<vmem>>, vector<16xf32>,
        %add3A_1040 = arith.addf %get3A_1032, %get3A_1039 : vector<16xf32>
        %add3A_1041 = arith.constant 8 : i32
        %add3A_1042 = arith.addi %mul3A_781, %add3A_1041 : i32
        %get3A_1043 = arith.index_cast %add3A_1042 : i32 to index
        %get3A_1044 = arith.constant 48 : index
        %get3A_1045 = tpu.vector_load %arg23[%get3A_1043, %get3A_1044] {strides = array<i32>} : memref<256x64xf32, #tpu.memory_space<vmem>>, vector<16xf32>,
        %add3A_1046 = arith.constant 8 : i32
        %add3A_1047 = arith.addi %mul3A_781, %add3A_1046 : i32
        %add3A_1048 = arith.constant 1 : i32
        %add3A_1049 = arith.addi %add3A_1047, %add3A_1048 : i32
        %get3A_1050 = arith.index_cast %add3A_1049 : i32 to index
        %get3A_1051 = arith.constant 48 : index
        %get3A_1052 = tpu.vector_load %arg23[%get3A_1050, %get3A_1051] {strides = array<i32>} : memref<256x64xf32, #tpu.memory_space<vmem>>, vector<16xf32>,
        %add3A_1053 = arith.addf %get3A_1045, %get3A_1052 : vector<16xf32>
        %add3A_1054 = arith.addf %add3A_998, %add3A_1014 : vector<16xf32>
        %add3A_1055 = arith.addf %add3A_999, %add3A_1027 : vector<16xf32>
        %add3A_1056 = arith.addf %add3A_1000, %add3A_1040 : vector<16xf32>
        %add3A_1057 = arith.addf %add3A_1001, %add3A_1053 : vector<16xf32>
        %add3A_1058 = arith.constant 10 : i32
        %add3A_1059 = arith.addi %mul3A_781, %add3A_1058 : i32
        %get3A_1060 = arith.index_cast %add3A_1059 : i32 to index
        %get3A_1061 = arith.constant 0 : index
        %get3A_1062 = tpu.vector_load %arg23[%get3A_1060, %get3A_1061] {strides = array<i32>} : memref<256x64xf32, #tpu.memory_space<vmem>>, vector<16xf32>,
        %add3A_1063 = arith.constant 10 : i32
        %add3A_1064 = arith.addi %mul3A_781, %add3A_1063 : i32
        %add3A_1065 = arith.constant 1 : i32
        %add3A_1066 = arith.addi %add3A_1064, %add3A_1065 : i32
        %get3A_1067 = arith.index_cast %add3A_1066 : i32 to index
        %get3A_1068 = arith.constant 0 : index
        %get3A_1069 = tpu.vector_load %arg23[%get3A_1067, %get3A_1068] {strides = array<i32>} : memref<256x64xf32, #tpu.memory_space<vmem>>, vector<16xf32>,
        %add3A_1070 = arith.addf %get3A_1062, %get3A_1069 : vector<16xf32>
        %add3A_1071 = arith.constant 10 : i32
        %add3A_1072 = arith.addi %mul3A_781, %add3A_1071 : i32
        %get3A_1073 = arith.index_cast %add3A_1072 : i32 to index
        %get3A_1074 = arith.constant 16 : index
        %get3A_1075 = tpu.vector_load %arg23[%get3A_1073, %get3A_1074] {strides = array<i32>} : memref<256x64xf32, #tpu.memory_space<vmem>>, vector<16xf32>,
        %add3A_1076 = arith.constant 10 : i32
        %add3A_1077 = arith.addi %mul3A_781, %add3A_1076 : i32
        %add3A_1078 = arith.constant 1 : i32
        %add3A_1079 = arith.addi %add3A_1077, %add3A_1078 : i32
        %get3A_1080 = arith.index_cast %add3A_1079 : i32 to index
        %get3A_1081 = arith.constant 16 : index
        %get3A_1082 = tpu.vector_load %arg23[%get3A_1080, %get3A_1081] {strides = array<i32>} : memref<256x64xf32, #tpu.memory_space<vmem>>, vector<16xf32>,
        %add3A_1083 = arith.addf %get3A_1075, %get3A_1082 : vector<16xf32>
        %add3A_1084 = arith.constant 10 : i32
        %add3A_1085 = arith.addi %mul3A_781, %add3A_1084 : i32
        %get3A_1086 = arith.index_cast %add3A_1085 : i32 to index
        %get3A_1087 = arith.constant 32 : index
        %get3A_1088 = tpu.vector_load %arg23[%get3A_1086, %get3A_1087] {strides = array<i32>} : memref<256x64xf32, #tpu.memory_space<vmem>>, vector<16xf32>,
        %add3A_1089 = arith.constant 10 : i32
        %add3A_1090 = arith.addi %mul3A_781, %add3A_1089 : i32
        %add3A_1091 = arith.constant 1 : i32
        %add3A_1092 = arith.addi %add3A_1090, %add3A_1091 : i32
        %get3A_1093 = arith.index_cast %add3A_1092 : i32 to index
        %get3A_1094 = arith.constant 32 : index
        %get3A_1095 = tpu.vector_load %arg23[%get3A_1093, %get3A_1094] {strides = array<i32>} : memref<256x64xf32, #tpu.memory_space<vmem>>, vector<16xf32>,
        %add3A_1096 = arith.addf %get3A_1088, %get3A_1095 : vector<16xf32>
        %add3A_1097 = arith.constant 10 : i32
        %add3A_1098 = arith.addi %mul3A_781, %add3A_1097 : i32
        %get3A_1099 = arith.index_cast %add3A_1098 : i32 to index
        %get3A_1100 = arith.constant 48 : index
        %get3A_1101 = tpu.vector_load %arg23[%get3A_1099, %get3A_1100] {strides = array<i32>} : memref<256x64xf32, #tpu.memory_space<vmem>>, vector<16xf32>,
        %add3A_1102 = arith.constant 10 : i32
        %add3A_1103 = arith.addi %mul3A_781, %add3A_1102 : i32
        %add3A_1104 = arith.constant 1 : i32
        %add3A_1105 = arith.addi %add3A_1103, %add3A_1104 : i32
        %get3A_1106 = arith.index_cast %add3A_1105 : i32 to index
        %get3A_1107 = arith.constant 48 : index
        %get3A_1108 = tpu.vector_load %arg23[%get3A_1106, %get3A_1107] {strides = array<i32>} : memref<256x64xf32, #tpu.memory_space<vmem>>, vector<16xf32>,
        %add3A_1109 = arith.addf %get3A_1101, %get3A_1108 : vector<16xf32>
        %add3A_1110 = arith.addf %add3A_1054, %add3A_1070 : vector<16xf32>
        %add3A_1111 = arith.addf %add3A_1055, %add3A_1083 : vector<16xf32>
        %add3A_1112 = arith.addf %add3A_1056, %add3A_1096 : vector<16xf32>
        %add3A_1113 = arith.addf %add3A_1057, %add3A_1109 : vector<16xf32>
        %add3A_1114 = arith.constant 12 : i32
        %add3A_1115 = arith.addi %mul3A_781, %add3A_1114 : i32
        %get3A_1116 = arith.index_cast %add3A_1115 : i32 to index
        %get3A_1117 = arith.constant 0 : index
        %get3A_1118 = tpu.vector_load %arg23[%get3A_1116, %get3A_1117] {strides = array<i32>} : memref<256x64xf32, #tpu.memory_space<vmem>>, vector<16xf32>,
        %add3A_1119 = arith.constant 12 : i32
        %add3A_1120 = arith.addi %mul3A_781, %add3A_1119 : i32
        %add3A_1121 = arith.constant 1 : i32
        %add3A_1122 = arith.addi %add3A_1120, %add3A_1121 : i32
        %get3A_1123 = arith.index_cast %add3A_1122 : i32 to index
        %get3A_1124 = arith.constant 0 : index
        %get3A_1125 = tpu.vector_load %arg23[%get3A_1123, %get3A_1124] {strides = array<i32>} : memref<256x64xf32, #tpu.memory_space<vmem>>, vector<16xf32>,
        %add3A_1126 = arith.addf %get3A_1118, %get3A_1125 : vector<16xf32>
        %add3A_1127 = arith.constant 12 : i32
        %add3A_1128 = arith.addi %mul3A_781, %add3A_1127 : i32
        %get3A_1129 = arith.index_cast %add3A_1128 : i32 to index
        %get3A_1130 = arith.constant 16 : index
        %get3A_1131 = tpu.vector_load %arg23[%get3A_1129, %get3A_1130] {strides = array<i32>} : memref<256x64xf32, #tpu.memory_space<vmem>>, vector<16xf32>,
        %add3A_1132 = arith.constant 12 : i32
        %add3A_1133 = arith.addi %mul3A_781, %add3A_1132 : i32
        %add3A_1134 = arith.constant 1 : i32
        %add3A_1135 = arith.addi %add3A_1133, %add3A_1134 : i32
        %get3A_1136 = arith.index_cast %add3A_1135 : i32 to index
        %get3A_1137 = arith.constant 16 : index
        %get3A_1138 = tpu.vector_load %arg23[%get3A_1136, %get3A_1137] {strides = array<i32>} : memref<256x64xf32, #tpu.memory_space<vmem>>, vector<16xf32>,
        %add3A_1139 = arith.addf %get3A_1131, %get3A_1138 : vector<16xf32>
        %add3A_1140 = arith.constant 12 : i32
        %add3A_1141 = arith.addi %mul3A_781, %add3A_1140 : i32
        %get3A_1142 = arith.index_cast %add3A_1141 : i32 to index
        %get3A_1143 = arith.constant 32 : index
        %get3A_1144 = tpu.vector_load %arg23[%get3A_1142, %get3A_1143] {strides = array<i32>} : memref<256x64xf32, #tpu.memory_space<vmem>>, vector<16xf32>,
        %add3A_1145 = arith.constant 12 : i32
        %add3A_1146 = arith.addi %mul3A_781, %add3A_1145 : i32
        %add3A_1147 = arith.constant 1 : i32
        %add3A_1148 = arith.addi %add3A_1146, %add3A_1147 : i32
        %get3A_1149 = arith.index_cast %add3A_1148 : i32 to index
        %get3A_1150 = arith.constant 32 : index
        %get3A_1151 = tpu.vector_load %arg23[%get3A_1149, %get3A_1150] {strides = array<i32>} : memref<256x64xf32, #tpu.memory_space<vmem>>, vector<16xf32>,
        %add3A_1152 = arith.addf %get3A_1144, %get3A_1151 : vector<16xf32>
        %add3A_1153 = arith.constant 12 : i32
        %add3A_1154 = arith.addi %mul3A_781, %add3A_1153 : i32
        %get3A_1155 = arith.index_cast %add3A_1154 : i32 to index
        %get3A_1156 = arith.constant 48 : index
        %get3A_1157 = tpu.vector_load %arg23[%get3A_1155, %get3A_1156] {strides = array<i32>} : memref<256x64xf32, #tpu.memory_space<vmem>>, vector<16xf32>,
        %add3A_1158 = arith.constant 12 : i32
        %add3A_1159 = arith.addi %mul3A_781, %add3A_1158 : i32
        %add3A_1160 = arith.constant 1 : i32
        %add3A_1161 = arith.addi %add3A_1159, %add3A_1160 : i32
        %get3A_1162 = arith.index_cast %add3A_1161 : i32 to index
        %get3A_1163 = arith.constant 48 : index
        %get3A_1164 = tpu.vector_load %arg23[%get3A_1162, %get3A_1163] {strides = array<i32>} : memref<256x64xf32, #tpu.memory_space<vmem>>, vector<16xf32>,
        %add3A_1165 = arith.addf %get3A_1157, %get3A_1164 : vector<16xf32>
        %add3A_1166 = arith.addf %add3A_1110, %add3A_1126 : vector<16xf32>
        %add3A_1167 = arith.addf %add3A_1111, %add3A_1139 : vector<16xf32>
        %add3A_1168 = arith.addf %add3A_1112, %add3A_1152 : vector<16xf32>
        %add3A_1169 = arith.addf %add3A_1113, %add3A_1165 : vector<16xf32>
        %add3A_1170 = arith.constant 14 : i32
        %add3A_1171 = arith.addi %mul3A_781, %add3A_1170 : i32
        %get3A_1172 = arith.index_cast %add3A_1171 : i32 to index
        %get3A_1173 = arith.constant 0 : index
        %get3A_1174 = tpu.vector_load %arg23[%get3A_1172, %get3A_1173] {strides = array<i32>} : memref<256x64xf32, #tpu.memory_space<vmem>>, vector<16xf32>,
        %add3A_1175 = arith.constant 14 : i32
        %add3A_1176 = arith.addi %mul3A_781, %add3A_1175 : i32
        %add3A_1177 = arith.constant 1 : i32
        %add3A_1178 = arith.addi %add3A_1176, %add3A_1177 : i32
        %get3A_1179 = arith.index_cast %add3A_1178 : i32 to index
        %get3A_1180 = arith.constant 0 : index
        %get3A_1181 = tpu.vector_load %arg23[%get3A_1179, %get3A_1180] {strides = array<i32>} : memref<256x64xf32, #tpu.memory_space<vmem>>, vector<16xf32>,
        %add3A_1182 = arith.addf %get3A_1174, %get3A_1181 : vector<16xf32>
        %add3A_1183 = arith.constant 14 : i32
        %add3A_1184 = arith.addi %mul3A_781, %add3A_1183 : i32
        %get3A_1185 = arith.index_cast %add3A_1184 : i32 to index
        %get3A_1186 = arith.constant 16 : index
        %get3A_1187 = tpu.vector_load %arg23[%get3A_1185, %get3A_1186] {strides = array<i32>} : memref<256x64xf32, #tpu.memory_space<vmem>>, vector<16xf32>,
        %add3A_1188 = arith.constant 14 : i32
        %add3A_1189 = arith.addi %mul3A_781, %add3A_1188 : i32
        %add3A_1190 = arith.constant 1 : i32
        %add3A_1191 = arith.addi %add3A_1189, %add3A_1190 : i32
        %get3A_1192 = arith.index_cast %add3A_1191 : i32 to index
        %get3A_1193 = arith.constant 16 : index
        %get3A_1194 = tpu.vector_load %arg23[%get3A_1192, %get3A_1193] {strides = array<i32>} : memref<256x64xf32, #tpu.memory_space<vmem>>, vector<16xf32>,
        %add3A_1195 = arith.addf %get3A_1187, %get3A_1194 : vector<16xf32>
        %add3A_1196 = arith.constant 14 : i32
        %add3A_1197 = arith.addi %mul3A_781, %add3A_1196 : i32
        %get3A_1198 = arith.index_cast %add3A_1197 : i32 to index
        %get3A_1199 = arith.constant 32 : index
        %get3A_1200 = tpu.vector_load %arg23[%get3A_1198, %get3A_1199] {strides = array<i32>} : memref<256x64xf32, #tpu.memory_space<vmem>>, vector<16xf32>,
        %add3A_1201 = arith.constant 14 : i32
        %add3A_1202 = arith.addi %mul3A_781, %add3A_1201 : i32
        %add3A_1203 = arith.constant 1 : i32
        %add3A_1204 = arith.addi %add3A_1202, %add3A_1203 : i32
        %get3A_1205 = arith.index_cast %add3A_1204 : i32 to index
        %get3A_1206 = arith.constant 32 : index
        %get3A_1207 = tpu.vector_load %arg23[%get3A_1205, %get3A_1206] {strides = array<i32>} : memref<256x64xf32, #tpu.memory_space<vmem>>, vector<16xf32>,
        %add3A_1208 = arith.addf %get3A_1200, %get3A_1207 : vector<16xf32>
        %add3A_1209 = arith.constant 14 : i32
        %add3A_1210 = arith.addi %mul3A_781, %add3A_1209 : i32
        %get3A_1211 = arith.index_cast %add3A_1210 : i32 to index
        %get3A_1212 = arith.constant 48 : index
        %get3A_1213 = tpu.vector_load %arg23[%get3A_1211, %get3A_1212] {strides = array<i32>} : memref<256x64xf32, #tpu.memory_space<vmem>>, vector<16xf32>,
        %add3A_1214 = arith.constant 14 : i32
        %add3A_1215 = arith.addi %mul3A_781, %add3A_1214 : i32
        %add3A_1216 = arith.constant 1 : i32
        %add3A_1217 = arith.addi %add3A_1215, %add3A_1216 : i32
        %get3A_1218 = arith.index_cast %add3A_1217 : i32 to index
        %get3A_1219 = arith.constant 48 : index
        %get3A_1220 = tpu.vector_load %arg23[%get3A_1218, %get3A_1219] {strides = array<i32>} : memref<256x64xf32, #tpu.memory_space<vmem>>, vector<16xf32>,
        %add3A_1221 = arith.addf %get3A_1213, %get3A_1220 : vector<16xf32>
        %add3A_1222 = arith.addf %add3A_1166, %add3A_1182 : vector<16xf32>
        %add3A_1223 = arith.addf %add3A_1167, %add3A_1195 : vector<16xf32>
        %add3A_1224 = arith.addf %add3A_1168, %add3A_1208 : vector<16xf32>
        %add3A_1225 = arith.addf %add3A_1169, %add3A_1221 : vector<16xf32>
        %add3A_1226 = arith.constant 16 : i32
        %add3A_1227 = arith.addi %mul3A_781, %add3A_1226 : i32
        %get3A_1228 = arith.index_cast %add3A_1227 : i32 to index
        %get3A_1229 = arith.constant 0 : index
        %get3A_1230 = tpu.vector_load %arg23[%get3A_1228, %get3A_1229] {strides = array<i32>} : memref<256x64xf32, #tpu.memory_space<vmem>>, vector<16xf32>,
        %add3A_1231 = arith.constant 16 : i32
        %add3A_1232 = arith.addi %mul3A_781, %add3A_1231 : i32
        %add3A_1233 = arith.constant 1 : i32
        %add3A_1234 = arith.addi %add3A_1232, %add3A_1233 : i32
        %get3A_1235 = arith.index_cast %add3A_1234 : i32 to index
        %get3A_1236 = arith.constant 0 : index
        %get3A_1237 = tpu.vector_load %arg23[%get3A_1235, %get3A_1236] {strides = array<i32>} : memref<256x64xf32, #tpu.memory_space<vmem>>, vector<16xf32>,
        %add3A_1238 = arith.addf %get3A_1230, %get3A_1237 : vector<16xf32>
        %add3A_1239 = arith.constant 16 : i32
        %add3A_1240 = arith.addi %mul3A_781, %add3A_1239 : i32
        %get3A_1241 = arith.index_cast %add3A_1240 : i32 to index
        %get3A_1242 = arith.constant 16 : index
        %get3A_1243 = tpu.vector_load %arg23[%get3A_1241, %get3A_1242] {strides = array<i32>} : memref<256x64xf32, #tpu.memory_space<vmem>>, vector<16xf32>,
        %add3A_1244 = arith.constant 16 : i32
        %add3A_1245 = arith.addi %mul3A_781, %add3A_1244 : i32
        %add3A_1246 = arith.constant 1 : i32
        %add3A_1247 = arith.addi %add3A_1245, %add3A_1246 : i32
        %get3A_1248 = arith.index_cast %add3A_1247 : i32 to index
        %get3A_1249 = arith.constant 16 : index
        %get3A_1250 = tpu.vector_load %arg23[%get3A_1248, %get3A_1249] {strides = array<i32>} : memref<256x64xf32, #tpu.memory_space<vmem>>, vector<16xf32>,
        %add3A_1251 = arith.addf %get3A_1243, %get3A_1250 : vector<16xf32>
        %add3A_1252 = arith.constant 16 : i32
        %add3A_1253 = arith.addi %mul3A_781, %add3A_1252 : i32
        %get3A_1254 = arith.index_cast %add3A_1253 : i32 to index
        %get3A_1255 = arith.constant 32 : index
        %get3A_1256 = tpu.vector_load %arg23[%get3A_1254, %get3A_1255] {strides = array<i32>} : memref<256x64xf32, #tpu.memory_space<vmem>>, vector<16xf32>,
        %add3A_1257 = arith.constant 16 : i32
        %add3A_1258 = arith.addi %mul3A_781, %add3A_1257 : i32
        %add3A_1259 = arith.constant 1 : i32
        %add3A_1260 = arith.addi %add3A_1258, %add3A_1259 : i32
        %get3A_1261 = arith.index_cast %add3A_1260 : i32 to index
        %get3A_1262 = arith.constant 32 : index
        %get3A_1263 = tpu.vector_load %arg23[%get3A_1261, %get3A_1262] {strides = array<i32>} : memref<256x64xf32, #tpu.memory_space<vmem>>, vector<16xf32>,
        %add3A_1264 = arith.addf %get3A_1256, %get3A_1263 : vector<16xf32>
        %add3A_1265 = arith.constant 16 : i32
        %add3A_1266 = arith.addi %mul3A_781, %add3A_1265 : i32
        %get3A_1267 = arith.index_cast %add3A_1266 : i32 to index
        %get3A_1268 = arith.constant 48 : index
        %get3A_1269 = tpu.vector_load %arg23[%get3A_1267, %get3A_1268] {strides = array<i32>} : memref<256x64xf32, #tpu.memory_space<vmem>>, vector<16xf32>,
        %add3A_1270 = arith.constant 16 : i32
        %add3A_1271 = arith.addi %mul3A_781, %add3A_1270 : i32
        %add3A_1272 = arith.constant 1 : i32
        %add3A_1273 = arith.addi %add3A_1271, %add3A_1272 : i32
        %get3A_1274 = arith.index_cast %add3A_1273 : i32 to index
        %get3A_1275 = arith.constant 48 : index
        %get3A_1276 = tpu.vector_load %arg23[%get3A_1274, %get3A_1275] {strides = array<i32>} : memref<256x64xf32, #tpu.memory_space<vmem>>, vector<16xf32>,
        %add3A_1277 = arith.addf %get3A_1269, %get3A_1276 : vector<16xf32>
        %add3A_1278 = arith.addf %add3A_1222, %add3A_1238 : vector<16xf32>
        %add3A_1279 = arith.addf %add3A_1223, %add3A_1251 : vector<16xf32>
        %add3A_1280 = arith.addf %add3A_1224, %add3A_1264 : vector<16xf32>
        %add3A_1281 = arith.addf %add3A_1225, %add3A_1277 : vector<16xf32>
        %add3A_1282 = arith.constant 18 : i32
        %add3A_1283 = arith.addi %mul3A_781, %add3A_1282 : i32
        %get3A_1284 = arith.index_cast %add3A_1283 : i32 to index
        %get3A_1285 = arith.constant 0 : index
        %get3A_1286 = tpu.vector_load %arg23[%get3A_1284, %get3A_1285] {strides = array<i32>} : memref<256x64xf32, #tpu.memory_space<vmem>>, vector<16xf32>,
        %add3A_1287 = arith.constant 18 : i32
        %add3A_1288 = arith.addi %mul3A_781, %add3A_1287 : i32
        %add3A_1289 = arith.constant 1 : i32
        %add3A_1290 = arith.addi %add3A_1288, %add3A_1289 : i32
        %get3A_1291 = arith.index_cast %add3A_1290 : i32 to index
        %get3A_1292 = arith.constant 0 : index
        %get3A_1293 = tpu.vector_load %arg23[%get3A_1291, %get3A_1292] {strides = array<i32>} : memref<256x64xf32, #tpu.memory_space<vmem>>, vector<16xf32>,
        %add3A_1294 = arith.addf %get3A_1286, %get3A_1293 : vector<16xf32>
        %add3A_1295 = arith.constant 18 : i32
        %add3A_1296 = arith.addi %mul3A_781, %add3A_1295 : i32
        %get3A_1297 = arith.index_cast %add3A_1296 : i32 to index
        %get3A_1298 = arith.constant 16 : index
        %get3A_1299 = tpu.vector_load %arg23[%get3A_1297, %get3A_1298] {strides = array<i32>} : memref<256x64xf32, #tpu.memory_space<vmem>>, vector<16xf32>,
        %add3A_1300 = arith.constant 18 : i32
        %add3A_1301 = arith.addi %mul3A_781, %add3A_1300 : i32
        %add3A_1302 = arith.constant 1 : i32
        %add3A_1303 = arith.addi %add3A_1301, %add3A_1302 : i32
        %get3A_1304 = arith.index_cast %add3A_1303 : i32 to index
        %get3A_1305 = arith.constant 16 : index
        %get3A_1306 = tpu.vector_load %arg23[%get3A_1304, %get3A_1305] {strides = array<i32>} : memref<256x64xf32, #tpu.memory_space<vmem>>, vector<16xf32>,
        %add3A_1307 = arith.addf %get3A_1299, %get3A_1306 : vector<16xf32>
        %add3A_1308 = arith.constant 18 : i32
        %add3A_1309 = arith.addi %mul3A_781, %add3A_1308 : i32
        %get3A_1310 = arith.index_cast %add3A_1309 : i32 to index
        %get3A_1311 = arith.constant 32 : index
        %get3A_1312 = tpu.vector_load %arg23[%get3A_1310, %get3A_1311] {strides = array<i32>} : memref<256x64xf32, #tpu.memory_space<vmem>>, vector<16xf32>,
        %add3A_1313 = arith.constant 18 : i32
        %add3A_1314 = arith.addi %mul3A_781, %add3A_1313 : i32
        %add3A_1315 = arith.constant 1 : i32
        %add3A_1316 = arith.addi %add3A_1314, %add3A_1315 : i32
        %get3A_1317 = arith.index_cast %add3A_1316 : i32 to index
        %get3A_1318 = arith.constant 32 : index
        %get3A_1319 = tpu.vector_load %arg23[%get3A_1317, %get3A_1318] {strides = array<i32>} : memref<256x64xf32, #tpu.memory_space<vmem>>, vector<16xf32>,
        %add3A_1320 = arith.addf %get3A_1312, %get3A_1319 : vector<16xf32>
        %add3A_1321 = arith.constant 18 : i32
        %add3A_1322 = arith.addi %mul3A_781, %add3A_1321 : i32
        %get3A_1323 = arith.index_cast %add3A_1322 : i32 to index
        %get3A_1324 = arith.constant 48 : index
        %get3A_1325 = tpu.vector_load %arg23[%get3A_1323, %get3A_1324] {strides = array<i32>} : memref<256x64xf32, #tpu.memory_space<vmem>>, vector<16xf32>,
        %add3A_1326 = arith.constant 18 : i32
        %add3A_1327 = arith.addi %mul3A_781, %add3A_1326 : i32
        %add3A_1328 = arith.constant 1 : i32
        %add3A_1329 = arith.addi %add3A_1327, %add3A_1328 : i32
        %get3A_1330 = arith.index_cast %add3A_1329 : i32 to index
        %get3A_1331 = arith.constant 48 : index
        %get3A_1332 = tpu.vector_load %arg23[%get3A_1330, %get3A_1331] {strides = array<i32>} : memref<256x64xf32, #tpu.memory_space<vmem>>, vector<16xf32>,
        %add3A_1333 = arith.addf %get3A_1325, %get3A_1332 : vector<16xf32>
        %add3A_1334 = arith.addf %add3A_1278, %add3A_1294 : vector<16xf32>
        %add3A_1335 = arith.addf %add3A_1279, %add3A_1307 : vector<16xf32>
        %add3A_1336 = arith.addf %add3A_1280, %add3A_1320 : vector<16xf32>
        %add3A_1337 = arith.addf %add3A_1281, %add3A_1333 : vector<16xf32>
        %add3A_1338 = arith.constant 20 : i32
        %add3A_1339 = arith.addi %mul3A_781, %add3A_1338 : i32
        %get3A_1340 = arith.index_cast %add3A_1339 : i32 to index
        %get3A_1341 = arith.constant 0 : index
        %get3A_1342 = tpu.vector_load %arg23[%get3A_1340, %get3A_1341] {strides = array<i32>} : memref<256x64xf32, #tpu.memory_space<vmem>>, vector<16xf32>,
        %add3A_1343 = arith.constant 20 : i32
        %add3A_1344 = arith.addi %mul3A_781, %add3A_1343 : i32
        %add3A_1345 = arith.constant 1 : i32
        %add3A_1346 = arith.addi %add3A_1344, %add3A_1345 : i32
        %get3A_1347 = arith.index_cast %add3A_1346 : i32 to index
        %get3A_1348 = arith.constant 0 : index
        %get3A_1349 = tpu.vector_load %arg23[%get3A_1347, %get3A_1348] {strides = array<i32>} : memref<256x64xf32, #tpu.memory_space<vmem>>, vector<16xf32>,
        %add3A_1350 = arith.addf %get3A_1342, %get3A_1349 : vector<16xf32>
        %add3A_1351 = arith.constant 20 : i32
        %add3A_1352 = arith.addi %mul3A_781, %add3A_1351 : i32
        %get3A_1353 = arith.index_cast %add3A_1352 : i32 to index
        %get3A_1354 = arith.constant 16 : index
        %get3A_1355 = tpu.vector_load %arg23[%get3A_1353, %get3A_1354] {strides = array<i32>} : memref<256x64xf32, #tpu.memory_space<vmem>>, vector<16xf32>,
        %add3A_1356 = arith.constant 20 : i32
        %add3A_1357 = arith.addi %mul3A_781, %add3A_1356 : i32
        %add3A_1358 = arith.constant 1 : i32
        %add3A_1359 = arith.addi %add3A_1357, %add3A_1358 : i32
        %get3A_1360 = arith.index_cast %add3A_1359 : i32 to index
        %get3A_1361 = arith.constant 16 : index
        %get3A_1362 = tpu.vector_load %arg23[%get3A_1360, %get3A_1361] {strides = array<i32>} : memref<256x64xf32, #tpu.memory_space<vmem>>, vector<16xf32>,
        %add3A_1363 = arith.addf %get3A_1355, %get3A_1362 : vector<16xf32>
        %add3A_1364 = arith.constant 20 : i32
        %add3A_1365 = arith.addi %mul3A_781, %add3A_1364 : i32
        %get3A_1366 = arith.index_cast %add3A_1365 : i32 to index
        %get3A_1367 = arith.constant 32 : index
        %get3A_1368 = tpu.vector_load %arg23[%get3A_1366, %get3A_1367] {strides = array<i32>} : memref<256x64xf32, #tpu.memory_space<vmem>>, vector<16xf32>,
        %add3A_1369 = arith.constant 20 : i32
        %add3A_1370 = arith.addi %mul3A_781, %add3A_1369 : i32
        %add3A_1371 = arith.constant 1 : i32
        %add3A_1372 = arith.addi %add3A_1370, %add3A_1371 : i32
        %get3A_1373 = arith.index_cast %add3A_1372 : i32 to index
        %get3A_1374 = arith.constant 32 : index
        %get3A_1375 = tpu.vector_load %arg23[%get3A_1373, %get3A_1374] {strides = array<i32>} : memref<256x64xf32, #tpu.memory_space<vmem>>, vector<16xf32>,
        %add3A_1376 = arith.addf %get3A_1368, %get3A_1375 : vector<16xf32>
        %add3A_1377 = arith.constant 20 : i32
        %add3A_1378 = arith.addi %mul3A_781, %add3A_1377 : i32
        %get3A_1379 = arith.index_cast %add3A_1378 : i32 to index
        %get3A_1380 = arith.constant 48 : index
        %get3A_1381 = tpu.vector_load %arg23[%get3A_1379, %get3A_1380] {strides = array<i32>} : memref<256x64xf32, #tpu.memory_space<vmem>>, vector<16xf32>,
        %add3A_1382 = arith.constant 20 : i32
        %add3A_1383 = arith.addi %mul3A_781, %add3A_1382 : i32
        %add3A_1384 = arith.constant 1 : i32
        %add3A_1385 = arith.addi %add3A_1383, %add3A_1384 : i32
        %get3A_1386 = arith.index_cast %add3A_1385 : i32 to index
        %get3A_1387 = arith.constant 48 : index
        %get3A_1388 = tpu.vector_load %arg23[%get3A_1386, %get3A_1387] {strides = array<i32>} : memref<256x64xf32, #tpu.memory_space<vmem>>, vector<16xf32>,
        %add3A_1389 = arith.addf %get3A_1381, %get3A_1388 : vector<16xf32>
        %add3A_1390 = arith.addf %add3A_1334, %add3A_1350 : vector<16xf32>
        %add3A_1391 = arith.addf %add3A_1335, %add3A_1363 : vector<16xf32>
        %add3A_1392 = arith.addf %add3A_1336, %add3A_1376 : vector<16xf32>
        %add3A_1393 = arith.addf %add3A_1337, %add3A_1389 : vector<16xf32>
        %add3A_1394 = arith.constant 22 : i32
        %add3A_1395 = arith.addi %mul3A_781, %add3A_1394 : i32
        %get3A_1396 = arith.index_cast %add3A_1395 : i32 to index
        %get3A_1397 = arith.constant 0 : index
        %get3A_1398 = tpu.vector_load %arg23[%get3A_1396, %get3A_1397] {strides = array<i32>} : memref<256x64xf32, #tpu.memory_space<vmem>>, vector<16xf32>,
        %add3A_1399 = arith.constant 22 : i32
        %add3A_1400 = arith.addi %mul3A_781, %add3A_1399 : i32
        %add3A_1401 = arith.constant 1 : i32
        %add3A_1402 = arith.addi %add3A_1400, %add3A_1401 : i32
        %get3A_1403 = arith.index_cast %add3A_1402 : i32 to index
        %get3A_1404 = arith.constant 0 : index
        %get3A_1405 = tpu.vector_load %arg23[%get3A_1403, %get3A_1404] {strides = array<i32>} : memref<256x64xf32, #tpu.memory_space<vmem>>, vector<16xf32>,
        %add3A_1406 = arith.addf %get3A_1398, %get3A_1405 : vector<16xf32>
        %add3A_1407 = arith.constant 22 : i32
        %add3A_1408 = arith.addi %mul3A_781, %add3A_1407 : i32
        %get3A_1409 = arith.index_cast %add3A_1408 : i32 to index
        %get3A_1410 = arith.constant 16 : index
        %get3A_1411 = tpu.vector_load %arg23[%get3A_1409, %get3A_1410] {strides = array<i32>} : memref<256x64xf32, #tpu.memory_space<vmem>>, vector<16xf32>,
        %add3A_1412 = arith.constant 22 : i32
        %add3A_1413 = arith.addi %mul3A_781, %add3A_1412 : i32
        %add3A_1414 = arith.constant 1 : i32
        %add3A_1415 = arith.addi %add3A_1413, %add3A_1414 : i32
        %get3A_1416 = arith.index_cast %add3A_1415 : i32 to index
        %get3A_1417 = arith.constant 16 : index
        %get3A_1418 = tpu.vector_load %arg23[%get3A_1416, %get3A_1417] {strides = array<i32>} : memref<256x64xf32, #tpu.memory_space<vmem>>, vector<16xf32>,
        %add3A_1419 = arith.addf %get3A_1411, %get3A_1418 : vector<16xf32>
        %add3A_1420 = arith.constant 22 : i32
        %add3A_1421 = arith.addi %mul3A_781, %add3A_1420 : i32
        %get3A_1422 = arith.index_cast %add3A_1421 : i32 to index
        %get3A_1423 = arith.constant 32 : index
        %get3A_1424 = tpu.vector_load %arg23[%get3A_1422, %get3A_1423] {strides = array<i32>} : memref<256x64xf32, #tpu.memory_space<vmem>>, vector<16xf32>,
        %add3A_1425 = arith.constant 22 : i32
        %add3A_1426 = arith.addi %mul3A_781, %add3A_1425 : i32
        %add3A_1427 = arith.constant 1 : i32
        %add3A_1428 = arith.addi %add3A_1426, %add3A_1427 : i32
        %get3A_1429 = arith.index_cast %add3A_1428 : i32 to index
        %get3A_1430 = arith.constant 32 : index
        %get3A_1431 = tpu.vector_load %arg23[%get3A_1429, %get3A_1430] {strides = array<i32>} : memref<256x64xf32, #tpu.memory_space<vmem>>, vector<16xf32>,
        %add3A_1432 = arith.addf %get3A_1424, %get3A_1431 : vector<16xf32>
        %add3A_1433 = arith.constant 22 : i32
        %add3A_1434 = arith.addi %mul3A_781, %add3A_1433 : i32
        %get3A_1435 = arith.index_cast %add3A_1434 : i32 to index
        %get3A_1436 = arith.constant 48 : index
        %get3A_1437 = tpu.vector_load %arg23[%get3A_1435, %get3A_1436] {strides = array<i32>} : memref<256x64xf32, #tpu.memory_space<vmem>>, vector<16xf32>,
        %add3A_1438 = arith.constant 22 : i32
        %add3A_1439 = arith.addi %mul3A_781, %add3A_1438 : i32
        %add3A_1440 = arith.constant 1 : i32
        %add3A_1441 = arith.addi %add3A_1439, %add3A_1440 : i32
        %get3A_1442 = arith.index_cast %add3A_1441 : i32 to index
        %get3A_1443 = arith.constant 48 : index
        %get3A_1444 = tpu.vector_load %arg23[%get3A_1442, %get3A_1443] {strides = array<i32>} : memref<256x64xf32, #tpu.memory_space<vmem>>, vector<16xf32>,
        %add3A_1445 = arith.addf %get3A_1437, %get3A_1444 : vector<16xf32>
        %add3A_1446 = arith.addf %add3A_1390, %add3A_1406 : vector<16xf32>
        %add3A_1447 = arith.addf %add3A_1391, %add3A_1419 : vector<16xf32>
        %add3A_1448 = arith.addf %add3A_1392, %add3A_1432 : vector<16xf32>
        %add3A_1449 = arith.addf %add3A_1393, %add3A_1445 : vector<16xf32>
        %add3A_1450 = arith.constant 24 : i32
        %add3A_1451 = arith.addi %mul3A_781, %add3A_1450 : i32
        %get3A_1452 = arith.index_cast %add3A_1451 : i32 to index
        %get3A_1453 = arith.constant 0 : index
        %get3A_1454 = tpu.vector_load %arg23[%get3A_1452, %get3A_1453] {strides = array<i32>} : memref<256x64xf32, #tpu.memory_space<vmem>>, vector<16xf32>,
        %add3A_1455 = arith.constant 24 : i32
        %add3A_1456 = arith.addi %mul3A_781, %add3A_1455 : i32
        %add3A_1457 = arith.constant 1 : i32
        %add3A_1458 = arith.addi %add3A_1456, %add3A_1457 : i32
        %get3A_1459 = arith.index_cast %add3A_1458 : i32 to index
        %get3A_1460 = arith.constant 0 : index
        %get3A_1461 = tpu.vector_load %arg23[%get3A_1459, %get3A_1460] {strides = array<i32>} : memref<256x64xf32, #tpu.memory_space<vmem>>, vector<16xf32>,
        %add3A_1462 = arith.addf %get3A_1454, %get3A_1461 : vector<16xf32>
        %add3A_1463 = arith.constant 24 : i32
        %add3A_1464 = arith.addi %mul3A_781, %add3A_1463 : i32
        %get3A_1465 = arith.index_cast %add3A_1464 : i32 to index
        %get3A_1466 = arith.constant 16 : index
        %get3A_1467 = tpu.vector_load %arg23[%get3A_1465, %get3A_1466] {strides = array<i32>} : memref<256x64xf32, #tpu.memory_space<vmem>>, vector<16xf32>,
        %add3A_1468 = arith.constant 24 : i32
        %add3A_1469 = arith.addi %mul3A_781, %add3A_1468 : i32
        %add3A_1470 = arith.constant 1 : i32
        %add3A_1471 = arith.addi %add3A_1469, %add3A_1470 : i32
        %get3A_1472 = arith.index_cast %add3A_1471 : i32 to index
        %get3A_1473 = arith.constant 16 : index
        %get3A_1474 = tpu.vector_load %arg23[%get3A_1472, %get3A_1473] {strides = array<i32>} : memref<256x64xf32, #tpu.memory_space<vmem>>, vector<16xf32>,
        %add3A_1475 = arith.addf %get3A_1467, %get3A_1474 : vector<16xf32>
        %add3A_1476 = arith.constant 24 : i32
        %add3A_1477 = arith.addi %mul3A_781, %add3A_1476 : i32
        %get3A_1478 = arith.index_cast %add3A_1477 : i32 to index
        %get3A_1479 = arith.constant 32 : index
        %get3A_1480 = tpu.vector_load %arg23[%get3A_1478, %get3A_1479] {strides = array<i32>} : memref<256x64xf32, #tpu.memory_space<vmem>>, vector<16xf32>,
        %add3A_1481 = arith.constant 24 : i32
        %add3A_1482 = arith.addi %mul3A_781, %add3A_1481 : i32
        %add3A_1483 = arith.constant 1 : i32
        %add3A_1484 = arith.addi %add3A_1482, %add3A_1483 : i32
        %get3A_1485 = arith.index_cast %add3A_1484 : i32 to index
        %get3A_1486 = arith.constant 32 : index
        %get3A_1487 = tpu.vector_load %arg23[%get3A_1485, %get3A_1486] {strides = array<i32>} : memref<256x64xf32, #tpu.memory_space<vmem>>, vector<16xf32>,
        %add3A_1488 = arith.addf %get3A_1480, %get3A_1487 : vector<16xf32>
        %add3A_1489 = arith.constant 24 : i32
        %add3A_1490 = arith.addi %mul3A_781, %add3A_1489 : i32
        %get3A_1491 = arith.index_cast %add3A_1490 : i32 to index
        %get3A_1492 = arith.constant 48 : index
        %get3A_1493 = tpu.vector_load %arg23[%get3A_1491, %get3A_1492] {strides = array<i32>} : memref<256x64xf32, #tpu.memory_space<vmem>>, vector<16xf32>,
        %add3A_1494 = arith.constant 24 : i32
        %add3A_1495 = arith.addi %mul3A_781, %add3A_1494 : i32
        %add3A_1496 = arith.constant 1 : i32
        %add3A_1497 = arith.addi %add3A_1495, %add3A_1496 : i32
        %get3A_1498 = arith.index_cast %add3A_1497 : i32 to index
        %get3A_1499 = arith.constant 48 : index
        %get3A_1500 = tpu.vector_load %arg23[%get3A_1498, %get3A_1499] {strides = array<i32>} : memref<256x64xf32, #tpu.memory_space<vmem>>, vector<16xf32>,
        %add3A_1501 = arith.addf %get3A_1493, %get3A_1500 : vector<16xf32>
        %add3A_1502 = arith.addf %add3A_1446, %add3A_1462 : vector<16xf32>
        %add3A_1503 = arith.addf %add3A_1447, %add3A_1475 : vector<16xf32>
        %add3A_1504 = arith.addf %add3A_1448, %add3A_1488 : vector<16xf32>
        %add3A_1505 = arith.addf %add3A_1449, %add3A_1501 : vector<16xf32>
        %add3A_1506 = arith.constant 26 : i32
        %add3A_1507 = arith.addi %mul3A_781, %add3A_1506 : i32
        %get3A_1508 = arith.index_cast %add3A_1507 : i32 to index
        %get3A_1509 = arith.constant 0 : index
        %get3A_1510 = tpu.vector_load %arg23[%get3A_1508, %get3A_1509] {strides = array<i32>} : memref<256x64xf32, #tpu.memory_space<vmem>>, vector<16xf32>,
        %add3A_1511 = arith.constant 26 : i32
        %add3A_1512 = arith.addi %mul3A_781, %add3A_1511 : i32
        %add3A_1513 = arith.constant 1 : i32
        %add3A_1514 = arith.addi %add3A_1512, %add3A_1513 : i32
        %get3A_1515 = arith.index_cast %add3A_1514 : i32 to index
        %get3A_1516 = arith.constant 0 : index
        %get3A_1517 = tpu.vector_load %arg23[%get3A_1515, %get3A_1516] {strides = array<i32>} : memref<256x64xf32, #tpu.memory_space<vmem>>, vector<16xf32>,
        %add3A_1518 = arith.addf %get3A_1510, %get3A_1517 : vector<16xf32>
        %add3A_1519 = arith.constant 26 : i32
        %add3A_1520 = arith.addi %mul3A_781, %add3A_1519 : i32
        %get3A_1521 = arith.index_cast %add3A_1520 : i32 to index
        %get3A_1522 = arith.constant 16 : index
        %get3A_1523 = tpu.vector_load %arg23[%get3A_1521, %get3A_1522] {strides = array<i32>} : memref<256x64xf32, #tpu.memory_space<vmem>>, vector<16xf32>,
        %add3A_1524 = arith.constant 26 : i32
        %add3A_1525 = arith.addi %mul3A_781, %add3A_1524 : i32
        %add3A_1526 = arith.constant 1 : i32
        %add3A_1527 = arith.addi %add3A_1525, %add3A_1526 : i32
        %get3A_1528 = arith.index_cast %add3A_1527 : i32 to index
        %get3A_1529 = arith.constant 16 : index
        %get3A_1530 = tpu.vector_load %arg23[%get3A_1528, %get3A_1529] {strides = array<i32>} : memref<256x64xf32, #tpu.memory_space<vmem>>, vector<16xf32>,
        %add3A_1531 = arith.addf %get3A_1523, %get3A_1530 : vector<16xf32>
        %add3A_1532 = arith.constant 26 : i32
        %add3A_1533 = arith.addi %mul3A_781, %add3A_1532 : i32
        %get3A_1534 = arith.index_cast %add3A_1533 : i32 to index
        %get3A_1535 = arith.constant 32 : index
        %get3A_1536 = tpu.vector_load %arg23[%get3A_1534, %get3A_1535] {strides = array<i32>} : memref<256x64xf32, #tpu.memory_space<vmem>>, vector<16xf32>,
        %add3A_1537 = arith.constant 26 : i32
        %add3A_1538 = arith.addi %mul3A_781, %add3A_1537 : i32
        %add3A_1539 = arith.constant 1 : i32
        %add3A_1540 = arith.addi %add3A_1538, %add3A_1539 : i32
        %get3A_1541 = arith.index_cast %add3A_1540 : i32 to index
        %get3A_1542 = arith.constant 32 : index
        %get3A_1543 = tpu.vector_load %arg23[%get3A_1541, %get3A_1542] {strides = array<i32>} : memref<256x64xf32, #tpu.memory_space<vmem>>, vector<16xf32>,
        %add3A_1544 = arith.addf %get3A_1536, %get3A_1543 : vector<16xf32>
        %add3A_1545 = arith.constant 26 : i32
        %add3A_1546 = arith.addi %mul3A_781, %add3A_1545 : i32
        %get3A_1547 = arith.index_cast %add3A_1546 : i32 to index
        %get3A_1548 = arith.constant 48 : index
        %get3A_1549 = tpu.vector_load %arg23[%get3A_1547, %get3A_1548] {strides = array<i32>} : memref<256x64xf32, #tpu.memory_space<vmem>>, vector<16xf32>,
        %add3A_1550 = arith.constant 26 : i32
        %add3A_1551 = arith.addi %mul3A_781, %add3A_1550 : i32
        %add3A_1552 = arith.constant 1 : i32
        %add3A_1553 = arith.addi %add3A_1551, %add3A_1552 : i32
        %get3A_1554 = arith.index_cast %add3A_1553 : i32 to index
        %get3A_1555 = arith.constant 48 : index
        %get3A_1556 = tpu.vector_load %arg23[%get3A_1554, %get3A_1555] {strides = array<i32>} : memref<256x64xf32, #tpu.memory_space<vmem>>, vector<16xf32>,
        %add3A_1557 = arith.addf %get3A_1549, %get3A_1556 : vector<16xf32>
        %add3A_1558 = arith.addf %add3A_1502, %add3A_1518 : vector<16xf32>
        %add3A_1559 = arith.addf %add3A_1503, %add3A_1531 : vector<16xf32>
        %add3A_1560 = arith.addf %add3A_1504, %add3A_1544 : vector<16xf32>
        %add3A_1561 = arith.addf %add3A_1505, %add3A_1557 : vector<16xf32>
        %add3A_1562 = arith.constant 28 : i32
        %add3A_1563 = arith.addi %mul3A_781, %add3A_1562 : i32
        %get3A_1564 = arith.index_cast %add3A_1563 : i32 to index
        %get3A_1565 = arith.constant 0 : index
        %get3A_1566 = tpu.vector_load %arg23[%get3A_1564, %get3A_1565] {strides = array<i32>} : memref<256x64xf32, #tpu.memory_space<vmem>>, vector<16xf32>,
        %add3A_1567 = arith.constant 28 : i32
        %add3A_1568 = arith.addi %mul3A_781, %add3A_1567 : i32
        %add3A_1569 = arith.constant 1 : i32
        %add3A_1570 = arith.addi %add3A_1568, %add3A_1569 : i32
        %get3A_1571 = arith.index_cast %add3A_1570 : i32 to index
        %get3A_1572 = arith.constant 0 : index
        %get3A_1573 = tpu.vector_load %arg23[%get3A_1571, %get3A_1572] {strides = array<i32>} : memref<256x64xf32, #tpu.memory_space<vmem>>, vector<16xf32>,
        %add3A_1574 = arith.addf %get3A_1566, %get3A_1573 : vector<16xf32>
        %add3A_1575 = arith.constant 28 : i32
        %add3A_1576 = arith.addi %mul3A_781, %add3A_1575 : i32
        %get3A_1577 = arith.index_cast %add3A_1576 : i32 to index
        %get3A_1578 = arith.constant 16 : index
        %get3A_1579 = tpu.vector_load %arg23[%get3A_1577, %get3A_1578] {strides = array<i32>} : memref<256x64xf32, #tpu.memory_space<vmem>>, vector<16xf32>,
        %add3A_1580 = arith.constant 28 : i32
        %add3A_1581 = arith.addi %mul3A_781, %add3A_1580 : i32
        %add3A_1582 = arith.constant 1 : i32
        %add3A_1583 = arith.addi %add3A_1581, %add3A_1582 : i32
        %get3A_1584 = arith.index_cast %add3A_1583 : i32 to index
        %get3A_1585 = arith.constant 16 : index
        %get3A_1586 = tpu.vector_load %arg23[%get3A_1584, %get3A_1585] {strides = array<i32>} : memref<256x64xf32, #tpu.memory_space<vmem>>, vector<16xf32>,
        %add3A_1587 = arith.addf %get3A_1579, %get3A_1586 : vector<16xf32>
        %add3A_1588 = arith.constant 28 : i32
        %add3A_1589 = arith.addi %mul3A_781, %add3A_1588 : i32
        %get3A_1590 = arith.index_cast %add3A_1589 : i32 to index
        %get3A_1591 = arith.constant 32 : index
        %get3A_1592 = tpu.vector_load %arg23[%get3A_1590, %get3A_1591] {strides = array<i32>} : memref<256x64xf32, #tpu.memory_space<vmem>>, vector<16xf32>,
        %add3A_1593 = arith.constant 28 : i32
        %add3A_1594 = arith.addi %mul3A_781, %add3A_1593 : i32
        %add3A_1595 = arith.constant 1 : i32
        %add3A_1596 = arith.addi %add3A_1594, %add3A_1595 : i32
        %get3A_1597 = arith.index_cast %add3A_1596 : i32 to index
        %get3A_1598 = arith.constant 32 : index
        %get3A_1599 = tpu.vector_load %arg23[%get3A_1597, %get3A_1598] {strides = array<i32>} : memref<256x64xf32, #tpu.memory_space<vmem>>, vector<16xf32>,
        %add3A_1600 = arith.addf %get3A_1592, %get3A_1599 : vector<16xf32>
        %add3A_1601 = arith.constant 28 : i32
        %add3A_1602 = arith.addi %mul3A_781, %add3A_1601 : i32
        %get3A_1603 = arith.index_cast %add3A_1602 : i32 to index
        %get3A_1604 = arith.constant 48 : index
        %get3A_1605 = tpu.vector_load %arg23[%get3A_1603, %get3A_1604] {strides = array<i32>} : memref<256x64xf32, #tpu.memory_space<vmem>>, vector<16xf32>,
        %add3A_1606 = arith.constant 28 : i32
        %add3A_1607 = arith.addi %mul3A_781, %add3A_1606 : i32
        %add3A_1608 = arith.constant 1 : i32
        %add3A_1609 = arith.addi %add3A_1607, %add3A_1608 : i32
        %get3A_1610 = arith.index_cast %add3A_1609 : i32 to index
        %get3A_1611 = arith.constant 48 : index
        %get3A_1612 = tpu.vector_load %arg23[%get3A_1610, %get3A_1611] {strides = array<i32>} : memref<256x64xf32, #tpu.memory_space<vmem>>, vector<16xf32>,
        %add3A_1613 = arith.addf %get3A_1605, %get3A_1612 : vector<16xf32>
        %add3A_1614 = arith.addf %add3A_1558, %add3A_1574 : vector<16xf32>
        %add3A_1615 = arith.addf %add3A_1559, %add3A_1587 : vector<16xf32>
        %add3A_1616 = arith.addf %add3A_1560, %add3A_1600 : vector<16xf32>
        %add3A_1617 = arith.addf %add3A_1561, %add3A_1613 : vector<16xf32>
        %add3A_1618 = arith.constant 30 : i32
        %add3A_1619 = arith.addi %mul3A_781, %add3A_1618 : i32
        %get3A_1620 = arith.index_cast %add3A_1619 : i32 to index
        %get3A_1621 = arith.constant 0 : index
        %get3A_1622 = tpu.vector_load %arg23[%get3A_1620, %get3A_1621] {strides = array<i32>} : memref<256x64xf32, #tpu.memory_space<vmem>>, vector<16xf32>,
        %add3A_1623 = arith.constant 30 : i32
        %add3A_1624 = arith.addi %mul3A_781, %add3A_1623 : i32
        %add3A_1625 = arith.constant 1 : i32
        %add3A_1626 = arith.addi %add3A_1624, %add3A_1625 : i32
        %get3A_1627 = arith.index_cast %add3A_1626 : i32 to index
        %get3A_1628 = arith.constant 0 : index
        %get3A_1629 = tpu.vector_load %arg23[%get3A_1627, %get3A_1628] {strides = array<i32>} : memref<256x64xf32, #tpu.memory_space<vmem>>, vector<16xf32>,
        %add3A_1630 = arith.addf %get3A_1622, %get3A_1629 : vector<16xf32>
        %add3A_1631 = arith.constant 30 : i32
        %add3A_1632 = arith.addi %mul3A_781, %add3A_1631 : i32
        %get3A_1633 = arith.index_cast %add3A_1632 : i32 to index
        %get3A_1634 = arith.constant 16 : index
        %get3A_1635 = tpu.vector_load %arg23[%get3A_1633, %get3A_1634] {strides = array<i32>} : memref<256x64xf32, #tpu.memory_space<vmem>>, vector<16xf32>,
        %add3A_1636 = arith.constant 30 : i32
        %add3A_1637 = arith.addi %mul3A_781, %add3A_1636 : i32
        %add3A_1638 = arith.constant 1 : i32
        %add3A_1639 = arith.addi %add3A_1637, %add3A_1638 : i32
        %get3A_1640 = arith.index_cast %add3A_1639 : i32 to index
        %get3A_1641 = arith.constant 16 : index
        %get3A_1642 = tpu.vector_load %arg23[%get3A_1640, %get3A_1641] {strides = array<i32>} : memref<256x64xf32, #tpu.memory_space<vmem>>, vector<16xf32>,
        %add3A_1643 = arith.addf %get3A_1635, %get3A_1642 : vector<16xf32>
        %add3A_1644 = arith.constant 30 : i32
        %add3A_1645 = arith.addi %mul3A_781, %add3A_1644 : i32
        %get3A_1646 = arith.index_cast %add3A_1645 : i32 to index
        %get3A_1647 = arith.constant 32 : index
        %get3A_1648 = tpu.vector_load %arg23[%get3A_1646, %get3A_1647] {strides = array<i32>} : memref<256x64xf32, #tpu.memory_space<vmem>>, vector<16xf32>,
        %add3A_1649 = arith.constant 30 : i32
        %add3A_1650 = arith.addi %mul3A_781, %add3A_1649 : i32
        %add3A_1651 = arith.constant 1 : i32
        %add3A_1652 = arith.addi %add3A_1650, %add3A_1651 : i32
        %get3A_1653 = arith.index_cast %add3A_1652 : i32 to index
        %get3A_1654 = arith.constant 32 : index
        %get3A_1655 = tpu.vector_load %arg23[%get3A_1653, %get3A_1654] {strides = array<i32>} : memref<256x64xf32, #tpu.memory_space<vmem>>, vector<16xf32>,
        %add3A_1656 = arith.addf %get3A_1648, %get3A_1655 : vector<16xf32>
        %add3A_1657 = arith.constant 30 : i32
        %add3A_1658 = arith.addi %mul3A_781, %add3A_1657 : i32
        %get3A_1659 = arith.index_cast %add3A_1658 : i32 to index
        %get3A_1660 = arith.constant 48 : index
        %get3A_1661 = tpu.vector_load %arg23[%get3A_1659, %get3A_1660] {strides = array<i32>} : memref<256x64xf32, #tpu.memory_space<vmem>>, vector<16xf32>,
        %add3A_1662 = arith.constant 30 : i32
        %add3A_1663 = arith.addi %mul3A_781, %add3A_1662 : i32
        %add3A_1664 = arith.constant 1 : i32
        %add3A_1665 = arith.addi %add3A_1663, %add3A_1664 : i32
        %get3A_1666 = arith.index_cast %add3A_1665 : i32 to index
        %get3A_1667 = arith.constant 48 : index
        %get3A_1668 = tpu.vector_load %arg23[%get3A_1666, %get3A_1667] {strides = array<i32>} : memref<256x64xf32, #tpu.memory_space<vmem>>, vector<16xf32>,
        %add3A_1669 = arith.addf %get3A_1661, %get3A_1668 : vector<16xf32>
        %add3A_1670 = arith.addf %add3A_1614, %add3A_1630 : vector<16xf32>
        %add3A_1671 = arith.addf %add3A_1615, %add3A_1643 : vector<16xf32>
        %add3A_1672 = arith.addf %add3A_1616, %add3A_1656 : vector<16xf32>
        %add3A_1673 = arith.addf %add3A_1617, %add3A_1669 : vector<16xf32>
        %get3A_1674 = arith.index_cast %scan3A_334 : i32 to index
        %get3A_1675 = arith.constant 0 : index
        %get3A_1676 = tpu.vector_load %arg21[%get3A_1674, %get3A_1675] {strides = array<i32>} : memref<8x128xf32, #tpu.memory_space<vmem>>, vector<16xf32>,
        %mul3A_1677 = arith.constant 1.250000e-01 : f32
        %mul3A_1678 = vector.broadcast %mul3A_1677 : f32 to vector<16xf32>
        %mul3A_1679 = arith.mulf %add3A_776, %mul3A_1678 : vector<16xf32>
        %add3A_1680 = arith.addf %get3A_1676, %mul3A_1679 : vector<16xf32>
        %mul3A_1681 = arith.constant 0.333333343 : f32
        %mul3A_1682 = vector.broadcast %mul3A_1681 : f32 to vector<16xf32>
        %mul3A_1683 = arith.mulf %add3A_1680, %mul3A_1682 : vector<16xf32>
        %get3A_1684 = arith.index_cast %scan3A_334 : i32 to index
        %get3A_1685 = arith.constant 16 : index
        %get3A_1686 = tpu.vector_load %arg21[%get3A_1684, %get3A_1685] {strides = array<i32>} : memref<8x128xf32, #tpu.memory_space<vmem>>, vector<16xf32>,
        %mul3A_1687 = arith.constant 1.250000e-01 : f32
        %mul3A_1688 = vector.broadcast %mul3A_1687 : f32 to vector<16xf32>
        %mul3A_1689 = arith.mulf %add3A_777, %mul3A_1688 : vector<16xf32>
        %add3A_1690 = arith.addf %get3A_1686, %mul3A_1689 : vector<16xf32>
        %mul3A_1691 = arith.constant 0.333333343 : f32
        %mul3A_1692 = vector.broadcast %mul3A_1691 : f32 to vector<16xf32>
        %mul3A_1693 = arith.mulf %add3A_1690, %mul3A_1692 : vector<16xf32>
        %get3A_1694 = arith.index_cast %scan3A_334 : i32 to index
        %get3A_1695 = arith.constant 32 : index
        %get3A_1696 = tpu.vector_load %arg21[%get3A_1694, %get3A_1695] {strides = array<i32>} : memref<8x128xf32, #tpu.memory_space<vmem>>, vector<16xf32>,
        %mul3A_1697 = arith.constant 1.250000e-01 : f32
        %mul3A_1698 = vector.broadcast %mul3A_1697 : f32 to vector<16xf32>
        %mul3A_1699 = arith.mulf %add3A_778, %mul3A_1698 : vector<16xf32>
        %add3A_1700 = arith.addf %get3A_1696, %mul3A_1699 : vector<16xf32>
        %mul3A_1701 = arith.constant 0.333333343 : f32
        %mul3A_1702 = vector.broadcast %mul3A_1701 : f32 to vector<16xf32>
        %mul3A_1703 = arith.mulf %add3A_1700, %mul3A_1702 : vector<16xf32>
        %get3A_1704 = arith.index_cast %scan3A_334 : i32 to index
        %get3A_1705 = arith.constant 48 : index
        %get3A_1706 = tpu.vector_load %arg21[%get3A_1704, %get3A_1705] {strides = array<i32>} : memref<8x128xf32, #tpu.memory_space<vmem>>, vector<16xf32>,
        %mul3A_1707 = arith.constant 1.250000e-01 : f32
        %mul3A_1708 = vector.broadcast %mul3A_1707 : f32 to vector<16xf32>
        %mul3A_1709 = arith.mulf %add3A_779, %mul3A_1708 : vector<16xf32>
        %add3A_1710 = arith.addf %get3A_1706, %mul3A_1709 : vector<16xf32>
        %mul3A_1711 = arith.constant 0.333333343 : f32
        %mul3A_1712 = vector.broadcast %mul3A_1711 : f32 to vector<16xf32>
        %mul3A_1713 = arith.mulf %add3A_1710, %mul3A_1712 : vector<16xf32>
        %get3A_1714 = arith.index_cast %scan3A_334 : i32 to index
        %get3A_1715 = arith.constant 64 : index
        %get3A_1716 = tpu.vector_load %arg21[%get3A_1714, %get3A_1715] {strides = array<i32>} : memref<8x128xf32, #tpu.memory_space<vmem>>, vector<16xf32>,
        %mul3A_1717 = arith.constant 6.250000e-02 : f32
        %mul3A_1718 = vector.broadcast %mul3A_1717 : f32 to vector<16xf32>
        %mul3A_1719 = arith.mulf %add3A_1670, %mul3A_1718 : vector<16xf32>
        %add3A_1720 = arith.addf %get3A_1716, %mul3A_1719 : vector<16xf32>
        %mul3A_1721 = arith.constant 0.333333343 : f32
        %mul3A_1722 = vector.broadcast %mul3A_1721 : f32 to vector<16xf32>
        %mul3A_1723 = arith.mulf %add3A_1720, %mul3A_1722 : vector<16xf32>
        %get3A_1724 = arith.index_cast %scan3A_334 : i32 to index
        %get3A_1725 = arith.constant 80 : index
        %get3A_1726 = tpu.vector_load %arg21[%get3A_1724, %get3A_1725] {strides = array<i32>} : memref<8x128xf32, #tpu.memory_space<vmem>>, vector<16xf32>,
        %mul3A_1727 = arith.constant 6.250000e-02 : f32
        %mul3A_1728 = vector.broadcast %mul3A_1727 : f32 to vector<16xf32>
        %mul3A_1729 = arith.mulf %add3A_1671, %mul3A_1728 : vector<16xf32>
        %add3A_1730 = arith.addf %get3A_1726, %mul3A_1729 : vector<16xf32>
        %mul3A_1731 = arith.constant 0.333333343 : f32
        %mul3A_1732 = vector.broadcast %mul3A_1731 : f32 to vector<16xf32>
        %mul3A_1733 = arith.mulf %add3A_1730, %mul3A_1732 : vector<16xf32>
        %get3A_1734 = arith.index_cast %scan3A_334 : i32 to index
        %get3A_1735 = arith.constant 96 : index
        %get3A_1736 = tpu.vector_load %arg21[%get3A_1734, %get3A_1735] {strides = array<i32>} : memref<8x128xf32, #tpu.memory_space<vmem>>, vector<16xf32>,
        %mul3A_1737 = arith.constant 6.250000e-02 : f32
        %mul3A_1738 = vector.broadcast %mul3A_1737 : f32 to vector<16xf32>
        %mul3A_1739 = arith.mulf %add3A_1672, %mul3A_1738 : vector<16xf32>
        %add3A_1740 = arith.addf %get3A_1736, %mul3A_1739 : vector<16xf32>
        %mul3A_1741 = arith.constant 0.333333343 : f32
        %mul3A_1742 = vector.broadcast %mul3A_1741 : f32 to vector<16xf32>
        %mul3A_1743 = arith.mulf %add3A_1740, %mul3A_1742 : vector<16xf32>
        %get3A_1744 = arith.index_cast %scan3A_334 : i32 to index
        %get3A_1745 = arith.constant 112 : index
        %get3A_1746 = tpu.vector_load %arg21[%get3A_1744, %get3A_1745] {strides = array<i32>} : memref<8x128xf32, #tpu.memory_space<vmem>>, vector<16xf32>,
        %mul3A_1747 = arith.constant 6.250000e-02 : f32
        %mul3A_1748 = vector.broadcast %mul3A_1747 : f32 to vector<16xf32>
        %mul3A_1749 = arith.mulf %add3A_1673, %mul3A_1748 : vector<16xf32>
        %add3A_1750 = arith.addf %get3A_1746, %mul3A_1749 : vector<16xf32>
        %mul3A_1751 = arith.constant 0.333333343 : f32
        %mul3A_1752 = vector.broadcast %mul3A_1751 : f32 to vector<16xf32>
        %mul3A_1753 = arith.mulf %add3A_1750, %mul3A_1752 : vector<16xf32>
        %mul3A_1754 = arith.constant 3 : i32
        %mul3A_1755 = arith.muli %scan3A_334, %mul3A_1754 : i32
        %add3A_1756 = arith.constant 0 : i32
        %add3A_1757 = arith.addi %mul3A_1755, %add3A_1756 : i32
        %mul3A_1758 = arith.constant 3 : i32
        %mul3A_1759 = arith.muli %scan3A_334, %mul3A_1758 : i32
        %add3A_1760 = arith.constant 1 : i32
        %add3A_1761 = arith.addi %mul3A_1759, %add3A_1760 : i32
        %mul3A_1762 = arith.constant 3 : i32
        %mul3A_1763 = arith.muli %scan3A_334, %mul3A_1762 : i32
        %add3A_1764 = arith.constant 2 : i32
        %add3A_1765 = arith.addi %mul3A_1763, %add3A_1764 : i32
        %mul3A_1766 = arith.constant 25 : i32
        %mul3A_1767 = arith.muli %scan3A_334, %mul3A_1766 : i32
        %get3A_1768 = arith.index_cast %add3A_1757 : i32 to index
        %get3A_1769 = arith.constant 0 : index
        %get3A_1770 = tpu.vector_load %arg24[%get3A_1768, %get3A_1769] {strides = array<i32>} : memref<24x128xf32, #tpu.memory_space<vmem>>, vector<16xf32>,
        %mul3A_1771 = arith.mulf %get3A_1770, %mul3A_1683 : vector<16xf32>
        %get3A_1772 = arith.index_cast %add3A_1757 : i32 to index
        %get3A_1773 = arith.constant 16 : index
        %get3A_1774 = tpu.vector_load %arg24[%get3A_1772, %get3A_1773] {strides = array<i32>} : memref<24x128xf32, #tpu.memory_space<vmem>>, vector<16xf32>,
        %mul3A_1775 = arith.mulf %get3A_1774, %mul3A_1693 : vector<16xf32>
        %add3A_1776 = arith.addf %mul3A_1771, %mul3A_1775 : vector<16xf32>
        %get3A_1777 = arith.index_cast %add3A_1757 : i32 to index
        %get3A_1778 = arith.constant 32 : index
        %get3A_1779 = tpu.vector_load %arg24[%get3A_1777, %get3A_1778] {strides = array<i32>} : memref<24x128xf32, #tpu.memory_space<vmem>>, vector<16xf32>,
        %mul3A_1780 = arith.mulf %get3A_1779, %mul3A_1703 : vector<16xf32>
        %get3A_1781 = arith.index_cast %add3A_1757 : i32 to index
        %get3A_1782 = arith.constant 48 : index
        %get3A_1783 = tpu.vector_load %arg24[%get3A_1781, %get3A_1782] {strides = array<i32>} : memref<24x128xf32, #tpu.memory_space<vmem>>, vector<16xf32>,
        %mul3A_1784 = arith.mulf %get3A_1783, %mul3A_1713 : vector<16xf32>
        %add3A_1785 = arith.addf %mul3A_1780, %mul3A_1784 : vector<16xf32>
        %get3A_1786 = arith.index_cast %add3A_1757 : i32 to index
        %get3A_1787 = arith.constant 64 : index
        %get3A_1788 = tpu.vector_load %arg24[%get3A_1786, %get3A_1787] {strides = array<i32>} : memref<24x128xf32, #tpu.memory_space<vmem>>, vector<16xf32>,
        %mul3A_1789 = arith.mulf %get3A_1788, %mul3A_1723 : vector<16xf32>
        %get3A_1790 = arith.index_cast %add3A_1757 : i32 to index
        %get3A_1791 = arith.constant 80 : index
        %get3A_1792 = tpu.vector_load %arg24[%get3A_1790, %get3A_1791] {strides = array<i32>} : memref<24x128xf32, #tpu.memory_space<vmem>>, vector<16xf32>,
        %mul3A_1793 = arith.mulf %get3A_1792, %mul3A_1733 : vector<16xf32>
        %add3A_1794 = arith.addf %mul3A_1789, %mul3A_1793 : vector<16xf32>
        %get3A_1795 = arith.index_cast %add3A_1757 : i32 to index
        %get3A_1796 = arith.constant 96 : index
        %get3A_1797 = tpu.vector_load %arg24[%get3A_1795, %get3A_1796] {strides = array<i32>} : memref<24x128xf32, #tpu.memory_space<vmem>>, vector<16xf32>,
        %mul3A_1798 = arith.mulf %get3A_1797, %mul3A_1743 : vector<16xf32>
        %get3A_1799 = arith.index_cast %add3A_1757 : i32 to index
        %get3A_1800 = arith.constant 112 : index
        %get3A_1801 = tpu.vector_load %arg24[%get3A_1799, %get3A_1800] {strides = array<i32>} : memref<24x128xf32, #tpu.memory_space<vmem>>, vector<16xf32>,
        %mul3A_1802 = arith.mulf %get3A_1801, %mul3A_1753 : vector<16xf32>
        %add3A_1803 = arith.addf %mul3A_1798, %mul3A_1802 : vector<16xf32>
        %add3A_1804 = arith.addf %add3A_1776, %add3A_1785 : vector<16xf32>
        %add3A_1805 = arith.addf %add3A_1794, %add3A_1803 : vector<16xf32>
        %add3A_1806 = arith.addf %add3A_1804, %add3A_1805 : vector<16xf32>
        %get3A_1807 = arith.index_cast %add3A_1761 : i32 to index
        %get3A_1808 = arith.constant 0 : index
        %get3A_1809 = tpu.vector_load %arg24[%get3A_1807, %get3A_1808] {strides = array<i32>} : memref<24x128xf32, #tpu.memory_space<vmem>>, vector<16xf32>,
        %mul3A_1810 = arith.mulf %get3A_1809, %mul3A_1683 : vector<16xf32>
        %get3A_1811 = arith.index_cast %add3A_1761 : i32 to index
        %get3A_1812 = arith.constant 16 : index
        %get3A_1813 = tpu.vector_load %arg24[%get3A_1811, %get3A_1812] {strides = array<i32>} : memref<24x128xf32, #tpu.memory_space<vmem>>, vector<16xf32>,
        %mul3A_1814 = arith.mulf %get3A_1813, %mul3A_1693 : vector<16xf32>
        %add3A_1815 = arith.addf %mul3A_1810, %mul3A_1814 : vector<16xf32>
        %get3A_1816 = arith.index_cast %add3A_1761 : i32 to index
        %get3A_1817 = arith.constant 32 : index
        %get3A_1818 = tpu.vector_load %arg24[%get3A_1816, %get3A_1817] {strides = array<i32>} : memref<24x128xf32, #tpu.memory_space<vmem>>, vector<16xf32>,
        %mul3A_1819 = arith.mulf %get3A_1818, %mul3A_1703 : vector<16xf32>
        %get3A_1820 = arith.index_cast %add3A_1761 : i32 to index
        %get3A_1821 = arith.constant 48 : index
        %get3A_1822 = tpu.vector_load %arg24[%get3A_1820, %get3A_1821] {strides = array<i32>} : memref<24x128xf32, #tpu.memory_space<vmem>>, vector<16xf32>,
        %mul3A_1823 = arith.mulf %get3A_1822, %mul3A_1713 : vector<16xf32>
        %add3A_1824 = arith.addf %mul3A_1819, %mul3A_1823 : vector<16xf32>
        %get3A_1825 = arith.index_cast %add3A_1761 : i32 to index
        %get3A_1826 = arith.constant 64 : index
        %get3A_1827 = tpu.vector_load %arg24[%get3A_1825, %get3A_1826] {strides = array<i32>} : memref<24x128xf32, #tpu.memory_space<vmem>>, vector<16xf32>,
        %mul3A_1828 = arith.mulf %get3A_1827, %mul3A_1723 : vector<16xf32>
        %get3A_1829 = arith.index_cast %add3A_1761 : i32 to index
        %get3A_1830 = arith.constant 80 : index
        %get3A_1831 = tpu.vector_load %arg24[%get3A_1829, %get3A_1830] {strides = array<i32>} : memref<24x128xf32, #tpu.memory_space<vmem>>, vector<16xf32>,
        %mul3A_1832 = arith.mulf %get3A_1831, %mul3A_1733 : vector<16xf32>
        %add3A_1833 = arith.addf %mul3A_1828, %mul3A_1832 : vector<16xf32>
        %get3A_1834 = arith.index_cast %add3A_1761 : i32 to index
        %get3A_1835 = arith.constant 96 : index
        %get3A_1836 = tpu.vector_load %arg24[%get3A_1834, %get3A_1835] {strides = array<i32>} : memref<24x128xf32, #tpu.memory_space<vmem>>, vector<16xf32>,
        %mul3A_1837 = arith.mulf %get3A_1836, %mul3A_1743 : vector<16xf32>
        %get3A_1838 = arith.index_cast %add3A_1761 : i32 to index
        %get3A_1839 = arith.constant 112 : index
        %get3A_1840 = tpu.vector_load %arg24[%get3A_1838, %get3A_1839] {strides = array<i32>} : memref<24x128xf32, #tpu.memory_space<vmem>>, vector<16xf32>,
        %mul3A_1841 = arith.mulf %get3A_1840, %mul3A_1753 : vector<16xf32>
        %add3A_1842 = arith.addf %mul3A_1837, %mul3A_1841 : vector<16xf32>
        %add3A_1843 = arith.addf %add3A_1815, %add3A_1824 : vector<16xf32>
        %add3A_1844 = arith.addf %add3A_1833, %add3A_1842 : vector<16xf32>
        %add3A_1845 = arith.addf %add3A_1843, %add3A_1844 : vector<16xf32>
        %get3A_1846 = arith.index_cast %add3A_1765 : i32 to index
        %get3A_1847 = arith.constant 0 : index
        %get3A_1848 = tpu.vector_load %arg24[%get3A_1846, %get3A_1847] {strides = array<i32>} : memref<24x128xf32, #tpu.memory_space<vmem>>, vector<16xf32>,
        %mul3A_1849 = arith.mulf %get3A_1848, %mul3A_1683 : vector<16xf32>
        %get3A_1850 = arith.index_cast %add3A_1765 : i32 to index
        %get3A_1851 = arith.constant 16 : index
        %get3A_1852 = tpu.vector_load %arg24[%get3A_1850, %get3A_1851] {strides = array<i32>} : memref<24x128xf32, #tpu.memory_space<vmem>>, vector<16xf32>,
        %mul3A_1853 = arith.mulf %get3A_1852, %mul3A_1693 : vector<16xf32>
        %add3A_1854 = arith.addf %mul3A_1849, %mul3A_1853 : vector<16xf32>
        %get3A_1855 = arith.index_cast %add3A_1765 : i32 to index
        %get3A_1856 = arith.constant 32 : index
        %get3A_1857 = tpu.vector_load %arg24[%get3A_1855, %get3A_1856] {strides = array<i32>} : memref<24x128xf32, #tpu.memory_space<vmem>>, vector<16xf32>,
        %mul3A_1858 = arith.mulf %get3A_1857, %mul3A_1703 : vector<16xf32>
        %get3A_1859 = arith.index_cast %add3A_1765 : i32 to index
        %get3A_1860 = arith.constant 48 : index
        %get3A_1861 = tpu.vector_load %arg24[%get3A_1859, %get3A_1860] {strides = array<i32>} : memref<24x128xf32, #tpu.memory_space<vmem>>, vector<16xf32>,
        %mul3A_1862 = arith.mulf %get3A_1861, %mul3A_1713 : vector<16xf32>
        %add3A_1863 = arith.addf %mul3A_1858, %mul3A_1862 : vector<16xf32>
        %get3A_1864 = arith.index_cast %add3A_1765 : i32 to index
        %get3A_1865 = arith.constant 64 : index
        %get3A_1866 = tpu.vector_load %arg24[%get3A_1864, %get3A_1865] {strides = array<i32>} : memref<24x128xf32, #tpu.memory_space<vmem>>, vector<16xf32>,
        %mul3A_1867 = arith.mulf %get3A_1866, %mul3A_1723 : vector<16xf32>
        %get3A_1868 = arith.index_cast %add3A_1765 : i32 to index
        %get3A_1869 = arith.constant 80 : index
        %get3A_1870 = tpu.vector_load %arg24[%get3A_1868, %get3A_1869] {strides = array<i32>} : memref<24x128xf32, #tpu.memory_space<vmem>>, vector<16xf32>,
        %mul3A_1871 = arith.mulf %get3A_1870, %mul3A_1733 : vector<16xf32>
        %add3A_1872 = arith.addf %mul3A_1867, %mul3A_1871 : vector<16xf32>
        %get3A_1873 = arith.index_cast %add3A_1765 : i32 to index
        %get3A_1874 = arith.constant 96 : index
        %get3A_1875 = tpu.vector_load %arg24[%get3A_1873, %get3A_1874] {strides = array<i32>} : memref<24x128xf32, #tpu.memory_space<vmem>>, vector<16xf32>,
        %mul3A_1876 = arith.mulf %get3A_1875, %mul3A_1743 : vector<16xf32>
        %get3A_1877 = arith.index_cast %add3A_1765 : i32 to index
        %get3A_1878 = arith.constant 112 : index
        %get3A_1879 = tpu.vector_load %arg24[%get3A_1877, %get3A_1878] {strides = array<i32>} : memref<24x128xf32, #tpu.memory_space<vmem>>, vector<16xf32>,
        %mul3A_1880 = arith.mulf %get3A_1879, %mul3A_1753 : vector<16xf32>
        %add3A_1881 = arith.addf %mul3A_1876, %mul3A_1880 : vector<16xf32>
        %add3A_1882 = arith.addf %add3A_1854, %add3A_1863 : vector<16xf32>
        %add3A_1883 = arith.addf %add3A_1872, %add3A_1881 : vector<16xf32>
        %add3A_1884 = arith.addf %add3A_1882, %add3A_1883 : vector<16xf32>
        %get3A_1885 = arith.index_cast %mul3A_1767 : i32 to index
        %get3A_1886 = arith.constant 0 : index
        %get3A_1887 = tpu.vector_load %arg25[%get3A_1885, %get3A_1886] {strides = array<i32>} : memref<200x128xf32, #tpu.memory_space<vmem>>, vector<16xf32>,
        %mul3A_1888 = arith.mulf %get3A_1887, %mul3A_1683 : vector<16xf32>
        %get3A_1889 = arith.index_cast %mul3A_1767 : i32 to index
        %get3A_1890 = arith.constant 16 : index
        %get3A_1891 = tpu.vector_load %arg25[%get3A_1889, %get3A_1890] {strides = array<i32>} : memref<200x128xf32, #tpu.memory_space<vmem>>, vector<16xf32>,
        %mul3A_1892 = arith.mulf %get3A_1891, %mul3A_1693 : vector<16xf32>
        %add3A_1893 = arith.addf %mul3A_1888, %mul3A_1892 : vector<16xf32>
        %get3A_1894 = arith.index_cast %mul3A_1767 : i32 to index
        %get3A_1895 = arith.constant 32 : index
        %get3A_1896 = tpu.vector_load %arg25[%get3A_1894, %get3A_1895] {strides = array<i32>} : memref<200x128xf32, #tpu.memory_space<vmem>>, vector<16xf32>,
        %mul3A_1897 = arith.mulf %get3A_1896, %mul3A_1703 : vector<16xf32>
        %get3A_1898 = arith.index_cast %mul3A_1767 : i32 to index
        %get3A_1899 = arith.constant 48 : index
        %get3A_1900 = tpu.vector_load %arg25[%get3A_1898, %get3A_1899] {strides = array<i32>} : memref<200x128xf32, #tpu.memory_space<vmem>>, vector<16xf32>,
        %mul3A_1901 = arith.mulf %get3A_1900, %mul3A_1713 : vector<16xf32>
        %add3A_1902 = arith.addf %mul3A_1897, %mul3A_1901 : vector<16xf32>
        %get3A_1903 = arith.index_cast %mul3A_1767 : i32 to index
        %get3A_1904 = arith.constant 64 : index
        %get3A_1905 = tpu.vector_load %arg25[%get3A_1903, %get3A_1904] {strides = array<i32>} : memref<200x128xf32, #tpu.memory_space<vmem>>, vector<16xf32>,
        %mul3A_1906 = arith.mulf %get3A_1905, %mul3A_1723 : vector<16xf32>
        %get3A_1907 = arith.index_cast %mul3A_1767 : i32 to index
        %get3A_1908 = arith.constant 80 : index
        %get3A_1909 = tpu.vector_load %arg25[%get3A_1907, %get3A_1908] {strides = array<i32>} : memref<200x128xf32, #tpu.memory_space<vmem>>, vector<16xf32>,
        %mul3A_1910 = arith.mulf %get3A_1909, %mul3A_1733 : vector<16xf32>
        %add3A_1911 = arith.addf %mul3A_1906, %mul3A_1910 : vector<16xf32>
        %get3A_1912 = arith.index_cast %mul3A_1767 : i32 to index
        %get3A_1913 = arith.constant 96 : index
        %get3A_1914 = tpu.vector_load %arg25[%get3A_1912, %get3A_1913] {strides = array<i32>} : memref<200x128xf32, #tpu.memory_space<vmem>>, vector<16xf32>,
        %mul3A_1915 = arith.mulf %get3A_1914, %mul3A_1743 : vector<16xf32>
        %get3A_1916 = arith.index_cast %mul3A_1767 : i32 to index
        %get3A_1917 = arith.constant 112 : index
        %get3A_1918 = tpu.vector_load %arg25[%get3A_1916, %get3A_1917] {strides = array<i32>} : memref<200x128xf32, #tpu.memory_space<vmem>>, vector<16xf32>,
        %mul3A_1919 = arith.mulf %get3A_1918, %mul3A_1753 : vector<16xf32>
        %add3A_1920 = arith.addf %mul3A_1915, %mul3A_1919 : vector<16xf32>
        %add3A_1921 = arith.addf %add3A_1893, %add3A_1902 : vector<16xf32>
        %add3A_1922 = arith.addf %add3A_1911, %add3A_1920 : vector<16xf32>
        %add3A_1923 = arith.addf %add3A_1921, %add3A_1922 : vector<16xf32>
        %broadcast_in_dim3A = arith.constant true
        %broadcast_in_dim3A_1924 = vector.broadcast %broadcast_in_dim3A : i1 to vector<16xi1>
        %masked_cumsum3A = tpu.scan <sum>, %add3A_1806 masked %broadcast_in_dim3A_1924 : vector<16xf32>, vector<16xi1> -> vector<16xf32>
        %broadcast_in_dim3A_1925 = arith.constant true
        %broadcast_in_dim3A_1926 = vector.broadcast %broadcast_in_dim3A_1925 : i1 to vector<16xi1>
        %masked_cumsum3A_1927 = tpu.scan <sum>, %add3A_1845 masked %broadcast_in_dim3A_1926 : vector<16xf32>, vector<16xi1> -> vector<16xf32>
        %broadcast_in_dim3A_1928 = arith.constant true
        %broadcast_in_dim3A_1929 = vector.broadcast %broadcast_in_dim3A_1928 : i1 to vector<16xi1>
        %masked_cumsum3A_1930 = tpu.scan <sum>, %add3A_1884 masked %broadcast_in_dim3A_1929 : vector<16xf32>, vector<16xi1> -> vector<16xf32>
        %broadcast_in_dim3A_1931 = arith.constant true
        %broadcast_in_dim3A_1932 = vector.broadcast %broadcast_in_dim3A_1931 : i1 to vector<16xi1>
        %masked_cumsum3A_1933 = tpu.scan <sum>, %add3A_1923 masked %broadcast_in_dim3A_1932 : vector<16xf32>, vector<16xi1> -> vector<16xf32>
        %mul3A_1934 = arith.constant 28 : i32
        %mul3A_1935 = arith.muli %scan3A_334, %mul3A_1934 : i32
        %add3A_1936 = arith.constant 0 : i32
        %add3A_1937 = arith.addi %mul3A_1935, %add3A_1936 : i32
        %broadcast_in_dim3A_1938 = vector.broadcast %add3A_1937 : i32 to vector<16xi32>
        tpu.vector_store_idx %arg26[%broadcast_in_dim3A_1938], %masked_cumsum3A masked %eq3A_4 : memref<224xf32, #tpu.memory_space<vmem>>[vector<16xi32>], vector<16xf32>, vector<16xi1>
        %mul3A_1939 = arith.constant 28 : i32
        %mul3A_1940 = arith.muli %scan3A_334, %mul3A_1939 : i32
        %add3A_1941 = arith.constant 1 : i32
        %add3A_1942 = arith.addi %mul3A_1940, %add3A_1941 : i32
        %broadcast_in_dim3A_1943 = vector.broadcast %add3A_1942 : i32 to vector<16xi32>
        tpu.vector_store_idx %arg26[%broadcast_in_dim3A_1943], %masked_cumsum3A_1927 masked %eq3A_4 : memref<224xf32, #tpu.memory_space<vmem>>[vector<16xi32>], vector<16xf32>, vector<16xi1>
        %mul3A_1944 = arith.constant 28 : i32
        %mul3A_1945 = arith.muli %scan3A_334, %mul3A_1944 : i32
        %add3A_1946 = arith.constant 2 : i32
        %add3A_1947 = arith.addi %mul3A_1945, %add3A_1946 : i32
        %broadcast_in_dim3A_1948 = vector.broadcast %add3A_1947 : i32 to vector<16xi32>
        tpu.vector_store_idx %arg26[%broadcast_in_dim3A_1948], %masked_cumsum3A_1930 masked %eq3A_4 : memref<224xf32, #tpu.memory_space<vmem>>[vector<16xi32>], vector<16xf32>, vector<16xi1>
        %mul3A_1949 = arith.constant 28 : i32
        %mul3A_1950 = arith.muli %scan3A_334, %mul3A_1949 : i32
        %add3A_1951 = arith.constant 3 : i32
        %add3A_1952 = arith.addi %mul3A_1950, %add3A_1951 : i32
        %broadcast_in_dim3A_1953 = vector.broadcast %add3A_1952 : i32 to vector<16xi32>
        tpu.vector_store_idx %arg26[%broadcast_in_dim3A_1953], %masked_cumsum3A_1933 masked %eq3A_4 : memref<224xf32, #tpu.memory_space<vmem>>[vector<16xi32>], vector<16xf32>, vector<16xi1>
        %scan3A_1954 = arith.constant 0 : i32
        %scan3A_1955 = arith.constant 0 : i32
        %scan3A_1956 = arith.constant 6 : i32
        %scan3A_1957 = arith.addi %scan3A_1955, %scan3A_1956 : i32
        %scan3A_1958 = arith.constant 1 : i32
        scf.for %scan3A_1960 = %scan3A_1955 to %scan3A_1957 step %scan3A_1958  : i32 {
          %mul3A_1961 = arith.constant 25 : i32
          %mul3A_1962 = arith.muli %scan3A_334, %mul3A_1961 : i32
          %add3A_1963 = arith.constant 1 : i32
          %add3A_1964 = arith.addi %mul3A_1962, %add3A_1963 : i32
          %mul3A_1965 = arith.constant 4 : i32
          %mul3A_1966 = arith.muli %scan3A_1960, %mul3A_1965 : i32
          %add3A_1967 = arith.addi %add3A_1964, %mul3A_1966 : i32
          %add3A_1968 = arith.constant 0 : i32
          %add3A_1969 = arith.addi %add3A_1967, %add3A_1968 : i32
          %add3A_1970 = arith.constant 1 : i32
          %add3A_1971 = arith.addi %add3A_1967, %add3A_1970 : i32
          %add3A_1972 = arith.constant 2 : i32
          %add3A_1973 = arith.addi %add3A_1967, %add3A_1972 : i32
          %add3A_1974 = arith.constant 3 : i32
          %add3A_1975 = arith.addi %add3A_1967, %add3A_1974 : i32
          %get3A_1976 = arith.index_cast %add3A_1969 : i32 to index
          %get3A_1977 = arith.constant 0 : index
          %get3A_1978 = tpu.vector_load %arg25[%get3A_1976, %get3A_1977] {strides = array<i32>} : memref<200x128xf32, #tpu.memory_space<vmem>>, vector<16xf32>,
          %mul3A_1979 = arith.mulf %get3A_1978, %mul3A_1683 : vector<16xf32>
          %get3A_1980 = arith.index_cast %add3A_1969 : i32 to index
          %get3A_1981 = arith.constant 16 : index
          %get3A_1982 = tpu.vector_load %arg25[%get3A_1980, %get3A_1981] {strides = array<i32>} : memref<200x128xf32, #tpu.memory_space<vmem>>, vector<16xf32>,
          %mul3A_1983 = arith.mulf %get3A_1982, %mul3A_1693 : vector<16xf32>
          %add3A_1984 = arith.addf %mul3A_1979, %mul3A_1983 : vector<16xf32>
          %get3A_1985 = arith.index_cast %add3A_1969 : i32 to index
          %get3A_1986 = arith.constant 32 : index
          %get3A_1987 = tpu.vector_load %arg25[%get3A_1985, %get3A_1986] {strides = array<i32>} : memref<200x128xf32, #tpu.memory_space<vmem>>, vector<16xf32>,
          %mul3A_1988 = arith.mulf %get3A_1987, %mul3A_1703 : vector<16xf32>
          %get3A_1989 = arith.index_cast %add3A_1969 : i32 to index
          %get3A_1990 = arith.constant 48 : index
          %get3A_1991 = tpu.vector_load %arg25[%get3A_1989, %get3A_1990] {strides = array<i32>} : memref<200x128xf32, #tpu.memory_space<vmem>>, vector<16xf32>,
          %mul3A_1992 = arith.mulf %get3A_1991, %mul3A_1713 : vector<16xf32>
          %add3A_1993 = arith.addf %mul3A_1988, %mul3A_1992 : vector<16xf32>
          %get3A_1994 = arith.index_cast %add3A_1969 : i32 to index
          %get3A_1995 = arith.constant 64 : index
          %get3A_1996 = tpu.vector_load %arg25[%get3A_1994, %get3A_1995] {strides = array<i32>} : memref<200x128xf32, #tpu.memory_space<vmem>>, vector<16xf32>,
          %mul3A_1997 = arith.mulf %get3A_1996, %mul3A_1723 : vector<16xf32>
          %get3A_1998 = arith.index_cast %add3A_1969 : i32 to index
          %get3A_1999 = arith.constant 80 : index
          %get3A_2000 = tpu.vector_load %arg25[%get3A_1998, %get3A_1999] {strides = array<i32>} : memref<200x128xf32, #tpu.memory_space<vmem>>, vector<16xf32>,
          %mul3A_2001 = arith.mulf %get3A_2000, %mul3A_1733 : vector<16xf32>
          %add3A_2002 = arith.addf %mul3A_1997, %mul3A_2001 : vector<16xf32>
          %get3A_2003 = arith.index_cast %add3A_1969 : i32 to index
          %get3A_2004 = arith.constant 96 : index
          %get3A_2005 = tpu.vector_load %arg25[%get3A_2003, %get3A_2004] {strides = array<i32>} : memref<200x128xf32, #tpu.memory_space<vmem>>, vector<16xf32>,
          %mul3A_2006 = arith.mulf %get3A_2005, %mul3A_1743 : vector<16xf32>
          %get3A_2007 = arith.index_cast %add3A_1969 : i32 to index
          %get3A_2008 = arith.constant 112 : index
          %get3A_2009 = tpu.vector_load %arg25[%get3A_2007, %get3A_2008] {strides = array<i32>} : memref<200x128xf32, #tpu.memory_space<vmem>>, vector<16xf32>,
          %mul3A_2010 = arith.mulf %get3A_2009, %mul3A_1753 : vector<16xf32>
          %add3A_2011 = arith.addf %mul3A_2006, %mul3A_2010 : vector<16xf32>
          %add3A_2012 = arith.addf %add3A_1984, %add3A_1993 : vector<16xf32>
          %add3A_2013 = arith.addf %add3A_2002, %add3A_2011 : vector<16xf32>
          %add3A_2014 = arith.addf %add3A_2012, %add3A_2013 : vector<16xf32>
          %get3A_2015 = arith.index_cast %add3A_1971 : i32 to index
          %get3A_2016 = arith.constant 0 : index
          %get3A_2017 = tpu.vector_load %arg25[%get3A_2015, %get3A_2016] {strides = array<i32>} : memref<200x128xf32, #tpu.memory_space<vmem>>, vector<16xf32>,
          %mul3A_2018 = arith.mulf %get3A_2017, %mul3A_1683 : vector<16xf32>
          %get3A_2019 = arith.index_cast %add3A_1971 : i32 to index
          %get3A_2020 = arith.constant 16 : index
          %get3A_2021 = tpu.vector_load %arg25[%get3A_2019, %get3A_2020] {strides = array<i32>} : memref<200x128xf32, #tpu.memory_space<vmem>>, vector<16xf32>,
          %mul3A_2022 = arith.mulf %get3A_2021, %mul3A_1693 : vector<16xf32>
          %add3A_2023 = arith.addf %mul3A_2018, %mul3A_2022 : vector<16xf32>
          %get3A_2024 = arith.index_cast %add3A_1971 : i32 to index
          %get3A_2025 = arith.constant 32 : index
          %get3A_2026 = tpu.vector_load %arg25[%get3A_2024, %get3A_2025] {strides = array<i32>} : memref<200x128xf32, #tpu.memory_space<vmem>>, vector<16xf32>,
          %mul3A_2027 = arith.mulf %get3A_2026, %mul3A_1703 : vector<16xf32>
          %get3A_2028 = arith.index_cast %add3A_1971 : i32 to index
          %get3A_2029 = arith.constant 48 : index
          %get3A_2030 = tpu.vector_load %arg25[%get3A_2028, %get3A_2029] {strides = array<i32>} : memref<200x128xf32, #tpu.memory_space<vmem>>, vector<16xf32>,
          %mul3A_2031 = arith.mulf %get3A_2030, %mul3A_1713 : vector<16xf32>
          %add3A_2032 = arith.addf %mul3A_2027, %mul3A_2031 : vector<16xf32>
          %get3A_2033 = arith.index_cast %add3A_1971 : i32 to index
          %get3A_2034 = arith.constant 64 : index
          %get3A_2035 = tpu.vector_load %arg25[%get3A_2033, %get3A_2034] {strides = array<i32>} : memref<200x128xf32, #tpu.memory_space<vmem>>, vector<16xf32>,
          %mul3A_2036 = arith.mulf %get3A_2035, %mul3A_1723 : vector<16xf32>
          %get3A_2037 = arith.index_cast %add3A_1971 : i32 to index
          %get3A_2038 = arith.constant 80 : index
          %get3A_2039 = tpu.vector_load %arg25[%get3A_2037, %get3A_2038] {strides = array<i32>} : memref<200x128xf32, #tpu.memory_space<vmem>>, vector<16xf32>,
          %mul3A_2040 = arith.mulf %get3A_2039, %mul3A_1733 : vector<16xf32>
          %add3A_2041 = arith.addf %mul3A_2036, %mul3A_2040 : vector<16xf32>
          %get3A_2042 = arith.index_cast %add3A_1971 : i32 to index
          %get3A_2043 = arith.constant 96 : index
          %get3A_2044 = tpu.vector_load %arg25[%get3A_2042, %get3A_2043] {strides = array<i32>} : memref<200x128xf32, #tpu.memory_space<vmem>>, vector<16xf32>,
          %mul3A_2045 = arith.mulf %get3A_2044, %mul3A_1743 : vector<16xf32>
          %get3A_2046 = arith.index_cast %add3A_1971 : i32 to index
          %get3A_2047 = arith.constant 112 : index
          %get3A_2048 = tpu.vector_load %arg25[%get3A_2046, %get3A_2047] {strides = array<i32>} : memref<200x128xf32, #tpu.memory_space<vmem>>, vector<16xf32>,
          %mul3A_2049 = arith.mulf %get3A_2048, %mul3A_1753 : vector<16xf32>
          %add3A_2050 = arith.addf %mul3A_2045, %mul3A_2049 : vector<16xf32>
          %add3A_2051 = arith.addf %add3A_2023, %add3A_2032 : vector<16xf32>
          %add3A_2052 = arith.addf %add3A_2041, %add3A_2050 : vector<16xf32>
          %add3A_2053 = arith.addf %add3A_2051, %add3A_2052 : vector<16xf32>
          %get3A_2054 = arith.index_cast %add3A_1973 : i32 to index
          %get3A_2055 = arith.constant 0 : index
          %get3A_2056 = tpu.vector_load %arg25[%get3A_2054, %get3A_2055] {strides = array<i32>} : memref<200x128xf32, #tpu.memory_space<vmem>>, vector<16xf32>,
          %mul3A_2057 = arith.mulf %get3A_2056, %mul3A_1683 : vector<16xf32>
          %get3A_2058 = arith.index_cast %add3A_1973 : i32 to index
          %get3A_2059 = arith.constant 16 : index
          %get3A_2060 = tpu.vector_load %arg25[%get3A_2058, %get3A_2059] {strides = array<i32>} : memref<200x128xf32, #tpu.memory_space<vmem>>, vector<16xf32>,
          %mul3A_2061 = arith.mulf %get3A_2060, %mul3A_1693 : vector<16xf32>
          %add3A_2062 = arith.addf %mul3A_2057, %mul3A_2061 : vector<16xf32>
          %get3A_2063 = arith.index_cast %add3A_1973 : i32 to index
          %get3A_2064 = arith.constant 32 : index
          %get3A_2065 = tpu.vector_load %arg25[%get3A_2063, %get3A_2064] {strides = array<i32>} : memref<200x128xf32, #tpu.memory_space<vmem>>, vector<16xf32>,
          %mul3A_2066 = arith.mulf %get3A_2065, %mul3A_1703 : vector<16xf32>
          %get3A_2067 = arith.index_cast %add3A_1973 : i32 to index
          %get3A_2068 = arith.constant 48 : index
          %get3A_2069 = tpu.vector_load %arg25[%get3A_2067, %get3A_2068] {strides = array<i32>} : memref<200x128xf32, #tpu.memory_space<vmem>>, vector<16xf32>,
          %mul3A_2070 = arith.mulf %get3A_2069, %mul3A_1713 : vector<16xf32>
          %add3A_2071 = arith.addf %mul3A_2066, %mul3A_2070 : vector<16xf32>
          %get3A_2072 = arith.index_cast %add3A_1973 : i32 to index
          %get3A_2073 = arith.constant 64 : index
          %get3A_2074 = tpu.vector_load %arg25[%get3A_2072, %get3A_2073] {strides = array<i32>} : memref<200x128xf32, #tpu.memory_space<vmem>>, vector<16xf32>,
          %mul3A_2075 = arith.mulf %get3A_2074, %mul3A_1723 : vector<16xf32>
          %get3A_2076 = arith.index_cast %add3A_1973 : i32 to index
          %get3A_2077 = arith.constant 80 : index
          %get3A_2078 = tpu.vector_load %arg25[%get3A_2076, %get3A_2077] {strides = array<i32>} : memref<200x128xf32, #tpu.memory_space<vmem>>, vector<16xf32>,
          %mul3A_2079 = arith.mulf %get3A_2078, %mul3A_1733 : vector<16xf32>
          %add3A_2080 = arith.addf %mul3A_2075, %mul3A_2079 : vector<16xf32>
          %get3A_2081 = arith.index_cast %add3A_1973 : i32 to index
          %get3A_2082 = arith.constant 96 : index
          %get3A_2083 = tpu.vector_load %arg25[%get3A_2081, %get3A_2082] {strides = array<i32>} : memref<200x128xf32, #tpu.memory_space<vmem>>, vector<16xf32>,
          %mul3A_2084 = arith.mulf %get3A_2083, %mul3A_1743 : vector<16xf32>
          %get3A_2085 = arith.index_cast %add3A_1973 : i32 to index
          %get3A_2086 = arith.constant 112 : index
          %get3A_2087 = tpu.vector_load %arg25[%get3A_2085, %get3A_2086] {strides = array<i32>} : memref<200x128xf32, #tpu.memory_space<vmem>>, vector<16xf32>,
          %mul3A_2088 = arith.mulf %get3A_2087, %mul3A_1753 : vector<16xf32>
          %add3A_2089 = arith.addf %mul3A_2084, %mul3A_2088 : vector<16xf32>
          %add3A_2090 = arith.addf %add3A_2062, %add3A_2071 : vector<16xf32>
          %add3A_2091 = arith.addf %add3A_2080, %add3A_2089 : vector<16xf32>
          %add3A_2092 = arith.addf %add3A_2090, %add3A_2091 : vector<16xf32>
          %get3A_2093 = arith.index_cast %add3A_1975 : i32 to index
          %get3A_2094 = arith.constant 0 : index
          %get3A_2095 = tpu.vector_load %arg25[%get3A_2093, %get3A_2094] {strides = array<i32>} : memref<200x128xf32, #tpu.memory_space<vmem>>, vector<16xf32>,
          %mul3A_2096 = arith.mulf %get3A_2095, %mul3A_1683 : vector<16xf32>
          %get3A_2097 = arith.index_cast %add3A_1975 : i32 to index
          %get3A_2098 = arith.constant 16 : index
          %get3A_2099 = tpu.vector_load %arg25[%get3A_2097, %get3A_2098] {strides = array<i32>} : memref<200x128xf32, #tpu.memory_space<vmem>>, vector<16xf32>,
          %mul3A_2100 = arith.mulf %get3A_2099, %mul3A_1693 : vector<16xf32>
          %add3A_2101 = arith.addf %mul3A_2096, %mul3A_2100 : vector<16xf32>
          %get3A_2102 = arith.index_cast %add3A_1975 : i32 to index
          %get3A_2103 = arith.constant 32 : index
          %get3A_2104 = tpu.vector_load %arg25[%get3A_2102, %get3A_2103] {strides = array<i32>} : memref<200x128xf32, #tpu.memory_space<vmem>>, vector<16xf32>,
          %mul3A_2105 = arith.mulf %get3A_2104, %mul3A_1703 : vector<16xf32>
          %get3A_2106 = arith.index_cast %add3A_1975 : i32 to index
          %get3A_2107 = arith.constant 48 : index
          %get3A_2108 = tpu.vector_load %arg25[%get3A_2106, %get3A_2107] {strides = array<i32>} : memref<200x128xf32, #tpu.memory_space<vmem>>, vector<16xf32>,
          %mul3A_2109 = arith.mulf %get3A_2108, %mul3A_1713 : vector<16xf32>
          %add3A_2110 = arith.addf %mul3A_2105, %mul3A_2109 : vector<16xf32>
          %get3A_2111 = arith.index_cast %add3A_1975 : i32 to index
          %get3A_2112 = arith.constant 64 : index
          %get3A_2113 = tpu.vector_load %arg25[%get3A_2111, %get3A_2112] {strides = array<i32>} : memref<200x128xf32, #tpu.memory_space<vmem>>, vector<16xf32>,
          %mul3A_2114 = arith.mulf %get3A_2113, %mul3A_1723 : vector<16xf32>
          %get3A_2115 = arith.index_cast %add3A_1975 : i32 to index
          %get3A_2116 = arith.constant 80 : index
          %get3A_2117 = tpu.vector_load %arg25[%get3A_2115, %get3A_2116] {strides = array<i32>} : memref<200x128xf32, #tpu.memory_space<vmem>>, vector<16xf32>,
          %mul3A_2118 = arith.mulf %get3A_2117, %mul3A_1733 : vector<16xf32>
          %add3A_2119 = arith.addf %mul3A_2114, %mul3A_2118 : vector<16xf32>
          %get3A_2120 = arith.index_cast %add3A_1975 : i32 to index
          %get3A_2121 = arith.constant 96 : index
          %get3A_2122 = tpu.vector_load %arg25[%get3A_2120, %get3A_2121] {strides = array<i32>} : memref<200x128xf32, #tpu.memory_space<vmem>>, vector<16xf32>,
          %mul3A_2123 = arith.mulf %get3A_2122, %mul3A_1743 : vector<16xf32>
          %get3A_2124 = arith.index_cast %add3A_1975 : i32 to index
          %get3A_2125 = arith.constant 112 : index
          %get3A_2126 = tpu.vector_load %arg25[%get3A_2124, %get3A_2125] {strides = array<i32>} : memref<200x128xf32, #tpu.memory_space<vmem>>, vector<16xf32>,
          %mul3A_2127 = arith.mulf %get3A_2126, %mul3A_1753 : vector<16xf32>
          %add3A_2128 = arith.addf %mul3A_2123, %mul3A_2127 : vector<16xf32>
          %add3A_2129 = arith.addf %add3A_2101, %add3A_2110 : vector<16xf32>
          %add3A_2130 = arith.addf %add3A_2119, %add3A_2128 : vector<16xf32>
          %add3A_2131 = arith.addf %add3A_2129, %add3A_2130 : vector<16xf32>
          %broadcast_in_dim3A_2132 = arith.constant true
          %broadcast_in_dim3A_2133 = vector.broadcast %broadcast_in_dim3A_2132 : i1 to vector<16xi1>
          %masked_cumsum3A_2134 = tpu.scan <sum>, %add3A_2014 masked %broadcast_in_dim3A_2133 : vector<16xf32>, vector<16xi1> -> vector<16xf32>
          %broadcast_in_dim3A_2135 = arith.constant true
          %broadcast_in_dim3A_2136 = vector.broadcast %broadcast_in_dim3A_2135 : i1 to vector<16xi1>
          %masked_cumsum3A_2137 = tpu.scan <sum>, %add3A_2053 masked %broadcast_in_dim3A_2136 : vector<16xf32>, vector<16xi1> -> vector<16xf32>
          %broadcast_in_dim3A_2138 = arith.constant true
          %broadcast_in_dim3A_2139 = vector.broadcast %broadcast_in_dim3A_2138 : i1 to vector<16xi1>
          %masked_cumsum3A_2140 = tpu.scan <sum>, %add3A_2092 masked %broadcast_in_dim3A_2139 : vector<16xf32>, vector<16xi1> -> vector<16xf32>
          %broadcast_in_dim3A_2141 = arith.constant true
          %broadcast_in_dim3A_2142 = vector.broadcast %broadcast_in_dim3A_2141 : i1 to vector<16xi1>
          %masked_cumsum3A_2143 = tpu.scan <sum>, %add3A_2131 masked %broadcast_in_dim3A_2142 : vector<16xf32>, vector<16xi1> -> vector<16xf32>
          %mul3A_2144 = arith.constant 28 : i32
          %mul3A_2145 = arith.muli %scan3A_334, %mul3A_2144 : i32
          %add3A_2146 = arith.constant 4 : i32
          %add3A_2147 = arith.addi %mul3A_2145, %add3A_2146 : i32
          %mul3A_2148 = arith.constant 4 : i32
          %mul3A_2149 = arith.muli %scan3A_1960, %mul3A_2148 : i32
          %add3A_2150 = arith.addi %add3A_2147, %mul3A_2149 : i32
          %add3A_2151 = arith.constant 0 : i32
          %add3A_2152 = arith.addi %add3A_2150, %add3A_2151 : i32
          %broadcast_in_dim3A_2153 = vector.broadcast %add3A_2152 : i32 to vector<16xi32>
          tpu.vector_store_idx %arg26[%broadcast_in_dim3A_2153], %masked_cumsum3A_2134 masked %eq3A_4 : memref<224xf32, #tpu.memory_space<vmem>>[vector<16xi32>], vector<16xf32>, vector<16xi1>
          %mul3A_2154 = arith.constant 28 : i32
          %mul3A_2155 = arith.muli %scan3A_334, %mul3A_2154 : i32
          %add3A_2156 = arith.constant 4 : i32
          %add3A_2157 = arith.addi %mul3A_2155, %add3A_2156 : i32
          %mul3A_2158 = arith.constant 4 : i32
          %mul3A_2159 = arith.muli %scan3A_1960, %mul3A_2158 : i32
          %add3A_2160 = arith.addi %add3A_2157, %mul3A_2159 : i32
          %add3A_2161 = arith.constant 1 : i32
          %add3A_2162 = arith.addi %add3A_2160, %add3A_2161 : i32
          %broadcast_in_dim3A_2163 = vector.broadcast %add3A_2162 : i32 to vector<16xi32>
          tpu.vector_store_idx %arg26[%broadcast_in_dim3A_2163], %masked_cumsum3A_2137 masked %eq3A_4 : memref<224xf32, #tpu.memory_space<vmem>>[vector<16xi32>], vector<16xf32>, vector<16xi1>
          %mul3A_2164 = arith.constant 28 : i32
          %mul3A_2165 = arith.muli %scan3A_334, %mul3A_2164 : i32
          %add3A_2166 = arith.constant 4 : i32
          %add3A_2167 = arith.addi %mul3A_2165, %add3A_2166 : i32
          %mul3A_2168 = arith.constant 4 : i32
          %mul3A_2169 = arith.muli %scan3A_1960, %mul3A_2168 : i32
          %add3A_2170 = arith.addi %add3A_2167, %mul3A_2169 : i32
          %add3A_2171 = arith.constant 2 : i32
          %add3A_2172 = arith.addi %add3A_2170, %add3A_2171 : i32
          %broadcast_in_dim3A_2173 = vector.broadcast %add3A_2172 : i32 to vector<16xi32>
          tpu.vector_store_idx %arg26[%broadcast_in_dim3A_2173], %masked_cumsum3A_2140 masked %eq3A_4 : memref<224xf32, #tpu.memory_space<vmem>>[vector<16xi32>], vector<16xf32>, vector<16xi1>
          %mul3A_2174 = arith.constant 28 : i32
          %mul3A_2175 = arith.muli %scan3A_334, %mul3A_2174 : i32
          %add3A_2176 = arith.constant 4 : i32
          %add3A_2177 = arith.addi %mul3A_2175, %add3A_2176 : i32
          %mul3A_2178 = arith.constant 4 : i32
          %mul3A_2179 = arith.muli %scan3A_1960, %mul3A_2178 : i32
          %add3A_2180 = arith.addi %add3A_2177, %mul3A_2179 : i32
          %add3A_2181 = arith.constant 3 : i32
          %add3A_2182 = arith.addi %add3A_2180, %add3A_2181 : i32
          %broadcast_in_dim3A_2183 = vector.broadcast %add3A_2182 : i32 to vector<16xi32>
          tpu.vector_store_idx %arg26[%broadcast_in_dim3A_2183], %masked_cumsum3A_2143 masked %eq3A_4 : memref<224xf32, #tpu.memory_space<vmem>>[vector<16xi32>], vector<16xf32>, vector<16xi1>
        }
        %scan3A_1959 = arith.constant 6 : i32
      }
      %scan3A_324 = arith.constant 8 : i32
      %mul3A_325 = arith.constant 28 : i32
      %mul3A_326 = arith.muli %add3A_318, %mul3A_325 : i32
      %dma_start3A_327 = tpu.memref_slice %arg8[%mul3A_326] : memref<114688xf32, #tpu.memory_space<hbm>> -> memref<224xf32, #tpu.memory_space<hbm>>
      %dma_start3A_328 = tpu.memref_slice %arg8[%mul3A_326] : memref<114688xf32, #tpu.memory_space<hbm>> -> memref<224xf32, #tpu.memory_space<hbm>>
      tpu.enqueue_dma source(%arg26 : memref<224xf32, #tpu.memory_space<vmem>>) target(%dma_start3A_328 : memref<224xf32, #tpu.memory_space<hbm>>) target_semaphore(%arg30 : memref<!tpu.dma_semaphore, #tpu.memory_space<semaphore_mem>>)
      %lt3A_329 = arith.constant 7 : i32
      %lt3A_330 = arith.cmpi slt, %scan3A_169, %lt3A_329 : i32
      %convert_element_type3A_331 = arith.extui %lt3A_330 : i1 to i32
      %cond3A_332 = arith.constant 0 : i32
      %cond3A_333 = arith.cmpi ne, %convert_element_type3A_331, %cond3A_332 : i32
      scf.if %cond3A_333 {
        %add3A_334 = arith.constant 3 : i32
        %add3A_335 = arith.addi %mul3A_171, %add3A_334 : i32
        %mul3A_336 = arith.constant 16 : i32
        %mul3A_337 = arith.muli %add3A_335, %mul3A_336 : i32
        %dma_start3A_338 = tpu.memref_slice %arg12[%mul3A_337] : memref<256xi32, #tpu.memory_space<vmem>> -> memref<8xi32, #tpu.memory_space<vmem>>
        %dma_start3A_339 = arith.constant 0 : i32
        %dma_start3A_340 = arith.constant 0 : i32
        %dma_start3A_341 = tpu.memref_slice %arg6[%dma_start3A_339, %dma_start3A_340] : memref<100000x128xf32, #tpu.memory_space<hbm>> -> memref<100000x128xf32, #tpu.memory_space<hbm>>
        tpu.enqueue_indirect_dma source(%dma_start3A_341 : memref<100000x128xf32, #tpu.memory_space<hbm>>) target(%arg21 : memref<8x128xf32, #tpu.memory_space<vmem>>) offsets(%dma_start3A_338 : memref<8xi32, #tpu.memory_space<vmem>>) semaphore(%arg28 : memref<!tpu.dma_semaphore, #tpu.memory_space<semaphore_mem>>)
        %mul3A_342 = arith.constant 128 : i32
        %mul3A_343 = arith.muli %add3A_335, %mul3A_342 : i32
        %dma_start3A_344 = tpu.memref_slice %arg13[%mul3A_343] : memref<2048xi32, #tpu.memory_space<vmem>> -> memref<128xi32, #tpu.memory_space<vmem>>
        %dma_start3A_345 = arith.constant 0 : i32
        %dma_start3A_346 = arith.constant 0 : i32
        %dma_start3A_347 = tpu.memref_slice %arg5[%dma_start3A_345, %dma_start3A_346] : memref<100000x64xf32, #tpu.memory_space<hbm>> -> memref<100000x64xf32, #tpu.memory_space<hbm>>
        tpu.enqueue_indirect_dma source(%dma_start3A_347 : memref<100000x64xf32, #tpu.memory_space<hbm>>) target(%arg22 : memref<128x64xf32, #tpu.memory_space<vmem>>) offsets(%dma_start3A_344 : memref<128xi32, #tpu.memory_space<vmem>>) semaphore(%arg28 : memref<!tpu.dma_semaphore, #tpu.memory_space<semaphore_mem>>)
        %mul3A_348 = arith.constant 256 : i32
        %mul3A_349 = arith.muli %add3A_335, %mul3A_348 : i32
        %dma_start3A_350 = arith.constant 0 : i32
        %dma_start3A_351 = arith.constant 0 : i32
        %dma_start3A_352 = tpu.memref_slice %arg23[%dma_start3A_350, %dma_start3A_351] : memref<256x64xf32, #tpu.memory_space<vmem>> -> memref<128x64xf32, #tpu.memory_space<vmem>>
        %dma_start3A_353 = tpu.memref_slice %arg14[%mul3A_349] : memref<4096xi32, #tpu.memory_space<vmem>> -> memref<128xi32, #tpu.memory_space<vmem>>
        %dma_start3A_354 = arith.constant 0 : i32
        %dma_start3A_355 = arith.constant 0 : i32
        %dma_start3A_356 = tpu.memref_slice %arg5[%dma_start3A_354, %dma_start3A_355] : memref<100000x64xf32, #tpu.memory_space<hbm>> -> memref<100000x64xf32, #tpu.memory_space<hbm>>
        tpu.enqueue_indirect_dma source(%dma_start3A_356 : memref<100000x64xf32, #tpu.memory_space<hbm>>) target(%dma_start3A_352 : memref<128x64xf32, #tpu.memory_space<vmem>>) offsets(%dma_start3A_353 : memref<128xi32, #tpu.memory_space<vmem>>) semaphore(%arg28 : memref<!tpu.dma_semaphore, #tpu.memory_space<semaphore_mem>>)
        %mul3A_357 = arith.constant 256 : i32
        %mul3A_358 = arith.muli %add3A_335, %mul3A_357 : i32
        %add3A_359 = arith.constant 128 : i32
        %add3A_360 = arith.addi %mul3A_358, %add3A_359 : i32
        %dma_start3A_361 = arith.constant 128 : i32
        %dma_start3A_362 = arith.constant 0 : i32
        %dma_start3A_363 = tpu.memref_slice %arg23[%dma_start3A_361, %dma_start3A_362] : memref<256x64xf32, #tpu.memory_space<vmem>> -> memref<128x64xf32, #tpu.memory_space<vmem>>
        %dma_start3A_364 = tpu.memref_slice %arg14[%add3A_360] : memref<4096xi32, #tpu.memory_space<vmem>> -> memref<128xi32, #tpu.memory_space<vmem>>
        %dma_start3A_365 = arith.constant 0 : i32
        %dma_start3A_366 = arith.constant 0 : i32
        %dma_start3A_367 = tpu.memref_slice %arg5[%dma_start3A_365, %dma_start3A_366] : memref<100000x64xf32, #tpu.memory_space<hbm>> -> memref<100000x64xf32, #tpu.memory_space<hbm>>
        tpu.enqueue_indirect_dma source(%dma_start3A_367 : memref<100000x64xf32, #tpu.memory_space<hbm>>) target(%dma_start3A_363 : memref<128x64xf32, #tpu.memory_space<vmem>>) offsets(%dma_start3A_364 : memref<128xi32, #tpu.memory_space<vmem>>) semaphore(%arg28 : memref<!tpu.dma_semaphore, #tpu.memory_space<semaphore_mem>>)
        %mul3A_368 = arith.constant 24 : i32
        %mul3A_369 = arith.muli %add3A_335, %mul3A_368 : i32
        %dma_start3A_370 = tpu.memref_slice %arg10[%mul3A_369] : memref<384xi32, #tpu.memory_space<vmem>> -> memref<24xi32, #tpu.memory_space<vmem>>
        %dma_start3A_371 = arith.constant 0 : i32
        %dma_start3A_372 = arith.constant 0 : i32
        %dma_start3A_373 = tpu.memref_slice %arg7[%dma_start3A_371, %dma_start3A_372] : memref<100000x128xf32, #tpu.memory_space<hbm>> -> memref<100000x128xf32, #tpu.memory_space<hbm>>
        tpu.enqueue_indirect_dma source(%dma_start3A_373 : memref<100000x128xf32, #tpu.memory_space<hbm>>) target(%arg24 : memref<24x128xf32, #tpu.memory_space<vmem>>) offsets(%dma_start3A_370 : memref<24xi32, #tpu.memory_space<vmem>>) semaphore(%arg28 : memref<!tpu.dma_semaphore, #tpu.memory_space<semaphore_mem>>)
        %mul3A_374 = arith.constant 200 : i32
        %mul3A_375 = arith.muli %add3A_335, %mul3A_374 : i32
        %dma_start3A_376 = arith.constant 0 : i32
        %dma_start3A_377 = arith.constant 0 : i32
        %dma_start3A_378 = tpu.memref_slice %arg25[%dma_start3A_376, %dma_start3A_377] : memref<200x128xf32, #tpu.memory_space<vmem>> -> memref<104x128xf32, #tpu.memory_space<vmem>>
        %dma_start3A_379 = tpu.memref_slice %arg11[%mul3A_375] : memref<3200xi32, #tpu.memory_space<vmem>> -> memref<104xi32, #tpu.memory_space<vmem>>
        %dma_start3A_380 = arith.constant 0 : i32
        %dma_start3A_381 = arith.constant 0 : i32
        %dma_start3A_382 = tpu.memref_slice %arg7[%dma_start3A_380, %dma_start3A_381] : memref<100000x128xf32, #tpu.memory_space<hbm>> -> memref<100000x128xf32, #tpu.memory_space<hbm>>
        tpu.enqueue_indirect_dma source(%dma_start3A_382 : memref<100000x128xf32, #tpu.memory_space<hbm>>) target(%dma_start3A_378 : memref<104x128xf32, #tpu.memory_space<vmem>>) offsets(%dma_start3A_379 : memref<104xi32, #tpu.memory_space<vmem>>) semaphore(%arg28 : memref<!tpu.dma_semaphore, #tpu.memory_space<semaphore_mem>>)
        %mul3A_383 = arith.constant 200 : i32
        %mul3A_384 = arith.muli %add3A_335, %mul3A_383 : i32
        %add3A_385 = arith.constant 104 : i32
        %add3A_386 = arith.addi %mul3A_384, %add3A_385 : i32
        %dma_start3A_387 = arith.constant 104 : i32
        %dma_start3A_388 = arith.constant 0 : i32
        %dma_start3A_389 = tpu.memref_slice %arg25[%dma_start3A_387, %dma_start3A_388] : memref<200x128xf32, #tpu.memory_space<vmem>> -> memref<96x128xf32, #tpu.memory_space<vmem>>
        %dma_start3A_390 = tpu.memref_slice %arg11[%add3A_386] : memref<3200xi32, #tpu.memory_space<vmem>> -> memref<96xi32, #tpu.memory_space<vmem>>
        %dma_start3A_391 = arith.constant 0 : i32
        %dma_start3A_392 = arith.constant 0 : i32
        %dma_start3A_393 = tpu.memref_slice %arg7[%dma_start3A_391, %dma_start3A_392] : memref<100000x128xf32, #tpu.memory_space<hbm>> -> memref<100000x128xf32, #tpu.memory_space<hbm>>
        tpu.enqueue_indirect_dma source(%dma_start3A_393 : memref<100000x128xf32, #tpu.memory_space<hbm>>) target(%dma_start3A_389 : memref<96x128xf32, #tpu.memory_space<vmem>>) offsets(%dma_start3A_390 : memref<96xi32, #tpu.memory_space<vmem>>) semaphore(%arg28 : memref<!tpu.dma_semaphore, #tpu.memory_space<semaphore_mem>>)
      } else {
      }
    }
    %scan3A_161 = arith.constant 8 : i32
    %dma_wait3A = arith.constant 0 : i32
    %dma_wait3A_162 = tpu.memref_slice %arg8[%dma_wait3A] : memref<114688xf32, #tpu.memory_space<hbm>> -> memref<224xf32, #tpu.memory_space<hbm>>
    %dma_wait3A_163 = arith.constant 0 : i32
    %dma_wait3A_164 = tpu.memref_slice %arg8[%dma_wait3A_163] : memref<114688xf32, #tpu.memory_space<hbm>> -> memref<224xf32, #tpu.memory_space<hbm>>
    tpu.wait_dma2 semaphore(%arg29 : memref<!tpu.dma_semaphore, #tpu.memory_space<semaphore_mem>>) src(%arg20 : memref<224xf32, #tpu.memory_space<vmem>>) dst(%dma_wait3A_164 : memref<224xf32, #tpu.memory_space<hbm>>)
    %dma_wait3A_165 = arith.constant 0 : i32
    %dma_wait3A_166 = tpu.memref_slice %arg8[%dma_wait3A_165] : memref<114688xf32, #tpu.memory_space<hbm>> -> memref<224xf32, #tpu.memory_space<hbm>>
    %dma_wait3A_167 = arith.constant 0 : i32
    %dma_wait3A_168 = tpu.memref_slice %arg8[%dma_wait3A_167] : memref<114688xf32, #tpu.memory_space<hbm>> -> memref<224xf32, #tpu.memory_space<hbm>>
    tpu.wait_dma2 semaphore(%arg30 : memref<!tpu.dma_semaphore, #tpu.memory_space<semaphore_mem>>) src(%arg26 : memref<224xf32, #tpu.memory_space<vmem>>) dst(%dma_wait3A_168 : memref<224xf32, #tpu.memory_space<hbm>>)
    return
  }
}

module attributes {stable_mosaic.version = 14 : i64} {
  func.func @_loss_body(%arg0: memref<896x128xf32, #tpu.memory_space<vmem>>, %arg1: memref<1x1xf32, #tpu.memory_space<smem>>) attributes {dimension_semantics = [], scalar_prefetch = 0 : i64, scratch_operands = 0 : i64, tpu.core_type = #tpu.core_type<tc>} {
    %get3A = arith.constant 0 : index
    %get3A_0 = arith.constant 0 : index
    %get3A_1 = vector.load %arg0[%get3A, %get3A_0] : memref<896x128xf32, #tpu.memory_space<vmem>>, vector<896x128xf32>
    %iota3A = tpu.iota {dimensions = array<i32: 0>} : vector<896x128xi32>
    %iota3A_2 = tpu.iota {dimensions = array<i32: 1>} : vector<896x128xi32>
    %mul3A = arith.constant 128 : i32
    %mul3A_3 = vector.broadcast %mul3A : i32 to vector<896x128xi32>
    %mul3A_4 = arith.muli %iota3A, %mul3A_3 : vector<896x128xi32>
    %add3A = arith.addi %mul3A_4, %iota3A_2 : vector<896x128xi32>
    %jit3A = arith.constant 28 : i32
    %eq3A = arith.constant 0 : i32
    %eq3A_5 = arith.cmpi eq, %jit3A, %eq3A : i32
    %jit3A_6 = arith.constant 1 : i32
    %select_n3A = arith.select %eq3A_5, %jit3A_6, %jit3A : i32
    %rem3A = vector.broadcast %select_n3A : i32 to vector<896x128xi32>
    %rem3A_7 = arith.remsi %add3A, %rem3A : vector<896x128xi32>
    %ne3A = arith.constant 0 : i32
    %ne3A_8 = vector.broadcast %ne3A : i32 to vector<896x128xi32>
    %ne3A_9 = arith.cmpi ne, %rem3A_7, %ne3A_8 : vector<896x128xi32>
    %lt3A = arith.constant 0 : i32
    %lt3A_10 = vector.broadcast %lt3A : i32 to vector<896x128xi32>
    %lt3A_11 = arith.cmpi slt, %rem3A_7, %lt3A_10 : vector<896x128xi32>
    %lt3A_12 = arith.constant 0 : i32
    %lt3A_13 = arith.cmpi slt, %select_n3A, %lt3A_12 : i32
    %ne3A_14 = vector.broadcast %lt3A_13 : i1 to vector<896x128xi1>
    %ne3A_15 = vector.broadcast %ne3A_14 : vector<896x128xi1> to vector<896x128xi1>
    %ne3A_16 = arith.xori %lt3A_11, %ne3A_15 : vector<896x128xi1>
    %and3A = arith.andi %ne3A_16, %ne3A_9 : vector<896x128xi1>
    %add3A_17 = vector.broadcast %select_n3A : i32 to vector<896x128xi32>
    %add3A_18 = arith.addi %rem3A_7, %add3A_17 : vector<896x128xi32>
    %select_n3A_19 = arith.select %and3A, %add3A_18, %rem3A_7 : vector<896x128xi1>, vector<896x128xi32>
    %lt3A_20 = arith.constant 3 : i32
    %lt3A_21 = vector.broadcast %lt3A_20 : i32 to vector<896x128xi32>
    %lt3A_22 = arith.cmpi slt, %select_n3A_19, %lt3A_21 : vector<896x128xi32>
    %convert_element_type3A = arith.extui %lt3A_22 : vector<896x128xi1> to vector<896x128xi32>
    %convert_element_type3A_23 = arith.sitofp %convert_element_type3A : vector<896x128xi32> to vector<896x128xf32>
    %logistic3A = arith.negf %get3A_1 : vector<896x128xf32>
    %logistic3A_24 = math.exp %logistic3A : vector<896x128xf32>
    %logistic3A_25 = arith.constant 1.000000e+00 : f32
    %logistic3A_26 = vector.broadcast %logistic3A_25 : f32 to vector<896x128xf32>
    %logistic3A_27 = arith.addf %logistic3A_26, %logistic3A_24 : vector<896x128xf32>
    %logistic3A_28 = arith.divf %logistic3A_26, %logistic3A_27 : vector<896x128xf32>
    %jit3A_29 = arith.constant 1.000000e-07 : f32
    %jit3A_30 = arith.constant 0.99999988 : f32
    %max3A = vector.broadcast %jit3A_29 : f32 to vector<896x128xf32>
    %max3A_31 = arith.maximumf %max3A, %logistic3A_28 : vector<896x128xf32>
    %min3A = vector.broadcast %jit3A_30 : f32 to vector<896x128xf32>
    %min3A_32 = arith.minimumf %min3A, %max3A_31 : vector<896x128xf32>
    %log3A = math.log %min3A_32 : vector<896x128xf32>
    %mul3A_33 = arith.mulf %convert_element_type3A_23, %log3A : vector<896x128xf32>
    %sub3A = arith.constant 1.000000e+00 : f32
    %sub3A_34 = vector.broadcast %sub3A : f32 to vector<896x128xf32>
    %sub3A_35 = arith.subf %sub3A_34, %convert_element_type3A_23 : vector<896x128xf32>
    %sub3A_36 = arith.constant 1.000000e+00 : f32
    %sub3A_37 = vector.broadcast %sub3A_36 : f32 to vector<896x128xf32>
    %sub3A_38 = arith.subf %sub3A_37, %min3A_32 : vector<896x128xf32>
    %log3A_39 = math.log %sub3A_38 : vector<896x128xf32>
    %mul3A_40 = arith.mulf %sub3A_35, %log3A_39 : vector<896x128xf32>
    %add3A_41 = arith.addf %mul3A_33, %mul3A_40 : vector<896x128xf32>
    %reduce_sum3A = vector.shape_cast %add3A_41 : vector<896x128xf32> to vector<1x896x128xf32>
    %reduce_sum3A_42 = arith.constant dense<0.000000e+00> : vector<1xf32>
    %reduce_sum3A_43 = vector.multi_reduction <add>, %reduce_sum3A, %reduce_sum3A_42 [1, 2] : vector<1x896x128xf32> to vector<1xf32>
    %reduce_sum3A_44 = vector.shape_cast %reduce_sum3A_43 : vector<1xf32> to vector<1x1x1xf32>
    %reduce_sum3A_45 = vector.extract %reduce_sum3A_44[0, 0, 0] : f32 from vector<1x1x1xf32>
    %neg3A = arith.constant 0.000000e+00 : f32
    %neg3A_46 = arith.subf %neg3A, %reduce_sum3A_45 : f32
    %mul3A_47 = arith.constant 8.71930842E-6 : f32
    %mul3A_48 = arith.mulf %neg3A_46, %mul3A_47 : f32
    %swap3A = arith.constant 0 : index
    %swap3A_49 = arith.constant 0 : index
    %swap3A_50 = memref.load %arg1[%swap3A, %swap3A_49] : memref<1x1xf32, #tpu.memory_space<smem>>
    memref.store %mul3A_48, %arg1[%swap3A, %swap3A_49] : memref<1x1xf32, #tpu.memory_space<smem>>
    return
  }
}

</mosaic_0001>

<sc_bundles>
// kernel: kernel.4.cloned.1.call-start
scs
__scs_entry_jumppad:
0x0: {  	(pc) =	sbr.rel $0x88, $3  }
0x1: {  	(tag) =	ssettag $0x0;
	lr =	simm.s32 $0x1  }
0x2: {  	[smem:$0x3F9B] =	sst lr;
	_ =	strace $0xD0000000  }
0x3: {  	_ = 	snop  }
0x4: {  	_ = 	snop  }
0x5: {  	_ = 	snop  }
0x6: {  	_ = 	snop  }
0x7: {  	_ = 	snop  }
__scs_overlays_trampoline_lowered:
0x8: {  	[smem:$0x3FAA] =	sst s0  }
0x9: {  	[smem:$0x3FAB] =	sst s1  }
0xa: {  	[smem:$0x3FAC] =	sst s2  }
0xb: {  	[smem:$0x3FAD] =	sst s3  }
0xc: {  	[smem:$0x3FAE] =	sst s4  }
0xd: {  	[smem:$0x3FAF] =	sst s5  }
0xe: {  	[smem:$0x3FB0] =	sst s6  }
0xf: {  	[smem:$0x3FB1] =	sst s7  }
0x10: {  	[smem:$0x3FB2] =	sst s8  }
0x11: {  	[smem:$0x3FB3] =	sst s9;
	s0 =	simm.s32 @!p0 $0x0  }
0x12: {  	s1 =	sld [smem:$0x3F99];
	s0 =	simm.s32 @p0 $0x1  }
0x13: {  	[smem:$0x3FB4] =	sst s0;
	s0 =	simm.s32 @!p1 $0x0  }
0x14: {  	s2 =	sld [smem:$0x3F98];
	s0 =	simm.s32 @p1 $0x1  }
0x15: {  	[smem:$0x3FB5] =	sst s0;
	s0 =	simm.s32 @!p2 $0x0  }
0x16: {  	s3 =	sld [smem:$0x3FDB];
	s0 =	simm.s32 @p2 $0x1  }
0x17: {  	s4 =	simm.s32 $0x1BF5;
	[smem:$0x3FB7] =	sst s0  }
0x18: {  	s0 =	sld [smem:$0x3F9A];
	_ =	swait.ge [sflag:s4], $0x0  }
0x19: {  	s7 =	sld [smem:$0x3F9B]  }
0x1a: {  	s8 =	sadd.s32 $0xFFFFE003, lr  }
0x1b: {  	s9 =	sadd.s32 $0xFFFFFEF7, lr;
	s5 =	simm.s32 $0xFFFFFFFF;
	p2 =	slt.u32 s8, $0xFFFFF086  }
0x1c: {  	p1 =	slt.u32 s9, $0xF7A;
	s5 =	simm.s32 @!p2 $0x0  }
0x1d: {  	s5 =	simm.s32 @p1 $0x1;
	p0 =	seq.s32 s7, s2  }
0x1e: {  	s7 =	smul.u32 @!p0 $0xF7A, s2;
	p2 =	seq.s32 @!p0 s5, $0x0  }
0x1f: {  	s9 =	smul.u32 $0xF7A, s1;
	s8 =	simm.s32 @!p0 $0x1BF5;
	p2 =	por !p2, p0  }
0x20: {  	[sflag:s8] =	ssyncset.s32 @!p0 $0xFFFFF086;
	s6 =	sadd.s32 @!p0 s3, s7;
	s7 =	simm.s32 @!p0 $0x108  }
0x21: {  	s3 =	sadd.s32 s3, s9;
	s6 =	sadd.s32 @!p0 $0x88, s6;
	s7 =	simm.s32 @p2 $0x1082  }
0x22: {  	[simem:s7], [sflag:s8] =	dma.local @!p0 [hbm:s6], $0xF7A  }
0x23: {  	s9 =	sor.u32 $0xD0000000, s2;
	s6 =	simm.s32 $0x108;
	_ =	swait.ge @!p0 [sflag:s8], $0x0  }
0x24: {  	s3 =	sadd.s32 $0x88, s3;
	s6 =	simm.s32 @!p1 $0x1082;
	[sflag:s4] =	ssyncset.s32 $0xFFFFF086  }
0x25: {  	[simem:s6], [sflag:s4] =	dma.local [hbm:s3], $0xF7A  }
0x26: {  	[smem:$0x3F9B] =	sst s1;
	(tag) =	ssettag s2;
	_ =	strace s9  }
0x27: {  	s1 =	sld [smem:$0x3FAB]  }
0x28: {  	s2 =	sld [smem:$0x3FAC]  }
0x29: {  	s4 =	sld [smem:$0x3FAE]  }
0x2a: {  	p0 =	seq.s32 s5, $0x0;
	s5 =	sld [smem:$0x3FAF]  }
0x2b: {  	s6 =	sld [smem:$0x3FB0]  }
0x2c: {  	s7 =	sld [smem:$0x3FB1]  }
0x2d: {  	s3 =	simm.s32 $0x108;
	s8 =	sld [smem:$0x3FB2]  }
0x2e: {  	s3 =	simm.s32 @!p0 $0x1082;
	s9 =	sld [smem:$0x3FB3]  }
0x2f: {  	lr =	sadd.s32 s0, s3;
	s0 =	sld [smem:$0x3FAA]  }
0x30: {  	s3 =	sld [smem:$0x3FAD]  }
0x31: {  	[smem:$0x3FB6] =	sst s10  }
0x32: {  	s10 =	sld [smem:$0x3FB4];
	_ =	sdelay $0x3  }
0x33: {  	p0 =	seq.s32 s10, $0x1;
	s10 =	sld [smem:$0x3FB6];
	_ =	sdelay $0x3  }
0x34: {  	[smem:$0x3FB6] =	sst s10  }
0x35: {  	s10 =	sld [smem:$0x3FB5];
	_ =	sdelay $0x3  }
0x36: {  	p1 =	seq.s32 s10, $0x1;
	s10 =	sld [smem:$0x3FB6];
	_ =	sdelay $0x3  }
0x37: {  	[smem:$0x3FB6] =	sst s10  }
0x38: {  	s10 =	sld [smem:$0x3FB7]  }
0x39: {  	_ = 	snop;
	(pc) =	sbr.ind lr, $3  }
0x3a: {  	_ = 	snop  }
0x3b: {  	_ = 	snop  }
0x3c: {  	p2 =	seq.s32 s10, $0x1;
	s10 =	sld [smem:$0x3FB6]  }
0x3d: {  	_ =	shalt  }
0x3e: {  	_ =	shalt  }
0x3f: {  	_ =	shalt  }
0x40: {  	_ =	shalt  }
0x41: {  	_ =	shalt  }
0x42: {  	_ =	shalt  }
0x43: {  	_ =	shalt  }
0x44: {  	_ =	shalt  }
0x45: {  	_ =	shalt  }
0x46: {  	_ =	shalt  }
0x47: {  	_ =	shalt  }
0x48: {  	_ =	shalt  }
0x49: {  	_ =	shalt  }
0x4a: {  	_ =	shalt  }
0x4b: {  	_ =	shalt  }
0x4c: {  	_ =	shalt  }
0x4d: {  	_ =	shalt  }
0x4e: {  	_ =	shalt  }
0x4f: {  	_ =	shalt  }
0x50: {  	_ =	shalt  }
0x51: {  	_ =	shalt  }
0x52: {  	_ =	shalt  }
0x53: {  	_ =	shalt  }
0x54: {  	_ =	shalt  }
0x55: {  	_ =	shalt  }
0x56: {  	_ =	shalt  }
0x57: {  	_ =	shalt  }
0x58: {  	_ =	shalt  }
0x59: {  	_ =	shalt  }
0x5a: {  	_ =	shalt  }
0x5b: {  	_ =	shalt  }
0x5c: {  	_ =	shalt  }
0x5d: {  	_ =	shalt  }
0x5e: {  	_ =	shalt  }
0x5f: {  	_ =	shalt  }
0x60: {  	_ =	shalt  }
0x61: {  	_ =	shalt  }
0x62: {  	_ =	shalt  }
0x63: {  	_ =	shalt  }
0x64: {  	_ =	shalt  }
0x65: {  	_ =	shalt  }
0x66: {  	_ =	shalt  }
0x67: {  	_ =	shalt  }
0x68: {  	_ =	shalt  }
0x69: {  	_ =	shalt  }
0x6a: {  	_ =	shalt  }
0x6b: {  	_ =	shalt  }
0x6c: {  	_ =	shalt  }
0x6d: {  	_ =	shalt  }
0x6e: {  	_ =	shalt  }
0x6f: {  	_ =	shalt  }
0x70: {  	_ =	shalt  }
0x71: {  	_ =	shalt  }
0x72: {  	_ =	shalt  }
0x73: {  	_ =	shalt  }
0x74: {  	_ =	shalt  }
0x75: {  	_ =	shalt  }
0x76: {  	_ =	shalt  }
0x77: {  	_ =	shalt  }
0x78: {  	_ =	shalt  }
0x79: {  	_ =	shalt  }
0x7a: {  	_ =	shalt  }
0x7b: {  	_ =	shalt  }
0x7c: {  	_ =	shalt  }
0x7d: {  	_ =	shalt  }
0x7e: {  	_ =	shalt  }
0x7f: {  	_ =	shalt  }
0x80: {  	_ =	shalt  }
0x81: {  	_ =	shalt  }
0x82: {  	_ =	shalt  }
0x83: {  	_ =	shalt  }
0x84: {  	_ =	shalt  }
0x85: {  	_ =	shalt  }
0x86: {  	_ =	shalt  }
0x87: {  	_ =	shalt  }
.Lfunc_end0:
.L_simem_size_0:
called_computation_lowered:
.L_overlay_start_0:
0x88: {  	s2 =	sld [smem:$0x3FD9]  }
0x89: {  	s3 =	sld [smem:$0x3FFE];
	_ =	sdelay $0x1  }
0x8a: {  	s1 =	srdreg.scid  }
0x8b: {  	s0 =	sand.u32 $0x1, s1  }
0x8c: {  	s17 =	sshll.u32 s0, $0xA;
	s2 =	sadd.s32 s3, s2  }
0x8d: {  	s2 =	sadd.s32 s2, s17  }
0x8e: {  	[smem:$0x3FC2] =	sst s2  }
0x8f: {  	_ = 	snop  }
0x90: {  	s2 =	sld [smem:$0x3FC5]  }
0x91: {  	s18 =	sld [smem:$0x3FC4];
	(tm) =	ssettm $0x1  }
0x92: {  	s4 =	sld [smem:$0x3FFB];
	_ =	sdelay $0x3  }
0x93: {  	_ =	strace s4  }
0x94: {  	s4 =	sld [smem:$0x3FFC];
	_ =	sdelay $0x3  }
0x95: {  	_ =	strace s4  }
0x96: {  	s4 =	sld [smem:$0x3FFD];
	_ =	sdelay $0x3  }
0x97: {  	_ =	strace s4  }
0x98: {  	_ =	strace $0x8FFFFFFF  }
0x99: {  	s19 =	sld [smem:$0x3FDB];
	_ =	sdelay $0x1  }
0x9a: {  	s5 =	simm.s32 $_scs_section_size  }
0x9b: {  	s6 =	simm.s32 $_size__tile_overlayer_lowered;
	s7 =	simm.s32 $_tile_overlayer_lowered  }
0x9c: {  	s22 =	simm.s32 $0x1BFF;
	s21 =	sshll.u32 s7, $0x1;
	s4 =	sadd.s32 s5, s19  }
0x9d: {  	s8 =	simm.s32 $0x0;
	s20 =	sshll.u32 s6, $0x1;
	s6 =	sadd.s32 s21, s4  }
0x9e: {  	[timem:s8], [sflag:s22] =	dma.local [hbm:s6], s20  }
0x9f: {  	_ =	swait.ge [sflag:s22], s20  }
0xa0: {  	s5 =	ssub.s32 $0x0, s20;
	[sflag:s22] =	ssyncset.done $0x0  }
0xa1: {  	[sflag:s22] =	ssyncadd.s32 s5;
	_ =	sdelay $0x1  }
0xa2: {  	s23 =	simm.s32 $0x1B8B  }
0xa3: {  	_ =	swait.ge [sflag:s23], $0x1  }
0xa4: {  	[sflag:s23] =	ssyncset.done $0x0  }
0xa5: {  	s25 =	simm.s32 $0x1B8E;
	s24 =	sld [smem:$0x3FFE];
	[sflag:s23] =	ssyncadd.s32 $0xFFFFFFFF  }
0xa6: {  	s26 =	simm.s32 $execute0_lowered;
	[smem:$0x3FD2] =	sst s25  }
0xa7: {  	s6 =	sshll.u32 s26, $0x1;
	_ =	strace $0x80000046;
	[dreg:$0x1] =	wrdreg $0xFFFFFFFF  }
0xa8: {  	s28 =	simm.s32 $_size_execute0_lowered;
	s4 =	sadd.s32 s4, s6;
	[dreg:$0x0] =	wrdreg $0x0  }
0xa9: {  	s6 =	sshll.u32 s28, $0x1;
	[dreg:$0x2] =	wrdreg s4  }
0xaa: {  	[dreg:$0x3] =	wrdreg s6  }
0xab: {  	[dreg:$0x4] =	wrdreg $0xC0  }
0xac: {  	_ =	task [dreg:s8], $0x5FFFF  }
0xad: {  	[dreg:$0x1] =	wrdreg $0xFFFFFFFF  }
0xae: {  	[dreg:$0x0] =	wrdreg $0x60  }
0xaf: {  	[dreg:$0x2] =	wrdreg s24  }
0xb0: {  	[dreg:$0x3] =	wrdreg s2  }
0xb1: {  	[dreg:$0x4] =	wrdreg s18  }
0xb2: {  	[dreg:$0x5] =	wrdreg $0x9  }
0xb3: {  	_ =	task.clear_ibuf [dreg:s8], $0x6FFFF;
	_ =	strace $0x90000046  }
0xb4: {  	s29 =	simm.s32 $0x9;
	_ =	strace $0x80000048  }
0xb5: {  	_ =	swait.ge [sflag:s29], $0x1  }
0xb6: {  	[sflag:s29] =	ssyncadd.s32 $0xFFFFFFFF  }
0xb7: {  	_ =	strace $0x90000048  }
0xb8: {  	_ =	sfence  }
0xb9: {  	s30 =	sld [smem:$0x0];
	_ =	sdelay $0x2  }
0xba: {  	s31 =	sshll.u32 s1, $0xD;
	s1 =	sshrl.u32 s1, $0x2  }
0xbb: {  	s3 =	sand.u32 $0x4000, s31;
	s1 =	sadd.s32 s1, s30  }
0xbc: {  	s0 =	sor.u32 s3, s0;
	s1 =	sshll.u32 s1, $0x11  }
0xbd: {  	s0 =	sor.u32 s1, s0  }
0xbe: {  	s0 =	sadd.s32 $0x8F2B, s0  }
0xbf: {  	[sflag:s0] =	ssyncadd.remote.s32 $0x1  }
0xc0: {  	_ =	sfence.sel $0xFFFF  }
0xc1: {  	[dreg:$0x0] =	wrdreg $0xFFFFFFFF;
	(pc) =	sbr.abs _section_cstart, $3  }
0xc2: {  	[dreg:$0x1] =	wrdreg $0xFFFFFFFF  }
0xc3: {  	_ =	task.clear_ibuf [dreg:s8], $0x2FFFF;
	_ =	strace $0x9FFFFFFF  }
0xc4: {  	(tm) =	ssettm $0x7FFFFFFF  }
0xc5: {  	_ =	shalt  }
tec
execute0_lowered:
.L_overlay_start_1:
0x0: {  	(tag) =	ssettag $0x1  }
0x1: {  	v0 =	vimm.s32 $0xCB986532;
	v1 =	vimm.s32 $0x12110F0E  }
0x2: {  	s0 =	rddreg [dreg:$0x0];
	s1 =	srdreg.scid;
	s14 =	simm.s32 $0x1900;
	v2 =	vimm.s32 $0x18171514;
	v3 =	vlaneseq.u32;
	vm0 =	vcmask $0x1F10  }
0x3: {  	s3 =	stileid.u32;
	s2 =	rddreg [dreg:$0x1];
	v4 =	vimm.s32 $0x7542176;
	v6 =	vimm.s32 $0x43106532;
	v7 =	vimm.s32 $0x2A292726  }
0x4: {  	s16 =	simm.s32 $0x1A80;
	s15 =	simm.s32 $0x8;
	s17 =	simm.s32 $0x2700;
	v8 =	vimm.s32 $0x1E1D1B1A;
	v0 =	vunpack.c.l.s4.s8 v0;
	v1 =	vunpack.c.0.s8.s32 v1  }
0x5: {  	s18 =	simm.s32 $0x80;
	s20 =	simm.s32 $0x3080;
	s28 =	simm.s32 $0x68;
	v2 =	vunpack.c.0.s8.s32 v2;
	v5 =	vand.u32 $0x7, v3;
	v7 =	vunpack.c.0.s8.s32 v7  }
0x6: {  	s30 =	simm.s32 $0x60;
	s1 =	sand.u32 $0x1, s1;
	s4 =	sshll.u32 s3, $0x1;
	v4 =	vunpack.c.l.s4.s8 v4;
	v6 =	vunpack.c.l.s4.s8 v6;
	v9 =	vmul.u32 $0x32, v5  }
0x7: {  	s31 =	simm.s32 $0x178E0;
	s21 =	simm.s32 $0x1B8E0;
	s7 =	sor.u32 s1, s4;
	v5 =	vimm.s32 $0x63052741;
	v0 =	vunpack.c.0.s8.s32 v0;
	v1 =	vsel vm0, v2, v1  }
0x8: {  	s29 =	simm.s32 $0x11400;
	s19 =	simm.s32 $0x1E8E0;
	s5 =	smul.u32 $0x320, s7;
	v2 =	vimm.s32 $0x302F2D2C;
	v5 =	vunpack.c.l.s4.s8 v5;
	v4 =	vunpack.c.0.s8.s32 v4  }
0x9: {  	s4 =	simm.s32 $0x0;
	s1 =	ssub.s32 $0x2, s1;
	s6 =	smul.u32 $0x30, s7;
	v6 =	vunpack.c.0.s8.s32 v6;
	v2 =	vunpack.c.0.s8.s32 v2;
	v0 =	vand.u32 $0xF, v0  }
0xa: {  	[smem:$0x7FF] =	sst s4;
	s8 =	smul.u32 $0x190, s7;
	s11 =	sshrl.u32 s1, $0x1;
	v5 =	vunpack.c.0.s8.s32 v5;
	v10 =	vcombine.low v0, v1;
	v0 =	vimm.s32 $0x24232120  }
0xb: {  	s3 =	rddreg [dreg:$0x2];
	_ =	strace $0x80000047;
	s23 =	ssub.s32 s1, s11;
	v1 =	vsel vm0, v2, v7;
	v2 =	vunpack.c.0.s8.s32 v8;
	v0 =	vunpack.c.0.s8.s32 v0  }
0xc: {  	[tilespmem:$0x1FF90] =	vst v9;
	s9 =	sadd.s32 s5, s0;
	s10 =	sadd.s32 s6, s0;
	s8 =	sadd.s32 s8, s0;
	v4 =	vcombine.low v6, v4  }
0xd: {  	s5 =	sadd.s32 $0x187600, s0;
	s6 =	sadd.s32 $0xA800, s0;
	s0 =	smax.u32 s23, $0x1;
	[tilespmem:$0x1FFD0] =	vst v5;
	v0 =	vsel vm0, v0, v2;
	v2 =	vmul.u32 $0x3, v3;
	v3 =	vand.u32 $0x3, v3  }
.Ltmp0:
0xe: {  	s24 =	sadd.s32 $0xC00, s9;
	[dreg:$0x7] =	wrdreg s0;
	[tilespmem:$0x1FFE0] =	vst v4;
	v3 =	vmul.u32 $0x2, v3;
	(pc) =	sbr.rel .LBB2_1-.Ltmp0, $4  }
0xf: {  	s7 =	sshll.u32 s7, $0x7;
	s25 =	sadd.s32 $0xA200, s10;
	[dreg:$0x4] =	wrdreg s24;
	[tilespmem:$0x1FFA0] =	vst v10  }
0x10: {  	s1 =	simm.s32 $0x2;
	s26 =	sadd.s32 $0x7000, s8;
	[dreg:$0x5] =	wrdreg s25;
	v6 =	vcombine.low v0, v1;
	v2 =	vadd.s32 $0x1, v2;
	[tilespmem:$0x1FFB0] =	vst v3  }
0x11: {  	s0 =	simm.s32 $0x184E0;
	s10 =	simm.s32 $0x0;
	[dreg:$0x6] =	wrdreg s26;
	vm0 =	vcmask $0x3F3C;
	[tilespmem:$0x1FFC0] =	vst v2  }
0x12: {  	s25 =	simm.s32 $0x18;
	s26 =	simm.s32 $0x158E0;
	s24 =	simm.s32 $0x1;
	[tilespmem:$0x1FFF0] =	vst v6  }
.LBB2_14:
0x13: {  	s8 =	simm.s32 $0x3  }
0x14: {  	_ =	swait.ge [sflag:s8], $0xE0  }
0x15: {  	[sflag:s8] =	ssyncset.done $0x0  }
0x16: {  	s9 =	simm.s32 $0x4;
	[sflag:s8] =	ssyncadd.s32 $0xFFFFFF20  }
0x17: {  	_ =	swait.ge [sflag:s9], $0xE0  }
0x18: {  	s10 =	rddreg [dreg:$0x8]  }
0x19: {  	s23 =	rddreg [dreg:$0x7];
	s10 =	sadd.s32 $0x1, s10  }
0x1a: {  	p0 =	sne.s32 s10, s23  }
.Ltmp1:
0x1b: {  	_ = 	snop;
	(pc) =	sbr.rel @!p0 .LBB2_15-.Ltmp1, $3  }
0x1c: {  	_ =	sdelay $0x1  }
0x1d: {  	s14 =	simm.s32 $0x1900;
	s16 =	simm.s32 $0x1A80;
	[sflag:s9] =	ssyncset.done $0x0  }
0x1e: {  	s17 =	simm.s32 $0x2700;
	s20 =	simm.s32 $0x3080;
	[sflag:s9] =	ssyncadd.s32 $0xFFFFFF20  }
.LBB2_1:
0x1f: {  	[dreg:$0x8] =	wrdreg s10  }
0x20: {  	s8 =	rddreg [dreg:$0x4];
	s12 =	simm.s32 $0x5  }
0x21: {  	[tilespmem:s4], [sflag:$0x5] =	stream.linear.gather [hbm4b:s8+s4], $0x1900, $0x38;
	[tilespmem:$0x1E9C0] =	vst v63  }
0x22: {  	_ =	swait.ge [sflag:s12], $0x1900  }
0x23: {  	[sflag:s12] =	ssyncset.done $0x0  }
0x24: {  	s9 =	simm.s32 $0x0;
	s13 =	rddreg [dreg:$0x5];
	[sflag:s12] =	ssyncadd.s32 $0xFFFFE700  }
0x25: {  	[tilespmem:s14], [sflag:$0x5] =	stream.linear.gather [hbm4b:s13+s4], $0x180, $0x38;
	[tilespmem:$0x1E9C0] =	vst v63  }
0x26: {  	v0 =	vadd.s32 s9, v9;
	_ =	swait.ge [sflag:s12], $0x180  }
0x27: {  	v0 =	vand.u32 $0x3FF8, v0;
	[sflag:s12] =	ssyncset.done $0x0  }
0x28: {  	v0 =	vor.u32 v3, v0;
	s22 =	rddreg [dreg:$0x6];
	[sflag:s12] =	ssyncadd.s32 $0xFFFFFE80  }
0x29: {  	[tilespmem:s16], [sflag:$0x5] =	stream.linear.gather [hbm4b:s22+s4], $0xC80, $0x38;
	[tilespmem:$0x1E9C0] =	vst v63  }
0x2a: {  	_ =	swait.ge [sflag:s12], $0xC80  }
0x2b: {  	[sflag:s12] =	ssyncset.done $0x0  }
0x2c: {  	v1 =	vadd.s32 s9, v2;
	[sflag:s12] =	ssyncadd.s32 $0xFFFFF380  }
0x2d: {  	v1 =	vand.u32 $0x3FF8, v1;
	v0 =	vld.idx.msk [tilespmem:v0+s4+$0x0], $0xffff  }
0x2e: {  	v1 =	vor.u32 v5, v1;
	_ =	sdelay $0x3  }
0x2f: {  	[tilespmem:s17+$0x0] =	vst v0;
	v0 =	vadd.s32 s9, v10  }
0x30: {  	v1 =	vld.idx.msk [tilespmem:v1+s4+$0x0], $0xffff;
	v0 =	vand.u32 $0x3FF8, v0  }
0x31: {  	v0 =	vor.u32 v4, v0;
	_ =	sdelay $0x2  }
0x32: {  	s8 =	simm.s32 $0x2840  }
0x33: {  	[tilespmem:s8+$0xFFFFFFC0] =	vst v1;
	v1 =	vadd.s32 s9, v6  }
0x34: {  	v0 =	vld.idx.msk [tilespmem:v0+s4+$0x0], $0xffff;
	v1 =	vand.u32 $0x3FF8, v1  }
0x35: {  	v1 =	vor.u32 v4, v1;
	_ =	sdelay $0x3  }
0x36: {  	[tilespmem:s20+$0xFFFFFF80] =	vst v0  }
0x37: {  	s23 =	simm.s32 $0x32;
	v0 =	vld.idx.msk [tilespmem:v1+s4+$0x0], $0xffff  }
0x38: {  	v1 =	vadd.s32 s23, v2;
	_ =	sdelay $0x3  }
0x39: {  	[tilespmem:s20+$0xFFFFFF90] =	vst v0  }
0x3a: {  	v0 =	vld.idx.msk [tilespmem:v1+s4+$0x0], $0xffff  }
0x3b: {  	v1 =	vadd.s32 s23, v10;
	_ =	sdelay $0x3  }
0x3c: {  	[tilespmem:s8+$0xFFFFFFD0] =	vst v0  }
0x3d: {  	v0 =	vld.idx.msk [tilespmem:v1+s4+$0x0], $0xffff  }
0x3e: {  	v1 =	vadd.s32 s23, v6;
	_ =	sdelay $0x3  }
0x3f: {  	[tilespmem:s20+$0xFFFFFFA0] =	vst v0  }
0x40: {  	s10 =	simm.s32 $0x64;
	v0 =	vld.idx.msk [tilespmem:v1+s4+$0x0], $0xffff  }
0x41: {  	v1 =	vadd.s32 s10, v2;
	_ =	sdelay $0x3  }
0x42: {  	[tilespmem:s20+$0xFFFFFFB0] =	vst v0  }
0x43: {  	v0 =	vld.idx.msk [tilespmem:v1+s4+$0x0], $0xffff  }
0x44: {  	v1 =	vadd.s32 s10, v10;
	_ =	sdelay $0x3  }
0x45: {  	[tilespmem:s8+$0xFFFFFFE0] =	vst v0  }
0x46: {  	v0 =	vld.idx.msk [tilespmem:v1+s4+$0x0], $0xffff  }
0x47: {  	v1 =	vadd.s32 s10, v6;
	_ =	sdelay $0x3  }
0x48: {  	[tilespmem:s20+$0xFFFFFFC0] =	vst v0  }
0x49: {  	s11 =	simm.s32 $0x96;
	v0 =	vld.idx.msk [tilespmem:v1+s4+$0x0], $0xffff  }
0x4a: {  	v1 =	vadd.s32 s11, v2;
	_ =	sdelay $0x3  }
0x4b: {  	[tilespmem:s20+$0xFFFFFFD0] =	vst v0  }
0x4c: {  	v0 =	vld.idx.msk [tilespmem:v1+s4+$0x0], $0xffff  }
0x4d: {  	v1 =	vadd.s32 s11, v10;
	_ =	sdelay $0x3  }
0x4e: {  	[tilespmem:s8+$0xFFFFFFF0] =	vst v0  }
0x4f: {  	v0 =	vld.idx.msk [tilespmem:v1+s4+$0x0], $0xffff  }
0x50: {  	v1 =	vadd.s32 s11, v6;
	_ =	sdelay $0x2  }
0x51: {  	s12 =	simm.s32 $0xC8  }
0x52: {  	[tilespmem:s20+$0xFFFFFFE0] =	vst v0;
	v0 =	vadd.s32 s12, v2  }
0x53: {  	v1 =	vld.idx.msk [tilespmem:v1+s4+$0x0], $0xffff;
	v0 =	vand.u32 $0x7FFFFFF8, v0  }
0x54: {  	v0 =	vor.u32 v5, v0;
	_ =	sdelay $0x3  }
0x55: {  	[tilespmem:s20+$0xFFFFFFF0] =	vst v1;
	v1 =	vadd.s32 s12, v10  }
0x56: {  	v0 =	vld.idx.msk [tilespmem:v0+s4+$0x0], $0xffff;
	v1 =	vand.u32 $0x7FFFFFF8, v1  }
0x57: {  	v1 =	vor.u32 v4, v1;
	_ =	sdelay $0x3  }
0x58: {  	[tilespmem:s8+$0x0] =	vst v0;
	v0 =	vadd.s32 s12, v6  }
0x59: {  	v1 =	vld.idx.msk [tilespmem:v1+s4+$0x0], $0xffff;
	v0 =	vand.u32 $0x7FFFFFF8, v0  }
0x5a: {  	v0 =	vor.u32 v4, v0;
	_ =	sdelay $0x3  }
0x5b: {  	[tilespmem:s20+$0x0] =	vst v1  }
0x5c: {  	s13 =	simm.s32 $0xFA;
	v0 =	vld.idx.msk [tilespmem:v0+s4+$0x0], $0xffff  }
0x5d: {  	v1 =	vadd.s32 s13, v2;
	_ =	sdelay $0x3  }
0x5e: {  	[tilespmem:s20+$0x10] =	vst v0  }
0x5f: {  	v0 =	vld.idx.msk [tilespmem:v1+s4+$0x0], $0xffff  }
0x60: {  	v1 =	vadd.s32 s13, v10;
	_ =	sdelay $0x3  }
0x61: {  	[tilespmem:s8+$0x10] =	vst v0  }
0x62: {  	v0 =	vld.idx.msk [tilespmem:v1+s4+$0x0], $0xffff  }
0x63: {  	v1 =	vadd.s32 s13, v6;
	_ =	sdelay $0x3  }
0x64: {  	[tilespmem:s20+$0x20] =	vst v0  }
0x65: {  	s22 =	simm.s32 $0x12C;
	v0 =	vld.idx.msk [tilespmem:v1+s4+$0x0], $0xffff  }
0x66: {  	v1 =	vadd.s32 s22, v2;
	_ =	sdelay $0x3  }
0x67: {  	[tilespmem:s20+$0x30] =	vst v0  }
0x68: {  	v0 =	vld.idx.msk [tilespmem:v1+s4+$0x0], $0xffff  }
0x69: {  	v1 =	vadd.s32 s22, v10;
	_ =	sdelay $0x3  }
0x6a: {  	[tilespmem:s8+$0x20] =	vst v0  }
0x6b: {  	v0 =	vld.idx.msk [tilespmem:v1+s4+$0x0], $0xffff  }
0x6c: {  	v1 =	vadd.s32 s22, v6;
	_ =	sdelay $0x3  }
0x6d: {  	[tilespmem:s20+$0x40] =	vst v0  }
0x6e: {  	s23 =	simm.s32 $0x15E;
	v0 =	vld.idx.msk [tilespmem:v1+s4+$0x0], $0xffff  }
0x6f: {  	v1 =	vadd.s32 s23, v2;
	_ =	sdelay $0x3  }
0x70: {  	[tilespmem:s20+$0x50] =	vst v0  }
0x71: {  	v0 =	vld.idx.msk [tilespmem:v1+s4+$0x0], $0xffff  }
0x72: {  	v1 =	vadd.s32 s23, v10;
	_ =	sdelay $0x3  }
0x73: {  	[tilespmem:s8+$0x30] =	vst v0  }
0x74: {  	v1 =	vld.idx.msk [tilespmem:v1+s4+$0x0], $0xffff  }
0x75: {  	v0 =	vadd.s32 s23, v6;
	_ =	sdelay $0x2  }
0x76: {  	s9 =	simm.s32 $0x2EE;
	s10 =	simm.s32 $0x3080  }
0x77: {  	s11 =	simm.s32 $0x2700;
	s12 =	simm.s32 $0x190;
	s13 =	simm.s32 $0x47E;
	[tilespmem:s20+$0x60] =	vst v1  }
.LBB2_2:
0x78: {  	p0 =	sne.s32 s13, $0x18CE;
	v1 =	vadd.s32 s12, v9;
	v0 =	vld.idx.msk [tilespmem:v0+s4+$0x0], $0xffff  }
0x79: {  	v1 =	vand.u32 $0x3FF8, v1  }
0x7a: {  	v1 =	vor.u32 v3, v1;
	_ =	sdelay $0x3  }
0x7b: {  	[tilespmem:s10+$0x70] =	vst v0  }
0x7c: {  	v0 =	vld.idx.msk [tilespmem:v1+s4+$0x0], $0xffff;
	v1 =	vadd.s32 s12, v2  }
0x7d: {  	v1 =	vand.u32 $0x3FF8, v1  }
0x7e: {  	v1 =	vor.u32 v5, v1;
	_ =	sdelay $0x2  }
0x7f: {  	s11 =	sadd.s32 $0x10, s11  }
0x80: {  	[tilespmem:s11+$0x0] =	vst v0  }
0x81: {  	v0 =	vld.idx.msk [tilespmem:v1+s4+$0x0], $0xffff;
	v1 =	vadd.s32 s12, v10  }
0x82: {  	v1 =	vand.u32 $0x3FF8, v1  }
0x83: {  	v1 =	vor.u32 v4, v1;
	_ =	sdelay $0x2  }
0x84: {  	s8 =	sadd.s32 $0x80, s8  }
0x85: {  	[tilespmem:s8+$0xFFFFFFC0] =	vst v0  }
0x86: {  	v0 =	vld.idx.msk [tilespmem:v1+s4+$0x0], $0xffff;
	v1 =	vadd.s32 s12, v6  }
0x87: {  	v1 =	vand.u32 $0x3FF8, v1  }
0x88: {  	v1 =	vor.u32 v4, v1;
	_ =	sdelay $0x2  }
0x89: {  	s10 =	sadd.s32 $0x100, s10  }
0x8a: {  	[tilespmem:s10+$0xFFFFFF80] =	vst v0  }
0x8b: {  	v0 =	vld.idx.msk [tilespmem:v1+s4+$0x0], $0xffff  }
0x8c: {  	s12 =	sadd.s32 $0xFFFFFED4, s9  }
0x8d: {  	v1 =	vadd.s32 s12, v2;
	_ =	sdelay $0x3  }
0x8e: {  	[tilespmem:s10+$0xFFFFFF90] =	vst v0  }
0x8f: {  	v0 =	vld.idx.msk [tilespmem:v1+s4+$0x0], $0xffff;
	_ =	sdelay $0x1  }
0x90: {  	v1 =	vadd.s32 s12, v10;
	_ =	sdelay $0x3  }
0x91: {  	[tilespmem:s8+$0xFFFFFFD0] =	vst v0  }
0x92: {  	v0 =	vld.idx.msk [tilespmem:v1+s4+$0x0], $0xffff;
	_ =	sdelay $0x1  }
0x93: {  	v1 =	vadd.s32 s12, v6;
	_ =	sdelay $0x3  }
0x94: {  	[tilespmem:s10+$0xFFFFFFA0] =	vst v0  }
0x95: {  	v0 =	vld.idx.msk [tilespmem:v1+s4+$0x0], $0xffff  }
0x96: {  	s12 =	sadd.s32 $0xFFFFFF06, s9  }
0x97: {  	v1 =	vadd.s32 s12, v2;
	_ =	sdelay $0x3  }
0x98: {  	[tilespmem:s10+$0xFFFFFFB0] =	vst v0  }
0x99: {  	v0 =	vld.idx.msk [tilespmem:v1+s4+$0x0], $0xffff;
	_ =	sdelay $0x1  }
0x9a: {  	v1 =	vadd.s32 s12, v10;
	_ =	sdelay $0x3  }
0x9b: {  	[tilespmem:s8+$0xFFFFFFE0] =	vst v0  }
0x9c: {  	v0 =	vld.idx.msk [tilespmem:v1+s4+$0x0], $0xffff;
	_ =	sdelay $0x1  }
0x9d: {  	v1 =	vadd.s32 s12, v6;
	_ =	sdelay $0x3  }
0x9e: {  	[tilespmem:s10+$0xFFFFFFC0] =	vst v0  }
0x9f: {  	v0 =	vld.idx.msk [tilespmem:v1+s4+$0x0], $0xffff  }
0xa0: {  	s12 =	sadd.s32 $0xFFFFFF38, s9  }
0xa1: {  	v1 =	vadd.s32 s12, v2;
	_ =	sdelay $0x3  }
0xa2: {  	[tilespmem:s10+$0xFFFFFFD0] =	vst v0  }
0xa3: {  	v0 =	vld.idx.msk [tilespmem:v1+s4+$0x0], $0xffff;
	_ =	sdelay $0x1  }
0xa4: {  	v1 =	vadd.s32 s12, v10;
	_ =	sdelay $0x3  }
0xa5: {  	[tilespmem:s8+$0xFFFFFFF0] =	vst v0  }
0xa6: {  	v0 =	vld.idx.msk [tilespmem:v1+s4+$0x0], $0xffff;
	_ =	sdelay $0x1  }
0xa7: {  	v1 =	vadd.s32 s12, v6;
	_ =	sdelay $0x3  }
0xa8: {  	s12 =	sadd.s32 $0xFFFFFF6A, s9;
	[tilespmem:s10+$0xFFFFFFE0] =	vst v0  }
0xa9: {  	v0 =	vld.idx.msk [tilespmem:v1+s4+$0x0], $0xffff;
	v1 =	vadd.s32 s12, v2  }
0xaa: {  	v1 =	vand.u32 $0x7FFFFFF8, v1  }
0xab: {  	v1 =	vor.u32 v5, v1;
	_ =	sdelay $0x3  }
0xac: {  	[tilespmem:s10+$0xFFFFFFF0] =	vst v0  }
0xad: {  	v0 =	vld.idx.msk [tilespmem:v1+s4+$0x0], $0xffff;
	v1 =	vadd.s32 s12, v10  }
0xae: {  	v1 =	vand.u32 $0x7FFFFFF8, v1  }
0xaf: {  	v1 =	vor.u32 v4, v1;
	_ =	sdelay $0x3  }
0xb0: {  	[tilespmem:s8+$0x0] =	vst v0  }
0xb1: {  	v0 =	vld.idx.msk [tilespmem:v1+s4+$0x0], $0xffff;
	v1 =	vadd.s32 s12, v6  }
0xb2: {  	v1 =	vand.u32 $0x7FFFFFF8, v1  }
0xb3: {  	v1 =	vor.u32 v4, v1;
	_ =	sdelay $0x3  }
0xb4: {  	[tilespmem:s10+$0x0] =	vst v0  }
0xb5: {  	v0 =	vld.idx.msk [tilespmem:v1+s4+$0x0], $0xffff  }
0xb6: {  	s12 =	sadd.s32 $0xFFFFFF9C, s9  }
0xb7: {  	v1 =	vadd.s32 s12, v2;
	_ =	sdelay $0x3  }
0xb8: {  	[tilespmem:s10+$0x10] =	vst v0  }
0xb9: {  	v0 =	vld.idx.msk [tilespmem:v1+s4+$0x0], $0xffff;
	_ =	sdelay $0x1  }
0xba: {  	v1 =	vadd.s32 s12, v10;
	_ =	sdelay $0x3  }
0xbb: {  	[tilespmem:s8+$0x10] =	vst v0  }
0xbc: {  	v0 =	vld.idx.msk [tilespmem:v1+s4+$0x0], $0xffff;
	_ =	sdelay $0x1  }
0xbd: {  	v1 =	vadd.s32 s12, v6;
	_ =	sdelay $0x3  }
0xbe: {  	[tilespmem:s10+$0x20] =	vst v0  }
0xbf: {  	v0 =	vld.idx.msk [tilespmem:v1+s4+$0x0], $0xffff  }
0xc0: {  	s12 =	sadd.s32 $0xFFFFFFCE, s9  }
0xc1: {  	v1 =	vadd.s32 s12, v2;
	_ =	sdelay $0x3  }
0xc2: {  	[tilespmem:s10+$0x30] =	vst v0  }
0xc3: {  	v0 =	vld.idx.msk [tilespmem:v1+s4+$0x0], $0xffff;
	_ =	sdelay $0x1  }
0xc4: {  	v1 =	vadd.s32 s12, v10;
	_ =	sdelay $0x3  }
0xc5: {  	[tilespmem:s8+$0x20] =	vst v0  }
0xc6: {  	v0 =	vld.idx.msk [tilespmem:v1+s4+$0x0], $0xffff;
	_ =	sdelay $0x1  }
0xc7: {  	v1 =	vadd.s32 s12, v6;
	_ =	sdelay $0x3  }
0xc8: {  	[tilespmem:s10+$0x40] =	vst v0  }
0xc9: {  	v0 =	vld.idx.msk [tilespmem:v1+s4+$0x0], $0xffff;
	_ =	sdelay $0x1  }
0xca: {  	v1 =	vadd.s32 s9, v2;
	_ =	sdelay $0x3  }
0xcb: {  	[tilespmem:s10+$0x50] =	vst v0  }
0xcc: {  	v0 =	vld.idx.msk [tilespmem:v1+s4+$0x0], $0xffff;
	_ =	sdelay $0x1  }
0xcd: {  	v1 =	vadd.s32 s9, v10;
	_ =	sdelay $0x3  }
0xce: {  	[tilespmem:s8+$0x30] =	vst v0  }
0xcf: {  	v1 =	vld.idx.msk [tilespmem:v1+s4+$0x0], $0xffff;
	_ =	sdelay $0x1  }
.Ltmp2:
0xd0: {  	v0 =	vadd.s32 s9, v6;
	s9 =	smov.u32 s13;
	(pc) =	sbr.rel @p0 .LBB2_2-.Ltmp2, $2  }
0xd1: {  	_ =	sdelay $0x2  }
0xd2: {  	s13 =	sadd.s32 $0x190, s13;
	s12 =	sadd.s32 $0xFFFFFEA2, s9;
	[tilespmem:s10+$0x60] =	vst v1  }
0xd3: {  	_ =	sdelay $0x2  }
0xd4: {  	v1 =	vadd.s32 s12, v9  }
0xd5: {  	v0 =	vld.idx.msk [tilespmem:v0+s4+$0x0], $0xffff;
	v1 =	vand.u32 $0x3FF8, v1  }
0xd6: {  	v1 =	vor.u32 v3, v1;
	_ =	sdelay $0x3  }
0xd7: {  	v40 =	vadd.s32 s12, v2;
	[tilespmem:s10+$0x70] =	vst v0  }
0xd8: {  	v0 =	vand.u32 $0x3FF8, v40;
	v1 =	vld.idx.msk [tilespmem:v1+s4+$0x0], $0xffff  }
0xd9: {  	v0 =	vor.u32 v5, v0;
	_ =	sdelay $0x2  }
0xda: {  	s11 =	sadd.s32 $0x10, s11  }
0xdb: {  	v41 =	vadd.s32 s12, v10;
	[tilespmem:s11+$0x0] =	vst v1  }
0xdc: {  	v1 =	vand.u32 $0x3FF8, v41;
	v0 =	vld.idx.msk [tilespmem:v0+s4+$0x0], $0xffff  }
0xdd: {  	v1 =	vor.u32 v4, v1;
	_ =	sdelay $0x2  }
0xde: {  	s8 =	sadd.s32 $0x80, s8  }
0xdf: {  	v42 =	vadd.s32 s12, v6;
	[tilespmem:s8+$0xFFFFFFC0] =	vst v0  }
0xe0: {  	v0 =	vand.u32 $0x3FF8, v42;
	v1 =	vld.idx.msk [tilespmem:v1+s4+$0x0], $0xffff  }
0xe1: {  	v0 =	vor.u32 v4, v0;
	_ =	sdelay $0x2  }
0xe2: {  	s10 =	sadd.s32 $0x100, s10  }
0xe3: {  	[tilespmem:s10+$0xFFFFFF80] =	vst v1  }
0xe4: {  	s13 =	sadd.s32 $0xFFFFFED4, s9;
	v0 =	vld.idx.msk [tilespmem:v0+s4+$0x0], $0xffff  }
0xe5: {  	v43 =	vadd.s32 s13, v2;
	_ =	sdelay $0x3  }
0xe6: {  	[tilespmem:s10+$0xFFFFFF90] =	vst v0  }
0xe7: {  	v0 =	vld.idx.msk [tilespmem:v43+s4+$0x0], $0xffff  }
0xe8: {  	v44 =	vadd.s32 s13, v10;
	_ =	sdelay $0x3  }
0xe9: {  	[tilespmem:s8+$0xFFFFFFD0] =	vst v0  }
0xea: {  	v0 =	vld.idx.msk [tilespmem:v44+s4+$0x0], $0xffff  }
0xeb: {  	v45 =	vadd.s32 s13, v6;
	_ =	sdelay $0x3  }
0xec: {  	[tilespmem:s10+$0xFFFFFFA0] =	vst v0  }
0xed: {  	s22 =	sadd.s32 $0xFFFFFF06, s9;
	v0 =	vld.idx.msk [tilespmem:v45+s4+$0x0], $0xffff  }
0xee: {  	v46 =	vadd.s32 s22, v2;
	_ =	sdelay $0x3  }
0xef: {  	[tilespmem:s10+$0xFFFFFFB0] =	vst v0  }
0xf0: {  	v0 =	vld.idx.msk [tilespmem:v46+s4+$0x0], $0xffff  }
0xf1: {  	v47 =	vadd.s32 s22, v10;
	_ =	sdelay $0x3  }
0xf2: {  	[tilespmem:s8+$0xFFFFFFE0] =	vst v0  }
0xf3: {  	v0 =	vld.idx.msk [tilespmem:v47+s4+$0x0], $0xffff  }
0xf4: {  	v48 =	vadd.s32 s22, v6;
	_ =	sdelay $0x3  }
0xf5: {  	[tilespmem:s10+$0xFFFFFFC0] =	vst v0  }
0xf6: {  	s23 =	sadd.s32 $0xFFFFFF38, s9;
	v0 =	vld.idx.msk [tilespmem:v48+s4+$0x0], $0xffff  }
0xf7: {  	v49 =	vadd.s32 s23, v2;
	_ =	sdelay $0x3  }
0xf8: {  	[tilespmem:s10+$0xFFFFFFD0] =	vst v0  }
0xf9: {  	v0 =	vld.idx.msk [tilespmem:v49+s4+$0x0], $0xffff  }
0xfa: {  	v50 =	vadd.s32 s23, v10;
	_ =	sdelay $0x3  }
0xfb: {  	[tilespmem:s8+$0xFFFFFFF0] =	vst v0  }
0xfc: {  	v0 =	vld.idx.msk [tilespmem:v50+s4+$0x0], $0xffff  }
0xfd: {  	v51 =	vadd.s32 s23, v6;
	_ =	sdelay $0x2  }
0xfe: {  	s12 =	sadd.s32 $0xFFFFFF6A, s9  }
0xff: {  	v52 =	vadd.s32 s12, v2;
	[tilespmem:s10+$0xFFFFFFE0] =	vst v0  }
0x100: {  	v0 =	vand.u32 $0x7FFFFFF8, v52;
	v1 =	vld.idx.msk [tilespmem:v51+s4+$0x0], $0xffff  }
0x101: {  	v0 =	vor.u32 v5, v0;
	_ =	sdelay $0x3  }
0x102: {  	v53 =	vadd.s32 s12, v10;
	[tilespmem:s10+$0xFFFFFFF0] =	vst v1  }
0x103: {  	v1 =	vand.u32 $0x7FFFFFF8, v53;
	v0 =	vld.idx.msk [tilespmem:v0+s4+$0x0], $0xffff  }
0x104: {  	v1 =	vor.u32 v4, v1;
	_ =	sdelay $0x3  }
0x105: {  	v54 =	vadd.s32 s12, v6;
	[tilespmem:s8+$0x0] =	vst v0  }
0x106: {  	v0 =	vand.u32 $0x7FFFFFF8, v54;
	v1 =	vld.idx.msk [tilespmem:v1+s4+$0x0], $0xffff  }
0x107: {  	v0 =	vor.u32 v4, v0;
	_ =	sdelay $0x3  }
0x108: {  	[tilespmem:s10+$0x0] =	vst v1  }
0x109: {  	s13 =	sadd.s32 $0xFFFFFF9C, s9;
	v0 =	vld.idx.msk [tilespmem:v0+s4+$0x0], $0xffff  }
0x10a: {  	v55 =	vadd.s32 s13, v2;
	_ =	sdelay $0x3  }
0x10b: {  	[tilespmem:s10+$0x10] =	vst v0  }
0x10c: {  	v0 =	vld.idx.msk [tilespmem:v55+s4+$0x0], $0xffff  }
0x10d: {  	v56 =	vadd.s32 s13, v10;
	_ =	sdelay $0x3  }
0x10e: {  	[tilespmem:s8+$0x10] =	vst v0  }
0x10f: {  	v0 =	vld.idx.msk [tilespmem:v56+s4+$0x0], $0xffff  }
0x110: {  	v57 =	vadd.s32 s13, v6;
	_ =	sdelay $0x3  }
0x111: {  	[tilespmem:s10+$0x20] =	vst v0  }
0x112: {  	s22 =	sadd.s32 $0xFFFFFFCE, s9;
	v0 =	vld.idx.msk [tilespmem:v57+s4+$0x0], $0xffff  }
0x113: {  	v58 =	vadd.s32 s22, v2;
	_ =	sdelay $0x3  }
0x114: {  	[tilespmem:s10+$0x30] =	vst v0  }
0x115: {  	v0 =	vld.idx.msk [tilespmem:v58+s4+$0x0], $0xffff  }
0x116: {  	v59 =	vadd.s32 s22, v10;
	_ =	sdelay $0x3  }
0x117: {  	[tilespmem:s8+$0x20] =	vst v0  }
0x118: {  	v0 =	vld.idx.msk [tilespmem:v59+s4+$0x0], $0xffff  }
0x119: {  	v60 =	vadd.s32 s22, v6;
	_ =	sdelay $0x3  }
0x11a: {  	[tilespmem:s10+$0x40] =	vst v0  }
0x11b: {  	v0 =	vld.idx.msk [tilespmem:v60+s4+$0x0], $0xffff  }
0x11c: {  	v61 =	vadd.s32 s9, v2;
	_ =	sdelay $0x3  }
0x11d: {  	[tilespmem:s10+$0x50] =	vst v0  }
0x11e: {  	v0 =	vld.idx.msk [tilespmem:v61+s4+$0x0], $0xffff  }
0x11f: {  	v62 =	vadd.s32 s9, v10;
	_ =	sdelay $0x3  }
0x120: {  	[tilespmem:s8+$0x30] =	vst v0  }
0x121: {  	v0 =	vld.idx.msk [tilespmem:v62+s4+$0x0], $0xffff  }
0x122: {  	v63 =	vadd.s32 s9, v6;
	_ =	sdelay $0x3  }
0x123: {  	[tilespmem:s10+$0x60] =	vst v0  }
0x124: {  	v0 =	vld.idx.msk [tilespmem:v63+s4+$0x0], $0xffff;
	_ =	sdelay $0x4  }
0x125: {  	s23 =	simm.s32 $0x4000;
	[tilespmem:s10+$0x70] =	vst v0  }
0x126: {  	[tilespmem:s23], [sflag:$0x1] =	stream.indirect.gather [hbm4b:s2+s15], $0x80, s17, s15, $0xb8;
	[tilespmem:$0x1E9C0] =	vst v63  }
0x127: {  	s9 =	simm.s32 $0x2800;
	s10 =	simm.s32 $0x4400  }
0x128: {  	[tilespmem:s10], [sflag:$0x1] =	stream.indirect.gather [hbm4b:s5+s18], $0x40, s9, s18, $0xb8;
	[tilespmem:$0x1E9C0] =	vst v63  }
0x129: {  	s12 =	simm.s32 $0x6400;
	s11 =	simm.s32 $0x3000  }
0x12a: {  	[tilespmem:s12], [sflag:$0x1] =	stream.indirect.gather [hbm4b:s5+s18], $0x40, s11, s18, $0xb8;
	[tilespmem:$0x1E9C0] =	vst v63  }
0x12b: {  	s13 =	simm.s32 $0x8400  }
0x12c: {  	[tilespmem:s13], [sflag:$0x1] =	stream.indirect.gather [hbm4b:s5+s18], $0x40, s20, s18, $0xb8;
	[tilespmem:$0x1E9C0] =	vst v63  }
0x12d: {  	s17 =	simm.s32 $0xA400  }
0x12e: {  	[tilespmem:s17], [sflag:$0x1] =	stream.indirect.gather [hbm4b:s3+s25], $0x80, s14, s25, $0xb8;
	[tilespmem:$0x1E9C0] =	vst v63  }
0x12f: {  	s20 =	simm.s32 $0xB000  }
0x130: {  	[tilespmem:s20], [sflag:$0x1] =	stream.indirect.gather [hbm4b:s3+s28], $0x80, s16, s28, $0xb8;
	[tilespmem:$0x1E9C0] =	vst v63  }
0x131: {  	s22 =	simm.s32 $0x1AE8;
	s23 =	simm.s32 $0xE400  }
0x132: {  	[tilespmem:s23], [sflag:$0x1] =	stream.indirect.gather [hbm4b:s3+s30], $0x80, s22, s30, $0xb8;
	[tilespmem:$0x1E9C0] =	vst v63  }
0x133: {  	s10 =	simm.s32 $0x2710;
	s11 =	simm.s32 $0x114E0  }
0x134: {  	[tilespmem:s11], [sflag:$0x2] =	stream.indirect.gather [hbm4b:s2+s15], $0x80, s10, s15, $0xb8;
	[tilespmem:$0x1E9C0] =	vst v63  }
0x135: {  	s12 =	simm.s32 $0x2880;
	s13 =	simm.s32 $0x118E0  }
0x136: {  	[tilespmem:s13], [sflag:$0x2] =	stream.indirect.gather [hbm4b:s5+s18], $0x40, s12, s18, $0xb8;
	[tilespmem:$0x1E9C0] =	vst v63  }
0x137: {  	s14 =	simm.s32 $0x3100;
	s16 =	simm.s32 $0x138E0  }
0x138: {  	[tilespmem:s16], [sflag:$0x2] =	stream.indirect.gather [hbm4b:s5+s18], $0x40, s14, s18, $0xb8;
	[tilespmem:$0x1E9C0] =	vst v63  }
0x139: {  	s17 =	simm.s32 $0x3180  }
0x13a: {  	[tilespmem:s26], [sflag:$0x2] =	stream.indirect.gather [hbm4b:s5+s18], $0x40, s17, s18, $0xb8;
	[tilespmem:$0x1E9C0] =	vst v63  }
0x13b: {  	s20 =	simm.s32 $0x1918  }
0x13c: {  	[tilespmem:s31], [sflag:$0x2] =	stream.indirect.gather [hbm4b:s3+s25], $0x80, s20, s25, $0xb8;
	[tilespmem:$0x1E9C0] =	vst v63  }
0x13d: {  	s22 =	simm.s32 $0x1B48  }
0x13e: {  	[tilespmem:s0], [sflag:$0x2] =	stream.indirect.gather [hbm4b:s3+s28], $0x80, s22, s28, $0xb8;
	[tilespmem:$0x1E9C0] =	vst v63  }
0x13f: {  	s8 =	simm.s32 $0x0;
	s23 =	simm.s32 $0x1BB0  }
0x140: {  	[tilespmem:s21], [sflag:$0x2] =	stream.indirect.gather [hbm4b:s3+s30], $0x80, s23, s30, $0xb8;
	[tilespmem:$0x1E9C0] =	vst v63  }
.LBB2_4:
0x141: {  	_ =	swait.ge [sflag:s24], $0x400  }
0x142: {  	[sflag:s24] =	ssyncset.done $0x0  }
0x143: {  	[sflag:s24] =	ssyncadd.s32 $0xFFFFFC00  }
0x144: {  	_ =	swait.ge [sflag:s24], $0x2000  }
0x145: {  	[sflag:s24] =	ssyncset.done $0x0  }
0x146: {  	[sflag:s24] =	ssyncadd.s32 $0xFFFFE000  }
0x147: {  	_ =	swait.ge [sflag:s24], $0x2000  }
0x148: {  	[sflag:s24] =	ssyncset.done $0x0  }
0x149: {  	[sflag:s24] =	ssyncadd.s32 $0xFFFFE000  }
0x14a: {  	_ =	swait.ge [sflag:s24], $0x2000  }
0x14b: {  	[sflag:s24] =	ssyncset.done $0x0  }
0x14c: {  	[sflag:s24] =	ssyncadd.s32 $0xFFFFE000  }
0x14d: {  	_ =	swait.ge [sflag:s24], $0xC00  }
0x14e: {  	[sflag:s24] =	ssyncset.done $0x0  }
0x14f: {  	[sflag:s24] =	ssyncadd.s32 $0xFFFFF400  }
0x150: {  	_ =	swait.ge [sflag:s24], $0x3400  }
0x151: {  	[sflag:s24] =	ssyncset.done $0x0  }
0x152: {  	[sflag:s24] =	ssyncadd.s32 $0xFFFFCC00  }
0x153: {  	_ =	swait.ge [sflag:s24], $0x3000  }
0x154: {  	p0 =	seq.s32 s8, $0x0;
	[sflag:s24] =	ssyncset.done $0x0  }
0x155: {  	s10 =	simm.s32 @!p0 $0x3;
	[sflag:s24] =	ssyncadd.s32 $0xFFFFD000  }
0x156: {  	_ =	swait.ge @!p0 [sflag:s10], $0xE0  }
0x157: {  	s9 =	sshll.u32 s8, $0x1;
	s11 =	simm.s32 $0x0;
	[sflag:s10] =	ssyncset.done @!p0 $0x0  }
0x158: {  	s13 =	simm.s32 $0x0;
	[sflag:s10] =	ssyncadd.s32 @!p0 $0xFFFFFF20;
	s10 =	simm.s32 $0xB140  }
.LBB2_5:
0x159: {  	s12 =	sshll.u32 s13, $0xA  }
0x15a: {  	s12 =	sand.u32 $0x3FFFFC00, s12  }
0x15b: {  	v36 =	vld [tilespmem:s12+$0x4400]  }
0x15c: {  	v39 =	vld [tilespmem:s12+$0x4440]  }
0x15d: {  	v49 =	vld [tilespmem:s12+$0x4410]  }
0x15e: {  	v51 =	vld [tilespmem:s12+$0x4450]  }
0x15f: {  	v56 =	vld [tilespmem:s12+$0x4420]  }
0x160: {  	v57 =	vld [tilespmem:s12+$0x4460]  }
0x161: {  	v9 =	vld [tilespmem:s12+$0x4430]  }
0x162: {  	v7 =	vld [tilespmem:s12+$0x4470]  }
0x163: {  	v8 =	vld [tilespmem:s12+$0x4480]  }
0x164: {  	v5 =	vld [tilespmem:s12+$0x44C0]  }
0x165: {  	v6 =	vld [tilespmem:s12+$0x4490]  }
0x166: {  	v3 =	vld [tilespmem:s12+$0x44D0]  }
0x167: {  	v4 =	vld [tilespmem:s12+$0x44A0]  }
0x168: {  	v1 =	vld [tilespmem:s12+$0x44E0]  }
0x169: {  	v2 =	vld [tilespmem:s12+$0x44B0]  }
0x16a: {  	v0 =	vld [tilespmem:s12+$0x44F0]  }
0x16b: {  	v17 =	vld [tilespmem:s12+$0x4500]  }
0x16c: {  	s14 =	sshll.u32 s13, $0xB;
	v15 =	vld [tilespmem:s12+$0x4540]  }
0x16d: {  	s14 =	sand.u32 $0x3FFFF800, s14;
	v14 =	vld [tilespmem:s12+$0x4510]  }
0x16e: {  	v58 =	vld [tilespmem:s14+$0x6410]  }
0x16f: {  	v13 =	vld [tilespmem:s12+$0x4550]  }
0x170: {  	v16 =	vld [tilespmem:s12+$0x4520]  }
0x171: {  	v11 =	vld [tilespmem:s12+$0x4560]  }
0x172: {  	v12 =	vld [tilespmem:s12+$0x4530]  }
0x173: {  	[tilespmem:$0x1FC00] =	vst v58;
	v58 =	vld [tilespmem:s14+$0x6460]  }
0x174: {  	v10 =	vld [tilespmem:s12+$0x4570]  }
0x175: {  	v25 =	vld [tilespmem:s12+$0x4580]  }
0x176: {  	v23 =	vld [tilespmem:s12+$0x45C0]  }
0x177: {  	v22 =	vld [tilespmem:s12+$0x4590]  }
0x178: {  	[tilespmem:$0x1FC30] =	vst v58;
	v58 =	vld [tilespmem:s14+$0x6480]  }
0x179: {  	v21 =	vld [tilespmem:s12+$0x45D0]  }
0x17a: {  	v24 =	vld [tilespmem:s12+$0x45A0]  }
0x17b: {  	v19 =	vld [tilespmem:s12+$0x45E0]  }
0x17c: {  	v20 =	vld [tilespmem:s12+$0x45B0]  }
0x17d: {  	[tilespmem:$0x1FC60] =	vst v58;
	v58 =	vld [tilespmem:s14+$0x64A0]  }
0x17e: {  	v18 =	vld [tilespmem:s12+$0x45F0]  }
0x17f: {  	v33 =	vld [tilespmem:s12+$0x4600]  }
0x180: {  	v32 =	vld [tilespmem:s12+$0x4640]  }
0x181: {  	v30 =	vld [tilespmem:s12+$0x4610]  }
0x182: {  	[tilespmem:$0x1FC90] =	vst v58;
	v58 =	vld [tilespmem:s14+$0x6500]  }
0x183: {  	v27 =	vld [tilespmem:s12+$0x4650]  }
0x184: {  	v31 =	vld [tilespmem:s12+$0x4620]  }
0x185: {  	v28 =	vld [tilespmem:s12+$0x4660]  }
0x186: {  	v29 =	vld [tilespmem:s12+$0x4630]  }
0x187: {  	[tilespmem:$0x1FCB0] =	vst v58;
	v58 =	vld [tilespmem:s14+$0x6540]  }
0x188: {  	v26 =	vld [tilespmem:s12+$0x4670]  }
0x189: {  	v43 =	vld [tilespmem:s12+$0x4680]  }
0x18a: {  	v40 =	vld [tilespmem:s12+$0x46C0]  }
0x18b: {  	v41 =	vld [tilespmem:s12+$0x4690]  }
0x18c: {  	[tilespmem:$0x1FCC0] =	vst v58;
	v58 =	vld [tilespmem:s14+$0x6510]  }
0x18d: {  	v38 =	vld [tilespmem:s12+$0x46D0]  }
0x18e: {  	v42 =	vld [tilespmem:s12+$0x46A0]  }
0x18f: {  	v35 =	vld [tilespmem:s12+$0x46E0]  }
0x190: {  	v37 =	vld [tilespmem:s12+$0x46B0]  }
0x191: {  	[tilespmem:$0x1FCD0] =	vst v58;
	v58 =	vld [tilespmem:s14+$0x6550]  }
0x192: {  	v34 =	vld [tilespmem:s12+$0x46F0]  }
0x193: {  	v54 =	vld [tilespmem:s12+$0x4700]  }
0x194: {  	v50 =	vld [tilespmem:s12+$0x4740]  }
0x195: {  	v52 =	vld [tilespmem:s12+$0x4710]  }
0x196: {  	[tilespmem:$0x1FCE0] =	vst v58;
	v58 =	vld [tilespmem:s14+$0x6520]  }
0x197: {  	v46 =	vld [tilespmem:s12+$0x4750]  }
0x198: {  	v48 =	vld [tilespmem:s12+$0x4720]  }
0x199: {  	v47 =	vld [tilespmem:s12+$0x4760]  }
0x19a: {  	v45 =	vld [tilespmem:s12+$0x4730]  }
0x19b: {  	[tilespmem:$0x1FCF0] =	vst v58;
	v58 =	vld [tilespmem:s14+$0x6560]  }
0x19c: {  	v44 =	vld [tilespmem:s12+$0x4770]  }
0x19d: {  	v53 =	vld [tilespmem:s12+$0x4780]  }
0x19e: {  	v60 =	vld [tilespmem:s12+$0x47C0]  }
0x19f: {  	v61 =	vld [tilespmem:s12+$0x4790]  }
0x1a0: {  	[tilespmem:$0x1FD00] =	vst v58;
	v58 =	vld [tilespmem:s14+$0x6530]  }
0x1a1: {  	v62 =	vld [tilespmem:s12+$0x47A0]  }
0x1a2: {  	v55 =	vld [tilespmem:s14+$0x6400]  }
0x1a3: {  	v63 =	vld [tilespmem:s14+$0x6440]  }
0x1a4: {  	v59 =	vld [tilespmem:s14+$0x6450]  }
0x1a5: {  	[tilespmem:$0x1FD10] =	vst v58;
	v58 =	vld [tilespmem:s14+$0x6570]  }
0x1a6: {  	[tilespmem:$0x1FBB0] =	vst v60;
	v60 =	vld [tilespmem:s12+$0x47D0]  }
0x1a7: {  	[tilespmem:$0x1FBC0] =	vst v61;
	v61 =	vld [tilespmem:s12+$0x47E0]  }
0x1a8: {  	[tilespmem:$0x1FBD0] =	vst v62;
	v62 =	vld [tilespmem:s12+$0x47B0]  }
0x1a9: {  	[tilespmem:$0x1FBA0] =	vst v53;
	v53 =	vld [tilespmem:s12+$0x47F0]  }
0x1aa: {  	[tilespmem:$0x1FD20] =	vst v58;
	v58 =	vld [tilespmem:s14+$0x6580]  }
0x1ab: {  	[tilespmem:$0x1FBF0] =	vst v63;
	v63 =	vld [tilespmem:s14+$0x6420]  }
0x1ac: {  	[tilespmem:$0x1FC10] =	vst v59;
	v59 =	vld [tilespmem:s14+$0x6430]  }
0x1ad: {  	[tilespmem:$0x1FBE0] =	vst v55;
	v55 =	vld [tilespmem:s14+$0x64F0]  }
0x1ae: {  	v3 =	vadd.f32 v3, v6;
	v6 =	vld [tilespmem:s14+$0x67C0]  }
0x1af: {  	[tilespmem:$0x1FD30] =	vst v58;
	v58 =	vld [tilespmem:s14+$0x65C0]  }
0x1b0: {  	v0 =	vadd.f32 v0, v2;
	v2 =	vld [tilespmem:s14+$0x6790]  }
0x1b1: {  	v36 =	vadd.f32 v39, v36;
	v1 =	vadd.f32 v1, v4;
	v4 =	vld [tilespmem:s14+$0x67D0]  }
0x1b2: {  	v39 =	vadd.f32 v51, v49;
	v49 =	vadd.f32 v57, v56;
	v56 =	vld [tilespmem:s14+$0x67F0]  }
0x1b3: {  	v51 =	vld [tilespmem:s14+$0x6840]  }
0x1b4: {  	[tilespmem:$0x1FD40] =	vst v58;
	v58 =	vld [tilespmem:s14+$0x6590]  }
0x1b5: {  	v57 =	vld [tilespmem:s14+$0x6810]  }
0x1b6: {  	v5 =	vadd.f32 v5, v8;
	v8 =	vadd.f32 v26, v29;
	v29 =	vld [tilespmem:$0x1FBE0]  }
0x1b7: {  	v7 =	vadd.f32 v7, v9;
	v1 =	vadd.f32 v1, v49;
	v49 =	vld [tilespmem:s14+$0x67B0]  }
0x1b8: {  	v3 =	vadd.f32 v3, v39;
	v39 =	vld [tilespmem:s14+$0x6850]  }
0x1b9: {  	v0 =	vadd.f32 v0, v7;
	v7 =	vadd.f32 v10, v12;
	[tilespmem:$0x1FD50] =	vst v58;
	v58 =	vld [tilespmem:s14+$0x65D0]  }
0x1ba: {  	v12 =	vld [tilespmem:s14+$0x68E0]  }
0x1bb: {  	v0 =	vadd.f32 v7, v0;
	v7 =	vadd.f32 v18, v20;
	v18 =	vld [tilespmem:s14+$0x6860]  }
0x1bc: {  	[tilespmem:$0x1FC20] =	vst v63;
	v63 =	vld [tilespmem:s14+$0x6470]  }
0x1bd: {  	[tilespmem:$0x1FC40] =	vst v59;
	v59 =	vld [tilespmem:s14+$0x64C0]  }
0x1be: {  	[tilespmem:$0x1FD60] =	vst v58;
	v58 =	vld [tilespmem:s14+$0x65A0]  }
0x1bf: {  	[tilespmem:$0x1FF50] =	vst v4;
	v4 =	vld [tilespmem:s14+$0x67A0]  }
0x1c0: {  	[tilespmem:$0x1FF30] =	vst v6;
	v6 =	vld [tilespmem:s14+$0x67E0]  }
0x1c1: {  	[tilespmem:$0x1FF40] =	vst v2;
	v2 =	vadd.f32 v5, v36;
	v36 =	vld [tilespmem:s14+$0x6820]  }
0x1c2: {  	v0 =	vadd.f32 v7, v0;
	v7 =	vld [tilespmem:s14+$0x6870]  }
0x1c3: {  	[tilespmem:$0x1FD70] =	vst v58;
	v58 =	vld [tilespmem:s14+$0x65E0]  }
0x1c4: {  	v10 =	vadd.f32 v34, v37;
	v5 =	vadd.f32 v13, v14;
	v34 =	vld [tilespmem:$0x1FC30]  }
0x1c5: {  	v9 =	vadd.f32 v35, v42;
	v35 =	vld [tilespmem:$0x1FC40]  }
0x1c6: {  	v3 =	vadd.f32 v5, v3;
	v5 =	vadd.f32 v21, v22;
	v21 =	vld [tilespmem:s14+$0x6910]  }
0x1c7: {  	s16 =	smul.u32 $0x600, s13;
	v22 =	vld [tilespmem:s14+$0x6960]  }
0x1c8: {  	[tilespmem:$0x1FD80] =	vst v58;
	v58 =	vld [tilespmem:s14+$0x65B0]  }
0x1c9: {  	s17 =	sshra.s32 s16, $0x2;
	v49 =	vadd.f32 v56, v49;
	v56 =	vld [tilespmem:s14+$0x6B00]  }
0x1ca: {  	v39 =	vadd.f32 v39, v57;
	v57 =	vld [tilespmem:s17+$0xA400]  }
0x1cb: {  	v3 =	vadd.f32 v5, v3;
	v5 =	vadd.f32 v27, v30;
	v27 =	vld [tilespmem:$0x1FBD0]  }
0x1cc: {  	v30 =	vld [tilespmem:$0x1FBF0]  }
0x1cd: {  	[tilespmem:$0x1FD90] =	vst v58;
	v58 =	vld [tilespmem:s14+$0x65F0]  }
0x1ce: {  	[tilespmem:$0x1FC50] =	vst v63;
	v63 =	vld [tilespmem:s14+$0x6490]  }
0x1cf: {  	[tilespmem:$0x1FC70] =	vst v59;
	v59 =	vld [tilespmem:s14+$0x64E0]  }
0x1d0: {  	[tilespmem:$0x1FF70] =	vst v6;
	v6 =	vadd.f32 v11, v16;
	v11 =	vld [tilespmem:s14+$0x6830]  }
0x1d1: {  	[tilespmem:$0x1FF60] =	vst v4;
	v4 =	vadd.f32 v15, v17;
	v15 =	vld [tilespmem:s14+$0x68B0]  }
0x1d2: {  	[tilespmem:$0x1FDA0] =	vst v58;
	v58 =	vld [tilespmem:s14+$0x6600]  }
0x1d3: {  	v16 =	vld [tilespmem:s14+$0x6940]  }
0x1d4: {  	v18 =	vadd.f32 v18, v36;
	v36 =	vld [tilespmem:s14+$0x6B60]  }
0x1d5: {  	v3 =	vadd.f32 v5, v3;
	v5 =	vld [tilespmem:s14+$0x68C0]  }
0x1d6: {  	v37 =	vld [tilespmem:$0x1FC50]  }
0x1d7: {  	v0 =	vadd.f32 v8, v0;
	[tilespmem:$0x1FDB0] =	vst v58;
	v58 =	vld [tilespmem:s14+$0x6640]  }
0x1d8: {  	v8 =	vadd.f32 v38, v41;
	v38 =	vld [tilespmem:$0x1FC60];
	v2 =	vadd.f32 v4, v2  }
0x1d9: {  	v1 =	vadd.f32 v6, v1;
	v4 =	vld [tilespmem:s14+$0x6800];
	v6 =	vadd.f32 v19, v24  }
0x1da: {  	v19 =	vld [tilespmem:s14+$0x6880]  }
0x1db: {  	v1 =	vadd.f32 v6, v1;
	v6 =	vadd.f32 v28, v31;
	v31 =	vld [tilespmem:$0x1FC00]  }
0x1dc: {  	[tilespmem:$0x1FDC0] =	vst v58;
	v58 =	vld [tilespmem:s14+$0x6610]  }
0x1dd: {  	[tilespmem:$0x1FC80] =	vst v63;
	v63 =	vld [tilespmem:s14+$0x64D0]  }
0x1de: {  	[tilespmem:$0x1FCA0] =	vst v59;
	v59 =	vld [tilespmem:s14+$0x64B0]  }
0x1df: {  	v7 =	vadd.f32 v7, v11;
	v11 =	vld [tilespmem:s14+$0x6B20]  }
0x1e0: {  	v1 =	vadd.f32 v6, v1;
	v6 =	vadd.f32 v40, v43;
	v40 =	vld [tilespmem:$0x1FC70]  }
0x1e1: {  	[tilespmem:$0x1FDD0] =	vst v58;
	v58 =	vld [tilespmem:s14+$0x6650]  }
0x1e2: {  	v41 =	vld [tilespmem:$0x1FC80]  }
0x1e3: {  	v42 =	vld [tilespmem:$0x1FC90]  }
0x1e4: {  	v43 =	vld [tilespmem:$0x1FCA0]  }
0x1e5: {  	v24 =	vadd.f32 v37, v35;
	v35 =	vld [tilespmem:s14+$0x69A0]  }
0x1e6: {  	[tilespmem:$0x1FDE0] =	vst v58;
	v58 =	vld [tilespmem:s14+$0x6620]  }
0x1e7: {  	v37 =	vld [tilespmem:s14+$0x69F0]  }
0x1e8: {  	[tilespmem:$0x1FF80] =	vst v4;
	v4 =	vadd.f32 v23, v25;
	v25 =	vld [tilespmem:s14+$0x6930]  }
0x1e9: {  	v5 =	vadd.f32 v5, v19;
	v19 =	vld [tilespmem:s14+$0x6BF0]  }
0x1ea: {  	v2 =	vadd.f32 v4, v2;
	v4 =	vadd.f32 v32, v33;
	v32 =	vld [tilespmem:$0x1FC10]  }
0x1eb: {  	v13 =	vadd.f32 v47, v48;
	v1 =	vadd.f32 v9, v1;
	[tilespmem:$0x1FDF0] =	vst v58;
	v58 =	vld [tilespmem:s14+$0x6660]  }
0x1ec: {  	v33 =	vld [tilespmem:$0x1FC20]  }
0x1ed: {  	v1 =	vadd.f32 v13, v1;
	v13 =	vld [tilespmem:s14+$0x6900]  }
0x1ee: {  	v11 =	vadd.f32 v36, v11;
	v36 =	vld [tilespmem:s17+$0xA490]  }
0x1ef: {  	v4 =	vadd.f32 v4, v2;
	v2 =	vld [tilespmem:s14+$0x6890]  }
0x1f0: {  	[tilespmem:$0x1FE00] =	vst v58;
	v58 =	vld [tilespmem:s14+$0x6630]  }
0x1f1: {  	v14 =	vadd.f32 v44, v45;
	v45 =	vld [tilespmem:$0x1FCB0]  }
0x1f2: {  	v17 =	vadd.f32 v61, v27;
	v27 =	vadd.f32 v63, v41;
	v41 =	vld [tilespmem:s14+$0x6A00]  }
0x1f3: {  	v4 =	vadd.f32 v6, v4;
	v6 =	vadd.f32 v8, v3;
	v3 =	vld [tilespmem:s14+$0x68D0]  }
0x1f4: {  	v8 =	vld [tilespmem:s14+$0x68A0]  }
0x1f5: {  	[tilespmem:$0x1FE10] =	vst v58;
	v58 =	vld [tilespmem:s14+$0x6670]  }
0x1f6: {  	v9 =	vadd.f32 v50, v54;
	v20 =	vadd.f32 v32, v31;
	v31 =	vld [tilespmem:s14+$0x6980]  }
0x1f7: {  	v0 =	vadd.f32 v10, v0;
	v10 =	vadd.f32 v46, v52;
	v32 =	vld [tilespmem:s14+$0x69D0]  }
0x1f8: {  	v4 =	vadd.f32 v9, v4;
	v9 =	vld [tilespmem:s14+$0x68F0]  }
0x1f9: {  	v6 =	vadd.f32 v10, v6;
	v10 =	vadd.f32 v14, v0;
	v0 =	vld [tilespmem:$0x1FBA0]  }
0x1fa: {  	[tilespmem:$0x1FE20] =	vst v58;
	v58 =	vld [tilespmem:s14+$0x6680]  }
0x1fb: {  	v14 =	vld [tilespmem:$0x1FBB0]  }
0x1fc: {  	v13 =	vadd.f32 v16, v13;
	v16 =	vld [tilespmem:s14+$0x6BD0]  }
0x1fd: {  	v20 =	vadd.f32 v27, v20;
	v27 =	vld [tilespmem:s14+$0x6990]  }
0x1fe: {  	v46 =	vld [tilespmem:$0x1FCC0]  }
0x1ff: {  	[tilespmem:$0x1FE30] =	vst v58;
	v58 =	vld [tilespmem:s14+$0x66C0]  }
0x200: {  	v0 =	vadd.f32 v14, v0;
	v14 =	vld [tilespmem:$0x1FBC0]  }
0x201: {  	v2 =	vadd.f32 v3, v2;
	v3 =	vld [tilespmem:s14+$0x6B70]  }
0x202: {  	v8 =	vadd.f32 v12, v8;
	v12 =	vld [tilespmem:s14+$0x6B80]  }
0x203: {  	v9 =	vadd.f32 v9, v15;
	v15 =	vld [tilespmem:s14+$0x6BC0]  }
0x204: {  	[tilespmem:$0x1FE40] =	vst v58;
	v58 =	vld [tilespmem:s14+$0x6690]  }
0x205: {  	v47 =	vld [tilespmem:$0x1FCD0];
	v14 =	vadd.f32 v60, v14  }
0x206: {  	v28 =	vadd.f32 v53, v62;
	v48 =	vld [tilespmem:$0x1FCE0]  }
0x207: {  	v4 =	vadd.f32 v0, v4;
	v0 =	vadd.f32 v14, v6;
	v14 =	vld [tilespmem:s14+$0x6950]  }
0x208: {  	v6 =	vadd.f32 v17, v1;
	v1 =	vadd.f32 v28, v10;
	v10 =	vld [tilespmem:s14+$0x6920]  }
0x209: {  	[tilespmem:$0x1FE50] =	vst v58;
	v58 =	vld [tilespmem:s14+$0x66D0]  }
0x20a: {  	v26 =	vadd.f32 v40, v38;
	v17 =	vadd.f32 v30, v29;
	v28 =	vld [tilespmem:s14+$0x6970]  }
0x20b: {  	v23 =	vadd.f32 v34, v33;
	v29 =	vadd.f32 v43, v42;
	v42 =	vld [tilespmem:s14+$0x6A50]  }
0x20c: {  	v17 =	vadd.f32 v26, v17;
	v26 =	vld [tilespmem:s14+$0x69C0]  }
0x20d: {  	v23 =	vadd.f32 v29, v23;
	v29 =	vadd.f32 v46, v45;
	v50 =	vld [tilespmem:$0x1FCF0]  }
0x20e: {  	[tilespmem:$0x1FE60] =	vst v58;
	v58 =	vld [tilespmem:s14+$0x66A0]  }
0x20f: {  	v17 =	vadd.f32 v29, v17;
	v29 =	vld [tilespmem:s14+$0x69E0]  }
0x210: {  	v52 =	vld [tilespmem:$0x1FD00]  }
0x211: {  	v53 =	vld [tilespmem:$0x1FD10]  }
0x212: {  	v44 =	vadd.f32 v55, v59;
	v55 =	vld [tilespmem:$0x1FD30]  }
0x213: {  	[tilespmem:$0x1FE70] =	vst v58;
	v58 =	vld [tilespmem:s14+$0x66E0]  }
0x214: {  	v59 =	vld [tilespmem:$0x1FD40]  }
0x215: {  	v54 =	vld [tilespmem:$0x1FD20]  }
0x216: {  	v60 =	vld [tilespmem:$0x1FD50]  }
0x217: {  	s23 =	sshll.u32 s13, $0x7;
	v24 =	vadd.f32 v44, v24;
	v33 =	vadd.f32 v52, v50;
	v61 =	vld [tilespmem:$0x1FD60]  }
0x218: {  	s12 =	sand.u32 $0x3FFFFF80, s23;
	v30 =	vadd.f32 v48, v47;
	v10 =	vadd.f32 v22, v10;
	[tilespmem:$0x1FE80] =	vst v58;
	v58 =	vld [tilespmem:s14+$0x66B0]  }
0x219: {  	v22 =	vld [tilespmem:s12+$0x4000];
	v23 =	vadd.f32 v33, v23;
	v33 =	vadd.f32 v59, v55  }
0x21a: {  	v20 =	vadd.f32 v30, v20;
	v30 =	vld [tilespmem:s14+$0x69B0];
	v34 =	vadd.f32 v54, v53  }
0x21b: {  	v17 =	vadd.f32 v33, v17;
	v33 =	vld [tilespmem:s14+$0x6A40]  }
0x21c: {  	v24 =	vadd.f32 v34, v24;
	v34 =	vadd.f32 v61, v60;
	v62 =	vld [tilespmem:$0x1FD70]  }
0x21d: {  	[tilespmem:$0x1FE90] =	vst v58;
	v58 =	vld [tilespmem:s14+$0x66F0]  }
0x21e: {  	v20 =	vadd.f32 v34, v20;
	v34 =	vld [tilespmem:s14+$0x6A10]  }
0x21f: {  	v63 =	vld [tilespmem:$0x1FD80]  }
0x220: {  	v44 =	vld [tilespmem:$0x1FD90]  }
0x221: {  	v45 =	vld [tilespmem:$0x1FDA0]  }
0x222: {  	[tilespmem:$0x1FEA0] =	vst v58;
	v58 =	vld [tilespmem:s14+$0x6700]  }
0x223: {  	v46 =	vld [tilespmem:$0x1FDB0]  }
0x224: {  	v47 =	vld [tilespmem:$0x1FDC0]  }
0x225: {  	v48 =	vld [tilespmem:$0x1FDD0]  }
0x226: {  	v50 =	vld [tilespmem:$0x1FDE0]  }
0x227: {  	[tilespmem:$0x1FEB0] =	vst v58;
	v58 =	vld [tilespmem:s14+$0x6740]  }
0x228: {  	v52 =	vld [tilespmem:$0x1FDF0]  }
0x229: {  	v53 =	vld [tilespmem:$0x1FE00]  }
0x22a: {  	v54 =	vld [tilespmem:$0x1FE10]  }
0x22b: {  	v55 =	vld [tilespmem:$0x1FE20]  }
0x22c: {  	[tilespmem:$0x1FEC0] =	vst v58;
	v58 =	vld [tilespmem:s14+$0x6710]  }
0x22d: {  	v59 =	vld [tilespmem:$0x1FE30]  }
0x22e: {  	v38 =	vadd.f32 v63, v62;
	v60 =	vld [tilespmem:$0x1FE40]  }
0x22f: {  	v40 =	vadd.f32 v45, v44;
	v61 =	vld [tilespmem:$0x1FE50]  }
0x230: {  	v23 =	vadd.f32 v38, v23;
	v38 =	vadd.f32 v47, v46;
	v62 =	vld [tilespmem:$0x1FE60]  }
0x231: {  	v24 =	vadd.f32 v40, v24;
	v43 =	vadd.f32 v53, v52;
	[tilespmem:$0x1FED0] =	vst v58;
	v58 =	vld [tilespmem:s14+$0x6750]  }
0x232: {  	v46 =	vld [tilespmem:s14+$0x6A70];
	v17 =	vadd.f32 v38, v17;
	v40 =	vadd.f32 v50, v48  }
0x233: {  	v50 =	vld [tilespmem:s14+$0x6A80];
	v23 =	vadd.f32 v43, v23;
	v43 =	vadd.f32 v60, v59  }
0x234: {  	v20 =	vadd.f32 v40, v20;
	v40 =	vld [tilespmem:s14+$0x6A30];
	v44 =	vadd.f32 v55, v54  }
0x235: {  	v17 =	vadd.f32 v43, v17;
	v43 =	vld [tilespmem:s14+$0x6AC0]  }
0x236: {  	v24 =	vadd.f32 v44, v24;
	v44 =	vadd.f32 v62, v61;
	[tilespmem:$0x1FEE0] =	vst v58;
	v58 =	vld [tilespmem:s14+$0x6720]  }
0x237: {  	v63 =	vld [tilespmem:$0x1FE70]  }
0x238: {  	v20 =	vadd.f32 v44, v20;
	v44 =	vld [tilespmem:s14+$0x6A90]  }
0x239: {  	v52 =	vld [tilespmem:$0x1FE80]  }
0x23a: {  	v53 =	vld [tilespmem:$0x1FE90]  }
0x23b: {  	[tilespmem:$0x1FEF0] =	vst v58;
	v58 =	vld [tilespmem:s14+$0x6760]  }
0x23c: {  	v55 =	vld [tilespmem:$0x1FEB0]  }
0x23d: {  	v59 =	vld [tilespmem:$0x1FEC0]  }
0x23e: {  	v47 =	vadd.f32 v52, v63;
	v52 =	vld [tilespmem:s14+$0x6AD0]  }
0x23f: {  	v54 =	vld [tilespmem:$0x1FEA0]  }
0x240: {  	[tilespmem:$0x1FF00] =	vst v58;
	v58 =	vld [tilespmem:s14+$0x6730]  }
0x241: {  	v60 =	vld [tilespmem:$0x1FED0]  }
0x242: {  	v23 =	vadd.f32 v47, v23;
	v47 =	vadd.f32 v59, v55;
	v61 =	vld [tilespmem:$0x1FEE0]  }
0x243: {  	v55 =	vld [tilespmem:s14+$0x6AA0]  }
0x244: {  	v17 =	vadd.f32 v47, v17;
	v47 =	vld [tilespmem:s14+$0x6AE0]  }
0x245: {  	v48 =	vadd.f32 v54, v53;
	[tilespmem:$0x1FF10] =	vst v58;
	v58 =	vld [tilespmem:s14+$0x6770]  }
0x246: {  	v62 =	vld [tilespmem:$0x1FEF0]  }
0x247: {  	v24 =	vadd.f32 v48, v24;
	v48 =	vadd.f32 v61, v60;
	v61 =	vld [tilespmem:$0x1FF30]  }
0x248: {  	v63 =	vld [tilespmem:$0x1FF00]  }
0x249: {  	v20 =	vadd.f32 v48, v20;
	v48 =	vld [tilespmem:s14+$0x6AB0]  }
0x24a: {  	[tilespmem:$0x1FF20] =	vst v58;
	v58 =	vld [tilespmem:s14+$0x6780]  }
0x24b: {  	v59 =	vld [tilespmem:$0x1FF10]  }
0x24c: {  	v60 =	vld [tilespmem:$0x1FF20]  }
0x24d: {  	v14 =	vadd.f32 v14, v21;
	v53 =	vadd.f32 v63, v62;
	v62 =	vld [tilespmem:$0x1FF40]  }
0x24e: {  	v4 =	vmul.f32 $1.250000000e-01, v4;
	v25 =	vadd.f32 v28, v25;
	v28 =	vadd.f32 v32, v27;
	v63 =	vld [tilespmem:$0x1FF50]  }
0x24f: {  	v23 =	vadd.f32 v53, v23;
	v53 =	vadd.f32 v61, v58;
	v58 =	vld [tilespmem:s14+$0x6AF0]  }
0x250: {  	v4 =	vadd.f32 v22, v4;
	v32 =	vadd.f32 v37, v30;
	v61 =	vld [tilespmem:$0x1FF80]  }
0x251: {  	v37 =	vadd.f32 v42, v34;
	v54 =	vadd.f32 v60, v59;
	v59 =	vld [tilespmem:$0x1FF60]  }
0x252: {  	v40 =	vadd.f32 v46, v40;
	v46 =	vadd.f32 v43, v50;
	v60 =	vld [tilespmem:$0x1FF70]  }
0x253: {  	v45 =	vld [tilespmem:s14+$0x6A20];
	v24 =	vadd.f32 v54, v24;
	v54 =	vadd.f32 v63, v62  }
0x254: {  	v38 =	vld [tilespmem:s14+$0x6A60];
	v50 =	vadd.f32 v52, v44;
	v52 =	vadd.f32 v47, v55  }
0x255: {  	v17 =	vadd.f32 v53, v17;
	v63 =	vld [tilespmem:s14+$0x6B30];
	v20 =	vadd.f32 v54, v20  }
0x256: {  	v42 =	vld [tilespmem:s12+$0x4050];
	v24 =	vadd.f32 v49, v24;
	v51 =	vadd.f32 v51, v61  }
0x257: {  	v62 =	vld [tilespmem:s14+$0x6B50];
	v55 =	vadd.f32 v58, v48;
	v59 =	vadd.f32 v60, v59  }
0x258: {  	v49 =	vld [tilespmem:s14+$0x6B10];
	v17 =	vadd.f32 v51, v17;
	v20 =	vadd.f32 v39, v20  }
0x259: {  	s20 =	smul.u32 $0x3200, s13;
	v34 =	vld [tilespmem:s17+$0xA460];
	v7 =	vadd.f32 v7, v24;
	v39 =	vadd.f32 v38, v45  }
0x25a: {  	v44 =	vld [tilespmem:s17+$0xA540];
	v23 =	vadd.f32 v59, v23;
	v3 =	vadd.f32 v3, v63  }
0x25b: {  	s22 =	sshra.s32 s20, $0x2;
	v60 =	vld [tilespmem:s14+$0x6B40];
	v5 =	vadd.f32 v5, v17;
	v2 =	vadd.f32 v2, v20  }
0x25c: {  	v53 =	vld [tilespmem:s22+$0xB030];
	v7 =	vadd.f32 v9, v7;
	v18 =	vadd.f32 v18, v23  }
0x25d: {  	v58 =	vld [tilespmem:s17+$0xA410];
	v61 =	vadd.f32 v62, v49;
	v5 =	vadd.f32 v13, v5  }
0x25e: {  	v9 =	vld [tilespmem:s14+$0x6B90];
	v2 =	vadd.f32 v14, v2;
	v7 =	vadd.f32 v25, v7  }
0x25f: {  	v48 =	vld [tilespmem:s17+$0xA560];
	v14 =	vadd.f32 v26, v31;
	v31 =	vadd.f32 v29, v35  }
0x260: {  	v24 =	vld [tilespmem:s12+$0x4030];
	v35 =	vadd.f32 v33, v41;
	v60 =	vadd.f32 v60, v56  }
0x261: {  	v45 =	vld [tilespmem:s12+$0x4060];
	v8 =	vadd.f32 v8, v18;
	v5 =	vadd.f32 v14, v5  }
0x262: {  	v51 =	vld [tilespmem:s12+$0x4070];
	v2 =	vadd.f32 v28, v2;
	v7 =	vadd.f32 v32, v7  }
0x263: {  	v38 =	vld [tilespmem:s17+$0xA4D0];
	v8 =	vadd.f32 v10, v8;
	v9 =	vadd.f32 v16, v9  }
0x264: {  	v59 =	vld [tilespmem:s17+$0xA420];
	v5 =	vadd.f32 v35, v5;
	v2 =	vadd.f32 v37, v2  }
0x265: {  	v10 =	vld [tilespmem:s14+$0x6BB0];
	v7 =	vadd.f32 v40, v7;
	v8 =	vadd.f32 v31, v8  }
0x266: {  	v13 =	vld [tilespmem:s14+$0x6BE0];
	v5 =	vadd.f32 v46, v5;
	v2 =	vadd.f32 v50, v2  }
0x267: {  	v18 =	vld [tilespmem:s14+$0x6BA0];
	v7 =	vadd.f32 v55, v7;
	v8 =	vadd.f32 v39, v8  }
0x268: {  	v14 =	vld [tilespmem:s12+$0x4010];
	v5 =	vadd.f32 v60, v5;
	v2 =	vadd.f32 v61, v2  }
0x269: {  	v35 =	vld [tilespmem:s17+$0xA480];
	v3 =	vadd.f32 v3, v7;
	v7 =	vadd.f32 v15, v12  }
0x26a: {  	v40 =	vld [tilespmem:s17+$0xA500];
	v10 =	vadd.f32 v19, v10;
	v8 =	vadd.f32 v52, v8  }
0x26b: {  	v0 =	vmul.f32 $1.250000000e-01, v0;
	v17 =	vld [tilespmem:s12+$0x4020];
	v5 =	vadd.f32 v7, v5;
	v2 =	vadd.f32 v9, v2  }
0x26c: {  	v63 =	vld [tilespmem:s17+$0xA440];
	v7 =	vmul.f32 $3.333333430e-01, v4;
	v4 =	vmul.f32 $1.250000000e-01, v6;
	v3 =	vadd.f32 v10, v3  }
0x26d: {  	v62 =	vld [tilespmem:s17+$0xA430];
	v8 =	vadd.f32 v11, v8;
	v11 =	vadd.f32 v13, v18;
	v5 =	vmul.f32 $6.250000000e-02, v5  }
0x26e: {  	v41 =	vld [tilespmem:s12+$0x4040];
	v0 =	vadd.f32 v14, v0;
	v2 =	vmul.f32 $6.250000000e-02, v2;
	v3 =	vmul.f32 $6.250000000e-02, v3  }
0x26f: {  	v49 =	vld [tilespmem:s17+$0xA570];
	v16 =	vmul.f32 v35, v7;
	v54 =	vmul.f32 v40, v7;
	v9 =	vadd.f32 v11, v8  }
0x270: {  	v33 =	vld [tilespmem:s17+$0xA450];
	v4 =	vadd.f32 v17, v4;
	v8 =	vmul.f32 $3.333333430e-01, v0;
	v0 =	vmul.f32 $1.250000000e-01, v1  }
0x271: {  	v37 =	vld [tilespmem:s17+$0xA4A0];
	v2 =	vadd.f32 v42, v2;
	v3 =	vadd.f32 v51, v3;
	v11 =	vmul.f32 $6.250000000e-02, v9  }
0x272: {  	v50 =	vld [tilespmem:s22+$0xB000];
	v0 =	vadd.f32 v24, v0;
	v9 =	vmul.f32 $3.333333430e-01, v4;
	v18 =	vmul.f32 v36, v8  }
0x273: {  	v15 =	vld [tilespmem:s17+$0xA470];
	v4 =	vadd.f32 v41, v5;
	v12 =	vmul.f32 $3.333333430e-01, v2;
	v14 =	vmul.f32 $3.333333430e-01, v3  }
0x274: {  	v46 =	vld [tilespmem:s17+$0xA550];
	v3 =	vmul.f32 v57, v7;
	v10 =	vmul.f32 $3.333333430e-01, v0  }
0x275: {  	v56 =	vld [tilespmem:s22+$0xB060];
	v0 =	vadd.f32 v45, v11;
	v11 =	vmul.f32 $3.333333430e-01, v4;
	v4 =	vmul.f32 v58, v8  }
0x276: {  	v6 =	vld [tilespmem:s17+$0xA4B0];
	v42 =	vmul.f32 v59, v9;
	v19 =	vmul.f32 v37, v9  }
0x277: {  	v1 =	vld [tilespmem:s17+$0xA4C0];
	v59 =	vmul.f32 v50, v7;
	v45 =	vmul.f32 v33, v12  }
0x278: {  	v39 =	vld [tilespmem:s17+$0xA4E0];
	v15 =	vmul.f32 v15, v14;
	v17 =	vmul.f32 v38, v12  }
0x279: {  	v5 =	vld [tilespmem:s17+$0xA4F0];
	v57 =	vmul.f32 v46, v12;
	v13 =	vmul.f32 $3.333333430e-01, v0  }
0x27a: {  	v2 =	vld [tilespmem:s17+$0xA510];
	v23 =	vmul.f32 v49, v14;
	v43 =	vmul.f32 v62, v10  }
0x27b: {  	v55 =	vld [tilespmem:s22+$0xB050];
	v3 =	vadd.f32 v4, v3;
	v4 =	vmul.f32 v63, v11;
	v47 =	vmul.f32 v34, v13  }
0x27c: {  	v16 =	vadd.f32 v18, v16;
	v58 =	vld [tilespmem:s22+$0xB070];
	v6 =	vmul.f32 v6, v10;
	v1 =	vmul.f32 v1, v11  }
0x27d: {  	v51 =	vld [tilespmem:s22+$0xB010];
	v18 =	vmul.f32 v53, v10;
	v4 =	vadd.f32 v45, v4;
	v15 =	vadd.f32 v15, v47  }
0x27e: {  	v0 =	vld [tilespmem:s17+$0xA520];
	v5 =	vmul.f32 v5, v14;
	v24 =	vadd.f32 v43, v42;
	v6 =	vadd.f32 v6, v19  }
0x27f: {  	v41 =	vld [tilespmem:s17+$0xA530];
	v2 =	vmul.f32 v2, v8;
	v4 =	vadd.f32 v15, v4;
	v15 =	vmul.f32 v39, v13  }
0x280: {  	v52 =	vld [tilespmem:s22+$0xB020];
	v1 =	vadd.f32 v17, v1;
	v17 =	vmul.f32 v55, v12;
	v19 =	vmul.f32 v56, v13  }
0x281: {  	v60 =	vmul.f32 v58, v14;
	v3 =	vadd.f32 v24, v3;
	v5 =	vadd.f32 v5, v15;
	v15 =	vld [tilespmem:s22+$0xB040]  }
0x282: {  	v6 =	vadd.f32 v6, v16;
	v2 =	vadd.f32 v2, v54;
	v24 =	vmul.f32 v51, v8  }
0x283: {  	v0 =	vmul.f32 v0, v9;
	v61 =	vadd.f32 v60, v19;
	v1 =	vadd.f32 v5, v1  }
0x284: {  	v16 =	vadd.f32 v24, v59;
	v3 =	vadd.f32 v4, v3;
	v5 =	vmul.f32 v41, v10  }
0x285: {  	v4 =	vmul.f32 v44, v11;
	v1 =	vadd.f32 v1, v6;
	v6 =	vmul.f32 v48, v13  }
0x286: {  	v0 =	vadd.f32 v5, v0;
	v5 =	vmul.f32 v52, v9;
	v15 =	vmul.f32 v15, v11  }
0x287: {  	v4 =	vadd.f32 v57, v4;
	v6 =	vadd.f32 v23, v6  }
0x288: {  	v5 =	vadd.f32 v18, v5;
	v15 =	vadd.f32 v17, v15  }
0x289: {  	v0 =	vadd.f32 v0, v2;
	v2 =	vadd.f32 v6, v4  }
0x28a: {  	v4 =	vadd.f32 v5, v16;
	v5 =	vadd.f32 v61, v15  }
0x28b: {  	(xrf2) =	vadd.scan.msk.f32 $0xffff, v3;
	v0 =	vadd.f32 v2, v0  }
0x28c: {  	(xrf2) =	vadd.scan.msk.f32 $0xffff, v1;
	v2 =	vadd.f32 v5, v4  }
0x28d: {  	s23 =	smul.u32 $0x1C, s13;
	(xrf2) =	vadd.scan.msk.f32 $0xffff, v0  }
0x28e: {  	(xrf2) =	vadd.scan.msk.f32 $0xffff, v2  }
0x28f: {  	s16 =	sor.u32 $0x1, s23;
	v0 =	vmov s23  }
0x290: {  	s17 =	sor.u32 $0x2, s23;
	v1 =	vmov s16;
	v0 =	vbroadcast v0, $0x0  }
0x291: {  	v1 =	vbroadcast v1, $0x0;
	v2 =	vmov s17  }
0x292: {  	v2 =	vbroadcast v2, $0x0  }
0x293: {  	s12 =	sor.u32 $0x3, s23  }
0x294: {  	v3 =	vmov s12  }
0x295: {  	v4, _, _ =	vpop (xrf2)  }
0x296: {  	v5, _, _ =	vpop (xrf2);
	[tilespmem:v0+s29+$0x0] =	vst.idx.msk vm0, v4  }
0x297: {  	[tilespmem:v1+s29+$0x0] =	vst.idx.msk vm0, v5;
	v0, _, _ =	vpop (xrf2)  }
0x298: {  	v1, _, _ =	vpop (xrf2);
	[tilespmem:v2+s29+$0x0] =	vst.idx.msk vm0, v0  }
0x299: {  	[tilespmem:v3+s29+$0x0] =	vst.idx.msk vm0, v1  }
0x29a: {  	v0 =	vld [tilespmem:s10+$0x130]  }
0x29b: {  	v1 =	vld [tilespmem:s10+$0x120]  }
0x29c: {  	v2 =	vld [tilespmem:s10+$0x110]  }
0x29d: {  	v3 =	vld [tilespmem:s10+$0x100]  }
0x29e: {  	v4 =	vld [tilespmem:s10+$0xB0]  }
0x29f: {  	v5 =	vld [tilespmem:s10+$0xA0]  }
0x2a0: {  	v6 =	vld [tilespmem:s10+$0xFFFFFF90]  }
0x2a1: {  	v15 =	vld [tilespmem:s10+$0xFFFFFF60]  }
0x2a2: {  	v62 =	vld [tilespmem:s10+$0x30]  }
0x2a3: {  	v32 =	vld [tilespmem:s10+$0xFFFFFF70]  }
0x2a4: {  	v33 =	vld [tilespmem:s10+$0xFFFFFF80]  }
0x2a5: {  	v34 =	vld [tilespmem:s10+$0x10]  }
0x2a6: {  	v35 =	vld [tilespmem:s10+$0x0]  }
0x2a7: {  	v36 =	vld [tilespmem:s10+$0xFFFFFFF0]  }
0x2a8: {  	v38 =	vld [tilespmem:s10+$0xFFFFFFD0]  }
0x2a9: {  	v39 =	vld [tilespmem:s10+$0xFFFFFF40]  }
0x2aa: {  	v40 =	vld [tilespmem:s10+$0xFFFFFFB0]  }
0x2ab: {  	v41 =	vld [tilespmem:s10+$0xFFFFFFA0];
	v3 =	vmul.f32 v3, v11;
	v2 =	vmul.f32 v2, v12  }
0x2ac: {  	v42 =	vld [tilespmem:s10+$0xFFFFFF50];
	v15 =	vmul.f32 v15, v9;
	v18 =	vmul.f32 v32, v10  }
0x2ad: {  	v43 =	vld [tilespmem:s10+$0xFFFFFFC0];
	v20 =	vmul.f32 v34, v12;
	v21 =	vmul.f32 v35, v11  }
0x2ae: {  	v37 =	vld [tilespmem:s10+$0xFFFFFFE0];
	v22 =	vmul.f32 v36, v10;
	v24 =	vmul.f32 v38, v8  }
0x2af: {  	v63 =	vld [tilespmem:s10+$0x20];
	v16 =	vmul.f32 v62, v14;
	v46 =	vmul.f32 v39, v7  }
0x2b0: {  	v44 =	vld [tilespmem:s10+$0x90];
	v19 =	vmul.f32 v33, v11;
	v48 =	vmul.f32 v41, v13  }
0x2b1: {  	v45 =	vld [tilespmem:s10+$0x70];
	v26 =	vmul.f32 v40, v14;
	v28 =	vmul.f32 v42, v8  }
0x2b2: {  	v47 =	vld [tilespmem:s10+$0x60];
	v6 =	vmul.f32 v6, v12;
	v51 =	vmul.f32 v43, v7  }
0x2b3: {  	v49 =	vld [tilespmem:s10+$0x50];
	v23 =	vmul.f32 v37, v9;
	v1 =	vmul.f32 v1, v13;
	v15 =	vadd.f32 v18, v15  }
0x2b4: {  	v50 =	vld [tilespmem:s10+$0x40];
	v5 =	vmul.f32 v5, v13;
	v20 =	vadd.f32 v20, v21;
	v21 =	vadd.f32 v26, v48  }
0x2b5: {  	v52 =	vld [tilespmem:s10+$0x80];
	v57 =	vmul.f32 v44, v12;
	v18 =	vadd.f32 v28, v46;
	v6 =	vadd.f32 v6, v19  }
0x2b6: {  	v53 =	vld [tilespmem:s10+$0xF0];
	v2 =	vadd.f32 v2, v3;
	v3 =	vmul.f32 v63, v13;
	v24 =	vadd.f32 v24, v51  }
0x2b7: {  	v54 =	vld [tilespmem:s10+$0xE0];
	v4 =	vmul.f32 v4, v14;
	v15 =	vadd.f32 v15, v18;
	v6 =	vadd.f32 v21, v6  }
0x2b8: {  	v58 =	vld [tilespmem:s10+$0xC0];
	v17 =	vmul.f32 v45, v10;
	v22 =	vadd.f32 v22, v23;
	v3 =	vadd.f32 v16, v3  }
0x2b9: {  	v55 =	vld [tilespmem:s10+$0xD0];
	v4 =	vadd.f32 v4, v5;
	v6 =	vadd.f32 v6, v15;
	v15 =	vmul.f32 v47, v9  }
0x2ba: {  	v5 =	vmul.f32 v52, v11;
	v56 =	vadd.f32 v22, v24;
	v3 =	vadd.f32 v3, v20  }
0x2bb: {  	v16 =	vmul.f32 v50, v7;
	(xrf2) =	vadd.scan.msk.f32 $0xffff, v6;
	v6 =	vadd.f32 v17, v15;
	v15 =	vmul.f32 v49, v8  }
0x2bc: {  	v0 =	vmul.f32 v0, v14;
	v59 =	vmul.f32 v54, v9;
	v3 =	vadd.f32 v3, v56  }
0x2bd: {  	v60 =	vmul.f32 v58, v7;
	v5 =	vadd.f32 v57, v5;
	v15 =	vadd.f32 v15, v16  }
0x2be: {  	v0 =	vadd.f32 v0, v1;
	v18 =	vmul.f32 v55, v8;
	(xrf2) =	vadd.scan.msk.f32 $0xffff, v3;
	v3 =	vmul.f32 v53, v10  }
0x2bf: {  	s20 =	sadd.s32 $0xFFFFFFE8, s11;
	v1 =	vadd.f32 v4, v5;
	v4 =	vadd.f32 v6, v15  }
0x2c0: {  	s22 =	sadd.s32 $0x1C, s20;
	v63 =	vadd.f32 v18, v60;
	v3 =	vadd.f32 v3, v59  }
0x2c1: {  	v61 =	vmov s22;
	v1 =	vadd.f32 v1, v4  }
0x2c2: {  	v62 =	vand.u32 $0xFFFFFFFC, v61;
	v0 =	vadd.f32 v0, v2;
	v3 =	vadd.f32 v3, v63  }
0x2c3: {  	v16 =	vbroadcast v62, $0x0;
	(xrf2) =	vadd.scan.msk.f32 $0xffff, v1  }
0x2c4: {  	v3 =	vadd.f32 v0, v3  }
0x2c5: {  	s23 =	sadd.s32 $0x1D, s20  }
0x2c6: {  	s16 =	sadd.s32 $0x1E, s20;
	v2 =	vmov s23;
	v5, _, _ =	vpop (xrf2);
	(xrf2) =	vadd.scan.msk.f32 $0xffff, v3  }
0x2c7: {  	v2 =	vand.u32 $0xFFFFFFFD, v2;
	v4 =	vmov s16  }
0x2c8: {  	s12 =	sadd.s32 $0x1F, s20;
	v4 =	vand.u32 $0xFFFFFFFE, v4;
	v1 =	vbroadcast v2, $0x0  }
0x2c9: {  	s14 =	smov.u32 s10;
	v0 =	vmov s12;
	s12 =	simm.s32 $0xFFFFFFEC;
	v2 =	vbroadcast v4, $0x0;
	[tilespmem:v16+s29+$0x0] =	vst.idx.msk vm0, v5;
	v3, _, _ =	vpop (xrf2)  }
.LBB2_6:
0x2ca: {  	p1 =	sne.s32 s12, $0xFFFFFFFC  }
0x2cb: {  	s14 =	sadd.s32 $0x200, s14;
	s16 =	smov.u32 s12;
	s12 =	sadd.s32 $0x4, s12  }
0x2cc: {  	_ = 	snop  }
0x2cd: {  	v4, _, _ =	vpop (xrf2)  }
0x2ce: {  	[tilespmem:v1+s29+$0x0] =	vst.idx.msk vm0, v3  }
0x2cf: {  	[tilespmem:v2+s29+$0x0] =	vst.idx.msk vm0, v4  }
0x2d0: {  	v1, _, _ =	vpop (xrf2)  }
0x2d1: {  	[tilespmem:v0+s29+$0x0] =	vst.idx.msk vm0, v1  }
0x2d2: {  	v0 =	vld [tilespmem:s14+$0x130]  }
0x2d3: {  	v1 =	vld [tilespmem:s14+$0x120]  }
0x2d4: {  	v2 =	vld [tilespmem:s14+$0x110]  }
0x2d5: {  	v3 =	vld [tilespmem:s14+$0x100]  }
0x2d6: {  	v4 =	vld [tilespmem:s14+$0xB0]  }
0x2d7: {  	v5 =	vld [tilespmem:s14+$0xA0]  }
0x2d8: {  	v6 =	vld [tilespmem:s14+$0x90];
	v1 =	vmul.f32 v1, v13  }
0x2d9: {  	v15 =	vld [tilespmem:s14+$0xFFFFFF90]  }
0x2da: {  	v2 =	vmul.f32 v2, v12;
	v16 =	vld [tilespmem:s14+$0x70];
	v3 =	vmul.f32 v3, v11  }
0x2db: {  	v17 =	vld [tilespmem:s14+$0xFFFFFF60]  }
0x2dc: {  	v18 =	vld [tilespmem:s14+$0x60];
	v5 =	vmul.f32 v5, v13;
	v2 =	vadd.f32 v2, v3  }
0x2dd: {  	v3 =	vld [tilespmem:s14+$0x30];
	v6 =	vmul.f32 v6, v12  }
0x2de: {  	v19 =	vld [tilespmem:s14+$0x20]  }
0x2df: {  	v20 =	vld [tilespmem:s14+$0xFFFFFF70]  }
0x2e0: {  	v21 =	vld [tilespmem:s14+$0xFFFFFF80]  }
0x2e1: {  	v22 =	vld [tilespmem:s14+$0x10];
	v18 =	vmul.f32 v18, v9  }
0x2e2: {  	v23 =	vld [tilespmem:s14+$0x0]  }
0x2e3: {  	v24 =	vld [tilespmem:s14+$0xFFFFFFF0]  }
0x2e4: {  	v17 =	vmul.f32 v17, v9;
	v20 =	vmul.f32 v20, v10;
	v25 =	vld [tilespmem:s14+$0xFFFFFFE0]  }
0x2e5: {  	v26 =	vld [tilespmem:s14+$0xFFFFFFD0]  }
0x2e6: {  	v27 =	vld [tilespmem:s14+$0xFFFFFF40];
	v17 =	vadd.f32 v20, v17;
	v20 =	vmul.f32 v22, v12  }
0x2e7: {  	v22 =	vld [tilespmem:s14+$0xFFFFFFB0];
	v23 =	vmul.f32 v23, v11  }
0x2e8: {  	v28 =	vld [tilespmem:s14+$0xFFFFFFA0];
	v24 =	vmul.f32 v24, v10  }
0x2e9: {  	v0 =	vmul.f32 v0, v14;
	v4 =	vmul.f32 v4, v14;
	v29 =	vld [tilespmem:s14+$0xFFFFFF50];
	v20 =	vadd.f32 v20, v23  }
0x2ea: {  	v16 =	vmul.f32 v16, v10;
	v23 =	vld [tilespmem:s14+$0xFFFFFFC0];
	v26 =	vmul.f32 v26, v8  }
0x2eb: {  	v3 =	vmul.f32 v3, v14;
	v19 =	vmul.f32 v19, v13;
	v30 =	vld [tilespmem:s14+$0x50]  }
0x2ec: {  	v4 =	vadd.f32 v4, v5;
	v21 =	vmul.f32 v21, v11;
	v27 =	vmul.f32 v27, v7;
	v31 =	vld [tilespmem:s14+$0x40]  }
0x2ed: {  	v16 =	vadd.f32 v16, v18;
	v22 =	vmul.f32 v22, v14;
	v5 =	vmul.f32 v28, v13;
	v18 =	vld [tilespmem:s14+$0x80]  }
0x2ee: {  	v15 =	vmul.f32 v15, v12;
	v3 =	vadd.f32 v3, v19;
	v28 =	vmul.f32 v29, v8;
	v19 =	vld [tilespmem:s14+$0xF0]  }
0x2ef: {  	v5 =	vadd.f32 v22, v5;
	v22 =	vmul.f32 v23, v7;
	v23 =	vmul.f32 v25, v9;
	v25 =	vld [tilespmem:s14+$0xE0]  }
0x2f0: {  	v15 =	vadd.f32 v15, v21;
	v27 =	vadd.f32 v28, v27;
	v21 =	vmul.f32 v30, v8;
	v28 =	vld [tilespmem:s14+$0xD0]  }
0x2f1: {  	v22 =	vadd.f32 v26, v22;
	v23 =	vadd.f32 v24, v23;
	v24 =	vmul.f32 v31, v7;
	v26 =	vld [tilespmem:s14+$0xC0]  }
0x2f2: {  	v5 =	vadd.f32 v5, v15;
	v17 =	vadd.f32 v17, v27;
	v15 =	vmul.f32 v18, v11  }
0x2f3: {  	v3 =	vadd.f32 v3, v20;
	v18 =	vadd.f32 v23, v22;
	v19 =	vmul.f32 v19, v10  }
0x2f4: {  	v5 =	vadd.f32 v5, v17;
	v6 =	vadd.f32 v6, v15;
	v15 =	vmul.f32 v25, v9  }
0x2f5: {  	v17 =	vadd.f32 v21, v24;
	v3 =	vadd.f32 v3, v18;
	v18 =	vmul.f32 v28, v8  }
0x2f6: {  	v4 =	vadd.f32 v4, v6;
	v6 =	vmul.f32 v26, v7;
	v15 =	vadd.f32 v19, v15;
	(xrf2) =	vadd.scan.msk.f32 $0xffff, v5  }
0x2f7: {  	v5 =	vadd.f32 v16, v17  }
0x2f8: {  	s16 =	sadd.s32 s16, s11;
	v0 =	vadd.f32 v0, v1;
	v6 =	vadd.f32 v18, v6  }
0x2f9: {  	s23 =	sadd.s32 $0x1C, s16;
	s17 =	sadd.s32 $0x1D, s16;
	s20 =	sadd.s32 $0x1E, s16;
	v1 =	vadd.f32 v4, v5;
	(xrf2) =	vadd.scan.msk.f32 $0xffff, v3  }
0x2fa: {  	s16 =	sadd.s32 $0x1F, s16;
	v0 =	vadd.f32 v0, v2;
	v2 =	vmov s23;
	v3 =	vadd.f32 v15, v6  }
0x2fb: {  	v2 =	vand.u32 $0xFFFFFFFC, v2;
	v4 =	vmov s17;
	v5 =	vmov s20  }
0x2fc: {  	v2 =	vbroadcast v2, $0x0;
	v4 =	vand.u32 $0xFFFFFFFD, v4;
	v3 =	vadd.f32 v0, v3;
	(xrf2) =	vadd.scan.msk.f32 $0xffff, v1  }
0x2fd: {  	v5 =	vand.u32 $0xFFFFFFFE, v5;
	v0 =	vmov s16;
	_ =	sdelay $0x1  }
.Ltmp3:
0x2fe: {  	(xrf2) =	vadd.scan.msk.f32 $0xffff, v3;
	(pc) =	sbr.rel @p1 .LBB2_6-.Ltmp3, $3  }
0x2ff: {  	v1 =	vbroadcast v4, $0x0;
	v3, _, _ =	vpop (xrf2);
	_ =	sdelay $0x1  }
0x300: {  	[tilespmem:v2+s29+$0x0] =	vst.idx.msk vm0, v3;
	v2 =	vbroadcast v5, $0x0  }
0x301: {  	v3, _, _ =	vpop (xrf2)  }
0x302: {  	_ = 	snop  }
0x303: {  	s13 =	sadd.s32 $0x1, s13  }
0x304: {  	p1 =	sne.s32 s13, $0x8  }
.Ltmp4:
0x305: {  	_ = 	snop;
	(pc) =	sbr.rel @p1 .LBB2_5-.Ltmp4, $4  }
0x306: {  	_ = 	snop  }
0x307: {  	[tilespmem:v1+s29+$0x0] =	vst.idx.msk vm0, v3;
	v4, _, _ =	vpop (xrf2)  }
0x308: {  	[tilespmem:v2+s29+$0x0] =	vst.idx.msk vm0, v4;
	v63, _, _ =	vpop (xrf2)  }
0x309: {  	s11 =	sadd.s32 $0x1C, s11;
	s10 =	sadd.s32 $0xC80, s10;
	[tilespmem:v0+s29+$0x0] =	vst.idx.msk vm0, v63  }
0x30a: {  	s10 =	sshll.u32 s8, $0x4  }
0x30b: {  	s11 =	sadd.s32 s7, s10  }
0x30c: {  	s11 =	smul.u32 $0x1C, s11;
	_ =	sdelay $0x1  }
0x30d: {  	s11 =	sshrl.u32 s11, $0x3  }
0x30e: {  	p1 =	seq.s32 s8, $0x7;
	s11 =	sadd.s32 s6, s11  }
0x30f: {  	[hbm4b:s11+s4] =	stream.linear.scatter [tilespmem:s29], [sflag:$0x3], $0xE0, $0x38;
	[tilespmem:$0x1E9C0] =	vst v63  }
0x310: {  	s11 =	sadd.s32 @!p1 $0x2, s9  }
0x311: {  	s12 =	sshll.u32 @!p1 s11, $0x4  }
0x312: {  	s12 =	sand.u32 @!p1 $0x3FFFFFF0, s12  }
0x313: {  	s13 =	simm.s32 @!p1 $0x8;
	s14 =	simm.s32 @!p1 $0x4000;
	s12 =	sadd.s32 @!p1 $0x2700, s12  }
0x314: {  	[tilespmem:s14], [sflag:$0x1] =	stream.indirect.gather @!p1 [hbm4b:s2+s13], $0x80, s12, s13, $0xb8;
	[tilespmem:$0x1E9C0] =	vst v63  }
0x315: {  	s12 =	sshll.u32 @!p1 s11, $0x7  }
0x316: {  	s12 =	sand.u32 @!p1 $0x3FFFFF80, s12  }
0x317: {  	s13 =	simm.s32 @!p1 $0x80;
	s14 =	simm.s32 @!p1 $0x4400;
	s12 =	sadd.s32 @!p1 $0x2800, s12  }
0x318: {  	[tilespmem:s14], [sflag:$0x1] =	stream.indirect.gather @!p1 [hbm4b:s5+s13], $0x40, s12, s13, $0xb8;
	[tilespmem:$0x1E9C0] =	vst v63  }
0x319: {  	s12 =	sshll.u32 @!p1 s11, $0x8  }
0x31a: {  	s12 =	sand.u32 @!p1 $0x3FFFFF00, s12  }
0x31b: {  	s16 =	simm.s32 @!p1 $0x6400;
	s14 =	sadd.s32 @!p1 $0x3000, s12  }
0x31c: {  	[tilespmem:s16], [sflag:$0x1] =	stream.indirect.gather @!p1 [hbm4b:s5+s13], $0x40, s14, s13, $0xb8;
	[tilespmem:$0x1E9C0] =	vst v63  }
0x31d: {  	s16 =	smul.u32 @!p1 $0x60, s11  }
0x31e: {  	s12 =	sadd.s32 @!p1 $0x3080, s12;
	s14 =	simm.s32 @!p1 $0x8400;
	s11 =	smul.u32 @!p1 $0x320, s11  }
0x31f: {  	[tilespmem:s14], [sflag:$0x1] =	stream.indirect.gather @!p1 [hbm4b:s5+s13], $0x40, s12, s13, $0xb8;
	[tilespmem:$0x1E9C0] =	vst v63  }
0x320: {  	s12 =	sshra.s32 @!p1 s16, $0x2;
	s13 =	simm.s32 @!p1 $0x18  }
0x321: {  	s14 =	simm.s32 @!p1 $0xA400;
	s11 =	sshra.s32 @!p1 s11, $0x2;
	s12 =	sadd.s32 @!p1 $0x1900, s12  }
0x322: {  	[tilespmem:s14], [sflag:$0x1] =	stream.indirect.gather @!p1 [hbm4b:s3+s13], $0x80, s12, s13, $0xb8;
	[tilespmem:$0x1E9C0] =	vst v63  }
0x323: {  	s12 =	sadd.s32 @!p1 $0x1A80, s11;
	s13 =	simm.s32 @!p1 $0x68;
	s14 =	simm.s32 @!p1 $0xB000  }
0x324: {  	[tilespmem:s14], [sflag:$0x1] =	stream.indirect.gather @!p1 [hbm4b:s3+s13], $0x80, s12, s13, $0xb8;
	[tilespmem:$0x1E9C0] =	vst v63  }
0x325: {  	s11 =	sadd.s32 @!p1 $0x1AE8, s11;
	s12 =	simm.s32 @!p1 $0x60;
	s13 =	simm.s32 @!p1 $0xE400  }
0x326: {  	[tilespmem:s13], [sflag:$0x1] =	stream.indirect.gather @!p1 [hbm4b:s3+s12], $0x80, s11, s12, $0xb8;
	[tilespmem:$0x1E9C0] =	vst v63  }
0x327: {  	_ =	swait.ge [sflag:s1], $0x400  }
0x328: {  	[sflag:s1] =	ssyncset.done $0x0  }
0x329: {  	[sflag:s1] =	ssyncadd.s32 $0xFFFFFC00  }
0x32a: {  	_ =	swait.ge [sflag:s1], $0x2000  }
0x32b: {  	[sflag:s1] =	ssyncset.done $0x0  }
0x32c: {  	[sflag:s1] =	ssyncadd.s32 $0xFFFFE000  }
0x32d: {  	_ =	swait.ge [sflag:s1], $0x2000  }
0x32e: {  	[sflag:s1] =	ssyncset.done $0x0  }
0x32f: {  	[sflag:s1] =	ssyncadd.s32 $0xFFFFE000  }
0x330: {  	_ =	swait.ge [sflag:s1], $0x2000  }
0x331: {  	[sflag:s1] =	ssyncset.done $0x0  }
0x332: {  	[sflag:s1] =	ssyncadd.s32 $0xFFFFE000  }
0x333: {  	_ =	swait.ge [sflag:s1], $0xC00  }
0x334: {  	[sflag:s1] =	ssyncset.done $0x0  }
0x335: {  	[sflag:s1] =	ssyncadd.s32 $0xFFFFF400  }
0x336: {  	_ =	swait.ge [sflag:s1], $0x3400  }
0x337: {  	[sflag:s1] =	ssyncset.done $0x0  }
0x338: {  	[sflag:s1] =	ssyncadd.s32 $0xFFFFCC00  }
0x339: {  	_ =	swait.ge [sflag:s1], $0x3000  }
0x33a: {  	[sflag:s1] =	ssyncset.done $0x0  }
0x33b: {  	s11 =	simm.s32 @!p0 $0x4;
	[sflag:s1] =	ssyncadd.s32 $0xFFFFD000  }
0x33c: {  	_ =	swait.ge @!p0 [sflag:s11], $0xE0  }
0x33d: {  	s16 =	simm.s32 $0x18620;
	[sflag:s11] =	ssyncset.done @!p0 $0x0  }
0x33e: {  	s14 =	simm.s32 $0x0;
	[sflag:s11] =	ssyncadd.s32 @!p0 $0xFFFFFF20;
	s11 =	simm.s32 $0x0  }
.LBB2_9:
0x33f: {  	s12 =	sshll.u32 s14, $0xA  }
0x340: {  	s12 =	sand.u32 $0x3FFFFC00, s12  }
0x341: {  	v36 =	vld [tilespmem:s12+$0x118E0]  }
0x342: {  	v40 =	vld [tilespmem:s12+$0x11920]  }
0x343: {  	v49 =	vld [tilespmem:s12+$0x118F0]  }
0x344: {  	v51 =	vld [tilespmem:s12+$0x11930]  }
0x345: {  	v56 =	vld [tilespmem:s12+$0x11900]  }
0x346: {  	v57 =	vld [tilespmem:s12+$0x11940]  }
0x347: {  	v9 =	vld [tilespmem:s12+$0x11910]  }
0x348: {  	v7 =	vld [tilespmem:s12+$0x11950]  }
0x349: {  	v8 =	vld [tilespmem:s12+$0x11960]  }
0x34a: {  	v5 =	vld [tilespmem:s12+$0x119A0]  }
0x34b: {  	v6 =	vld [tilespmem:s12+$0x11970]  }
0x34c: {  	v3 =	vld [tilespmem:s12+$0x119B0]  }
0x34d: {  	v4 =	vld [tilespmem:s12+$0x11980]  }
0x34e: {  	v1 =	vld [tilespmem:s12+$0x119C0]  }
0x34f: {  	v2 =	vld [tilespmem:s12+$0x11990]  }
0x350: {  	s13 =	sshll.u32 s14, $0xB;
	v0 =	vld [tilespmem:s12+$0x119D0]  }
0x351: {  	s17 =	sand.u32 $0x3FFFF800, s13;
	v17 =	vld [tilespmem:s12+$0x119E0]  }
0x352: {  	v58 =	vld [tilespmem:s17+$0x138F0]  }
0x353: {  	v15 =	vld [tilespmem:s12+$0x11A20]  }
0x354: {  	v14 =	vld [tilespmem:s12+$0x119F0]  }
0x355: {  	v13 =	vld [tilespmem:s12+$0x11A30]  }
0x356: {  	v16 =	vld [tilespmem:s12+$0x11A00]  }
0x357: {  	[tilespmem:$0x1F810] =	vst v58;
	v58 =	vld [tilespmem:s17+$0x13940]  }
0x358: {  	v11 =	vld [tilespmem:s12+$0x11A40]  }
0x359: {  	v12 =	vld [tilespmem:s12+$0x11A10]  }
0x35a: {  	v10 =	vld [tilespmem:s12+$0x11A50]  }
0x35b: {  	v25 =	vld [tilespmem:s12+$0x11A60]  }
0x35c: {  	[tilespmem:$0x1F840] =	vst v58;
	v58 =	vld [tilespmem:s17+$0x13960]  }
0x35d: {  	v23 =	vld [tilespmem:s12+$0x11AA0]  }
0x35e: {  	v22 =	vld [tilespmem:s12+$0x11A70]  }
0x35f: {  	v21 =	vld [tilespmem:s12+$0x11AB0]  }
0x360: {  	v24 =	vld [tilespmem:s12+$0x11A80]  }
0x361: {  	[tilespmem:$0x1F870] =	vst v58;
	v58 =	vld [tilespmem:s17+$0x13980]  }
0x362: {  	v19 =	vld [tilespmem:s12+$0x11AC0]  }
0x363: {  	v20 =	vld [tilespmem:s12+$0x11A90]  }
0x364: {  	v18 =	vld [tilespmem:s12+$0x11AD0]  }
0x365: {  	v33 =	vld [tilespmem:s12+$0x11AE0]  }
0x366: {  	[tilespmem:$0x1F8A0] =	vst v58;
	v58 =	vld [tilespmem:s17+$0x139E0]  }
0x367: {  	v32 =	vld [tilespmem:s12+$0x11B20]  }
0x368: {  	v30 =	vld [tilespmem:s12+$0x11AF0]  }
0x369: {  	v27 =	vld [tilespmem:s12+$0x11B30]  }
0x36a: {  	v31 =	vld [tilespmem:s12+$0x11B00]  }
0x36b: {  	[tilespmem:$0x1F8C0] =	vst v58;
	v58 =	vld [tilespmem:s17+$0x13A20]  }
0x36c: {  	v28 =	vld [tilespmem:s12+$0x11B40]  }
0x36d: {  	v29 =	vld [tilespmem:s12+$0x11B10]  }
0x36e: {  	v26 =	vld [tilespmem:s12+$0x11B50]  }
0x36f: {  	v43 =	vld [tilespmem:s12+$0x11B60]  }
0x370: {  	[tilespmem:$0x1F8D0] =	vst v58;
	v58 =	vld [tilespmem:s17+$0x139F0]  }
0x371: {  	v39 =	vld [tilespmem:s12+$0x11BA0]  }
0x372: {  	v41 =	vld [tilespmem:s12+$0x11B70]  }
0x373: {  	v38 =	vld [tilespmem:s12+$0x11BB0]  }
0x374: {  	v42 =	vld [tilespmem:s12+$0x11B80]  }
0x375: {  	[tilespmem:$0x1F8E0] =	vst v58;
	v58 =	vld [tilespmem:s17+$0x13A30]  }
0x376: {  	v35 =	vld [tilespmem:s12+$0x11BC0]  }
0x377: {  	v37 =	vld [tilespmem:s12+$0x11B90]  }
0x378: {  	v34 =	vld [tilespmem:s12+$0x11BD0]  }
0x379: {  	v54 =	vld [tilespmem:s12+$0x11BE0]  }
0x37a: {  	[tilespmem:$0x1F8F0] =	vst v58;
	v58 =	vld [tilespmem:s17+$0x13A00]  }
0x37b: {  	v50 =	vld [tilespmem:s12+$0x11C20]  }
0x37c: {  	v52 =	vld [tilespmem:s12+$0x11BF0]  }
0x37d: {  	v46 =	vld [tilespmem:s12+$0x11C30]  }
0x37e: {  	v48 =	vld [tilespmem:s12+$0x11C00]  }
0x37f: {  	[tilespmem:$0x1F900] =	vst v58;
	v58 =	vld [tilespmem:s17+$0x13A40]  }
0x380: {  	v47 =	vld [tilespmem:s12+$0x11C40]  }
0x381: {  	v45 =	vld [tilespmem:s12+$0x11C10]  }
0x382: {  	v44 =	vld [tilespmem:s12+$0x11C50]  }
0x383: {  	v53 =	vld [tilespmem:s12+$0x11C60]  }
0x384: {  	[tilespmem:$0x1F910] =	vst v58;
	v58 =	vld [tilespmem:s17+$0x13A10]  }
0x385: {  	v60 =	vld [tilespmem:s12+$0x11CA0]  }
0x386: {  	v61 =	vld [tilespmem:s12+$0x11C70]  }
0x387: {  	v62 =	vld [tilespmem:s12+$0x11C80]  }
0x388: {  	v55 =	vld [tilespmem:s17+$0x138E0]  }
0x389: {  	[tilespmem:$0x1F920] =	vst v58;
	v58 =	vld [tilespmem:s17+$0x13A50]  }
0x38a: {  	v63 =	vld [tilespmem:s17+$0x13920]  }
0x38b: {  	v59 =	vld [tilespmem:s17+$0x13930]  }
0x38c: {  	[tilespmem:$0x1F7C0] =	vst v60;
	v60 =	vld [tilespmem:s12+$0x11CB0]  }
0x38d: {  	[tilespmem:$0x1F7D0] =	vst v61;
	v61 =	vld [tilespmem:s12+$0x11CC0]  }
0x38e: {  	[tilespmem:$0x1F930] =	vst v58;
	v58 =	vld [tilespmem:s17+$0x13A60]  }
0x38f: {  	[tilespmem:$0x1F7E0] =	vst v62;
	v62 =	vld [tilespmem:s12+$0x11C90]  }
0x390: {  	[tilespmem:$0x1F7B0] =	vst v53;
	v53 =	vld [tilespmem:s12+$0x11CD0]  }
0x391: {  	[tilespmem:$0x1F800] =	vst v63;
	v63 =	vld [tilespmem:s17+$0x13900]  }
0x392: {  	[tilespmem:$0x1F820] =	vst v59;
	v59 =	vld [tilespmem:s17+$0x13910]  }
0x393: {  	[tilespmem:$0x1F940] =	vst v58;
	v58 =	vld [tilespmem:s17+$0x13AA0]  }
0x394: {  	[tilespmem:$0x1F7F0] =	vst v55;
	v55 =	vld [tilespmem:s17+$0x139D0]  }
0x395: {  	v3 =	vadd.f32 v3, v6;
	v6 =	vld [tilespmem:s17+$0x13CA0]  }
0x396: {  	v0 =	vadd.f32 v0, v2;
	v2 =	vld [tilespmem:s17+$0x13C70]  }
0x397: {  	v1 =	vadd.f32 v1, v4;
	v4 =	vld [tilespmem:s17+$0x13CB0]  }
0x398: {  	v36 =	vadd.f32 v40, v36;
	[tilespmem:$0x1F950] =	vst v58;
	v58 =	vld [tilespmem:s17+$0x13A70]  }
0x399: {  	v40 =	vadd.f32 v51, v49;
	v49 =	vadd.f32 v57, v56;
	v56 =	vld [tilespmem:s17+$0x13CD0]  }
0x39a: {  	v51 =	vld [tilespmem:s17+$0x13D20]  }
0x39b: {  	v57 =	vld [tilespmem:s17+$0x13CF0]  }
0x39c: {  	v1 =	vadd.f32 v1, v49;
	v49 =	vld [tilespmem:s17+$0x13C90]  }
0x39d: {  	v7 =	vadd.f32 v7, v9;
	[tilespmem:$0x1F960] =	vst v58;
	v58 =	vld [tilespmem:s17+$0x13AB0]  }
0x39e: {  	v3 =	vadd.f32 v3, v40;
	v40 =	vld [tilespmem:s17+$0x13D30]  }
0x39f: {  	v0 =	vadd.f32 v0, v7;
	v7 =	vadd.f32 v10, v12;
	v12 =	vld [tilespmem:s17+$0x13DC0]  }
0x3a0: {  	v10 =	vadd.f32 v34, v37;
	v34 =	vld [tilespmem:$0x1F7E0]  }
0x3a1: {  	v37 =	vld [tilespmem:$0x1F800]  }
0x3a2: {  	[tilespmem:$0x1F970] =	vst v58;
	v58 =	vld [tilespmem:s17+$0x13A80]  }
0x3a3: {  	v0 =	vadd.f32 v7, v0;
	v7 =	vadd.f32 v18, v20;
	v18 =	vld [tilespmem:s17+$0x13D40]  }
0x3a4: {  	v20 =	vld [tilespmem:s17+$0x13E40]  }
0x3a5: {  	[tilespmem:$0x1F830] =	vst v63;
	v63 =	vld [tilespmem:s17+$0x13950]  }
0x3a6: {  	[tilespmem:$0x1F850] =	vst v59;
	v59 =	vld [tilespmem:s17+$0x139A0]  }
0x3a7: {  	[tilespmem:$0x1F980] =	vst v58;
	v58 =	vld [tilespmem:s17+$0x13AC0]  }
0x3a8: {  	v5 =	vadd.f32 v5, v8;
	[tilespmem:$0x1FB60] =	vst v4;
	v4 =	vld [tilespmem:s17+$0x13C80]  }
0x3a9: {  	[tilespmem:$0x1FB40] =	vst v6;
	v6 =	vld [tilespmem:s17+$0x13CC0]  }
0x3aa: {  	[tilespmem:$0x1FB50] =	vst v2;
	v2 =	vadd.f32 v5, v36;
	v36 =	vld [tilespmem:s17+$0x13D00]  }
0x3ab: {  	v0 =	vadd.f32 v7, v0;
	v7 =	vld [tilespmem:s17+$0x13D50]  }
0x3ac: {  	v5 =	vadd.f32 v13, v14;
	[tilespmem:$0x1F990] =	vst v58;
	v58 =	vld [tilespmem:s17+$0x13A90]  }
0x3ad: {  	v9 =	vadd.f32 v35, v42;
	v42 =	vld [tilespmem:$0x1F840]  }
0x3ae: {  	v3 =	vadd.f32 v5, v3;
	v5 =	vadd.f32 v21, v22;
	v21 =	vld [tilespmem:s17+$0x13DF0]  }
0x3af: {  	v49 =	vadd.f32 v56, v49;
	v56 =	vld [tilespmem:s17+$0x13FE0]  }
0x3b0: {  	v8 =	vadd.f32 v26, v29;
	v40 =	vadd.f32 v40, v57;
	v57 =	vld [tilespmem:s17+$0x14010]  }
0x3b1: {  	[tilespmem:$0x1F9A0] =	vst v58;
	v58 =	vld [tilespmem:s17+$0x13AD0]  }
0x3b2: {  	v0 =	vadd.f32 v8, v0;
	v8 =	vadd.f32 v38, v41;
	v38 =	vld [tilespmem:$0x1F810]  }
0x3b3: {  	v41 =	vld [tilespmem:$0x1F830]  }
0x3b4: {  	v3 =	vadd.f32 v5, v3;
	v5 =	vadd.f32 v27, v30;
	v27 =	vld [tilespmem:s17+$0x13E50]  }
0x3b5: {  	v30 =	vld [tilespmem:s17+$0x13E60]  }
0x3b6: {  	[tilespmem:$0x1F9B0] =	vst v58;
	v58 =	vld [tilespmem:s17+$0x13AE0]  }
0x3b7: {  	[tilespmem:$0x1F860] =	vst v63;
	v63 =	vld [tilespmem:s17+$0x13970]  }
0x3b8: {  	[tilespmem:$0x1F880] =	vst v59;
	v59 =	vld [tilespmem:s17+$0x139C0]  }
0x3b9: {  	[tilespmem:$0x1FB80] =	vst v6;
	v6 =	vadd.f32 v11, v16;
	v11 =	vld [tilespmem:s17+$0x13D10]  }
0x3ba: {  	[tilespmem:$0x1FB70] =	vst v4;
	v4 =	vadd.f32 v15, v17;
	v15 =	vld [tilespmem:s17+$0x13D90]  }
0x3bb: {  	[tilespmem:$0x1F9C0] =	vst v58;
	v58 =	vld [tilespmem:s17+$0x13B20]  }
0x3bc: {  	v16 =	vld [tilespmem:s17+$0x13E20]  }
0x3bd: {  	v17 =	vadd.f32 v61, v34;
	v34 =	vld [tilespmem:s17+$0x13E80]  }
0x3be: {  	v18 =	vadd.f32 v18, v36;
	v36 =	vld [tilespmem:s17+$0x14040]  }
0x3bf: {  	v3 =	vadd.f32 v5, v3;
	v5 =	vld [tilespmem:s17+$0x13DA0]  }
0x3c0: {  	[tilespmem:$0x1F9D0] =	vst v58;
	v58 =	vld [tilespmem:s17+$0x13AF0]  }
0x3c1: {  	v14 =	vadd.f32 v44, v45;
	v44 =	vld [tilespmem:$0x1F860]  }
0x3c2: {  	v45 =	vld [tilespmem:$0x1F870]  }
0x3c3: {  	v0 =	vadd.f32 v10, v0;
	v10 =	vadd.f32 v46, v52;
	v46 =	vld [tilespmem:$0x1F880]  }
0x3c4: {  	v2 =	vadd.f32 v4, v2;
	v4 =	vld [tilespmem:s17+$0x13CE0]  }
0x3c5: {  	[tilespmem:$0x1F9E0] =	vst v58;
	v58 =	vld [tilespmem:s17+$0x13B30]  }
0x3c6: {  	v1 =	vadd.f32 v6, v1;
	v6 =	vadd.f32 v19, v24;
	v19 =	vld [tilespmem:s17+$0x13D60]  }
0x3c7: {  	v24 =	vld [tilespmem:s17+$0x13E10]  }
0x3c8: {  	v8 =	vadd.f32 v8, v3;
	v3 =	vld [tilespmem:s17+$0x13DB0]  }
0x3c9: {  	v1 =	vadd.f32 v6, v1;
	v6 =	vadd.f32 v28, v31;
	v31 =	vld [tilespmem:s17+$0x13EB0]  }
0x3ca: {  	[tilespmem:$0x1F9F0] =	vst v58;
	v58 =	vld [tilespmem:s17+$0x13B00]  }
0x3cb: {  	[tilespmem:$0x1F890] =	vst v63;
	v63 =	vld [tilespmem:s17+$0x139B0]  }
0x3cc: {  	[tilespmem:$0x1F8B0] =	vst v59;
	v59 =	vld [tilespmem:s17+$0x13990]  }
0x3cd: {  	v8 =	vadd.f32 v10, v8;
	v10 =	vadd.f32 v14, v0;
	v0 =	vld [tilespmem:$0x1F7B0]  }
0x3ce: {  	v14 =	vld [tilespmem:$0x1F7C0]  }
0x3cf: {  	[tilespmem:$0x1FA00] =	vst v58;
	v58 =	vld [tilespmem:s17+$0x13B40]  }
0x3d0: {  	v7 =	vadd.f32 v7, v11;
	v11 =	vld [tilespmem:s17+$0x14000]  }
0x3d1: {  	v1 =	vadd.f32 v6, v1;
	v6 =	vadd.f32 v39, v43;
	v39 =	vld [tilespmem:$0x1F820]  }
0x3d2: {  	v43 =	vld [tilespmem:$0x1F850]  }
0x3d3: {  	v13 =	vadd.f32 v47, v48;
	v47 =	vld [tilespmem:$0x1F890]  }
0x3d4: {  	[tilespmem:$0x1FA10] =	vst v58;
	v58 =	vld [tilespmem:s17+$0x13B10]  }
0x3d5: {  	v48 =	vld [tilespmem:$0x1F8A0];
	v1 =	vadd.f32 v9, v1  }
0x3d6: {  	v9 =	vadd.f32 v50, v54;
	v50 =	vld [tilespmem:$0x1F8B0]  }
0x3d7: {  	s23 =	smul.u32 $0x600, s14;
	[tilespmem:$0x1FB90] =	vst v4;
	v4 =	vadd.f32 v23, v25;
	v1 =	vadd.f32 v13, v1;
	v13 =	vld [tilespmem:s17+$0x13DE0]  }
0x3d8: {  	v0 =	vadd.f32 v14, v0;
	v14 =	vld [tilespmem:$0x1F7D0]  }
0x3d9: {  	s13 =	sshra.s32 s23, $0x2;
	v2 =	vadd.f32 v4, v2;
	v4 =	vadd.f32 v32, v33;
	[tilespmem:$0x1FA20] =	vst v58;
	v58 =	vld [tilespmem:s17+$0x13B50]  }
0x3da: {  	v11 =	vadd.f32 v36, v11;
	v36 =	vld [tilespmem:s13+$0x179A0]  }
0x3db: {  	v35 =	vadd.f32 v53, v62;
	v4 =	vadd.f32 v4, v2;
	v2 =	vld [tilespmem:s17+$0x13D70]  }
0x3dc: {  	v26 =	vadd.f32 v63, v47;
	v53 =	vld [tilespmem:$0x1F8C0];
	v1 =	vadd.f32 v17, v1  }
0x3dd: {  	v17 =	vadd.f32 v39, v38;
	v4 =	vadd.f32 v6, v4;
	v6 =	vld [tilespmem:s17+$0x13D80]  }
0x3de: {  	[tilespmem:$0x1FA30] =	vst v58;
	v58 =	vld [tilespmem:s17+$0x13B60]  }
0x3df: {  	v17 =	vadd.f32 v26, v17;
	v26 =	vld [tilespmem:s17+$0x13E70]  }
0x3e0: {  	v4 =	vadd.f32 v9, v4;
	v9 =	vld [tilespmem:s17+$0x13DD0]  }
0x3e1: {  	v14 =	vadd.f32 v60, v14;
	v60 =	vadd.f32 v35, v10;
	v10 =	vld [tilespmem:s17+$0x13E00]  }
0x3e2: {  	s20 =	sshll.u32 s14, $0x7;
	v35 =	vld [tilespmem:s17+$0x13ED0]  }
0x3e3: {  	s22 =	sand.u32 $0x3FFFFF80, s20;
	[tilespmem:$0x1FA40] =	vst v58;
	v58 =	vld [tilespmem:s17+$0x13BA0]  }
0x3e4: {  	v13 =	vadd.f32 v16, v13;
	v16 =	vld [tilespmem:s22+$0x11500]  }
0x3e5: {  	v54 =	vld [tilespmem:$0x1F8D0]  }
0x3e6: {  	v2 =	vadd.f32 v3, v2;
	v3 =	vld [tilespmem:s17+$0x14050]  }
0x3e7: {  	v0 =	vadd.f32 v0, v4;
	v4 =	vadd.f32 v14, v8;
	v14 =	vld [tilespmem:$0x1F7F0]  }
0x3e8: {  	[tilespmem:$0x1FA50] =	vst v58;
	v58 =	vld [tilespmem:s17+$0x13B70]  }
0x3e9: {  	v8 =	vld [tilespmem:s17+$0x13E30]  }
0x3ea: {  	v22 =	vadd.f32 v42, v41;
	v6 =	vadd.f32 v12, v6;
	v12 =	vld [tilespmem:s17+$0x14060]  }
0x3eb: {  	v52 =	vadd.f32 v55, v59;
	v28 =	vadd.f32 v50, v48;
	v55 =	vld [tilespmem:$0x1F8E0]  }
0x3ec: {  	v25 =	vadd.f32 v46, v45;
	v14 =	vadd.f32 v37, v14;
	v59 =	vld [tilespmem:$0x1F8F0]  }
0x3ed: {  	v22 =	vadd.f32 v28, v22;
	v9 =	vadd.f32 v9, v15;
	[tilespmem:$0x1FA60] =	vst v58;
	v58 =	vld [tilespmem:s17+$0x13BB0]  }
0x3ee: {  	v15 =	vld [tilespmem:s17+$0x140B0];
	v28 =	vadd.f32 v54, v53;
	v14 =	vadd.f32 v25, v14  }
0x3ef: {  	v3 =	vadd.f32 v3, v57;
	v57 =	vld [tilespmem:s13+$0x17920]  }
0x3f0: {  	v14 =	vadd.f32 v28, v14;
	v28 =	vld [tilespmem:s17+$0x13EC0]  }
0x3f1: {  	v29 =	vadd.f32 v59, v55;
	v61 =	vld [tilespmem:$0x1F900]  }
0x3f2: {  	[tilespmem:$0x1FA70] =	vst v58;
	v58 =	vld [tilespmem:s17+$0x13B80]  }
0x3f3: {  	v17 =	vadd.f32 v29, v17;
	v29 =	vld [tilespmem:s17+$0x13E90]  }
0x3f4: {  	v62 =	vld [tilespmem:$0x1F910]  }
0x3f5: {  	v38 =	vld [tilespmem:$0x1F940]  }
0x3f6: {  	v39 =	vld [tilespmem:$0x1F950]  }
0x3f7: {  	[tilespmem:$0x1FA80] =	vst v58;
	v58 =	vld [tilespmem:s17+$0x13BC0]  }
0x3f8: {  	v63 =	vld [tilespmem:$0x1F920]  }
0x3f9: {  	v32 =	vadd.f32 v62, v61;
	v37 =	vld [tilespmem:$0x1F930]  }
0x3fa: {  	v41 =	vld [tilespmem:$0x1F960]  }
0x3fb: {  	v22 =	vadd.f32 v32, v22;
	v32 =	vadd.f32 v39, v38;
	v39 =	vld [tilespmem:s17+$0x13EE0]  }
0x3fc: {  	[tilespmem:$0x1FA90] =	vst v58;
	v58 =	vld [tilespmem:s17+$0x13B90]  }
0x3fd: {  	v23 =	vadd.f32 v44, v43;
	v43 =	vld [tilespmem:$0x1F980]  }
0x3fe: {  	v44 =	vld [tilespmem:$0x1F990]  }
0x3ff: {  	v45 =	vld [tilespmem:$0x1F9A0]  }
0x400: {  	v46 =	vld [tilespmem:$0x1F9B0]  }
0x401: {  	[tilespmem:$0x1FAA0] =	vst v58;
	v58 =	vld [tilespmem:s17+$0x13BD0]  }
0x402: {  	v47 =	vld [tilespmem:$0x1F9C0]  }
0x403: {  	v48 =	vld [tilespmem:$0x1F9D0]  }
0x404: {  	v14 =	vadd.f32 v32, v14;
	v32 =	vld [tilespmem:s17+$0x13F20]  }
0x405: {  	v33 =	vadd.f32 v37, v63;
	v42 =	vld [tilespmem:$0x1F970];
	v37 =	vadd.f32 v44, v43  }
0x406: {  	[tilespmem:$0x1FAB0] =	vst v58;
	v58 =	vld [tilespmem:s17+$0x13BE0]  }
0x407: {  	v44 =	vld [tilespmem:s17+$0x13F00];
	v22 =	vadd.f32 v37, v22  }
0x408: {  	v38 =	vadd.f32 v46, v45;
	v45 =	vld [tilespmem:s17+$0x13F50];
	v37 =	vadd.f32 v48, v47  }
0x409: {  	v50 =	vld [tilespmem:$0x1F9E0]  }
0x40a: {  	v14 =	vadd.f32 v37, v14;
	v37 =	vld [tilespmem:s17+$0x13F40]  }
0x40b: {  	[tilespmem:$0x1FAC0] =	vst v58;
	v58 =	vld [tilespmem:s17+$0x13C20]  }
0x40c: {  	v23 =	vadd.f32 v52, v23;
	v52 =	vld [tilespmem:$0x1F9F0]  }
0x40d: {  	v53 =	vld [tilespmem:$0x1FA00]  }
0x40e: {  	v54 =	vld [tilespmem:$0x1FA10]  }
0x40f: {  	v61 =	vld [tilespmem:$0x1FA40]  }
0x410: {  	[tilespmem:$0x1FAD0] =	vst v58;
	v58 =	vld [tilespmem:s17+$0x13BF0]  }
0x411: {  	v62 =	vld [tilespmem:$0x1FA50]  }
0x412: {  	v23 =	vadd.f32 v33, v23;
	v33 =	vadd.f32 v42, v41;
	v55 =	vld [tilespmem:$0x1FA20]  }
0x413: {  	v59 =	vld [tilespmem:$0x1FA30]  }
0x414: {  	v17 =	vadd.f32 v33, v17;
	v42 =	vadd.f32 v54, v53;
	v63 =	vld [tilespmem:$0x1FA60]  }
0x415: {  	v23 =	vadd.f32 v38, v23;
	v38 =	vadd.f32 v52, v50;
	[tilespmem:$0x1FAE0] =	vst v58;
	v58 =	vld [tilespmem:s17+$0x13C30]  }
0x416: {  	v22 =	vadd.f32 v42, v22;
	v42 =	vadd.f32 v62, v61;
	v48 =	vld [tilespmem:$0x1FA70]  }
0x417: {  	v17 =	vadd.f32 v38, v17;
	v38 =	vld [tilespmem:s17+$0x13F10]  }
0x418: {  	v14 =	vadd.f32 v42, v14;
	v42 =	vld [tilespmem:s17+$0x13FA0]  }
0x419: {  	v43 =	vadd.f32 v59, v55;
	v50 =	vld [tilespmem:$0x1FA80]  }
0x41a: {  	[tilespmem:$0x1FAF0] =	vst v58;
	v58 =	vld [tilespmem:s17+$0x13C00]  }
0x41b: {  	v23 =	vadd.f32 v43, v23;
	v43 =	vadd.f32 v48, v63;
	v48 =	vld [tilespmem:s17+$0x13F60]  }
0x41c: {  	v52 =	vld [tilespmem:$0x1FA90]  }
0x41d: {  	v17 =	vadd.f32 v43, v17;
	v43 =	vld [tilespmem:s17+$0x13F70]  }
0x41e: {  	v53 =	vld [tilespmem:$0x1FAA0]  }
0x41f: {  	[tilespmem:$0x1FB00] =	vst v58;
	v58 =	vld [tilespmem:s17+$0x13C40]  }
0x420: {  	v54 =	vld [tilespmem:$0x1FAB0]  }
0x421: {  	v46 =	vadd.f32 v52, v50;
	v50 =	vld [tilespmem:s17+$0x13FB0]  }
0x422: {  	v55 =	vld [tilespmem:$0x1FAC0]  }
0x423: {  	v59 =	vld [tilespmem:$0x1FAD0]  }
0x424: {  	[tilespmem:$0x1FB10] =	vst v58;
	v58 =	vld [tilespmem:s17+$0x13C10]  }
0x425: {  	v47 =	vadd.f32 v54, v53;
	v54 =	vld [tilespmem:s17+$0x13F80]  }
0x426: {  	v61 =	vld [tilespmem:$0x1FAE0]  }
0x427: {  	v63 =	vld [tilespmem:$0x1FB00]  }
0x428: {  	v22 =	vadd.f32 v46, v22;
	v46 =	vadd.f32 v59, v55;
	v59 =	vld [tilespmem:$0x1FB10]  }
0x429: {  	[tilespmem:$0x1FB20] =	vst v58;
	v58 =	vld [tilespmem:s17+$0x13C50]  }
0x42a: {  	v62 =	vld [tilespmem:$0x1FAF0]  }
0x42b: {  	v55 =	vld [tilespmem:s17+$0x13FD0]  }
0x42c: {  	v14 =	vadd.f32 v46, v14;
	v46 =	vld [tilespmem:s17+$0x13FC0]  }
0x42d: {  	v52 =	vadd.f32 v59, v63;
	v63 =	vld [tilespmem:$0x1FB40]  }
0x42e: {  	[tilespmem:$0x1FB30] =	vst v58;
	v58 =	vld [tilespmem:s17+$0x13C60]  }
0x42f: {  	v23 =	vadd.f32 v47, v23;
	v47 =	vadd.f32 v62, v61;
	v61 =	vld [tilespmem:$0x1FB20]  }
0x430: {  	v62 =	vld [tilespmem:$0x1FB30]  }
0x431: {  	v17 =	vadd.f32 v47, v17;
	v47 =	vld [tilespmem:s17+$0x13F90]  }
0x432: {  	v5 =	vadd.f32 v5, v19;
	v59 =	vld [tilespmem:$0x1FB60]  }
0x433: {  	v22 =	vadd.f32 v52, v22;
	v52 =	vadd.f32 v63, v58;
	v58 =	vld [tilespmem:$0x1FB50]  }
0x434: {  	v10 =	vadd.f32 v20, v10;
	v8 =	vadd.f32 v8, v21;
	v63 =	vld [tilespmem:$0x1FB90]  }
0x435: {  	v37 =	vadd.f32 v37, v44;
	v53 =	vadd.f32 v62, v61;
	v61 =	vld [tilespmem:$0x1FB70]  }
0x436: {  	v38 =	vadd.f32 v45, v38;
	v42 =	vadd.f32 v42, v48;
	v62 =	vld [tilespmem:$0x1FB80]  }
0x437: {  	v41 =	vld [tilespmem:s17+$0x13F30];
	v44 =	vadd.f32 v50, v43;
	v46 =	vadd.f32 v46, v54  }
0x438: {  	v33 =	vld [tilespmem:s17+$0x13EF0];
	v47 =	vadd.f32 v55, v47;
	v23 =	vadd.f32 v53, v23  }
0x439: {  	v25 =	vld [tilespmem:s17+$0x13EA0];
	v14 =	vadd.f32 v52, v14;
	v53 =	vadd.f32 v59, v58  }
0x43a: {  	v52 =	vld [tilespmem:s17+$0x14020];
	v23 =	vadd.f32 v49, v23;
	v51 =	vadd.f32 v51, v63  }
0x43b: {  	v45 =	vld [tilespmem:s22+$0x11550];
	v59 =	vadd.f32 v31, v26;
	v58 =	vadd.f32 v62, v61  }
0x43c: {  	v48 =	vld [tilespmem:s13+$0x178E0];
	v61 =	vadd.f32 v28, v34;
	v62 =	vadd.f32 v35, v29  }
0x43d: {  	v50 =	vld [tilespmem:s13+$0x178F0];
	v34 =	vadd.f32 v32, v39;
	v35 =	vadd.f32 v41, v33  }
0x43e: {  	v63 =	vld [tilespmem:s22+$0x114E0];
	v17 =	vadd.f32 v53, v17;
	v14 =	vadd.f32 v51, v14  }
0x43f: {  	v49 =	vld [tilespmem:s17+$0x13FF0];
	v7 =	vadd.f32 v7, v23;
	v54 =	vadd.f32 v52, v56  }
0x440: {  	v39 =	vld [tilespmem:s22+$0x11520];
	v22 =	vadd.f32 v58, v22;
	v58 =	vadd.f32 v27, v24  }
0x441: {  	v0 =	vmul.f32 $1.250000000e-01, v0;
	v53 =	vld [tilespmem:s17+$0x14030];
	v17 =	vadd.f32 v40, v17;
	v5 =	vadd.f32 v5, v14  }
0x442: {  	v41 =	vld [tilespmem:s22+$0x11540];
	v7 =	vadd.f32 v9, v7;
	v18 =	vadd.f32 v18, v22  }
0x443: {  	v9 =	vld [tilespmem:s17+$0x14070];
	v0 =	vadd.f32 v63, v0;
	v2 =	vadd.f32 v2, v17  }
0x444: {  	v23 =	vld [tilespmem:s22+$0x11510];
	v5 =	vadd.f32 v13, v5;
	v7 =	vadd.f32 v58, v7  }
0x445: {  	v51 =	vld [tilespmem:s13+$0x17900];
	v13 =	vadd.f32 v25, v30;
	v6 =	vadd.f32 v6, v18  }
0x446: {  	v17 =	vld [tilespmem:s17+$0x14080];
	v55 =	vadd.f32 v53, v49;
	v2 =	vadd.f32 v8, v2  }
0x447: {  	v8 =	vld [tilespmem:s17+$0x140C0];
	v5 =	vadd.f32 v13, v5;
	v7 =	vadd.f32 v62, v7  }
0x448: {  	v13 =	vld [tilespmem:s22+$0x114F0];
	v6 =	vadd.f32 v10, v6;
	v9 =	vadd.f32 v15, v9  }
0x449: {  	v14 =	vld [tilespmem:s17+$0x140A0];
	v2 =	vadd.f32 v59, v2;
	v5 =	vadd.f32 v34, v5  }
0x44a: {  	v18 =	vld [tilespmem:s17+$0x140D0];
	v7 =	vadd.f32 v38, v7;
	v6 =	vadd.f32 v61, v6  }
0x44b: {  	v4 =	vmul.f32 $1.250000000e-01, v4;
	v10 =	vld [tilespmem:s17+$0x14090];
	v2 =	vadd.f32 v35, v2;
	v5 =	vadd.f32 v42, v5  }
0x44c: {  	v56 =	vld [tilespmem:s13+$0x17910];
	v7 =	vadd.f32 v47, v7;
	v6 =	vadd.f32 v37, v6  }
0x44d: {  	v40 =	vld [tilespmem:s22+$0x11530];
	v8 =	vadd.f32 v8, v17;
	v4 =	vadd.f32 v13, v4  }
0x44e: {  	v63 =	vld [tilespmem:s13+$0x17980];
	v2 =	vadd.f32 v44, v2;
	v5 =	vadd.f32 v54, v5  }
0x44f: {  	v58 =	vld [tilespmem:s13+$0x17930];
	v3 =	vadd.f32 v3, v7;
	v7 =	vadd.f32 v14, v12  }
0x450: {  	v61 =	vld [tilespmem:s13+$0x17960];
	v10 =	vadd.f32 v18, v10;
	v6 =	vadd.f32 v46, v6  }
0x451: {  	v62 =	vld [tilespmem:s13+$0x17970];
	v2 =	vadd.f32 v55, v2;
	v5 =	vadd.f32 v7, v5  }
0x452: {  	v15 =	vld [tilespmem:s13+$0x17950];
	v7 =	vmul.f32 $3.333333430e-01, v0;
	v0 =	vmul.f32 $1.250000000e-01, v1;
	v3 =	vadd.f32 v10, v3  }
0x453: {  	v59 =	vld [tilespmem:s13+$0x17940];
	v6 =	vadd.f32 v11, v6;
	v2 =	vadd.f32 v9, v2  }
0x454: {  	s17 =	smul.u32 $0x3200, s14;
	v38 =	vld [tilespmem:s13+$0x179C0];
	v0 =	vadd.f32 v16, v0;
	v5 =	vmul.f32 $6.250000000e-02, v5;
	v3 =	vmul.f32 $6.250000000e-02, v3  }
0x455: {  	v42 =	vld [tilespmem:s13+$0x17A20];
	v17 =	vmul.f32 v61, v7;
	v6 =	vadd.f32 v8, v6;
	v8 =	vmul.f32 $3.333333430e-01, v4  }
0x456: {  	s20 =	sshra.s32 s17, $0x2;
	v47 =	vld [tilespmem:s13+$0x17A50];
	v4 =	vmul.f32 $1.250000000e-01, v60;
	v9 =	vmul.f32 $3.333333430e-01, v0;
	v0 =	vadd.f32 v39, v5  }
0x457: {  	v52 =	vld [tilespmem:s20+$0x18510];
	v2 =	vmul.f32 $6.250000000e-02, v2;
	v3 =	vadd.f32 v45, v3;
	v6 =	vmul.f32 $6.250000000e-02, v6  }
0x458: {  	v53 =	vld [tilespmem:s20+$0x18530];
	v4 =	vadd.f32 v23, v4;
	v18 =	vmul.f32 v62, v8;
	v11 =	vmul.f32 $3.333333430e-01, v0  }
0x459: {  	v1 =	vld [tilespmem:s13+$0x17990];
	v2 =	vadd.f32 v40, v2;
	v14 =	vmul.f32 $3.333333430e-01, v3;
	v3 =	vmul.f32 v48, v7  }
0x45a: {  	v5 =	vld [tilespmem:s13+$0x179D0];
	v40 =	vmul.f32 v51, v9;
	v21 =	vmul.f32 v63, v9  }
0x45b: {  	v39 =	vld [tilespmem:s13+$0x17A10];
	v10 =	vmul.f32 $3.333333430e-01, v4;
	v4 =	vadd.f32 v41, v6;
	v12 =	vmul.f32 $3.333333430e-01, v2  }
0x45c: {  	v37 =	vld [tilespmem:s13+$0x179B0];
	v15 =	vmul.f32 v15, v14;
	v49 =	vmul.f32 v36, v11  }
0x45d: {  	v44 =	vld [tilespmem:s13+$0x17A30];
	v22 =	vmul.f32 v47, v14;
	v13 =	vmul.f32 $3.333333430e-01, v4  }
0x45e: {  	v55 =	vld [tilespmem:s20+$0x18540];
	v4 =	vmul.f32 v50, v8;
	v41 =	vmul.f32 v56, v10  }
0x45f: {  	v0 =	vld [tilespmem:s13+$0x179F0];
	v1 =	vmul.f32 v1, v10;
	v5 =	vmul.f32 v5, v14  }
0x460: {  	v51 =	vld [tilespmem:s20+$0x18500];
	v54 =	vmul.f32 v39, v10;
	v43 =	vmul.f32 v58, v12  }
0x461: {  	v6 =	vld [tilespmem:s13+$0x179E0];
	v3 =	vadd.f32 v4, v3;
	v4 =	vmul.f32 v57, v11;
	v45 =	vmul.f32 v59, v13  }
0x462: {  	v48 =	vld [tilespmem:s20+$0x184E0];
	v17 =	vadd.f32 v18, v17;
	v18 =	vmul.f32 v52, v10;
	v16 =	vmul.f32 v37, v12  }
0x463: {  	v2 =	vld [tilespmem:s13+$0x17A00];
	v56 =	vmul.f32 v44, v12;
	v4 =	vadd.f32 v43, v4;
	v15 =	vadd.f32 v15, v45  }
0x464: {  	v50 =	vld [tilespmem:s20+$0x184F0];
	v20 =	vadd.f32 v41, v40;
	v1 =	vadd.f32 v1, v21;
	v0 =	vmul.f32 v0, v8  }
0x465: {  	v57 =	vld [tilespmem:s20+$0x18550];
	v59 =	vmul.f32 v51, v9;
	v4 =	vadd.f32 v15, v4;
	v15 =	vmul.f32 v38, v13  }
0x466: {  	v46 =	vld [tilespmem:s13+$0x17A40];
	v16 =	vadd.f32 v16, v49;
	v6 =	vmul.f32 v6, v7;
	v3 =	vadd.f32 v20, v3  }
0x467: {  	v19 =	vmul.f32 v55, v13;
	v1 =	vadd.f32 v1, v17;
	v5 =	vadd.f32 v5, v15;
	v15 =	vld [tilespmem:s20+$0x18520]  }
0x468: {  	v2 =	vmul.f32 v2, v9;
	v17 =	vmul.f32 v53, v12;
	v0 =	vadd.f32 v0, v6  }
0x469: {  	v6 =	vmul.f32 v48, v7;
	v58 =	vmul.f32 v50, v8;
	v5 =	vadd.f32 v5, v16  }
0x46a: {  	v2 =	vadd.f32 v54, v2;
	v60 =	vmul.f32 v57, v14;
	v3 =	vadd.f32 v4, v3  }
0x46b: {  	v4 =	vmul.f32 v42, v11;
	v1 =	vadd.f32 v5, v1;
	v5 =	vmul.f32 v46, v13  }
0x46c: {  	v6 =	vadd.f32 v58, v6;
	v61 =	vadd.f32 v60, v19;
	v15 =	vmul.f32 v15, v11  }
0x46d: {  	v4 =	vadd.f32 v56, v4;
	v5 =	vadd.f32 v22, v5  }
0x46e: {  	v16 =	vadd.f32 v18, v59;
	v15 =	vadd.f32 v17, v15  }
0x46f: {  	v0 =	vadd.f32 v2, v0;
	v2 =	vadd.f32 v5, v4  }
0x470: {  	v4 =	vadd.f32 v16, v6;
	v5 =	vadd.f32 v61, v15  }
0x471: {  	(xrf2) =	vadd.scan.msk.f32 $0xffff, v3;
	v0 =	vadd.f32 v2, v0  }
0x472: {  	(xrf2) =	vadd.scan.msk.f32 $0xffff, v1;
	v2 =	vadd.f32 v5, v4  }
0x473: {  	s22 =	smul.u32 $0x1C, s14;
	(xrf2) =	vadd.scan.msk.f32 $0xffff, v0  }
0x474: {  	(xrf2) =	vadd.scan.msk.f32 $0xffff, v2  }
0x475: {  	s23 =	sor.u32 $0x1, s22;
	v0 =	vmov s22  }
0x476: {  	s17 =	sor.u32 $0x2, s22;
	v1 =	vmov s23;
	v0 =	vbroadcast v0, $0x0  }
0x477: {  	v1 =	vbroadcast v1, $0x0;
	v2 =	vmov s17  }
0x478: {  	v2 =	vbroadcast v2, $0x0  }
0x479: {  	s12 =	sor.u32 $0x3, s22  }
0x47a: {  	v3 =	vmov s12  }
0x47b: {  	v4, _, _ =	vpop (xrf2)  }
0x47c: {  	v5, _, _ =	vpop (xrf2);
	[tilespmem:v0+s19+$0x0] =	vst.idx.msk vm0, v4  }
0x47d: {  	[tilespmem:v1+s19+$0x0] =	vst.idx.msk vm0, v5;
	v0, _, _ =	vpop (xrf2)  }
0x47e: {  	v1, _, _ =	vpop (xrf2);
	[tilespmem:v2+s19+$0x0] =	vst.idx.msk vm0, v0  }
0x47f: {  	[tilespmem:v3+s19+$0x0] =	vst.idx.msk vm0, v1  }
0x480: {  	v0 =	vld [tilespmem:s16+$0x130]  }
0x481: {  	v1 =	vld [tilespmem:s16+$0x120]  }
0x482: {  	v2 =	vld [tilespmem:s16+$0x110]  }
0x483: {  	v3 =	vld [tilespmem:s16+$0x100]  }
0x484: {  	v4 =	vld [tilespmem:s16+$0xB0]  }
0x485: {  	v5 =	vld [tilespmem:s16+$0xA0]  }
0x486: {  	v6 =	vld [tilespmem:s16+$0xFFFFFF90]  }
0x487: {  	v15 =	vld [tilespmem:s16+$0xFFFFFF60]  }
0x488: {  	v62 =	vld [tilespmem:s16+$0x30]  }
0x489: {  	v32 =	vld [tilespmem:s16+$0xFFFFFF70]  }
0x48a: {  	v33 =	vld [tilespmem:s16+$0xFFFFFF80]  }
0x48b: {  	v34 =	vld [tilespmem:s16+$0x10]  }
0x48c: {  	v35 =	vld [tilespmem:s16+$0x0]  }
0x48d: {  	v36 =	vld [tilespmem:s16+$0xFFFFFFF0]  }
0x48e: {  	v38 =	vld [tilespmem:s16+$0xFFFFFFD0]  }
0x48f: {  	v39 =	vld [tilespmem:s16+$0xFFFFFF40]  }
0x490: {  	v40 =	vld [tilespmem:s16+$0xFFFFFFB0]  }
0x491: {  	v41 =	vld [tilespmem:s16+$0xFFFFFFA0];
	v3 =	vmul.f32 v3, v11;
	v2 =	vmul.f32 v2, v12  }
0x492: {  	v42 =	vld [tilespmem:s16+$0xFFFFFF50];
	v15 =	vmul.f32 v15, v9;
	v18 =	vmul.f32 v32, v10  }
0x493: {  	v43 =	vld [tilespmem:s16+$0xFFFFFFC0];
	v20 =	vmul.f32 v34, v12;
	v21 =	vmul.f32 v35, v11  }
0x494: {  	v37 =	vld [tilespmem:s16+$0xFFFFFFE0];
	v22 =	vmul.f32 v36, v10;
	v24 =	vmul.f32 v38, v8  }
0x495: {  	v63 =	vld [tilespmem:s16+$0x20];
	v16 =	vmul.f32 v62, v14;
	v46 =	vmul.f32 v39, v7  }
0x496: {  	v44 =	vld [tilespmem:s16+$0x90];
	v19 =	vmul.f32 v33, v11;
	v48 =	vmul.f32 v41, v13  }
0x497: {  	v45 =	vld [tilespmem:s16+$0x70];
	v26 =	vmul.f32 v40, v14;
	v28 =	vmul.f32 v42, v8  }
0x498: {  	v47 =	vld [tilespmem:s16+$0x60];
	v6 =	vmul.f32 v6, v12;
	v51 =	vmul.f32 v43, v7  }
0x499: {  	v49 =	vld [tilespmem:s16+$0x50];
	v23 =	vmul.f32 v37, v9;
	v1 =	vmul.f32 v1, v13;
	v15 =	vadd.f32 v18, v15  }
0x49a: {  	v50 =	vld [tilespmem:s16+$0x40];
	v5 =	vmul.f32 v5, v13;
	v20 =	vadd.f32 v20, v21;
	v21 =	vadd.f32 v26, v48  }
0x49b: {  	v52 =	vld [tilespmem:s16+$0x80];
	v57 =	vmul.f32 v44, v12;
	v18 =	vadd.f32 v28, v46;
	v6 =	vadd.f32 v6, v19  }
0x49c: {  	v53 =	vld [tilespmem:s16+$0xF0];
	v2 =	vadd.f32 v2, v3;
	v3 =	vmul.f32 v63, v13;
	v24 =	vadd.f32 v24, v51  }
0x49d: {  	v54 =	vld [tilespmem:s16+$0xE0];
	v4 =	vmul.f32 v4, v14;
	v15 =	vadd.f32 v15, v18;
	v6 =	vadd.f32 v21, v6  }
0x49e: {  	v58 =	vld [tilespmem:s16+$0xC0];
	v17 =	vmul.f32 v45, v10;
	v22 =	vadd.f32 v22, v23;
	v3 =	vadd.f32 v16, v3  }
0x49f: {  	v55 =	vld [tilespmem:s16+$0xD0];
	v4 =	vadd.f32 v4, v5;
	v6 =	vadd.f32 v6, v15;
	v15 =	vmul.f32 v47, v9  }
0x4a0: {  	v5 =	vmul.f32 v52, v11;
	v56 =	vadd.f32 v22, v24;
	v3 =	vadd.f32 v3, v20  }
0x4a1: {  	v16 =	vmul.f32 v50, v7;
	(xrf2) =	vadd.scan.msk.f32 $0xffff, v6;
	v6 =	vadd.f32 v17, v15;
	v15 =	vmul.f32 v49, v8  }
0x4a2: {  	v0 =	vmul.f32 v0, v14;
	v59 =	vmul.f32 v54, v9;
	v3 =	vadd.f32 v3, v56  }
0x4a3: {  	v60 =	vmul.f32 v58, v7;
	v5 =	vadd.f32 v57, v5;
	v15 =	vadd.f32 v15, v16  }
0x4a4: {  	v0 =	vadd.f32 v0, v1;
	v18 =	vmul.f32 v55, v8;
	(xrf2) =	vadd.scan.msk.f32 $0xffff, v3;
	v3 =	vmul.f32 v53, v10  }
0x4a5: {  	s20 =	sadd.s32 $0xFFFFFFE8, s11;
	v1 =	vadd.f32 v4, v5;
	v4 =	vadd.f32 v6, v15  }
0x4a6: {  	s22 =	sadd.s32 $0x1C, s20;
	v63 =	vadd.f32 v18, v60;
	v3 =	vadd.f32 v3, v59  }
0x4a7: {  	v61 =	vmov s22;
	v1 =	vadd.f32 v1, v4  }
0x4a8: {  	v62 =	vand.u32 $0xFFFFFFFC, v61;
	v0 =	vadd.f32 v0, v2;
	v3 =	vadd.f32 v3, v63  }
0x4a9: {  	v16 =	vbroadcast v62, $0x0;
	(xrf2) =	vadd.scan.msk.f32 $0xffff, v1  }
0x4aa: {  	v3 =	vadd.f32 v0, v3  }
0x4ab: {  	s23 =	sadd.s32 $0x1D, s20  }
0x4ac: {  	s17 =	sadd.s32 $0x1E, s20;
	v2 =	vmov s23;
	v5, _, _ =	vpop (xrf2);
	(xrf2) =	vadd.scan.msk.f32 $0xffff, v3  }
0x4ad: {  	v2 =	vand.u32 $0xFFFFFFFD, v2;
	v4 =	vmov s17  }
0x4ae: {  	s12 =	sadd.s32 $0x1F, s20;
	v4 =	vand.u32 $0xFFFFFFFE, v4;
	v1 =	vbroadcast v2, $0x0  }
0x4af: {  	s13 =	smov.u32 s16;
	v0 =	vmov s12;
	s12 =	simm.s32 $0xFFFFFFEC;
	v2 =	vbroadcast v4, $0x0;
	[tilespmem:v16+s19+$0x0] =	vst.idx.msk vm0, v5;
	v3, _, _ =	vpop (xrf2)  }
.LBB2_10:
0x4b0: {  	p0 =	sne.s32 s12, $0xFFFFFFFC  }
0x4b1: {  	s13 =	sadd.s32 $0x200, s13;
	s23 =	smov.u32 s12;
	s12 =	sadd.s32 $0x4, s12  }
0x4b2: {  	_ = 	snop  }
0x4b3: {  	v4, _, _ =	vpop (xrf2)  }
0x4b4: {  	[tilespmem:v1+s19+$0x0] =	vst.idx.msk vm0, v3  }
0x4b5: {  	[tilespmem:v2+s19+$0x0] =	vst.idx.msk vm0, v4  }
0x4b6: {  	v1, _, _ =	vpop (xrf2)  }
0x4b7: {  	[tilespmem:v0+s19+$0x0] =	vst.idx.msk vm0, v1  }
0x4b8: {  	v0 =	vld [tilespmem:s13+$0x130]  }
0x4b9: {  	v1 =	vld [tilespmem:s13+$0x120]  }
0x4ba: {  	v2 =	vld [tilespmem:s13+$0x110]  }
0x4bb: {  	v3 =	vld [tilespmem:s13+$0x100]  }
0x4bc: {  	v4 =	vld [tilespmem:s13+$0xB0]  }
0x4bd: {  	v5 =	vld [tilespmem:s13+$0xA0]  }
0x4be: {  	v6 =	vld [tilespmem:s13+$0x90];
	v1 =	vmul.f32 v1, v13  }
0x4bf: {  	v15 =	vld [tilespmem:s13+$0xFFFFFF90]  }
0x4c0: {  	v2 =	vmul.f32 v2, v12;
	v16 =	vld [tilespmem:s13+$0x70];
	v3 =	vmul.f32 v3, v11  }
0x4c1: {  	v17 =	vld [tilespmem:s13+$0xFFFFFF60]  }
0x4c2: {  	v18 =	vld [tilespmem:s13+$0x60];
	v5 =	vmul.f32 v5, v13;
	v2 =	vadd.f32 v2, v3  }
0x4c3: {  	v3 =	vld [tilespmem:s13+$0x30];
	v6 =	vmul.f32 v6, v12  }
0x4c4: {  	v19 =	vld [tilespmem:s13+$0x20]  }
0x4c5: {  	v20 =	vld [tilespmem:s13+$0xFFFFFF70]  }
0x4c6: {  	v21 =	vld [tilespmem:s13+$0xFFFFFF80]  }
0x4c7: {  	v22 =	vld [tilespmem:s13+$0x10];
	v18 =	vmul.f32 v18, v9  }
0x4c8: {  	v23 =	vld [tilespmem:s13+$0x0]  }
0x4c9: {  	v24 =	vld [tilespmem:s13+$0xFFFFFFF0]  }
0x4ca: {  	v17 =	vmul.f32 v17, v9;
	v20 =	vmul.f32 v20, v10;
	v25 =	vld [tilespmem:s13+$0xFFFFFFE0]  }
0x4cb: {  	v26 =	vld [tilespmem:s13+$0xFFFFFFD0]  }
0x4cc: {  	v27 =	vld [tilespmem:s13+$0xFFFFFF40];
	v17 =	vadd.f32 v20, v17;
	v20 =	vmul.f32 v22, v12  }
0x4cd: {  	v22 =	vld [tilespmem:s13+$0xFFFFFFB0];
	v23 =	vmul.f32 v23, v11  }
0x4ce: {  	v28 =	vld [tilespmem:s13+$0xFFFFFFA0];
	v24 =	vmul.f32 v24, v10  }
0x4cf: {  	v0 =	vmul.f32 v0, v14;
	v4 =	vmul.f32 v4, v14;
	v29 =	vld [tilespmem:s13+$0xFFFFFF50];
	v20 =	vadd.f32 v20, v23  }
0x4d0: {  	v16 =	vmul.f32 v16, v10;
	v23 =	vld [tilespmem:s13+$0xFFFFFFC0];
	v26 =	vmul.f32 v26, v8  }
0x4d1: {  	v3 =	vmul.f32 v3, v14;
	v19 =	vmul.f32 v19, v13;
	v30 =	vld [tilespmem:s13+$0x50]  }
0x4d2: {  	v4 =	vadd.f32 v4, v5;
	v21 =	vmul.f32 v21, v11;
	v27 =	vmul.f32 v27, v7;
	v31 =	vld [tilespmem:s13+$0x40]  }
0x4d3: {  	v16 =	vadd.f32 v16, v18;
	v22 =	vmul.f32 v22, v14;
	v5 =	vmul.f32 v28, v13;
	v18 =	vld [tilespmem:s13+$0x80]  }
0x4d4: {  	v15 =	vmul.f32 v15, v12;
	v3 =	vadd.f32 v3, v19;
	v28 =	vmul.f32 v29, v8;
	v19 =	vld [tilespmem:s13+$0xF0]  }
0x4d5: {  	v5 =	vadd.f32 v22, v5;
	v22 =	vmul.f32 v23, v7;
	v23 =	vmul.f32 v25, v9;
	v25 =	vld [tilespmem:s13+$0xE0]  }
0x4d6: {  	v15 =	vadd.f32 v15, v21;
	v27 =	vadd.f32 v28, v27;
	v21 =	vmul.f32 v30, v8;
	v28 =	vld [tilespmem:s13+$0xD0]  }
0x4d7: {  	v22 =	vadd.f32 v26, v22;
	v23 =	vadd.f32 v24, v23;
	v24 =	vmul.f32 v31, v7;
	v26 =	vld [tilespmem:s13+$0xC0]  }
0x4d8: {  	v5 =	vadd.f32 v5, v15;
	v17 =	vadd.f32 v17, v27;
	v15 =	vmul.f32 v18, v11  }
0x4d9: {  	v3 =	vadd.f32 v3, v20;
	v18 =	vadd.f32 v23, v22;
	v19 =	vmul.f32 v19, v10  }
0x4da: {  	v5 =	vadd.f32 v5, v17;
	v6 =	vadd.f32 v6, v15;
	v15 =	vmul.f32 v25, v9  }
0x4db: {  	v17 =	vadd.f32 v21, v24;
	v3 =	vadd.f32 v3, v18;
	v18 =	vmul.f32 v28, v8  }
0x4dc: {  	v4 =	vadd.f32 v4, v6;
	v6 =	vmul.f32 v26, v7;
	v15 =	vadd.f32 v19, v15;
	(xrf2) =	vadd.scan.msk.f32 $0xffff, v5  }
0x4dd: {  	v5 =	vadd.f32 v16, v17  }
0x4de: {  	s17 =	sadd.s32 s23, s11;
	v0 =	vadd.f32 v0, v1;
	v6 =	vadd.f32 v18, v6  }
0x4df: {  	s20 =	sadd.s32 $0x1C, s17;
	s23 =	sadd.s32 $0x1D, s17;
	s22 =	sadd.s32 $0x1E, s17;
	v1 =	vadd.f32 v4, v5;
	(xrf2) =	vadd.scan.msk.f32 $0xffff, v3  }
0x4e0: {  	s17 =	sadd.s32 $0x1F, s17;
	v0 =	vadd.f32 v0, v2;
	v2 =	vmov s20;
	v3 =	vadd.f32 v15, v6  }
0x4e1: {  	v2 =	vand.u32 $0xFFFFFFFC, v2;
	v4 =	vmov s23;
	v5 =	vmov s22  }
0x4e2: {  	v2 =	vbroadcast v2, $0x0;
	v4 =	vand.u32 $0xFFFFFFFD, v4;
	v3 =	vadd.f32 v0, v3;
	(xrf2) =	vadd.scan.msk.f32 $0xffff, v1  }
0x4e3: {  	v5 =	vand.u32 $0xFFFFFFFE, v5;
	v0 =	vmov s17;
	_ =	sdelay $0x1  }
.Ltmp5:
0x4e4: {  	(xrf2) =	vadd.scan.msk.f32 $0xffff, v3;
	(pc) =	sbr.rel @p0 .LBB2_10-.Ltmp5, $3  }
0x4e5: {  	v1 =	vbroadcast v4, $0x0;
	v3, _, _ =	vpop (xrf2);
	_ =	sdelay $0x1  }
0x4e6: {  	[tilespmem:v2+s19+$0x0] =	vst.idx.msk vm0, v3;
	v2 =	vbroadcast v5, $0x0  }
0x4e7: {  	v3, _, _ =	vpop (xrf2)  }
0x4e8: {  	_ = 	snop  }
0x4e9: {  	s14 =	sadd.s32 $0x1, s14  }
0x4ea: {  	p0 =	sne.s32 s14, $0x8  }
.Ltmp6:
0x4eb: {  	_ = 	snop;
	(pc) =	sbr.rel @p0 .LBB2_9-.Ltmp6, $4  }
0x4ec: {  	_ = 	snop  }
0x4ed: {  	[tilespmem:v1+s19+$0x0] =	vst.idx.msk vm0, v3;
	v4, _, _ =	vpop (xrf2)  }
0x4ee: {  	[tilespmem:v2+s19+$0x0] =	vst.idx.msk vm0, v4;
	v63, _, _ =	vpop (xrf2)  }
0x4ef: {  	s11 =	sadd.s32 $0x1C, s11;
	s16 =	sadd.s32 $0xC80, s16;
	[tilespmem:v0+s19+$0x0] =	vst.idx.msk vm0, v63  }
0x4f0: {  	s10 =	sadd.s32 s10, s7;
	v9 =	vld [tilespmem:$0x1FF90]  }
0x4f1: {  	v10 =	vld [tilespmem:$0x1FFA0];
	s10 =	smul.u32 $0x1C, s10  }
.Ltmp7:
0x4f2: {  	v3 =	vld [tilespmem:$0x1FFB0];
	(pc) =	sbr.rel @p1 .LBB2_14-.Ltmp7, $4  }
0x4f3: {  	v2 =	vld [tilespmem:$0x1FFC0];
	s10 =	sadd.s32 $0xE0, s10  }
0x4f4: {  	v5 =	vld [tilespmem:$0x1FFD0];
	s10 =	sshrl.u32 s10, $0x3  }
0x4f5: {  	v4 =	vld [tilespmem:$0x1FFE0];
	s10 =	sadd.s32 s6, s10  }
0x4f6: {  	v6 =	vld [tilespmem:$0x1FFF0];
	[hbm4b:s10+s4] =	stream.linear.scatter [tilespmem:s19], [sflag:$0x4], $0xE0, $0x38  }
0x4f7: {  	s9 =	sadd.s32 $0x3, s9  }
0x4f8: {  	s10 =	sshll.u32 s9, $0x4  }
0x4f9: {  	s10 =	sand.u32 $0x3FFFFFF0, s10  }
0x4fa: {  	s11 =	simm.s32 $0x114E0;
	s13 =	sshll.u32 s9, $0x7;
	s10 =	sadd.s32 $0x2700, s10  }
0x4fb: {  	[tilespmem:s11], [sflag:$0x2] =	stream.indirect.gather [hbm4b:s2+s15], $0x80, s10, s15, $0xb8;
	[tilespmem:$0x1E9C0] =	vst v63  }
0x4fc: {  	s10 =	sand.u32 $0x3FFFFF80, s13  }
0x4fd: {  	s14 =	simm.s32 $0x118E0;
	s16 =	sshll.u32 s9, $0x8;
	s10 =	sadd.s32 $0x2800, s10  }
0x4fe: {  	[tilespmem:s14], [sflag:$0x2] =	stream.indirect.gather [hbm4b:s5+s18], $0x40, s10, s18, $0xb8;
	[tilespmem:$0x1E9C0] =	vst v63  }
0x4ff: {  	s10 =	sand.u32 $0x3FFFFF00, s16  }
0x500: {  	s12 =	simm.s32 $0x138E0;
	s20 =	smul.u32 $0x60, s9;
	s17 =	sadd.s32 $0x3000, s10  }
0x501: {  	[tilespmem:s12], [sflag:$0x2] =	stream.indirect.gather [hbm4b:s5+s18], $0x40, s17, s18, $0xb8;
	[tilespmem:$0x1E9C0] =	vst v63  }
0x502: {  	s22 =	sshra.s32 s20, $0x2;
	s10 =	sadd.s32 $0x3080, s10  }
0x503: {  	[tilespmem:s26], [sflag:$0x2] =	stream.indirect.gather [hbm4b:s5+s18], $0x40, s10, s18, $0xb8;
	[tilespmem:$0x1E9C0] =	vst v63  }
0x504: {  	s9 =	smul.u32 $0x320, s9;
	s10 =	sadd.s32 $0x1900, s22  }
0x505: {  	[tilespmem:s31], [sflag:$0x2] =	stream.indirect.gather [hbm4b:s3+s25], $0x80, s10, s25, $0xb8;
	[tilespmem:$0x1E9C0] =	vst v63  }
.Ltmp8:
0x506: {  	s9 =	sshra.s32 s9, $0x2;
	(pc) =	sbr.rel .LBB2_4-.Ltmp8, $4  }
0x507: {  	s23 =	sadd.s32 $0x1A80, s9  }
0x508: {  	[tilespmem:s0], [sflag:$0x2] =	stream.indirect.gather [hbm4b:s3+s28], $0x80, s23, s28, $0xb8;
	[tilespmem:$0x1E9C0] =	vst v63  }
0x509: {  	s8 =	sadd.s32 $0x1, s8;
	s9 =	sadd.s32 $0x1AE8, s9  }
0x50a: {  	[tilespmem:s21], [sflag:$0x2] =	stream.indirect.gather [hbm4b:s3+s30], $0x80, s9, s30, $0xb8;
	[tilespmem:$0x1E9C0] =	vst v63  }
.LBB2_15:
0x50b: {  	_ =	sfence.sel $0x180000  }
0x50c: {  	[bflag:$0x0] =	sbarrier.arrive $0xFFFF  }
0x50d: {  	_ =	strace $0x90000047  }
0x50e: {  	s0 =	stileid.u32;
	[bflag:$0x2] =	sbarrier.arrive $0xFFFF  }
0x50f: {  	p0 =	sne.s32 s0, $0x0;
	s0 =	rddreg [dreg:$0x3]  }
0x510: {  	s0 =	sadd.s32 @!p0 $0x100000, s0  }
0x511: {  	[sflag:s0] =	ssyncadd.tile.s32 @!p0 $0x1;
	_ =	shalt  }
.Lfunc_end2:
_tile_overlayer_lowered:
.L_overlay_start_2:
0x512: {  	(tag) =	ssettag $0x2  }
0x513: {  	s0 =	rddreg [dreg:$0x0];
	s2 =	stileid.u32  }
0x514: {  	s1 =	rddreg [dreg:$0x1];
	p0 =	sne.s32 s2, $0x0  }
0x515: {  	s3 =	rddreg [dreg:$0x2];
	[bflag:$0x3] =	sbarrier.arrive $0xFFFF;
	s2 =	simm.s32 @!p0 $0x1C05  }
0x516: {  	[timem:s3], [sflag:s2] =	dma.local @!p0 [hbm:s0], s1  }
0x517: {  	s0 =	simm.s32 @!p0 $0x5  }
0x518: {  	_ =	swait.ge @!p0 [sflag:s0], s1  }
0x519: {  	s1 =	ssub.s32 @!p0 $0x0, s1;
	[sflag:s0] =	ssyncset.done @!p0 $0x0  }
0x51a: {  	[sflag:s0] =	ssyncadd.s32 @!p0 s1  }
0x51b: {  	[bflag:$0x3] =	sbarrier.arrive $0xFFFF  }
0x51c: {  	_ =	shalt  }

</sc_bundles>
